<compile_context>
chip_gen: v7x
topology: tpu7x:2x2x1
jax: 0.10.2.dev20260603
libtpu: 0.0.44.dev20260713+nightly
codegen_flags: <defaults>
</compile_context>

<pallas_src>
import jax
import jax.numpy as jnp
from jax import lax
from jax.experimental import pallas as pl
from jax.experimental.pallas import tpu as pltpu
from jax.experimental.pallas import tpu_sc as plsc

H = 128
NN = 10000
NE = 320000
NC, NS, L = 2, 16, 16
NW = NC * NS

EPW = NE // NW
EC = 128
ECF = EPW // EC
ECT = EPW - ECF * EC
EB = 2000
NB = 2

NT = 25
NPW = NN // NT
NCC = 80
NCH = NPW // NCC

ETROWS = 22 * 6 * 2
NTROWS = 476 + 99 + 108 + 40
OFF1, OFF2, OFF3 = 476, 575, 683


def _sc_body(x_t, ea_t, ntab, etab, node_out, edge_out,
             etab_v, ntab_s, eidx, ea_c, erows0, erows1, x_v, nidx,
             nb0, nb1, nb2, nb3,
             ws0, ws1, gs0, gs1, ns0, ns1, ns2, ns3):
    erows = (erows0, erows1)
    wsems = (ws0, ws1)
    nbuf = (nb0, nb1, nb2, nb3)
    nsem = (ns0, ns1, ns2, ns3)
    wid = lax.axis_index("s") * NC + lax.axis_index("c")

    @pl.when(lax.axis_index("s") == 0)
    def _():
        pltpu.sync_copy(etab, etab_v)

    @pl.when(lax.axis_index("s") == 1)
    def _():
        pltpu.sync_copy(ntab, ntab_s)
    plsc.subcore_barrier()

    ebase = wid * EPW

    for blk in range(EPW // EB):
        for r in range(3):
            pltpu.sync_copy(ea_t.at[pl.ds(r * NE + ebase + blk * EB, EB)],
                            ea_c.at[pl.ds(r * EB, EB)])

        @pl.loop(0, EB // L)
        def _(i):
            a = ea_c[pl.ds(0 * EB + i * L, L)]
            b = ea_c[pl.ds(1 * EB + i * L, L)]
            c = ea_c[pl.ds(2 * EB + i * L, L)]
            flat = blk * EB + i * L
            eidx[(flat // EC), pl.ds((flat % EC) // L * L, L)] = a * 12 + b * 2 + c

    def _idx(j, n):
        return eidx.at[j] if n == EC else eidx.at[j, pl.ds(0, n)]

    def _fill(j, b, n, sem):
        pltpu.async_copy(etab_v.at[_idx(j, n)], erows[b].at[pl.ds(0, n)],
                         sem)
        pltpu.make_async_copy(etab_v.at[_idx(j, n)],
                              erows[b].at[pl.ds(0, n)], sem).wait()

    def _write(j, b, n=EC):
        pltpu.async_copy(erows[b].at[pl.ds(0, n)],
                         edge_out.at[pl.ds(ebase + j * EC, n)], wsems[b])

    def _wait_w(j, b, n=EC):
        pltpu.make_async_copy(erows[b].at[pl.ds(0, n)],
                              edge_out.at[pl.ds(ebase + j * EC, n)],
                              wsems[b]).wait()

    _fill(0, 0, EC, gs0)
    _write(0, 0)
    _fill(1, 1, EC, gs1)
    _write(1, 1)

    @pl.loop(0, (ECF - 2) // NB)
    def _(k):
        for t in range(NB):
            j = 2 + k * NB + t
            _wait_w(j - 2, t)
            _fill(j, t, EC, (gs0, gs1)[t])
            _write(j, t)

    _wait_w(ECF - 2, 0)
    _fill(ECF, 0, ECT, gs0)
    _write(ECF, 0, ECT)
    _wait_w(ECF - 1, 1)
    _wait_w(ECF, 0, ECT)

    @pl.when(wid < NT)
    def _():
        nbase = wid * NPW
        for f in range(9):
            pltpu.sync_copy(x_t.at[pl.ds(f * NN + nbase, NPW)],
                            x_v.at[pl.ds(f * NPW, NPW)])

        @pl.loop(0, NCH * (NCC // L))
        def _(i):
            c = i // (NCC // L)
            v = i % (NCC // L)
            d = pl.ds(v * L, L)

            def xf(f):
                return x_v[pl.ds(f * NPW + c * NCC + v * L, L)]

            nidx[c * 4 + 0, d] = xf(0) * 4 + xf(7) * 2 + xf(8)
            nidx[c * 4 + 1, d] = xf(1) * 11 + xf(2) + OFF1
            nidx[c * 4 + 2, d] = xf(3) * 9 + xf(4) + OFF2
            nidx[c * 4 + 3, d] = xf(5) * 8 + xf(6) + OFF3

        for c in range(NCH):
            for g in range(4):
                pltpu.async_copy(ntab_s.at[nidx.at[c * 4 + g]], nbuf[g],
                                 nsem[g])
            for g in range(4):
                pltpu.make_async_copy(ntab_s.at[nidx.at[c * 4 + g]], nbuf[g],
                                      nsem[g]).wait()
                if g:
                    @pl.loop(0, NCC)
                    def _(r):
                        for u in range(H // L):
                            sl = pl.ds(u * L, L)
                            nb0[r, sl] = nb0[r, sl] + nbuf[g][r, sl]

            pltpu.sync_copy(nb0, node_out.at[pl.ds(nbase + c * NCC, NCC)])


def _sc_embed(x_t, ea_t, ntab, etab):
    mesh = plsc.VectorSubcoreMesh(core_axis_name="c", subcore_axis_name="s",
                                  num_cores=NC, num_subcores=NS)
    return pl.kernel(
        _sc_body,
        out_type=(jax.ShapeDtypeStruct((NN, H), jnp.float32),
                  jax.ShapeDtypeStruct((NE, H), jnp.float32)),
        mesh=mesh,
        compiler_params=pltpu.CompilerParams(needs_layout_passes=False),
        scratch_types=[
            pltpu.VMEM_SHARED((ETROWS, H), jnp.float32),
            pltpu.VMEM_SHARED((NTROWS, H), jnp.float32),
            pltpu.VMEM((ECF + 1, EC), jnp.int32),
            pltpu.VMEM((3 * EB,), jnp.int32),
            pltpu.VMEM((EC, H), jnp.float32),
            pltpu.VMEM((EC, H), jnp.float32),
            pltpu.VMEM((9 * NPW,), jnp.int32),
            pltpu.VMEM((4 * NCH, NCC), jnp.int32),
            pltpu.VMEM((NCC, H), jnp.float32),
            pltpu.VMEM((NCC, H), jnp.float32),
            pltpu.VMEM((NCC, H), jnp.float32),
            pltpu.VMEM((NCC, H), jnp.float32),
            pltpu.SemaphoreType.DMA,
            pltpu.SemaphoreType.DMA,
            pltpu.SemaphoreType.DMA,
            pltpu.SemaphoreType.DMA,
            pltpu.SemaphoreType.DMA,
            pltpu.SemaphoreType.DMA,
            pltpu.SemaphoreType.DMA,
            pltpu.SemaphoreType.DMA,
        ],
    )(x_t, ea_t, ntab, etab)


def kernel(x, edge_attr,
           node_emb_0, node_emb_1, node_emb_2, node_emb_3, node_emb_4,
           node_emb_5, node_emb_6, node_emb_7, node_emb_8,
           edge_emb_0, edge_emb_1, edge_emb_2):
    etab = (edge_emb_0[:, None, None, :] + edge_emb_1[None, :, None, :]
            + edge_emb_2[None, None, :, :]).reshape(-1, H)
    g0 = (node_emb_0[:, None, None, :] + node_emb_7[None, :, None, :]
          + node_emb_8[None, None, :, :]).reshape(-1, H)
    g1 = (node_emb_1[:, None, :] + node_emb_2[None, :, :]).reshape(-1, H)
    g2 = (node_emb_3[:, None, :] + node_emb_4[None, :, :]).reshape(-1, H)
    g3 = (node_emb_5[:, None, :] + node_emb_6[None, :, :]).reshape(-1, H)
    ntab = jnp.concatenate([g0, g1, g2, g3], axis=0)

    x_t = x.T.reshape(-1)
    ea_t = edge_attr.T.reshape(-1)
    node_out, edge_out = _sc_embed(x_t, ea_t, ntab, etab)
    return (node_out, edge_out)

# --- scband reference (transcript-rebuilt; emitter-appended) ---
"""Pipeline reference for scband-atom-edge-embedder-12867722018909 (READ-ONLY COPY).

The authoritative reference and input builder live on the scoring server;
editing this copy changes nothing except your own understanding.
"""

import jax, jax.numpy as jnp
import numpy as np

# Field vocabulary sizes from torch_geometric.utils.smiles x_map / e_map
NODE_SIZES = [119, 9, 11, 12, 9, 5, 8, 2, 2]  # atomic_num, chirality, degree, formal_charge, num_hs, num_radical_electrons, hybridization, is_aromatic, is_in_ring
EDGE_SIZES = [22, 6, 2]  # bond_type, stereo, is_conjugated
HIDDEN_DIM = 128
N_NODES = 10000
N_EDGES = 320000


def setup_inputs(seed: int = 0) -> dict:
    key = jax.random.key(seed)
    ks = jax.random.split(key, 2 + len(NODE_SIZES) + len(EDGE_SIZES))
    x = jax.random.randint(ks[0], (N_NODES, 9), 0, 2, dtype=jnp.int32)
    edge_attr = jax.random.randint(ks[1], (N_EDGES, 3), 0, 2, dtype=jnp.int32)
    inp = {"x": x, "edge_attr": edge_attr}
    for i, s in enumerate(NODE_SIZES):
        inp[f"node_emb_{i}"] = jax.random.normal(ks[2 + i], (s, HIDDEN_DIM), dtype=jnp.float32) * 0.02
    for i, s in enumerate(EDGE_SIZES):
        inp[f"edge_emb_{i}"] = jax.random.normal(ks[2 + len(NODE_SIZES) + i], (s, HIDDEN_DIM), dtype=jnp.float32) * 0.02
    return inp


def reference(x, edge_attr,
              node_emb_0, node_emb_1, node_emb_2, node_emb_3, node_emb_4,
              node_emb_5, node_emb_6, node_emb_7, node_emb_8,
              edge_emb_0, edge_emb_1, edge_emb_2):
    node_tables = [node_emb_0, node_emb_1, node_emb_2, node_emb_3, node_emb_4,
                   node_emb_5, node_emb_6, node_emb_7, node_emb_8]
    edge_tables = [edge_emb_0, edge_emb_1, edge_emb_2]
    node_out = jnp.zeros((x.shape[0], HIDDEN_DIM), dtype=jnp.float32)
    for i, tab in enumerate(node_tables):
        node_out = node_out + jnp.take(tab, x[:, i], axis=0)
    edge_out = jnp.zeros((edge_attr.shape[0], HIDDEN_DIM), dtype=jnp.float32)
    for i, tab in enumerate(edge_tables):
        edge_out = edge_out + jnp.take(tab, edge_attr[:, i], axis=0)
    return (node_out, edge_out)

if __name__ == "__main__":
    import jax
    _d = setup_inputs()
    print(jax.jit(kernel)(*tuple(_d.values())))

</pallas_src>

<mosaic_0001>
#map = affine_map<(d0, d1) -> (0)>
#map1 = affine_map<(d0, d1) -> (0, 0)>
module attributes {stable_mosaic.version = 14 : i64} {
  func.func @_sc_body(%arg0: i32, %arg1: i32, %arg2: memref<90000xi32, #tpu.memory_space<hbm>>, %arg3: memref<960000xi32, #tpu.memory_space<hbm>>, %arg4: memref<723x128xf32, #tpu.memory_space<hbm>>, %arg5: memref<264x128xf32, #tpu.memory_space<hbm>>, %arg6: memref<10000x128xf32, #tpu.memory_space<hbm>>, %arg7: memref<320000x128xf32, #tpu.memory_space<hbm>>, %arg8: memref<264x128xf32, #tpu.memory_space<vmem_shared>>, %arg9: memref<723x128xf32, #tpu.memory_space<vmem_shared>>, %arg10: memref<79x128xi32, #tpu.memory_space<vmem>>, %arg11: memref<6000xi32, #tpu.memory_space<vmem>>, %arg12: memref<128x128xf32, #tpu.memory_space<vmem>>, %arg13: memref<128x128xf32, #tpu.memory_space<vmem>>, %arg14: memref<3600xi32, #tpu.memory_space<vmem>>, %arg15: memref<20x80xi32, #tpu.memory_space<vmem>>, %arg16: memref<80x128xf32, #tpu.memory_space<vmem>>, %arg17: memref<80x128xf32, #tpu.memory_space<vmem>>, %arg18: memref<80x128xf32, #tpu.memory_space<vmem>>, %arg19: memref<80x128xf32, #tpu.memory_space<vmem>>, %arg20: memref<!tpu.dma_semaphore, #tpu.memory_space<semaphore_mem>>, %arg21: memref<!tpu.dma_semaphore, #tpu.memory_space<semaphore_mem>>, %arg22: memref<!tpu.dma_semaphore, #tpu.memory_space<semaphore_mem>>, %arg23: memref<!tpu.dma_semaphore, #tpu.memory_space<semaphore_mem>>, %arg24: memref<!tpu.dma_semaphore, #tpu.memory_space<semaphore_mem>>, %arg25: memref<!tpu.dma_semaphore, #tpu.memory_space<semaphore_mem>>, %arg26: memref<!tpu.dma_semaphore, #tpu.memory_space<semaphore_mem>>, %arg27: memref<!tpu.dma_semaphore, #tpu.memory_space<semaphore_mem>>) attributes {dimension_semantics = [#tpu.dimension_semantics<core_parallel>, #tpu.dimension_semantics<subcore_parallel>], iteration_bounds = array<i64: 2, 16>, scalar_prefetch = 0 : i64, scratch_operands = 20 : i64, tpu.core_type = #tpu.core_type<sc_vector_subcore>, window_params = [{transform_indices = #map}, {transform_indices = #map}, {transform_indices = #map1}, {transform_indices = #map1}, {transform_indices = #map1}, {transform_indices = #map1}]} {
    %mul3A = arith.constant 2 : i32
    %mul3A_0 = arith.muli %arg1, %mul3A : i32
    %add3A = arith.addi %mul3A_0, %arg0 : i32
    %eq3A = arith.constant 0 : i32
    %eq3A_1 = arith.cmpi eq, %arg1, %eq3A : i32
    %convert_element_type3A = arith.extui %eq3A_1 : i1 to i32
    %cond3A = arith.constant 0 : i32
    %cond3A_2 = arith.cmpi ne, %convert_element_type3A, %cond3A : i32
    scf.if %cond3A_2 {
      "tpu.region"() ({
        %run_scoped3A = tpu.sem_alloc : memref<!tpu.dma_semaphore, #tpu.memory_space<semaphore_mem>>
        tpu.enqueue_dma source(%arg5 : memref<264x128xf32, #tpu.memory_space<hbm>>) target(%arg8 : memref<264x128xf32, #tpu.memory_space<vmem_shared>>) target_semaphore(%run_scoped3A : memref<!tpu.dma_semaphore, #tpu.memory_space<semaphore_mem>>)
        tpu.wait_dma2 semaphore(%run_scoped3A : memref<!tpu.dma_semaphore, #tpu.memory_space<semaphore_mem>>) src(%arg5 : memref<264x128xf32, #tpu.memory_space<hbm>>) dst(%arg8 : memref<264x128xf32, #tpu.memory_space<vmem_shared>>)
        tpu.yield
      }) : () -> ()
    } else {
    }
    %eq3A_3 = arith.constant 1 : i32
    %eq3A_4 = arith.cmpi eq, %arg1, %eq3A_3 : i32
    %convert_element_type3A_5 = arith.extui %eq3A_4 : i1 to i32
    %cond3A_6 = arith.constant 0 : i32
    %cond3A_7 = arith.cmpi ne, %convert_element_type3A_5, %cond3A_6 : i32
    scf.if %cond3A_7 {
      "tpu.region"() ({
        %run_scoped3A = tpu.sem_alloc : memref<!tpu.dma_semaphore, #tpu.memory_space<semaphore_mem>>
        tpu.enqueue_dma source(%arg4 : memref<723x128xf32, #tpu.memory_space<hbm>>) target(%arg9 : memref<723x128xf32, #tpu.memory_space<vmem_shared>>) target_semaphore(%run_scoped3A : memref<!tpu.dma_semaphore, #tpu.memory_space<semaphore_mem>>)
        tpu.wait_dma2 semaphore(%run_scoped3A : memref<!tpu.dma_semaphore, #tpu.memory_space<semaphore_mem>>) src(%arg4 : memref<723x128xf32, #tpu.memory_space<hbm>>) dst(%arg9 : memref<723x128xf32, #tpu.memory_space<vmem_shared>>)
        tpu.yield
      }) : () -> ()
    } else {
    }
    %barrier3A = arith.constant 0 : index
    tpu.barrier barrier_id(%barrier3A)
    %mul3A_8 = arith.constant 10000 : i32
    %mul3A_9 = arith.muli %add3A, %mul3A_8 : i32
    %add3A_10 = arith.constant 0 : i32
    %add3A_11 = arith.addi %add3A_10, %mul3A_9 : i32
    %add3A_12 = arith.constant 0 : i32
    %add3A_13 = arith.addi %add3A_11, %add3A_12 : i32
    "tpu.region"() ({
      %run_scoped3A = tpu.sem_alloc : memref<!tpu.dma_semaphore, #tpu.memory_space<semaphore_mem>>
      %dma_start3A_233 = arith.constant 0 : i32
      %dma_start3A_234 = tpu.memref_slice %arg11[%dma_start3A_233] : memref<6000xi32, #tpu.memory_space<vmem>> -> memref<2000xi32, #tpu.memory_space<vmem>>
      %dma_start3A_235 = tpu.memref_slice %arg3[%add3A_13] : memref<960000xi32, #tpu.memory_space<hbm>> -> memref<2000xi32, #tpu.memory_space<hbm>>
      %dma_start3A_236 = arith.constant 0 : i32
      %dma_start3A_237 = tpu.memref_slice %arg11[%dma_start3A_236] : memref<6000xi32, #tpu.memory_space<vmem>> -> memref<2000xi32, #tpu.memory_space<vmem>>
      %dma_start3A_238 = tpu.memref_slice %arg3[%add3A_13] : memref<960000xi32, #tpu.memory_space<hbm>> -> memref<2000xi32, #tpu.memory_space<hbm>>
      tpu.enqueue_dma source(%dma_start3A_238 : memref<2000xi32, #tpu.memory_space<hbm>>) target(%dma_start3A_237 : memref<2000xi32, #tpu.memory_space<vmem>>) target_semaphore(%run_scoped3A : memref<!tpu.dma_semaphore, #tpu.memory_space<semaphore_mem>>)
      %dma_wait3A_239 = arith.constant 0 : i32
      %dma_wait3A_240 = tpu.memref_slice %arg11[%dma_wait3A_239] : memref<6000xi32, #tpu.memory_space<vmem>> -> memref<2000xi32, #tpu.memory_space<vmem>>
      %dma_wait3A_241 = tpu.memref_slice %arg3[%add3A_13] : memref<960000xi32, #tpu.memory_space<hbm>> -> memref<2000xi32, #tpu.memory_space<hbm>>
      %dma_wait3A_242 = arith.constant 0 : i32
      %dma_wait3A_243 = tpu.memref_slice %arg11[%dma_wait3A_242] : memref<6000xi32, #tpu.memory_space<vmem>> -> memref<2000xi32, #tpu.memory_space<vmem>>
      %dma_wait3A_244 = tpu.memref_slice %arg3[%add3A_13] : memref<960000xi32, #tpu.memory_space<hbm>> -> memref<2000xi32, #tpu.memory_space<hbm>>
      tpu.wait_dma2 semaphore(%run_scoped3A : memref<!tpu.dma_semaphore, #tpu.memory_space<semaphore_mem>>) src(%dma_wait3A_244 : memref<2000xi32, #tpu.memory_space<hbm>>) dst(%dma_wait3A_243 : memref<2000xi32, #tpu.memory_space<vmem>>)
      tpu.yield
    }) : () -> ()
    %add3A_14 = arith.constant 320000 : i32
    %add3A_15 = arith.addi %add3A_14, %mul3A_9 : i32
    %add3A_16 = arith.constant 0 : i32
    %add3A_17 = arith.addi %add3A_15, %add3A_16 : i32
    "tpu.region"() ({
      %run_scoped3A = tpu.sem_alloc : memref<!tpu.dma_semaphore, #tpu.memory_space<semaphore_mem>>
      %dma_start3A_233 = arith.constant 2000 : i32
      %dma_start3A_234 = tpu.memref_slice %arg11[%dma_start3A_233] : memref<6000xi32, #tpu.memory_space<vmem>> -> memref<2000xi32, #tpu.memory_space<vmem>>
      %dma_start3A_235 = tpu.memref_slice %arg3[%add3A_17] : memref<960000xi32, #tpu.memory_space<hbm>> -> memref<2000xi32, #tpu.memory_space<hbm>>
      %dma_start3A_236 = arith.constant 2000 : i32
      %dma_start3A_237 = tpu.memref_slice %arg11[%dma_start3A_236] : memref<6000xi32, #tpu.memory_space<vmem>> -> memref<2000xi32, #tpu.memory_space<vmem>>
      %dma_start3A_238 = tpu.memref_slice %arg3[%add3A_17] : memref<960000xi32, #tpu.memory_space<hbm>> -> memref<2000xi32, #tpu.memory_space<hbm>>
      tpu.enqueue_dma source(%dma_start3A_238 : memref<2000xi32, #tpu.memory_space<hbm>>) target(%dma_start3A_237 : memref<2000xi32, #tpu.memory_space<vmem>>) target_semaphore(%run_scoped3A : memref<!tpu.dma_semaphore, #tpu.memory_space<semaphore_mem>>)
      %dma_wait3A_239 = arith.constant 2000 : i32
      %dma_wait3A_240 = tpu.memref_slice %arg11[%dma_wait3A_239] : memref<6000xi32, #tpu.memory_space<vmem>> -> memref<2000xi32, #tpu.memory_space<vmem>>
      %dma_wait3A_241 = tpu.memref_slice %arg3[%add3A_17] : memref<960000xi32, #tpu.memory_space<hbm>> -> memref<2000xi32, #tpu.memory_space<hbm>>
      %dma_wait3A_242 = arith.constant 2000 : i32
      %dma_wait3A_243 = tpu.memref_slice %arg11[%dma_wait3A_242] : memref<6000xi32, #tpu.memory_space<vmem>> -> memref<2000xi32, #tpu.memory_space<vmem>>
      %dma_wait3A_244 = tpu.memref_slice %arg3[%add3A_17] : memref<960000xi32, #tpu.memory_space<hbm>> -> memref<2000xi32, #tpu.memory_space<hbm>>
      tpu.wait_dma2 semaphore(%run_scoped3A : memref<!tpu.dma_semaphore, #tpu.memory_space<semaphore_mem>>) src(%dma_wait3A_244 : memref<2000xi32, #tpu.memory_space<hbm>>) dst(%dma_wait3A_243 : memref<2000xi32, #tpu.memory_space<vmem>>)
      tpu.yield
    }) : () -> ()
    %add3A_18 = arith.constant 640000 : i32
    %add3A_19 = arith.addi %add3A_18, %mul3A_9 : i32
    %add3A_20 = arith.constant 0 : i32
    %add3A_21 = arith.addi %add3A_19, %add3A_20 : i32
    "tpu.region"() ({
      %run_scoped3A = tpu.sem_alloc : memref<!tpu.dma_semaphore, #tpu.memory_space<semaphore_mem>>
      %dma_start3A_233 = arith.constant 4000 : i32
      %dma_start3A_234 = tpu.memref_slice %arg11[%dma_start3A_233] : memref<6000xi32, #tpu.memory_space<vmem>> -> memref<2000xi32, #tpu.memory_space<vmem>>
      %dma_start3A_235 = tpu.memref_slice %arg3[%add3A_21] : memref<960000xi32, #tpu.memory_space<hbm>> -> memref<2000xi32, #tpu.memory_space<hbm>>
      %dma_start3A_236 = arith.constant 4000 : i32
      %dma_start3A_237 = tpu.memref_slice %arg11[%dma_start3A_236] : memref<6000xi32, #tpu.memory_space<vmem>> -> memref<2000xi32, #tpu.memory_space<vmem>>
      %dma_start3A_238 = tpu.memref_slice %arg3[%add3A_21] : memref<960000xi32, #tpu.memory_space<hbm>> -> memref<2000xi32, #tpu.memory_space<hbm>>
      tpu.enqueue_dma source(%dma_start3A_238 : memref<2000xi32, #tpu.memory_space<hbm>>) target(%dma_start3A_237 : memref<2000xi32, #tpu.memory_space<vmem>>) target_semaphore(%run_scoped3A : memref<!tpu.dma_semaphore, #tpu.memory_space<semaphore_mem>>)
      %dma_wait3A_239 = arith.constant 4000 : i32
      %dma_wait3A_240 = tpu.memref_slice %arg11[%dma_wait3A_239] : memref<6000xi32, #tpu.memory_space<vmem>> -> memref<2000xi32, #tpu.memory_space<vmem>>
      %dma_wait3A_241 = tpu.memref_slice %arg3[%add3A_21] : memref<960000xi32, #tpu.memory_space<hbm>> -> memref<2000xi32, #tpu.memory_space<hbm>>
      %dma_wait3A_242 = arith.constant 4000 : i32
      %dma_wait3A_243 = tpu.memref_slice %arg11[%dma_wait3A_242] : memref<6000xi32, #tpu.memory_space<vmem>> -> memref<2000xi32, #tpu.memory_space<vmem>>
      %dma_wait3A_244 = tpu.memref_slice %arg3[%add3A_21] : memref<960000xi32, #tpu.memory_space<hbm>> -> memref<2000xi32, #tpu.memory_space<hbm>>
      tpu.wait_dma2 semaphore(%run_scoped3A : memref<!tpu.dma_semaphore, #tpu.memory_space<semaphore_mem>>) src(%dma_wait3A_244 : memref<2000xi32, #tpu.memory_space<hbm>>) dst(%dma_wait3A_243 : memref<2000xi32, #tpu.memory_space<vmem>>)
      tpu.yield
    }) : () -> ()
    %scan3A = arith.constant 0 : i32
    %scan3A_22 = arith.constant 125 : i32
    %scan3A_23 = arith.addi %scan3A, %scan3A_22 : i32
    %scan3A_24 = arith.constant 1 : i32
    scf.for %scan3A_233 = %scan3A to %scan3A_23 step %scan3A_24  : i32 {
      %mul3A_234 = arith.constant 1 : i32
      %mul3A_235 = arith.muli %scan3A_233, %mul3A_234 : i32
      %add3A_236 = arith.constant 0 : i32
      %add3A_237 = arith.addi %add3A_236, %mul3A_235 : i32
      %mul3A_238 = arith.constant 16 : i32
      %mul3A_239 = arith.muli %add3A_237, %mul3A_238 : i32
      %add3A_240 = arith.constant 0 : i32
      %add3A_241 = arith.addi %add3A_240, %mul3A_239 : i32
      %get3A = arith.index_cast %add3A_241 : i32 to index
      %get3A_242 = tpu.vector_load %arg11[%get3A] {strides = array<i32>} : memref<6000xi32, #tpu.memory_space<vmem>>, vector<16xi32>,
      %mul3A_243 = arith.constant 16 : i32
      %mul3A_244 = arith.muli %add3A_237, %mul3A_243 : i32
      %add3A_245 = arith.constant 2000 : i32
      %add3A_246 = arith.addi %add3A_245, %mul3A_244 : i32
      %get3A_247 = arith.index_cast %add3A_246 : i32 to index
      %get3A_248 = tpu.vector_load %arg11[%get3A_247] {strides = array<i32>} : memref<6000xi32, #tpu.memory_space<vmem>>, vector<16xi32>,
      %mul3A_249 = arith.constant 16 : i32
      %mul3A_250 = arith.muli %add3A_237, %mul3A_249 : i32
      %add3A_251 = arith.constant 4000 : i32
      %add3A_252 = arith.addi %add3A_251, %mul3A_250 : i32
      %get3A_253 = arith.index_cast %add3A_252 : i32 to index
      %get3A_254 = tpu.vector_load %arg11[%get3A_253] {strides = array<i32>} : memref<6000xi32, #tpu.memory_space<vmem>>, vector<16xi32>,
      %mul3A_255 = arith.constant 16 : i32
      %mul3A_256 = arith.muli %add3A_237, %mul3A_255 : i32
      %add3A_257 = arith.constant 0 : i32
      %add3A_258 = arith.addi %add3A_257, %mul3A_256 : i32
      %mul3A_259 = arith.constant 12 : i32
      %mul3A_260 = vector.broadcast %mul3A_259 : i32 to vector<16xi32>
      %mul3A_261 = arith.muli %get3A_242, %mul3A_260 : vector<16xi32>
      %mul3A_262 = arith.constant 2 : i32
      %mul3A_263 = vector.broadcast %mul3A_262 : i32 to vector<16xi32>
      %mul3A_264 = arith.muli %get3A_248, %mul3A_263 : vector<16xi32>
      %add3A_265 = arith.addi %mul3A_261, %mul3A_264 : vector<16xi32>
      %add3A_266 = arith.addi %add3A_265, %get3A_254 : vector<16xi32>
      %jit3A = arith.constant 128 : i32
      %div3A = arith.divsi %add3A_258, %jit3A : i32
      %sign3A = arith.constant 0 : i32
      %sign3A_267 = arith.cmpi sgt, %add3A_258, %sign3A : i32
      %sign3A_268 = arith.extui %sign3A_267 : i1 to i32
      %sign3A_269 = arith.constant 0 : i32
      %sign3A_270 = arith.cmpi slt, %add3A_258, %sign3A_269 : i32
      %sign3A_271 = arith.extui %sign3A_270 : i1 to i32
      %sign3A_272 = arith.subi %sign3A_268, %sign3A_271 : i32
      %sign3A_273 = arith.constant 0 : i32
      %sign3A_274 = arith.cmpi sgt, %jit3A, %sign3A_273 : i32
      %sign3A_275 = arith.extui %sign3A_274 : i1 to i32
      %sign3A_276 = arith.constant 0 : i32
      %sign3A_277 = arith.cmpi slt, %jit3A, %sign3A_276 : i32
      %sign3A_278 = arith.extui %sign3A_277 : i1 to i32
      %sign3A_279 = arith.subi %sign3A_275, %sign3A_278 : i32
      %ne3A = arith.cmpi ne, %sign3A_272, %sign3A_279 : i32
      %rem3A = arith.remsi %add3A_258, %jit3A : i32
      %ne3A_280 = arith.constant 0 : i32
      %ne3A_281 = arith.cmpi ne, %rem3A, %ne3A_280 : i32
      %and3A = arith.andi %ne3A, %ne3A_281 : i1
      %sub3A = arith.constant 1 : i32
      %sub3A_282 = arith.subi %div3A, %sub3A : i32
      %select_n3A = arith.select %and3A, %sub3A_282, %div3A : i32
      %jit3A_283 = arith.constant 128 : i32
      %eq3A_284 = arith.constant 0 : i32
      %eq3A_285 = arith.cmpi eq, %jit3A_283, %eq3A_284 : i32
      %jit3A_286 = arith.constant 1 : i32
      %select_n3A_287 = arith.select %eq3A_285, %jit3A_286, %jit3A_283 : i32
      %rem3A_288 = arith.remsi %add3A_258, %select_n3A_287 : i32
      %ne3A_289 = arith.constant 0 : i32
      %ne3A_290 = arith.cmpi ne, %rem3A_288, %ne3A_289 : i32
      %lt3A_291 = arith.constant 0 : i32
      %lt3A_292 = arith.cmpi slt, %rem3A_288, %lt3A_291 : i32
      %lt3A_293 = arith.constant 0 : i32
      %lt3A_294 = arith.cmpi slt, %select_n3A_287, %lt3A_293 : i32
      %ne3A_295 = arith.xori %lt3A_292, %lt3A_294 : i1
      %and3A_296 = arith.andi %ne3A_295, %ne3A_290 : i1
      %add3A_297 = arith.addi %rem3A_288, %select_n3A_287 : i32
      %select_n3A_298 = arith.select %and3A_296, %add3A_297, %rem3A_288 : i32
      %jit3A_299 = arith.constant 16 : i32
      %div3A_300 = arith.divsi %select_n3A_298, %jit3A_299 : i32
      %sign3A_301 = arith.constant 0 : i32
      %sign3A_302 = arith.cmpi sgt, %select_n3A_298, %sign3A_301 : i32
      %sign3A_303 = arith.extui %sign3A_302 : i1 to i32
      %sign3A_304 = arith.constant 0 : i32
      %sign3A_305 = arith.cmpi slt, %select_n3A_298, %sign3A_304 : i32
      %sign3A_306 = arith.extui %sign3A_305 : i1 to i32
      %sign3A_307 = arith.subi %sign3A_303, %sign3A_306 : i32
      %sign3A_308 = arith.constant 0 : i32
      %sign3A_309 = arith.cmpi sgt, %jit3A_299, %sign3A_308 : i32
      %sign3A_310 = arith.extui %sign3A_309 : i1 to i32
      %sign3A_311 = arith.constant 0 : i32
      %sign3A_312 = arith.cmpi slt, %jit3A_299, %sign3A_311 : i32
      %sign3A_313 = arith.extui %sign3A_312 : i1 to i32
      %sign3A_314 = arith.subi %sign3A_310, %sign3A_313 : i32
      %ne3A_315 = arith.cmpi ne, %sign3A_307, %sign3A_314 : i32
      %rem3A_316 = arith.remsi %select_n3A_298, %jit3A_299 : i32
      %ne3A_317 = arith.constant 0 : i32
      %ne3A_318 = arith.cmpi ne, %rem3A_316, %ne3A_317 : i32
      %and3A_319 = arith.andi %ne3A_315, %ne3A_318 : i1
      %sub3A_320 = arith.constant 1 : i32
      %sub3A_321 = arith.subi %div3A_300, %sub3A_320 : i32
      %select_n3A_322 = arith.select %and3A_319, %sub3A_321, %div3A_300 : i32
      %mul3A_323 = arith.constant 16 : i32
      %mul3A_324 = arith.muli %select_n3A_322, %mul3A_323 : i32
      %swap3A = arith.index_cast %select_n3A : i32 to index
      %swap3A_325 = arith.index_cast %mul3A_324 : i32 to index
      %swap3A_326 = tpu.vector_load %arg10[%swap3A, %swap3A_325] {strides = array<i32>} : memref<79x128xi32, #tpu.memory_space<vmem>>, vector<16xi32>,
      tpu.vector_store %arg10[%swap3A, %swap3A_325], %add3A_266 {strides = array<i32>} : memref<79x128xi32, #tpu.memory_space<vmem>>, vector<16xi32>,
    }
    %scan3A_25 = arith.constant 125 : i32
    %add3A_26 = arith.constant 0 : i32
    %add3A_27 = arith.addi %add3A_26, %mul3A_9 : i32
    %add3A_28 = arith.constant 2000 : i32
    %add3A_29 = arith.addi %add3A_27, %add3A_28 : i32
    "tpu.region"() ({
      %run_scoped3A = tpu.sem_alloc : memref<!tpu.dma_semaphore, #tpu.memory_space<semaphore_mem>>
      %dma_start3A_233 = arith.constant 0 : i32
      %dma_start3A_234 = tpu.memref_slice %arg11[%dma_start3A_233] : memref<6000xi32, #tpu.memory_space<vmem>> -> memref<2000xi32, #tpu.memory_space<vmem>>
      %dma_start3A_235 = tpu.memref_slice %arg3[%add3A_29] : memref<960000xi32, #tpu.memory_space<hbm>> -> memref<2000xi32, #tpu.memory_space<hbm>>
      %dma_start3A_236 = arith.constant 0 : i32
      %dma_start3A_237 = tpu.memref_slice %arg11[%dma_start3A_236] : memref<6000xi32, #tpu.memory_space<vmem>> -> memref<2000xi32, #tpu.memory_space<vmem>>
      %dma_start3A_238 = tpu.memref_slice %arg3[%add3A_29] : memref<960000xi32, #tpu.memory_space<hbm>> -> memref<2000xi32, #tpu.memory_space<hbm>>
      tpu.enqueue_dma source(%dma_start3A_238 : memref<2000xi32, #tpu.memory_space<hbm>>) target(%dma_start3A_237 : memref<2000xi32, #tpu.memory_space<vmem>>) target_semaphore(%run_scoped3A : memref<!tpu.dma_semaphore, #tpu.memory_space<semaphore_mem>>)
      %dma_wait3A_239 = arith.constant 0 : i32
      %dma_wait3A_240 = tpu.memref_slice %arg11[%dma_wait3A_239] : memref<6000xi32, #tpu.memory_space<vmem>> -> memref<2000xi32, #tpu.memory_space<vmem>>
      %dma_wait3A_241 = tpu.memref_slice %arg3[%add3A_29] : memref<960000xi32, #tpu.memory_space<hbm>> -> memref<2000xi32, #tpu.memory_space<hbm>>
      %dma_wait3A_242 = arith.constant 0 : i32
      %dma_wait3A_243 = tpu.memref_slice %arg11[%dma_wait3A_242] : memref<6000xi32, #tpu.memory_space<vmem>> -> memref<2000xi32, #tpu.memory_space<vmem>>
      %dma_wait3A_244 = tpu.memref_slice %arg3[%add3A_29] : memref<960000xi32, #tpu.memory_space<hbm>> -> memref<2000xi32, #tpu.memory_space<hbm>>
      tpu.wait_dma2 semaphore(%run_scoped3A : memref<!tpu.dma_semaphore, #tpu.memory_space<semaphore_mem>>) src(%dma_wait3A_244 : memref<2000xi32, #tpu.memory_space<hbm>>) dst(%dma_wait3A_243 : memref<2000xi32, #tpu.memory_space<vmem>>)
      tpu.yield
    }) : () -> ()
    %add3A_30 = arith.constant 320000 : i32
    %add3A_31 = arith.addi %add3A_30, %mul3A_9 : i32
    %add3A_32 = arith.constant 2000 : i32
    %add3A_33 = arith.addi %add3A_31, %add3A_32 : i32
    "tpu.region"() ({
      %run_scoped3A = tpu.sem_alloc : memref<!tpu.dma_semaphore, #tpu.memory_space<semaphore_mem>>
      %dma_start3A_233 = arith.constant 2000 : i32
      %dma_start3A_234 = tpu.memref_slice %arg11[%dma_start3A_233] : memref<6000xi32, #tpu.memory_space<vmem>> -> memref<2000xi32, #tpu.memory_space<vmem>>
      %dma_start3A_235 = tpu.memref_slice %arg3[%add3A_33] : memref<960000xi32, #tpu.memory_space<hbm>> -> memref<2000xi32, #tpu.memory_space<hbm>>
      %dma_start3A_236 = arith.constant 2000 : i32
      %dma_start3A_237 = tpu.memref_slice %arg11[%dma_start3A_236] : memref<6000xi32, #tpu.memory_space<vmem>> -> memref<2000xi32, #tpu.memory_space<vmem>>
      %dma_start3A_238 = tpu.memref_slice %arg3[%add3A_33] : memref<960000xi32, #tpu.memory_space<hbm>> -> memref<2000xi32, #tpu.memory_space<hbm>>
      tpu.enqueue_dma source(%dma_start3A_238 : memref<2000xi32, #tpu.memory_space<hbm>>) target(%dma_start3A_237 : memref<2000xi32, #tpu.memory_space<vmem>>) target_semaphore(%run_scoped3A : memref<!tpu.dma_semaphore, #tpu.memory_space<semaphore_mem>>)
      %dma_wait3A_239 = arith.constant 2000 : i32
      %dma_wait3A_240 = tpu.memref_slice %arg11[%dma_wait3A_239] : memref<6000xi32, #tpu.memory_space<vmem>> -> memref<2000xi32, #tpu.memory_space<vmem>>
      %dma_wait3A_241 = tpu.memref_slice %arg3[%add3A_33] : memref<960000xi32, #tpu.memory_space<hbm>> -> memref<2000xi32, #tpu.memory_space<hbm>>
      %dma_wait3A_242 = arith.constant 2000 : i32
      %dma_wait3A_243 = tpu.memref_slice %arg11[%dma_wait3A_242] : memref<6000xi32, #tpu.memory_space<vmem>> -> memref<2000xi32, #tpu.memory_space<vmem>>
      %dma_wait3A_244 = tpu.memref_slice %arg3[%add3A_33] : memref<960000xi32, #tpu.memory_space<hbm>> -> memref<2000xi32, #tpu.memory_space<hbm>>
      tpu.wait_dma2 semaphore(%run_scoped3A : memref<!tpu.dma_semaphore, #tpu.memory_space<semaphore_mem>>) src(%dma_wait3A_244 : memref<2000xi32, #tpu.memory_space<hbm>>) dst(%dma_wait3A_243 : memref<2000xi32, #tpu.memory_space<vmem>>)
      tpu.yield
    }) : () -> ()
    %add3A_34 = arith.constant 640000 : i32
    %add3A_35 = arith.addi %add3A_34, %mul3A_9 : i32
    %add3A_36 = arith.constant 2000 : i32
    %add3A_37 = arith.addi %add3A_35, %add3A_36 : i32
    "tpu.region"() ({
      %run_scoped3A = tpu.sem_alloc : memref<!tpu.dma_semaphore, #tpu.memory_space<semaphore_mem>>
      %dma_start3A_233 = arith.constant 4000 : i32
      %dma_start3A_234 = tpu.memref_slice %arg11[%dma_start3A_233] : memref<6000xi32, #tpu.memory_space<vmem>> -> memref<2000xi32, #tpu.memory_space<vmem>>
      %dma_start3A_235 = tpu.memref_slice %arg3[%add3A_37] : memref<960000xi32, #tpu.memory_space<hbm>> -> memref<2000xi32, #tpu.memory_space<hbm>>
      %dma_start3A_236 = arith.constant 4000 : i32
      %dma_start3A_237 = tpu.memref_slice %arg11[%dma_start3A_236] : memref<6000xi32, #tpu.memory_space<vmem>> -> memref<2000xi32, #tpu.memory_space<vmem>>
      %dma_start3A_238 = tpu.memref_slice %arg3[%add3A_37] : memref<960000xi32, #tpu.memory_space<hbm>> -> memref<2000xi32, #tpu.memory_space<hbm>>
      tpu.enqueue_dma source(%dma_start3A_238 : memref<2000xi32, #tpu.memory_space<hbm>>) target(%dma_start3A_237 : memref<2000xi32, #tpu.memory_space<vmem>>) target_semaphore(%run_scoped3A : memref<!tpu.dma_semaphore, #tpu.memory_space<semaphore_mem>>)
      %dma_wait3A_239 = arith.constant 4000 : i32
      %dma_wait3A_240 = tpu.memref_slice %arg11[%dma_wait3A_239] : memref<6000xi32, #tpu.memory_space<vmem>> -> memref<2000xi32, #tpu.memory_space<vmem>>
      %dma_wait3A_241 = tpu.memref_slice %arg3[%add3A_37] : memref<960000xi32, #tpu.memory_space<hbm>> -> memref<2000xi32, #tpu.memory_space<hbm>>
      %dma_wait3A_242 = arith.constant 4000 : i32
      %dma_wait3A_243 = tpu.memref_slice %arg11[%dma_wait3A_242] : memref<6000xi32, #tpu.memory_space<vmem>> -> memref<2000xi32, #tpu.memory_space<vmem>>
      %dma_wait3A_244 = tpu.memref_slice %arg3[%add3A_37] : memref<960000xi32, #tpu.memory_space<hbm>> -> memref<2000xi32, #tpu.memory_space<hbm>>
      tpu.wait_dma2 semaphore(%run_scoped3A : memref<!tpu.dma_semaphore, #tpu.memory_space<semaphore_mem>>) src(%dma_wait3A_244 : memref<2000xi32, #tpu.memory_space<hbm>>) dst(%dma_wait3A_243 : memref<2000xi32, #tpu.memory_space<vmem>>)
      tpu.yield
    }) : () -> ()
    %scan3A_38 = arith.constant 0 : i32
    %scan3A_39 = arith.constant 125 : i32
    %scan3A_40 = arith.addi %scan3A_38, %scan3A_39 : i32
    %scan3A_41 = arith.constant 1 : i32
    scf.for %scan3A_233 = %scan3A_38 to %scan3A_40 step %scan3A_41  : i32 {
      %mul3A_234 = arith.constant 1 : i32
      %mul3A_235 = arith.muli %scan3A_233, %mul3A_234 : i32
      %add3A_236 = arith.constant 0 : i32
      %add3A_237 = arith.addi %add3A_236, %mul3A_235 : i32
      %mul3A_238 = arith.constant 16 : i32
      %mul3A_239 = arith.muli %add3A_237, %mul3A_238 : i32
      %add3A_240 = arith.constant 0 : i32
      %add3A_241 = arith.addi %add3A_240, %mul3A_239 : i32
      %get3A = arith.index_cast %add3A_241 : i32 to index
      %get3A_242 = tpu.vector_load %arg11[%get3A] {strides = array<i32>} : memref<6000xi32, #tpu.memory_space<vmem>>, vector<16xi32>,
      %mul3A_243 = arith.constant 16 : i32
      %mul3A_244 = arith.muli %add3A_237, %mul3A_243 : i32
      %add3A_245 = arith.constant 2000 : i32
      %add3A_246 = arith.addi %add3A_245, %mul3A_244 : i32
      %get3A_247 = arith.index_cast %add3A_246 : i32 to index
      %get3A_248 = tpu.vector_load %arg11[%get3A_247] {strides = array<i32>} : memref<6000xi32, #tpu.memory_space<vmem>>, vector<16xi32>,
      %mul3A_249 = arith.constant 16 : i32
      %mul3A_250 = arith.muli %add3A_237, %mul3A_249 : i32
      %add3A_251 = arith.constant 4000 : i32
      %add3A_252 = arith.addi %add3A_251, %mul3A_250 : i32
      %get3A_253 = arith.index_cast %add3A_252 : i32 to index
      %get3A_254 = tpu.vector_load %arg11[%get3A_253] {strides = array<i32>} : memref<6000xi32, #tpu.memory_space<vmem>>, vector<16xi32>,
      %mul3A_255 = arith.constant 16 : i32
      %mul3A_256 = arith.muli %add3A_237, %mul3A_255 : i32
      %add3A_257 = arith.constant 2000 : i32
      %add3A_258 = arith.addi %add3A_257, %mul3A_256 : i32
      %mul3A_259 = arith.constant 12 : i32
      %mul3A_260 = vector.broadcast %mul3A_259 : i32 to vector<16xi32>
      %mul3A_261 = arith.muli %get3A_242, %mul3A_260 : vector<16xi32>
      %mul3A_262 = arith.constant 2 : i32
      %mul3A_263 = vector.broadcast %mul3A_262 : i32 to vector<16xi32>
      %mul3A_264 = arith.muli %get3A_248, %mul3A_263 : vector<16xi32>
      %add3A_265 = arith.addi %mul3A_261, %mul3A_264 : vector<16xi32>
      %add3A_266 = arith.addi %add3A_265, %get3A_254 : vector<16xi32>
      %jit3A = arith.constant 128 : i32
      %div3A = arith.divsi %add3A_258, %jit3A : i32
      %sign3A = arith.constant 0 : i32
      %sign3A_267 = arith.cmpi sgt, %add3A_258, %sign3A : i32
      %sign3A_268 = arith.extui %sign3A_267 : i1 to i32
      %sign3A_269 = arith.constant 0 : i32
      %sign3A_270 = arith.cmpi slt, %add3A_258, %sign3A_269 : i32
      %sign3A_271 = arith.extui %sign3A_270 : i1 to i32
      %sign3A_272 = arith.subi %sign3A_268, %sign3A_271 : i32
      %sign3A_273 = arith.constant 0 : i32
      %sign3A_274 = arith.cmpi sgt, %jit3A, %sign3A_273 : i32
      %sign3A_275 = arith.extui %sign3A_274 : i1 to i32
      %sign3A_276 = arith.constant 0 : i32
      %sign3A_277 = arith.cmpi slt, %jit3A, %sign3A_276 : i32
      %sign3A_278 = arith.extui %sign3A_277 : i1 to i32
      %sign3A_279 = arith.subi %sign3A_275, %sign3A_278 : i32
      %ne3A = arith.cmpi ne, %sign3A_272, %sign3A_279 : i32
      %rem3A = arith.remsi %add3A_258, %jit3A : i32
      %ne3A_280 = arith.constant 0 : i32
      %ne3A_281 = arith.cmpi ne, %rem3A, %ne3A_280 : i32
      %and3A = arith.andi %ne3A, %ne3A_281 : i1
      %sub3A = arith.constant 1 : i32
      %sub3A_282 = arith.subi %div3A, %sub3A : i32
      %select_n3A = arith.select %and3A, %sub3A_282, %div3A : i32
      %jit3A_283 = arith.constant 128 : i32
      %eq3A_284 = arith.constant 0 : i32
      %eq3A_285 = arith.cmpi eq, %jit3A_283, %eq3A_284 : i32
      %jit3A_286 = arith.constant 1 : i32
      %select_n3A_287 = arith.select %eq3A_285, %jit3A_286, %jit3A_283 : i32
      %rem3A_288 = arith.remsi %add3A_258, %select_n3A_287 : i32
      %ne3A_289 = arith.constant 0 : i32
      %ne3A_290 = arith.cmpi ne, %rem3A_288, %ne3A_289 : i32
      %lt3A_291 = arith.constant 0 : i32
      %lt3A_292 = arith.cmpi slt, %rem3A_288, %lt3A_291 : i32
      %lt3A_293 = arith.constant 0 : i32
      %lt3A_294 = arith.cmpi slt, %select_n3A_287, %lt3A_293 : i32
      %ne3A_295 = arith.xori %lt3A_292, %lt3A_294 : i1
      %and3A_296 = arith.andi %ne3A_295, %ne3A_290 : i1
      %add3A_297 = arith.addi %rem3A_288, %select_n3A_287 : i32
      %select_n3A_298 = arith.select %and3A_296, %add3A_297, %rem3A_288 : i32
      %jit3A_299 = arith.constant 16 : i32
      %div3A_300 = arith.divsi %select_n3A_298, %jit3A_299 : i32
      %sign3A_301 = arith.constant 0 : i32
      %sign3A_302 = arith.cmpi sgt, %select_n3A_298, %sign3A_301 : i32
      %sign3A_303 = arith.extui %sign3A_302 : i1 to i32
      %sign3A_304 = arith.constant 0 : i32
      %sign3A_305 = arith.cmpi slt, %select_n3A_298, %sign3A_304 : i32
      %sign3A_306 = arith.extui %sign3A_305 : i1 to i32
      %sign3A_307 = arith.subi %sign3A_303, %sign3A_306 : i32
      %sign3A_308 = arith.constant 0 : i32
      %sign3A_309 = arith.cmpi sgt, %jit3A_299, %sign3A_308 : i32
      %sign3A_310 = arith.extui %sign3A_309 : i1 to i32
      %sign3A_311 = arith.constant 0 : i32
      %sign3A_312 = arith.cmpi slt, %jit3A_299, %sign3A_311 : i32
      %sign3A_313 = arith.extui %sign3A_312 : i1 to i32
      %sign3A_314 = arith.subi %sign3A_310, %sign3A_313 : i32
      %ne3A_315 = arith.cmpi ne, %sign3A_307, %sign3A_314 : i32
      %rem3A_316 = arith.remsi %select_n3A_298, %jit3A_299 : i32
      %ne3A_317 = arith.constant 0 : i32
      %ne3A_318 = arith.cmpi ne, %rem3A_316, %ne3A_317 : i32
      %and3A_319 = arith.andi %ne3A_315, %ne3A_318 : i1
      %sub3A_320 = arith.constant 1 : i32
      %sub3A_321 = arith.subi %div3A_300, %sub3A_320 : i32
      %select_n3A_322 = arith.select %and3A_319, %sub3A_321, %div3A_300 : i32
      %mul3A_323 = arith.constant 16 : i32
      %mul3A_324 = arith.muli %select_n3A_322, %mul3A_323 : i32
      %swap3A = arith.index_cast %select_n3A : i32 to index
      %swap3A_325 = arith.index_cast %mul3A_324 : i32 to index
      %swap3A_326 = tpu.vector_load %arg10[%swap3A, %swap3A_325] {strides = array<i32>} : memref<79x128xi32, #tpu.memory_space<vmem>>, vector<16xi32>,
      tpu.vector_store %arg10[%swap3A, %swap3A_325], %add3A_266 {strides = array<i32>} : memref<79x128xi32, #tpu.memory_space<vmem>>, vector<16xi32>,
    }
    %scan3A_42 = arith.constant 125 : i32
    %add3A_43 = arith.constant 0 : i32
    %add3A_44 = arith.addi %add3A_43, %mul3A_9 : i32
    %add3A_45 = arith.constant 4000 : i32
    %add3A_46 = arith.addi %add3A_44, %add3A_45 : i32
    "tpu.region"() ({
      %run_scoped3A = tpu.sem_alloc : memref<!tpu.dma_semaphore, #tpu.memory_space<semaphore_mem>>
      %dma_start3A_233 = arith.constant 0 : i32
      %dma_start3A_234 = tpu.memref_slice %arg11[%dma_start3A_233] : memref<6000xi32, #tpu.memory_space<vmem>> -> memref<2000xi32, #tpu.memory_space<vmem>>
      %dma_start3A_235 = tpu.memref_slice %arg3[%add3A_46] : memref<960000xi32, #tpu.memory_space<hbm>> -> memref<2000xi32, #tpu.memory_space<hbm>>
      %dma_start3A_236 = arith.constant 0 : i32
      %dma_start3A_237 = tpu.memref_slice %arg11[%dma_start3A_236] : memref<6000xi32, #tpu.memory_space<vmem>> -> memref<2000xi32, #tpu.memory_space<vmem>>
      %dma_start3A_238 = tpu.memref_slice %arg3[%add3A_46] : memref<960000xi32, #tpu.memory_space<hbm>> -> memref<2000xi32, #tpu.memory_space<hbm>>
      tpu.enqueue_dma source(%dma_start3A_238 : memref<2000xi32, #tpu.memory_space<hbm>>) target(%dma_start3A_237 : memref<2000xi32, #tpu.memory_space<vmem>>) target_semaphore(%run_scoped3A : memref<!tpu.dma_semaphore, #tpu.memory_space<semaphore_mem>>)
      %dma_wait3A_239 = arith.constant 0 : i32
      %dma_wait3A_240 = tpu.memref_slice %arg11[%dma_wait3A_239] : memref<6000xi32, #tpu.memory_space<vmem>> -> memref<2000xi32, #tpu.memory_space<vmem>>
      %dma_wait3A_241 = tpu.memref_slice %arg3[%add3A_46] : memref<960000xi32, #tpu.memory_space<hbm>> -> memref<2000xi32, #tpu.memory_space<hbm>>
      %dma_wait3A_242 = arith.constant 0 : i32
      %dma_wait3A_243 = tpu.memref_slice %arg11[%dma_wait3A_242] : memref<6000xi32, #tpu.memory_space<vmem>> -> memref<2000xi32, #tpu.memory_space<vmem>>
      %dma_wait3A_244 = tpu.memref_slice %arg3[%add3A_46] : memref<960000xi32, #tpu.memory_space<hbm>> -> memref<2000xi32, #tpu.memory_space<hbm>>
      tpu.wait_dma2 semaphore(%run_scoped3A : memref<!tpu.dma_semaphore, #tpu.memory_space<semaphore_mem>>) src(%dma_wait3A_244 : memref<2000xi32, #tpu.memory_space<hbm>>) dst(%dma_wait3A_243 : memref<2000xi32, #tpu.memory_space<vmem>>)
      tpu.yield
    }) : () -> ()
    %add3A_47 = arith.constant 320000 : i32
    %add3A_48 = arith.addi %add3A_47, %mul3A_9 : i32
    %add3A_49 = arith.constant 4000 : i32
    %add3A_50 = arith.addi %add3A_48, %add3A_49 : i32
    "tpu.region"() ({
      %run_scoped3A = tpu.sem_alloc : memref<!tpu.dma_semaphore, #tpu.memory_space<semaphore_mem>>
      %dma_start3A_233 = arith.constant 2000 : i32
      %dma_start3A_234 = tpu.memref_slice %arg11[%dma_start3A_233] : memref<6000xi32, #tpu.memory_space<vmem>> -> memref<2000xi32, #tpu.memory_space<vmem>>
      %dma_start3A_235 = tpu.memref_slice %arg3[%add3A_50] : memref<960000xi32, #tpu.memory_space<hbm>> -> memref<2000xi32, #tpu.memory_space<hbm>>
      %dma_start3A_236 = arith.constant 2000 : i32
      %dma_start3A_237 = tpu.memref_slice %arg11[%dma_start3A_236] : memref<6000xi32, #tpu.memory_space<vmem>> -> memref<2000xi32, #tpu.memory_space<vmem>>
      %dma_start3A_238 = tpu.memref_slice %arg3[%add3A_50] : memref<960000xi32, #tpu.memory_space<hbm>> -> memref<2000xi32, #tpu.memory_space<hbm>>
      tpu.enqueue_dma source(%dma_start3A_238 : memref<2000xi32, #tpu.memory_space<hbm>>) target(%dma_start3A_237 : memref<2000xi32, #tpu.memory_space<vmem>>) target_semaphore(%run_scoped3A : memref<!tpu.dma_semaphore, #tpu.memory_space<semaphore_mem>>)
      %dma_wait3A_239 = arith.constant 2000 : i32
      %dma_wait3A_240 = tpu.memref_slice %arg11[%dma_wait3A_239] : memref<6000xi32, #tpu.memory_space<vmem>> -> memref<2000xi32, #tpu.memory_space<vmem>>
      %dma_wait3A_241 = tpu.memref_slice %arg3[%add3A_50] : memref<960000xi32, #tpu.memory_space<hbm>> -> memref<2000xi32, #tpu.memory_space<hbm>>
      %dma_wait3A_242 = arith.constant 2000 : i32
      %dma_wait3A_243 = tpu.memref_slice %arg11[%dma_wait3A_242] : memref<6000xi32, #tpu.memory_space<vmem>> -> memref<2000xi32, #tpu.memory_space<vmem>>
      %dma_wait3A_244 = tpu.memref_slice %arg3[%add3A_50] : memref<960000xi32, #tpu.memory_space<hbm>> -> memref<2000xi32, #tpu.memory_space<hbm>>
      tpu.wait_dma2 semaphore(%run_scoped3A : memref<!tpu.dma_semaphore, #tpu.memory_space<semaphore_mem>>) src(%dma_wait3A_244 : memref<2000xi32, #tpu.memory_space<hbm>>) dst(%dma_wait3A_243 : memref<2000xi32, #tpu.memory_space<vmem>>)
      tpu.yield
    }) : () -> ()
    %add3A_51 = arith.constant 640000 : i32
    %add3A_52 = arith.addi %add3A_51, %mul3A_9 : i32
    %add3A_53 = arith.constant 4000 : i32
    %add3A_54 = arith.addi %add3A_52, %add3A_53 : i32
    "tpu.region"() ({
      %run_scoped3A = tpu.sem_alloc : memref<!tpu.dma_semaphore, #tpu.memory_space<semaphore_mem>>
      %dma_start3A_233 = arith.constant 4000 : i32
      %dma_start3A_234 = tpu.memref_slice %arg11[%dma_start3A_233] : memref<6000xi32, #tpu.memory_space<vmem>> -> memref<2000xi32, #tpu.memory_space<vmem>>
      %dma_start3A_235 = tpu.memref_slice %arg3[%add3A_54] : memref<960000xi32, #tpu.memory_space<hbm>> -> memref<2000xi32, #tpu.memory_space<hbm>>
      %dma_start3A_236 = arith.constant 4000 : i32
      %dma_start3A_237 = tpu.memref_slice %arg11[%dma_start3A_236] : memref<6000xi32, #tpu.memory_space<vmem>> -> memref<2000xi32, #tpu.memory_space<vmem>>
      %dma_start3A_238 = tpu.memref_slice %arg3[%add3A_54] : memref<960000xi32, #tpu.memory_space<hbm>> -> memref<2000xi32, #tpu.memory_space<hbm>>
      tpu.enqueue_dma source(%dma_start3A_238 : memref<2000xi32, #tpu.memory_space<hbm>>) target(%dma_start3A_237 : memref<2000xi32, #tpu.memory_space<vmem>>) target_semaphore(%run_scoped3A : memref<!tpu.dma_semaphore, #tpu.memory_space<semaphore_mem>>)
      %dma_wait3A_239 = arith.constant 4000 : i32
      %dma_wait3A_240 = tpu.memref_slice %arg11[%dma_wait3A_239] : memref<6000xi32, #tpu.memory_space<vmem>> -> memref<2000xi32, #tpu.memory_space<vmem>>
      %dma_wait3A_241 = tpu.memref_slice %arg3[%add3A_54] : memref<960000xi32, #tpu.memory_space<hbm>> -> memref<2000xi32, #tpu.memory_space<hbm>>
      %dma_wait3A_242 = arith.constant 4000 : i32
      %dma_wait3A_243 = tpu.memref_slice %arg11[%dma_wait3A_242] : memref<6000xi32, #tpu.memory_space<vmem>> -> memref<2000xi32, #tpu.memory_space<vmem>>
      %dma_wait3A_244 = tpu.memref_slice %arg3[%add3A_54] : memref<960000xi32, #tpu.memory_space<hbm>> -> memref<2000xi32, #tpu.memory_space<hbm>>
      tpu.wait_dma2 semaphore(%run_scoped3A : memref<!tpu.dma_semaphore, #tpu.memory_space<semaphore_mem>>) src(%dma_wait3A_244 : memref<2000xi32, #tpu.memory_space<hbm>>) dst(%dma_wait3A_243 : memref<2000xi32, #tpu.memory_space<vmem>>)
      tpu.yield
    }) : () -> ()
    %scan3A_55 = arith.constant 0 : i32
    %scan3A_56 = arith.constant 125 : i32
    %scan3A_57 = arith.addi %scan3A_55, %scan3A_56 : i32
    %scan3A_58 = arith.constant 1 : i32
    scf.for %scan3A_233 = %scan3A_55 to %scan3A_57 step %scan3A_58  : i32 {
      %mul3A_234 = arith.constant 1 : i32
      %mul3A_235 = arith.muli %scan3A_233, %mul3A_234 : i32
      %add3A_236 = arith.constant 0 : i32
      %add3A_237 = arith.addi %add3A_236, %mul3A_235 : i32
      %mul3A_238 = arith.constant 16 : i32
      %mul3A_239 = arith.muli %add3A_237, %mul3A_238 : i32
      %add3A_240 = arith.constant 0 : i32
      %add3A_241 = arith.addi %add3A_240, %mul3A_239 : i32
      %get3A = arith.index_cast %add3A_241 : i32 to index
      %get3A_242 = tpu.vector_load %arg11[%get3A] {strides = array<i32>} : memref<6000xi32, #tpu.memory_space<vmem>>, vector<16xi32>,
      %mul3A_243 = arith.constant 16 : i32
      %mul3A_244 = arith.muli %add3A_237, %mul3A_243 : i32
      %add3A_245 = arith.constant 2000 : i32
      %add3A_246 = arith.addi %add3A_245, %mul3A_244 : i32
      %get3A_247 = arith.index_cast %add3A_246 : i32 to index
      %get3A_248 = tpu.vector_load %arg11[%get3A_247] {strides = array<i32>} : memref<6000xi32, #tpu.memory_space<vmem>>, vector<16xi32>,
      %mul3A_249 = arith.constant 16 : i32
      %mul3A_250 = arith.muli %add3A_237, %mul3A_249 : i32
      %add3A_251 = arith.constant 4000 : i32
      %add3A_252 = arith.addi %add3A_251, %mul3A_250 : i32
      %get3A_253 = arith.index_cast %add3A_252 : i32 to index
      %get3A_254 = tpu.vector_load %arg11[%get3A_253] {strides = array<i32>} : memref<6000xi32, #tpu.memory_space<vmem>>, vector<16xi32>,
      %mul3A_255 = arith.constant 16 : i32
      %mul3A_256 = arith.muli %add3A_237, %mul3A_255 : i32
      %add3A_257 = arith.constant 4000 : i32
      %add3A_258 = arith.addi %add3A_257, %mul3A_256 : i32
      %mul3A_259 = arith.constant 12 : i32
      %mul3A_260 = vector.broadcast %mul3A_259 : i32 to vector<16xi32>
      %mul3A_261 = arith.muli %get3A_242, %mul3A_260 : vector<16xi32>
      %mul3A_262 = arith.constant 2 : i32
      %mul3A_263 = vector.broadcast %mul3A_262 : i32 to vector<16xi32>
      %mul3A_264 = arith.muli %get3A_248, %mul3A_263 : vector<16xi32>
      %add3A_265 = arith.addi %mul3A_261, %mul3A_264 : vector<16xi32>
      %add3A_266 = arith.addi %add3A_265, %get3A_254 : vector<16xi32>
      %jit3A = arith.constant 128 : i32
      %div3A = arith.divsi %add3A_258, %jit3A : i32
      %sign3A = arith.constant 0 : i32
      %sign3A_267 = arith.cmpi sgt, %add3A_258, %sign3A : i32
      %sign3A_268 = arith.extui %sign3A_267 : i1 to i32
      %sign3A_269 = arith.constant 0 : i32
      %sign3A_270 = arith.cmpi slt, %add3A_258, %sign3A_269 : i32
      %sign3A_271 = arith.extui %sign3A_270 : i1 to i32
      %sign3A_272 = arith.subi %sign3A_268, %sign3A_271 : i32
      %sign3A_273 = arith.constant 0 : i32
      %sign3A_274 = arith.cmpi sgt, %jit3A, %sign3A_273 : i32
      %sign3A_275 = arith.extui %sign3A_274 : i1 to i32
      %sign3A_276 = arith.constant 0 : i32
      %sign3A_277 = arith.cmpi slt, %jit3A, %sign3A_276 : i32
      %sign3A_278 = arith.extui %sign3A_277 : i1 to i32
      %sign3A_279 = arith.subi %sign3A_275, %sign3A_278 : i32
      %ne3A = arith.cmpi ne, %sign3A_272, %sign3A_279 : i32
      %rem3A = arith.remsi %add3A_258, %jit3A : i32
      %ne3A_280 = arith.constant 0 : i32
      %ne3A_281 = arith.cmpi ne, %rem3A, %ne3A_280 : i32
      %and3A = arith.andi %ne3A, %ne3A_281 : i1
      %sub3A = arith.constant 1 : i32
      %sub3A_282 = arith.subi %div3A, %sub3A : i32
      %select_n3A = arith.select %and3A, %sub3A_282, %div3A : i32
      %jit3A_283 = arith.constant 128 : i32
      %eq3A_284 = arith.constant 0 : i32
      %eq3A_285 = arith.cmpi eq, %jit3A_283, %eq3A_284 : i32
      %jit3A_286 = arith.constant 1 : i32
      %select_n3A_287 = arith.select %eq3A_285, %jit3A_286, %jit3A_283 : i32
      %rem3A_288 = arith.remsi %add3A_258, %select_n3A_287 : i32
      %ne3A_289 = arith.constant 0 : i32
      %ne3A_290 = arith.cmpi ne, %rem3A_288, %ne3A_289 : i32
      %lt3A_291 = arith.constant 0 : i32
      %lt3A_292 = arith.cmpi slt, %rem3A_288, %lt3A_291 : i32
      %lt3A_293 = arith.constant 0 : i32
      %lt3A_294 = arith.cmpi slt, %select_n3A_287, %lt3A_293 : i32
      %ne3A_295 = arith.xori %lt3A_292, %lt3A_294 : i1
      %and3A_296 = arith.andi %ne3A_295, %ne3A_290 : i1
      %add3A_297 = arith.addi %rem3A_288, %select_n3A_287 : i32
      %select_n3A_298 = arith.select %and3A_296, %add3A_297, %rem3A_288 : i32
      %jit3A_299 = arith.constant 16 : i32
      %div3A_300 = arith.divsi %select_n3A_298, %jit3A_299 : i32
      %sign3A_301 = arith.constant 0 : i32
      %sign3A_302 = arith.cmpi sgt, %select_n3A_298, %sign3A_301 : i32
      %sign3A_303 = arith.extui %sign3A_302 : i1 to i32
      %sign3A_304 = arith.constant 0 : i32
      %sign3A_305 = arith.cmpi slt, %select_n3A_298, %sign3A_304 : i32
      %sign3A_306 = arith.extui %sign3A_305 : i1 to i32
      %sign3A_307 = arith.subi %sign3A_303, %sign3A_306 : i32
      %sign3A_308 = arith.constant 0 : i32
      %sign3A_309 = arith.cmpi sgt, %jit3A_299, %sign3A_308 : i32
      %sign3A_310 = arith.extui %sign3A_309 : i1 to i32
      %sign3A_311 = arith.constant 0 : i32
      %sign3A_312 = arith.cmpi slt, %jit3A_299, %sign3A_311 : i32
      %sign3A_313 = arith.extui %sign3A_312 : i1 to i32
      %sign3A_314 = arith.subi %sign3A_310, %sign3A_313 : i32
      %ne3A_315 = arith.cmpi ne, %sign3A_307, %sign3A_314 : i32
      %rem3A_316 = arith.remsi %select_n3A_298, %jit3A_299 : i32
      %ne3A_317 = arith.constant 0 : i32
      %ne3A_318 = arith.cmpi ne, %rem3A_316, %ne3A_317 : i32
      %and3A_319 = arith.andi %ne3A_315, %ne3A_318 : i1
      %sub3A_320 = arith.constant 1 : i32
      %sub3A_321 = arith.subi %div3A_300, %sub3A_320 : i32
      %select_n3A_322 = arith.select %and3A_319, %sub3A_321, %div3A_300 : i32
      %mul3A_323 = arith.constant 16 : i32
      %mul3A_324 = arith.muli %select_n3A_322, %mul3A_323 : i32
      %swap3A = arith.index_cast %select_n3A : i32 to index
      %swap3A_325 = arith.index_cast %mul3A_324 : i32 to index
      %swap3A_326 = tpu.vector_load %arg10[%swap3A, %swap3A_325] {strides = array<i32>} : memref<79x128xi32, #tpu.memory_space<vmem>>, vector<16xi32>,
      tpu.vector_store %arg10[%swap3A, %swap3A_325], %add3A_266 {strides = array<i32>} : memref<79x128xi32, #tpu.memory_space<vmem>>, vector<16xi32>,
    }
    %scan3A_59 = arith.constant 125 : i32
    %add3A_60 = arith.constant 0 : i32
    %add3A_61 = arith.addi %add3A_60, %mul3A_9 : i32
    %add3A_62 = arith.constant 6000 : i32
    %add3A_63 = arith.addi %add3A_61, %add3A_62 : i32
    "tpu.region"() ({
      %run_scoped3A = tpu.sem_alloc : memref<!tpu.dma_semaphore, #tpu.memory_space<semaphore_mem>>
      %dma_start3A_233 = arith.constant 0 : i32
      %dma_start3A_234 = tpu.memref_slice %arg11[%dma_start3A_233] : memref<6000xi32, #tpu.memory_space<vmem>> -> memref<2000xi32, #tpu.memory_space<vmem>>
      %dma_start3A_235 = tpu.memref_slice %arg3[%add3A_63] : memref<960000xi32, #tpu.memory_space<hbm>> -> memref<2000xi32, #tpu.memory_space<hbm>>
      %dma_start3A_236 = arith.constant 0 : i32
      %dma_start3A_237 = tpu.memref_slice %arg11[%dma_start3A_236] : memref<6000xi32, #tpu.memory_space<vmem>> -> memref<2000xi32, #tpu.memory_space<vmem>>
      %dma_start3A_238 = tpu.memref_slice %arg3[%add3A_63] : memref<960000xi32, #tpu.memory_space<hbm>> -> memref<2000xi32, #tpu.memory_space<hbm>>
      tpu.enqueue_dma source(%dma_start3A_238 : memref<2000xi32, #tpu.memory_space<hbm>>) target(%dma_start3A_237 : memref<2000xi32, #tpu.memory_space<vmem>>) target_semaphore(%run_scoped3A : memref<!tpu.dma_semaphore, #tpu.memory_space<semaphore_mem>>)
      %dma_wait3A_239 = arith.constant 0 : i32
      %dma_wait3A_240 = tpu.memref_slice %arg11[%dma_wait3A_239] : memref<6000xi32, #tpu.memory_space<vmem>> -> memref<2000xi32, #tpu.memory_space<vmem>>
      %dma_wait3A_241 = tpu.memref_slice %arg3[%add3A_63] : memref<960000xi32, #tpu.memory_space<hbm>> -> memref<2000xi32, #tpu.memory_space<hbm>>
      %dma_wait3A_242 = arith.constant 0 : i32
      %dma_wait3A_243 = tpu.memref_slice %arg11[%dma_wait3A_242] : memref<6000xi32, #tpu.memory_space<vmem>> -> memref<2000xi32, #tpu.memory_space<vmem>>
      %dma_wait3A_244 = tpu.memref_slice %arg3[%add3A_63] : memref<960000xi32, #tpu.memory_space<hbm>> -> memref<2000xi32, #tpu.memory_space<hbm>>
      tpu.wait_dma2 semaphore(%run_scoped3A : memref<!tpu.dma_semaphore, #tpu.memory_space<semaphore_mem>>) src(%dma_wait3A_244 : memref<2000xi32, #tpu.memory_space<hbm>>) dst(%dma_wait3A_243 : memref<2000xi32, #tpu.memory_space<vmem>>)
      tpu.yield
    }) : () -> ()
    %add3A_64 = arith.constant 320000 : i32
    %add3A_65 = arith.addi %add3A_64, %mul3A_9 : i32
    %add3A_66 = arith.constant 6000 : i32
    %add3A_67 = arith.addi %add3A_65, %add3A_66 : i32
    "tpu.region"() ({
      %run_scoped3A = tpu.sem_alloc : memref<!tpu.dma_semaphore, #tpu.memory_space<semaphore_mem>>
      %dma_start3A_233 = arith.constant 2000 : i32
      %dma_start3A_234 = tpu.memref_slice %arg11[%dma_start3A_233] : memref<6000xi32, #tpu.memory_space<vmem>> -> memref<2000xi32, #tpu.memory_space<vmem>>
      %dma_start3A_235 = tpu.memref_slice %arg3[%add3A_67] : memref<960000xi32, #tpu.memory_space<hbm>> -> memref<2000xi32, #tpu.memory_space<hbm>>
      %dma_start3A_236 = arith.constant 2000 : i32
      %dma_start3A_237 = tpu.memref_slice %arg11[%dma_start3A_236] : memref<6000xi32, #tpu.memory_space<vmem>> -> memref<2000xi32, #tpu.memory_space<vmem>>
      %dma_start3A_238 = tpu.memref_slice %arg3[%add3A_67] : memref<960000xi32, #tpu.memory_space<hbm>> -> memref<2000xi32, #tpu.memory_space<hbm>>
      tpu.enqueue_dma source(%dma_start3A_238 : memref<2000xi32, #tpu.memory_space<hbm>>) target(%dma_start3A_237 : memref<2000xi32, #tpu.memory_space<vmem>>) target_semaphore(%run_scoped3A : memref<!tpu.dma_semaphore, #tpu.memory_space<semaphore_mem>>)
      %dma_wait3A_239 = arith.constant 2000 : i32
      %dma_wait3A_240 = tpu.memref_slice %arg11[%dma_wait3A_239] : memref<6000xi32, #tpu.memory_space<vmem>> -> memref<2000xi32, #tpu.memory_space<vmem>>
      %dma_wait3A_241 = tpu.memref_slice %arg3[%add3A_67] : memref<960000xi32, #tpu.memory_space<hbm>> -> memref<2000xi32, #tpu.memory_space<hbm>>
      %dma_wait3A_242 = arith.constant 2000 : i32
      %dma_wait3A_243 = tpu.memref_slice %arg11[%dma_wait3A_242] : memref<6000xi32, #tpu.memory_space<vmem>> -> memref<2000xi32, #tpu.memory_space<vmem>>
      %dma_wait3A_244 = tpu.memref_slice %arg3[%add3A_67] : memref<960000xi32, #tpu.memory_space<hbm>> -> memref<2000xi32, #tpu.memory_space<hbm>>
      tpu.wait_dma2 semaphore(%run_scoped3A : memref<!tpu.dma_semaphore, #tpu.memory_space<semaphore_mem>>) src(%dma_wait3A_244 : memref<2000xi32, #tpu.memory_space<hbm>>) dst(%dma_wait3A_243 : memref<2000xi32, #tpu.memory_space<vmem>>)
      tpu.yield
    }) : () -> ()
    %add3A_68 = arith.constant 640000 : i32
    %add3A_69 = arith.addi %add3A_68, %mul3A_9 : i32
    %add3A_70 = arith.constant 6000 : i32
    %add3A_71 = arith.addi %add3A_69, %add3A_70 : i32
    "tpu.region"() ({
      %run_scoped3A = tpu.sem_alloc : memref<!tpu.dma_semaphore, #tpu.memory_space<semaphore_mem>>
      %dma_start3A_233 = arith.constant 4000 : i32
      %dma_start3A_234 = tpu.memref_slice %arg11[%dma_start3A_233] : memref<6000xi32, #tpu.memory_space<vmem>> -> memref<2000xi32, #tpu.memory_space<vmem>>
      %dma_start3A_235 = tpu.memref_slice %arg3[%add3A_71] : memref<960000xi32, #tpu.memory_space<hbm>> -> memref<2000xi32, #tpu.memory_space<hbm>>
      %dma_start3A_236 = arith.constant 4000 : i32
      %dma_start3A_237 = tpu.memref_slice %arg11[%dma_start3A_236] : memref<6000xi32, #tpu.memory_space<vmem>> -> memref<2000xi32, #tpu.memory_space<vmem>>
      %dma_start3A_238 = tpu.memref_slice %arg3[%add3A_71] : memref<960000xi32, #tpu.memory_space<hbm>> -> memref<2000xi32, #tpu.memory_space<hbm>>
      tpu.enqueue_dma source(%dma_start3A_238 : memref<2000xi32, #tpu.memory_space<hbm>>) target(%dma_start3A_237 : memref<2000xi32, #tpu.memory_space<vmem>>) target_semaphore(%run_scoped3A : memref<!tpu.dma_semaphore, #tpu.memory_space<semaphore_mem>>)
      %dma_wait3A_239 = arith.constant 4000 : i32
      %dma_wait3A_240 = tpu.memref_slice %arg11[%dma_wait3A_239] : memref<6000xi32, #tpu.memory_space<vmem>> -> memref<2000xi32, #tpu.memory_space<vmem>>
      %dma_wait3A_241 = tpu.memref_slice %arg3[%add3A_71] : memref<960000xi32, #tpu.memory_space<hbm>> -> memref<2000xi32, #tpu.memory_space<hbm>>
      %dma_wait3A_242 = arith.constant 4000 : i32
      %dma_wait3A_243 = tpu.memref_slice %arg11[%dma_wait3A_242] : memref<6000xi32, #tpu.memory_space<vmem>> -> memref<2000xi32, #tpu.memory_space<vmem>>
      %dma_wait3A_244 = tpu.memref_slice %arg3[%add3A_71] : memref<960000xi32, #tpu.memory_space<hbm>> -> memref<2000xi32, #tpu.memory_space<hbm>>
      tpu.wait_dma2 semaphore(%run_scoped3A : memref<!tpu.dma_semaphore, #tpu.memory_space<semaphore_mem>>) src(%dma_wait3A_244 : memref<2000xi32, #tpu.memory_space<hbm>>) dst(%dma_wait3A_243 : memref<2000xi32, #tpu.memory_space<vmem>>)
      tpu.yield
    }) : () -> ()
    %scan3A_72 = arith.constant 0 : i32
    %scan3A_73 = arith.constant 125 : i32
    %scan3A_74 = arith.addi %scan3A_72, %scan3A_73 : i32
    %scan3A_75 = arith.constant 1 : i32
    scf.for %scan3A_233 = %scan3A_72 to %scan3A_74 step %scan3A_75  : i32 {
      %mul3A_234 = arith.constant 1 : i32
      %mul3A_235 = arith.muli %scan3A_233, %mul3A_234 : i32
      %add3A_236 = arith.constant 0 : i32
      %add3A_237 = arith.addi %add3A_236, %mul3A_235 : i32
      %mul3A_238 = arith.constant 16 : i32
      %mul3A_239 = arith.muli %add3A_237, %mul3A_238 : i32
      %add3A_240 = arith.constant 0 : i32
      %add3A_241 = arith.addi %add3A_240, %mul3A_239 : i32
      %get3A = arith.index_cast %add3A_241 : i32 to index
      %get3A_242 = tpu.vector_load %arg11[%get3A] {strides = array<i32>} : memref<6000xi32, #tpu.memory_space<vmem>>, vector<16xi32>,
      %mul3A_243 = arith.constant 16 : i32
      %mul3A_244 = arith.muli %add3A_237, %mul3A_243 : i32
      %add3A_245 = arith.constant 2000 : i32
      %add3A_246 = arith.addi %add3A_245, %mul3A_244 : i32
      %get3A_247 = arith.index_cast %add3A_246 : i32 to index
      %get3A_248 = tpu.vector_load %arg11[%get3A_247] {strides = array<i32>} : memref<6000xi32, #tpu.memory_space<vmem>>, vector<16xi32>,
      %mul3A_249 = arith.constant 16 : i32
      %mul3A_250 = arith.muli %add3A_237, %mul3A_249 : i32
      %add3A_251 = arith.constant 4000 : i32
      %add3A_252 = arith.addi %add3A_251, %mul3A_250 : i32
      %get3A_253 = arith.index_cast %add3A_252 : i32 to index
      %get3A_254 = tpu.vector_load %arg11[%get3A_253] {strides = array<i32>} : memref<6000xi32, #tpu.memory_space<vmem>>, vector<16xi32>,
      %mul3A_255 = arith.constant 16 : i32
      %mul3A_256 = arith.muli %add3A_237, %mul3A_255 : i32
      %add3A_257 = arith.constant 6000 : i32
      %add3A_258 = arith.addi %add3A_257, %mul3A_256 : i32
      %mul3A_259 = arith.constant 12 : i32
      %mul3A_260 = vector.broadcast %mul3A_259 : i32 to vector<16xi32>
      %mul3A_261 = arith.muli %get3A_242, %mul3A_260 : vector<16xi32>
      %mul3A_262 = arith.constant 2 : i32
      %mul3A_263 = vector.broadcast %mul3A_262 : i32 to vector<16xi32>
      %mul3A_264 = arith.muli %get3A_248, %mul3A_263 : vector<16xi32>
      %add3A_265 = arith.addi %mul3A_261, %mul3A_264 : vector<16xi32>
      %add3A_266 = arith.addi %add3A_265, %get3A_254 : vector<16xi32>
      %jit3A = arith.constant 128 : i32
      %div3A = arith.divsi %add3A_258, %jit3A : i32
      %sign3A = arith.constant 0 : i32
      %sign3A_267 = arith.cmpi sgt, %add3A_258, %sign3A : i32
      %sign3A_268 = arith.extui %sign3A_267 : i1 to i32
      %sign3A_269 = arith.constant 0 : i32
      %sign3A_270 = arith.cmpi slt, %add3A_258, %sign3A_269 : i32
      %sign3A_271 = arith.extui %sign3A_270 : i1 to i32
      %sign3A_272 = arith.subi %sign3A_268, %sign3A_271 : i32
      %sign3A_273 = arith.constant 0 : i32
      %sign3A_274 = arith.cmpi sgt, %jit3A, %sign3A_273 : i32
      %sign3A_275 = arith.extui %sign3A_274 : i1 to i32
      %sign3A_276 = arith.constant 0 : i32
      %sign3A_277 = arith.cmpi slt, %jit3A, %sign3A_276 : i32
      %sign3A_278 = arith.extui %sign3A_277 : i1 to i32
      %sign3A_279 = arith.subi %sign3A_275, %sign3A_278 : i32
      %ne3A = arith.cmpi ne, %sign3A_272, %sign3A_279 : i32
      %rem3A = arith.remsi %add3A_258, %jit3A : i32
      %ne3A_280 = arith.constant 0 : i32
      %ne3A_281 = arith.cmpi ne, %rem3A, %ne3A_280 : i32
      %and3A = arith.andi %ne3A, %ne3A_281 : i1
      %sub3A = arith.constant 1 : i32
      %sub3A_282 = arith.subi %div3A, %sub3A : i32
      %select_n3A = arith.select %and3A, %sub3A_282, %div3A : i32
      %jit3A_283 = arith.constant 128 : i32
      %eq3A_284 = arith.constant 0 : i32
      %eq3A_285 = arith.cmpi eq, %jit3A_283, %eq3A_284 : i32
      %jit3A_286 = arith.constant 1 : i32
      %select_n3A_287 = arith.select %eq3A_285, %jit3A_286, %jit3A_283 : i32
      %rem3A_288 = arith.remsi %add3A_258, %select_n3A_287 : i32
      %ne3A_289 = arith.constant 0 : i32
      %ne3A_290 = arith.cmpi ne, %rem3A_288, %ne3A_289 : i32
      %lt3A_291 = arith.constant 0 : i32
      %lt3A_292 = arith.cmpi slt, %rem3A_288, %lt3A_291 : i32
      %lt3A_293 = arith.constant 0 : i32
      %lt3A_294 = arith.cmpi slt, %select_n3A_287, %lt3A_293 : i32
      %ne3A_295 = arith.xori %lt3A_292, %lt3A_294 : i1
      %and3A_296 = arith.andi %ne3A_295, %ne3A_290 : i1
      %add3A_297 = arith.addi %rem3A_288, %select_n3A_287 : i32
      %select_n3A_298 = arith.select %and3A_296, %add3A_297, %rem3A_288 : i32
      %jit3A_299 = arith.constant 16 : i32
      %div3A_300 = arith.divsi %select_n3A_298, %jit3A_299 : i32
      %sign3A_301 = arith.constant 0 : i32
      %sign3A_302 = arith.cmpi sgt, %select_n3A_298, %sign3A_301 : i32
      %sign3A_303 = arith.extui %sign3A_302 : i1 to i32
      %sign3A_304 = arith.constant 0 : i32
      %sign3A_305 = arith.cmpi slt, %select_n3A_298, %sign3A_304 : i32
      %sign3A_306 = arith.extui %sign3A_305 : i1 to i32
      %sign3A_307 = arith.subi %sign3A_303, %sign3A_306 : i32
      %sign3A_308 = arith.constant 0 : i32
      %sign3A_309 = arith.cmpi sgt, %jit3A_299, %sign3A_308 : i32
      %sign3A_310 = arith.extui %sign3A_309 : i1 to i32
      %sign3A_311 = arith.constant 0 : i32
      %sign3A_312 = arith.cmpi slt, %jit3A_299, %sign3A_311 : i32
      %sign3A_313 = arith.extui %sign3A_312 : i1 to i32
      %sign3A_314 = arith.subi %sign3A_310, %sign3A_313 : i32
      %ne3A_315 = arith.cmpi ne, %sign3A_307, %sign3A_314 : i32
      %rem3A_316 = arith.remsi %select_n3A_298, %jit3A_299 : i32
      %ne3A_317 = arith.constant 0 : i32
      %ne3A_318 = arith.cmpi ne, %rem3A_316, %ne3A_317 : i32
      %and3A_319 = arith.andi %ne3A_315, %ne3A_318 : i1
      %sub3A_320 = arith.constant 1 : i32
      %sub3A_321 = arith.subi %div3A_300, %sub3A_320 : i32
      %select_n3A_322 = arith.select %and3A_319, %sub3A_321, %div3A_300 : i32
      %mul3A_323 = arith.constant 16 : i32
      %mul3A_324 = arith.muli %select_n3A_322, %mul3A_323 : i32
      %swap3A = arith.index_cast %select_n3A : i32 to index
      %swap3A_325 = arith.index_cast %mul3A_324 : i32 to index
      %swap3A_326 = tpu.vector_load %arg10[%swap3A, %swap3A_325] {strides = array<i32>} : memref<79x128xi32, #tpu.memory_space<vmem>>, vector<16xi32>,
      tpu.vector_store %arg10[%swap3A, %swap3A_325], %add3A_266 {strides = array<i32>} : memref<79x128xi32, #tpu.memory_space<vmem>>, vector<16xi32>,
    }
    %scan3A_76 = arith.constant 125 : i32
    %add3A_77 = arith.constant 0 : i32
    %add3A_78 = arith.addi %add3A_77, %mul3A_9 : i32
    %add3A_79 = arith.constant 8000 : i32
    %add3A_80 = arith.addi %add3A_78, %add3A_79 : i32
    "tpu.region"() ({
      %run_scoped3A = tpu.sem_alloc : memref<!tpu.dma_semaphore, #tpu.memory_space<semaphore_mem>>
      %dma_start3A_233 = arith.constant 0 : i32
      %dma_start3A_234 = tpu.memref_slice %arg11[%dma_start3A_233] : memref<6000xi32, #tpu.memory_space<vmem>> -> memref<2000xi32, #tpu.memory_space<vmem>>
      %dma_start3A_235 = tpu.memref_slice %arg3[%add3A_80] : memref<960000xi32, #tpu.memory_space<hbm>> -> memref<2000xi32, #tpu.memory_space<hbm>>
      %dma_start3A_236 = arith.constant 0 : i32
      %dma_start3A_237 = tpu.memref_slice %arg11[%dma_start3A_236] : memref<6000xi32, #tpu.memory_space<vmem>> -> memref<2000xi32, #tpu.memory_space<vmem>>
      %dma_start3A_238 = tpu.memref_slice %arg3[%add3A_80] : memref<960000xi32, #tpu.memory_space<hbm>> -> memref<2000xi32, #tpu.memory_space<hbm>>
      tpu.enqueue_dma source(%dma_start3A_238 : memref<2000xi32, #tpu.memory_space<hbm>>) target(%dma_start3A_237 : memref<2000xi32, #tpu.memory_space<vmem>>) target_semaphore(%run_scoped3A : memref<!tpu.dma_semaphore, #tpu.memory_space<semaphore_mem>>)
      %dma_wait3A_239 = arith.constant 0 : i32
      %dma_wait3A_240 = tpu.memref_slice %arg11[%dma_wait3A_239] : memref<6000xi32, #tpu.memory_space<vmem>> -> memref<2000xi32, #tpu.memory_space<vmem>>
      %dma_wait3A_241 = tpu.memref_slice %arg3[%add3A_80] : memref<960000xi32, #tpu.memory_space<hbm>> -> memref<2000xi32, #tpu.memory_space<hbm>>
      %dma_wait3A_242 = arith.constant 0 : i32
      %dma_wait3A_243 = tpu.memref_slice %arg11[%dma_wait3A_242] : memref<6000xi32, #tpu.memory_space<vmem>> -> memref<2000xi32, #tpu.memory_space<vmem>>
      %dma_wait3A_244 = tpu.memref_slice %arg3[%add3A_80] : memref<960000xi32, #tpu.memory_space<hbm>> -> memref<2000xi32, #tpu.memory_space<hbm>>
      tpu.wait_dma2 semaphore(%run_scoped3A : memref<!tpu.dma_semaphore, #tpu.memory_space<semaphore_mem>>) src(%dma_wait3A_244 : memref<2000xi32, #tpu.memory_space<hbm>>) dst(%dma_wait3A_243 : memref<2000xi32, #tpu.memory_space<vmem>>)
      tpu.yield
    }) : () -> ()
    %add3A_81 = arith.constant 320000 : i32
    %add3A_82 = arith.addi %add3A_81, %mul3A_9 : i32
    %add3A_83 = arith.constant 8000 : i32
    %add3A_84 = arith.addi %add3A_82, %add3A_83 : i32
    "tpu.region"() ({
      %run_scoped3A = tpu.sem_alloc : memref<!tpu.dma_semaphore, #tpu.memory_space<semaphore_mem>>
      %dma_start3A_233 = arith.constant 2000 : i32
      %dma_start3A_234 = tpu.memref_slice %arg11[%dma_start3A_233] : memref<6000xi32, #tpu.memory_space<vmem>> -> memref<2000xi32, #tpu.memory_space<vmem>>
      %dma_start3A_235 = tpu.memref_slice %arg3[%add3A_84] : memref<960000xi32, #tpu.memory_space<hbm>> -> memref<2000xi32, #tpu.memory_space<hbm>>
      %dma_start3A_236 = arith.constant 2000 : i32
      %dma_start3A_237 = tpu.memref_slice %arg11[%dma_start3A_236] : memref<6000xi32, #tpu.memory_space<vmem>> -> memref<2000xi32, #tpu.memory_space<vmem>>
      %dma_start3A_238 = tpu.memref_slice %arg3[%add3A_84] : memref<960000xi32, #tpu.memory_space<hbm>> -> memref<2000xi32, #tpu.memory_space<hbm>>
      tpu.enqueue_dma source(%dma_start3A_238 : memref<2000xi32, #tpu.memory_space<hbm>>) target(%dma_start3A_237 : memref<2000xi32, #tpu.memory_space<vmem>>) target_semaphore(%run_scoped3A : memref<!tpu.dma_semaphore, #tpu.memory_space<semaphore_mem>>)
      %dma_wait3A_239 = arith.constant 2000 : i32
      %dma_wait3A_240 = tpu.memref_slice %arg11[%dma_wait3A_239] : memref<6000xi32, #tpu.memory_space<vmem>> -> memref<2000xi32, #tpu.memory_space<vmem>>
      %dma_wait3A_241 = tpu.memref_slice %arg3[%add3A_84] : memref<960000xi32, #tpu.memory_space<hbm>> -> memref<2000xi32, #tpu.memory_space<hbm>>
      %dma_wait3A_242 = arith.constant 2000 : i32
      %dma_wait3A_243 = tpu.memref_slice %arg11[%dma_wait3A_242] : memref<6000xi32, #tpu.memory_space<vmem>> -> memref<2000xi32, #tpu.memory_space<vmem>>
      %dma_wait3A_244 = tpu.memref_slice %arg3[%add3A_84] : memref<960000xi32, #tpu.memory_space<hbm>> -> memref<2000xi32, #tpu.memory_space<hbm>>
      tpu.wait_dma2 semaphore(%run_scoped3A : memref<!tpu.dma_semaphore, #tpu.memory_space<semaphore_mem>>) src(%dma_wait3A_244 : memref<2000xi32, #tpu.memory_space<hbm>>) dst(%dma_wait3A_243 : memref<2000xi32, #tpu.memory_space<vmem>>)
      tpu.yield
    }) : () -> ()
    %add3A_85 = arith.constant 640000 : i32
    %add3A_86 = arith.addi %add3A_85, %mul3A_9 : i32
    %add3A_87 = arith.constant 8000 : i32
    %add3A_88 = arith.addi %add3A_86, %add3A_87 : i32
    "tpu.region"() ({
      %run_scoped3A = tpu.sem_alloc : memref<!tpu.dma_semaphore, #tpu.memory_space<semaphore_mem>>
      %dma_start3A_233 = arith.constant 4000 : i32
      %dma_start3A_234 = tpu.memref_slice %arg11[%dma_start3A_233] : memref<6000xi32, #tpu.memory_space<vmem>> -> memref<2000xi32, #tpu.memory_space<vmem>>
      %dma_start3A_235 = tpu.memref_slice %arg3[%add3A_88] : memref<960000xi32, #tpu.memory_space<hbm>> -> memref<2000xi32, #tpu.memory_space<hbm>>
      %dma_start3A_236 = arith.constant 4000 : i32
      %dma_start3A_237 = tpu.memref_slice %arg11[%dma_start3A_236] : memref<6000xi32, #tpu.memory_space<vmem>> -> memref<2000xi32, #tpu.memory_space<vmem>>
      %dma_start3A_238 = tpu.memref_slice %arg3[%add3A_88] : memref<960000xi32, #tpu.memory_space<hbm>> -> memref<2000xi32, #tpu.memory_space<hbm>>
      tpu.enqueue_dma source(%dma_start3A_238 : memref<2000xi32, #tpu.memory_space<hbm>>) target(%dma_start3A_237 : memref<2000xi32, #tpu.memory_space<vmem>>) target_semaphore(%run_scoped3A : memref<!tpu.dma_semaphore, #tpu.memory_space<semaphore_mem>>)
      %dma_wait3A_239 = arith.constant 4000 : i32
      %dma_wait3A_240 = tpu.memref_slice %arg11[%dma_wait3A_239] : memref<6000xi32, #tpu.memory_space<vmem>> -> memref<2000xi32, #tpu.memory_space<vmem>>
      %dma_wait3A_241 = tpu.memref_slice %arg3[%add3A_88] : memref<960000xi32, #tpu.memory_space<hbm>> -> memref<2000xi32, #tpu.memory_space<hbm>>
      %dma_wait3A_242 = arith.constant 4000 : i32
      %dma_wait3A_243 = tpu.memref_slice %arg11[%dma_wait3A_242] : memref<6000xi32, #tpu.memory_space<vmem>> -> memref<2000xi32, #tpu.memory_space<vmem>>
      %dma_wait3A_244 = tpu.memref_slice %arg3[%add3A_88] : memref<960000xi32, #tpu.memory_space<hbm>> -> memref<2000xi32, #tpu.memory_space<hbm>>
      tpu.wait_dma2 semaphore(%run_scoped3A : memref<!tpu.dma_semaphore, #tpu.memory_space<semaphore_mem>>) src(%dma_wait3A_244 : memref<2000xi32, #tpu.memory_space<hbm>>) dst(%dma_wait3A_243 : memref<2000xi32, #tpu.memory_space<vmem>>)
      tpu.yield
    }) : () -> ()
    %scan3A_89 = arith.constant 0 : i32
    %scan3A_90 = arith.constant 125 : i32
    %scan3A_91 = arith.addi %scan3A_89, %scan3A_90 : i32
    %scan3A_92 = arith.constant 1 : i32
    scf.for %scan3A_233 = %scan3A_89 to %scan3A_91 step %scan3A_92  : i32 {
      %mul3A_234 = arith.constant 1 : i32
      %mul3A_235 = arith.muli %scan3A_233, %mul3A_234 : i32
      %add3A_236 = arith.constant 0 : i32
      %add3A_237 = arith.addi %add3A_236, %mul3A_235 : i32
      %mul3A_238 = arith.constant 16 : i32
      %mul3A_239 = arith.muli %add3A_237, %mul3A_238 : i32
      %add3A_240 = arith.constant 0 : i32
      %add3A_241 = arith.addi %add3A_240, %mul3A_239 : i32
      %get3A = arith.index_cast %add3A_241 : i32 to index
      %get3A_242 = tpu.vector_load %arg11[%get3A] {strides = array<i32>} : memref<6000xi32, #tpu.memory_space<vmem>>, vector<16xi32>,
      %mul3A_243 = arith.constant 16 : i32
      %mul3A_244 = arith.muli %add3A_237, %mul3A_243 : i32
      %add3A_245 = arith.constant 2000 : i32
      %add3A_246 = arith.addi %add3A_245, %mul3A_244 : i32
      %get3A_247 = arith.index_cast %add3A_246 : i32 to index
      %get3A_248 = tpu.vector_load %arg11[%get3A_247] {strides = array<i32>} : memref<6000xi32, #tpu.memory_space<vmem>>, vector<16xi32>,
      %mul3A_249 = arith.constant 16 : i32
      %mul3A_250 = arith.muli %add3A_237, %mul3A_249 : i32
      %add3A_251 = arith.constant 4000 : i32
      %add3A_252 = arith.addi %add3A_251, %mul3A_250 : i32
      %get3A_253 = arith.index_cast %add3A_252 : i32 to index
      %get3A_254 = tpu.vector_load %arg11[%get3A_253] {strides = array<i32>} : memref<6000xi32, #tpu.memory_space<vmem>>, vector<16xi32>,
      %mul3A_255 = arith.constant 16 : i32
      %mul3A_256 = arith.muli %add3A_237, %mul3A_255 : i32
      %add3A_257 = arith.constant 8000 : i32
      %add3A_258 = arith.addi %add3A_257, %mul3A_256 : i32
      %mul3A_259 = arith.constant 12 : i32
      %mul3A_260 = vector.broadcast %mul3A_259 : i32 to vector<16xi32>
      %mul3A_261 = arith.muli %get3A_242, %mul3A_260 : vector<16xi32>
      %mul3A_262 = arith.constant 2 : i32
      %mul3A_263 = vector.broadcast %mul3A_262 : i32 to vector<16xi32>
      %mul3A_264 = arith.muli %get3A_248, %mul3A_263 : vector<16xi32>
      %add3A_265 = arith.addi %mul3A_261, %mul3A_264 : vector<16xi32>
      %add3A_266 = arith.addi %add3A_265, %get3A_254 : vector<16xi32>
      %jit3A = arith.constant 128 : i32
      %div3A = arith.divsi %add3A_258, %jit3A : i32
      %sign3A = arith.constant 0 : i32
      %sign3A_267 = arith.cmpi sgt, %add3A_258, %sign3A : i32
      %sign3A_268 = arith.extui %sign3A_267 : i1 to i32
      %sign3A_269 = arith.constant 0 : i32
      %sign3A_270 = arith.cmpi slt, %add3A_258, %sign3A_269 : i32
      %sign3A_271 = arith.extui %sign3A_270 : i1 to i32
      %sign3A_272 = arith.subi %sign3A_268, %sign3A_271 : i32
      %sign3A_273 = arith.constant 0 : i32
      %sign3A_274 = arith.cmpi sgt, %jit3A, %sign3A_273 : i32
      %sign3A_275 = arith.extui %sign3A_274 : i1 to i32
      %sign3A_276 = arith.constant 0 : i32
      %sign3A_277 = arith.cmpi slt, %jit3A, %sign3A_276 : i32
      %sign3A_278 = arith.extui %sign3A_277 : i1 to i32
      %sign3A_279 = arith.subi %sign3A_275, %sign3A_278 : i32
      %ne3A = arith.cmpi ne, %sign3A_272, %sign3A_279 : i32
      %rem3A = arith.remsi %add3A_258, %jit3A : i32
      %ne3A_280 = arith.constant 0 : i32
      %ne3A_281 = arith.cmpi ne, %rem3A, %ne3A_280 : i32
      %and3A = arith.andi %ne3A, %ne3A_281 : i1
      %sub3A = arith.constant 1 : i32
      %sub3A_282 = arith.subi %div3A, %sub3A : i32
      %select_n3A = arith.select %and3A, %sub3A_282, %div3A : i32
      %jit3A_283 = arith.constant 128 : i32
      %eq3A_284 = arith.constant 0 : i32
      %eq3A_285 = arith.cmpi eq, %jit3A_283, %eq3A_284 : i32
      %jit3A_286 = arith.constant 1 : i32
      %select_n3A_287 = arith.select %eq3A_285, %jit3A_286, %jit3A_283 : i32
      %rem3A_288 = arith.remsi %add3A_258, %select_n3A_287 : i32
      %ne3A_289 = arith.constant 0 : i32
      %ne3A_290 = arith.cmpi ne, %rem3A_288, %ne3A_289 : i32
      %lt3A_291 = arith.constant 0 : i32
      %lt3A_292 = arith.cmpi slt, %rem3A_288, %lt3A_291 : i32
      %lt3A_293 = arith.constant 0 : i32
      %lt3A_294 = arith.cmpi slt, %select_n3A_287, %lt3A_293 : i32
      %ne3A_295 = arith.xori %lt3A_292, %lt3A_294 : i1
      %and3A_296 = arith.andi %ne3A_295, %ne3A_290 : i1
      %add3A_297 = arith.addi %rem3A_288, %select_n3A_287 : i32
      %select_n3A_298 = arith.select %and3A_296, %add3A_297, %rem3A_288 : i32
      %jit3A_299 = arith.constant 16 : i32
      %div3A_300 = arith.divsi %select_n3A_298, %jit3A_299 : i32
      %sign3A_301 = arith.constant 0 : i32
      %sign3A_302 = arith.cmpi sgt, %select_n3A_298, %sign3A_301 : i32
      %sign3A_303 = arith.extui %sign3A_302 : i1 to i32
      %sign3A_304 = arith.constant 0 : i32
      %sign3A_305 = arith.cmpi slt, %select_n3A_298, %sign3A_304 : i32
      %sign3A_306 = arith.extui %sign3A_305 : i1 to i32
      %sign3A_307 = arith.subi %sign3A_303, %sign3A_306 : i32
      %sign3A_308 = arith.constant 0 : i32
      %sign3A_309 = arith.cmpi sgt, %jit3A_299, %sign3A_308 : i32
      %sign3A_310 = arith.extui %sign3A_309 : i1 to i32
      %sign3A_311 = arith.constant 0 : i32
      %sign3A_312 = arith.cmpi slt, %jit3A_299, %sign3A_311 : i32
      %sign3A_313 = arith.extui %sign3A_312 : i1 to i32
      %sign3A_314 = arith.subi %sign3A_310, %sign3A_313 : i32
      %ne3A_315 = arith.cmpi ne, %sign3A_307, %sign3A_314 : i32
      %rem3A_316 = arith.remsi %select_n3A_298, %jit3A_299 : i32
      %ne3A_317 = arith.constant 0 : i32
      %ne3A_318 = arith.cmpi ne, %rem3A_316, %ne3A_317 : i32
      %and3A_319 = arith.andi %ne3A_315, %ne3A_318 : i1
      %sub3A_320 = arith.constant 1 : i32
      %sub3A_321 = arith.subi %div3A_300, %sub3A_320 : i32
      %select_n3A_322 = arith.select %and3A_319, %sub3A_321, %div3A_300 : i32
      %mul3A_323 = arith.constant 16 : i32
      %mul3A_324 = arith.muli %select_n3A_322, %mul3A_323 : i32
      %swap3A = arith.index_cast %select_n3A : i32 to index
      %swap3A_325 = arith.index_cast %mul3A_324 : i32 to index
      %swap3A_326 = tpu.vector_load %arg10[%swap3A, %swap3A_325] {strides = array<i32>} : memref<79x128xi32, #tpu.memory_space<vmem>>, vector<16xi32>,
      tpu.vector_store %arg10[%swap3A, %swap3A_325], %add3A_266 {strides = array<i32>} : memref<79x128xi32, #tpu.memory_space<vmem>>, vector<16xi32>,
    }
    %scan3A_93 = arith.constant 125 : i32
    %dma_start3A = arith.constant 0 : i32
    %dma_start3A_94 = arith.constant 0 : i32
    %dma_start3A_95 = arith.constant 0 : i32
    %dma_start3A_96 = tpu.memref_slice %arg12[%dma_start3A_94, %dma_start3A_95] : memref<128x128xf32, #tpu.memory_space<vmem>> -> memref<128x128xf32, #tpu.memory_space<vmem>>
    %dma_start3A_97 = arith.constant 0 : i32
    %dma_start3A_98 = tpu.memref_slice %arg10[%dma_start3A, %dma_start3A_97] : memref<79x128xi32, #tpu.memory_space<vmem>> -> memref<1x128xi32, #tpu.memory_space<vmem>>
    %dma_start3A_99 = tpu.memref_squeeze %dma_start3A_98 : memref<1x128xi32, #tpu.memory_space<vmem>> -> memref<128xi32, #tpu.memory_space<vmem>>
    %dma_start3A_100 = arith.constant 0 : i32
    %dma_start3A_101 = arith.constant 0 : i32
    %dma_start3A_102 = tpu.memref_slice %arg8[%dma_start3A_100, %dma_start3A_101] : memref<264x128xf32, #tpu.memory_space<vmem_shared>> -> memref<264x128xf32, #tpu.memory_space<vmem_shared>>
    tpu.enqueue_indirect_dma source(%dma_start3A_102 : memref<264x128xf32, #tpu.memory_space<vmem_shared>>) target(%dma_start3A_96 : memref<128x128xf32, #tpu.memory_space<vmem>>) offsets(%dma_start3A_99 : memref<128xi32, #tpu.memory_space<vmem>>) semaphore(%arg22 : memref<!tpu.dma_semaphore, #tpu.memory_space<semaphore_mem>>)
    %dma_wait3A = arith.constant 0 : i32
    %dma_wait3A_103 = arith.constant 0 : i32
    %dma_wait3A_104 = arith.constant 0 : i32
    %dma_wait3A_105 = tpu.memref_slice %arg12[%dma_wait3A_103, %dma_wait3A_104] : memref<128x128xf32, #tpu.memory_space<vmem>> -> memref<128x128xf32, #tpu.memory_space<vmem>>
    %dma_wait3A_106 = arith.constant 0 : i32
    %dma_wait3A_107 = tpu.memref_slice %arg10[%dma_wait3A, %dma_wait3A_106] : memref<79x128xi32, #tpu.memory_space<vmem>> -> memref<1x128xi32, #tpu.memory_space<vmem>>
    %dma_wait3A_108 = tpu.memref_squeeze %dma_wait3A_107 : memref<1x128xi32, #tpu.memory_space<vmem>> -> memref<128xi32, #tpu.memory_space<vmem>>
    %dma_wait3A_109 = arith.constant 0 : i32
    %dma_wait3A_110 = arith.constant 0 : i32
    %dma_wait3A_111 = tpu.memref_slice %arg8[%dma_wait3A_109, %dma_wait3A_110] : memref<264x128xf32, #tpu.memory_space<vmem_shared>> -> memref<264x128xf32, #tpu.memory_space<vmem_shared>>
    tpu.wait_indirect_dma semaphore(%arg22 : memref<!tpu.dma_semaphore, #tpu.memory_space<semaphore_mem>>) src(%dma_wait3A_111 : memref<264x128xf32, #tpu.memory_space<vmem_shared>>) dst(%dma_wait3A_105 : memref<128x128xf32, #tpu.memory_space<vmem>>)
    %add3A_112 = arith.constant 0 : i32
    %add3A_113 = arith.addi %mul3A_9, %add3A_112 : i32
    %dma_start3A_114 = arith.constant 0 : i32
    %dma_start3A_115 = arith.constant 0 : i32
    %dma_start3A_116 = tpu.memref_slice %arg12[%dma_start3A_114, %dma_start3A_115] : memref<128x128xf32, #tpu.memory_space<vmem>> -> memref<128x128xf32, #tpu.memory_space<vmem>>
    %dma_start3A_117 = arith.constant 0 : i32
    %dma_start3A_118 = tpu.memref_slice %arg7[%add3A_113, %dma_start3A_117] : memref<320000x128xf32, #tpu.memory_space<hbm>> -> memref<128x128xf32, #tpu.memory_space<hbm>>
    %dma_start3A_119 = arith.constant 0 : i32
    %dma_start3A_120 = tpu.memref_slice %arg7[%add3A_113, %dma_start3A_119] : memref<320000x128xf32, #tpu.memory_space<hbm>> -> memref<128x128xf32, #tpu.memory_space<hbm>>
    %dma_start3A_121 = arith.constant 0 : i32
    %dma_start3A_122 = arith.constant 0 : i32
    %dma_start3A_123 = tpu.memref_slice %arg12[%dma_start3A_121, %dma_start3A_122] : memref<128x128xf32, #tpu.memory_space<vmem>> -> memref<128x128xf32, #tpu.memory_space<vmem>>
    tpu.enqueue_dma source(%dma_start3A_123 : memref<128x128xf32, #tpu.memory_space<vmem>>) target(%dma_start3A_120 : memref<128x128xf32, #tpu.memory_space<hbm>>) target_semaphore(%arg20 : memref<!tpu.dma_semaphore, #tpu.memory_space<semaphore_mem>>)
    %dma_start3A_124 = arith.constant 1 : i32
    %dma_start3A_125 = arith.constant 0 : i32
    %dma_start3A_126 = arith.constant 0 : i32
    %dma_start3A_127 = tpu.memref_slice %arg13[%dma_start3A_125, %dma_start3A_126] : memref<128x128xf32, #tpu.memory_space<vmem>> -> memref<128x128xf32, #tpu.memory_space<vmem>>
    %dma_start3A_128 = arith.constant 0 : i32
    %dma_start3A_129 = tpu.memref_slice %arg10[%dma_start3A_124, %dma_start3A_128] : memref<79x128xi32, #tpu.memory_space<vmem>> -> memref<1x128xi32, #tpu.memory_space<vmem>>
    %dma_start3A_130 = tpu.memref_squeeze %dma_start3A_129 : memref<1x128xi32, #tpu.memory_space<vmem>> -> memref<128xi32, #tpu.memory_space<vmem>>
    %dma_start3A_131 = arith.constant 0 : i32
    %dma_start3A_132 = arith.constant 0 : i32
    %dma_start3A_133 = tpu.memref_slice %arg8[%dma_start3A_131, %dma_start3A_132] : memref<264x128xf32, #tpu.memory_space<vmem_shared>> -> memref<264x128xf32, #tpu.memory_space<vmem_shared>>
    tpu.enqueue_indirect_dma source(%dma_start3A_133 : memref<264x128xf32, #tpu.memory_space<vmem_shared>>) target(%dma_start3A_127 : memref<128x128xf32, #tpu.memory_space<vmem>>) offsets(%dma_start3A_130 : memref<128xi32, #tpu.memory_space<vmem>>) semaphore(%arg23 : memref<!tpu.dma_semaphore, #tpu.memory_space<semaphore_mem>>)
    %dma_wait3A_134 = arith.constant 1 : i32
    %dma_wait3A_135 = arith.constant 0 : i32
    %dma_wait3A_136 = arith.constant 0 : i32
    %dma_wait3A_137 = tpu.memref_slice %arg13[%dma_wait3A_135, %dma_wait3A_136] : memref<128x128xf32, #tpu.memory_space<vmem>> -> memref<128x128xf32, #tpu.memory_space<vmem>>
    %dma_wait3A_138 = arith.constant 0 : i32
    %dma_wait3A_139 = tpu.memref_slice %arg10[%dma_wait3A_134, %dma_wait3A_138] : memref<79x128xi32, #tpu.memory_space<vmem>> -> memref<1x128xi32, #tpu.memory_space<vmem>>
    %dma_wait3A_140 = tpu.memref_squeeze %dma_wait3A_139 : memref<1x128xi32, #tpu.memory_space<vmem>> -> memref<128xi32, #tpu.memory_space<vmem>>
    %dma_wait3A_141 = arith.constant 0 : i32
    %dma_wait3A_142 = arith.constant 0 : i32
    %dma_wait3A_143 = tpu.memref_slice %arg8[%dma_wait3A_141, %dma_wait3A_142] : memref<264x128xf32, #tpu.memory_space<vmem_shared>> -> memref<264x128xf32, #tpu.memory_space<vmem_shared>>
    tpu.wait_indirect_dma semaphore(%arg23 : memref<!tpu.dma_semaphore, #tpu.memory_space<semaphore_mem>>) src(%dma_wait3A_143 : memref<264x128xf32, #tpu.memory_space<vmem_shared>>) dst(%dma_wait3A_137 : memref<128x128xf32, #tpu.memory_space<vmem>>)
    %add3A_144 = arith.constant 128 : i32
    %add3A_145 = arith.addi %mul3A_9, %add3A_144 : i32
    %dma_start3A_146 = arith.constant 0 : i32
    %dma_start3A_147 = arith.constant 0 : i32
    %dma_start3A_148 = tpu.memref_slice %arg13[%dma_start3A_146, %dma_start3A_147] : memref<128x128xf32, #tpu.memory_space<vmem>> -> memref<128x128xf32, #tpu.memory_space<vmem>>
    %dma_start3A_149 = arith.constant 0 : i32
    %dma_start3A_150 = tpu.memref_slice %arg7[%add3A_145, %dma_start3A_149] : memref<320000x128xf32, #tpu.memory_space<hbm>> -> memref<128x128xf32, #tpu.memory_space<hbm>>
    %dma_start3A_151 = arith.constant 0 : i32
    %dma_start3A_152 = tpu.memref_slice %arg7[%add3A_145, %dma_start3A_151] : memref<320000x128xf32, #tpu.memory_space<hbm>> -> memref<128x128xf32, #tpu.memory_space<hbm>>
    %dma_start3A_153 = arith.constant 0 : i32
    %dma_start3A_154 = arith.constant 0 : i32
    %dma_start3A_155 = tpu.memref_slice %arg13[%dma_start3A_153, %dma_start3A_154] : memref<128x128xf32, #tpu.memory_space<vmem>> -> memref<128x128xf32, #tpu.memory_space<vmem>>
    tpu.enqueue_dma source(%dma_start3A_155 : memref<128x128xf32, #tpu.memory_space<vmem>>) target(%dma_start3A_152 : memref<128x128xf32, #tpu.memory_space<hbm>>) target_semaphore(%arg21 : memref<!tpu.dma_semaphore, #tpu.memory_space<semaphore_mem>>)
    %scan3A_156 = arith.constant 0 : i32
    %scan3A_157 = arith.constant 38 : i32
    %scan3A_158 = arith.addi %scan3A_156, %scan3A_157 : i32
    %scan3A_159 = arith.constant 1 : i32
    scf.for %scan3A_233 = %scan3A_156 to %scan3A_158 step %scan3A_159  : i32 {
      %mul3A_234 = arith.constant 1 : i32
      %mul3A_235 = arith.muli %scan3A_233, %mul3A_234 : i32
      %add3A_236 = arith.constant 0 : i32
      %add3A_237 = arith.addi %add3A_236, %mul3A_235 : i32
      %mul3A_238 = arith.constant 2 : i32
      %mul3A_239 = arith.muli %add3A_237, %mul3A_238 : i32
      %add3A_240 = arith.constant 2 : i32
      %add3A_241 = arith.addi %add3A_240, %mul3A_239 : i32
      %add3A_242 = arith.constant 0 : i32
      %add3A_243 = arith.addi %add3A_241, %add3A_242 : i32
      %sub3A = arith.constant 2 : i32
      %sub3A_244 = arith.subi %add3A_243, %sub3A : i32
      %mul3A_245 = arith.constant 128 : i32
      %mul3A_246 = arith.muli %sub3A_244, %mul3A_245 : i32
      %add3A_247 = arith.addi %mul3A_9, %mul3A_246 : i32
      %dma_wait3A_248 = arith.constant 0 : i32
      %dma_wait3A_249 = arith.constant 0 : i32
      %dma_wait3A_250 = tpu.memref_slice %arg12[%dma_wait3A_248, %dma_wait3A_249] : memref<128x128xf32, #tpu.memory_space<vmem>> -> memref<128x128xf32, #tpu.memory_space<vmem>>
      %dma_wait3A_251 = arith.constant 0 : i32
      %dma_wait3A_252 = tpu.memref_slice %arg7[%add3A_247, %dma_wait3A_251] : memref<320000x128xf32, #tpu.memory_space<hbm>> -> memref<128x128xf32, #tpu.memory_space<hbm>>
      %dma_wait3A_253 = arith.constant 0 : i32
      %dma_wait3A_254 = tpu.memref_slice %arg7[%add3A_247, %dma_wait3A_253] : memref<320000x128xf32, #tpu.memory_space<hbm>> -> memref<128x128xf32, #tpu.memory_space<hbm>>
      %dma_wait3A_255 = arith.constant 0 : i32
      %dma_wait3A_256 = arith.constant 0 : i32
      %dma_wait3A_257 = tpu.memref_slice %arg12[%dma_wait3A_255, %dma_wait3A_256] : memref<128x128xf32, #tpu.memory_space<vmem>> -> memref<128x128xf32, #tpu.memory_space<vmem>>
      tpu.wait_dma2 semaphore(%arg20 : memref<!tpu.dma_semaphore, #tpu.memory_space<semaphore_mem>>) src(%dma_wait3A_257 : memref<128x128xf32, #tpu.memory_space<vmem>>) dst(%dma_wait3A_254 : memref<128x128xf32, #tpu.memory_space<hbm>>)
      %dma_start3A_258 = arith.constant 0 : i32
      %dma_start3A_259 = arith.constant 0 : i32
      %dma_start3A_260 = tpu.memref_slice %arg12[%dma_start3A_258, %dma_start3A_259] : memref<128x128xf32, #tpu.memory_space<vmem>> -> memref<128x128xf32, #tpu.memory_space<vmem>>
      %dma_start3A_261 = arith.constant 0 : i32
      %dma_start3A_262 = tpu.memref_slice %arg10[%add3A_243, %dma_start3A_261] : memref<79x128xi32, #tpu.memory_space<vmem>> -> memref<1x128xi32, #tpu.memory_space<vmem>>
      %dma_start3A_263 = tpu.memref_squeeze %dma_start3A_262 : memref<1x128xi32, #tpu.memory_space<vmem>> -> memref<128xi32, #tpu.memory_space<vmem>>
      %dma_start3A_264 = arith.constant 0 : i32
      %dma_start3A_265 = arith.constant 0 : i32
      %dma_start3A_266 = tpu.memref_slice %arg8[%dma_start3A_264, %dma_start3A_265] : memref<264x128xf32, #tpu.memory_space<vmem_shared>> -> memref<264x128xf32, #tpu.memory_space<vmem_shared>>
      tpu.enqueue_indirect_dma source(%dma_start3A_266 : memref<264x128xf32, #tpu.memory_space<vmem_shared>>) target(%dma_start3A_260 : memref<128x128xf32, #tpu.memory_space<vmem>>) offsets(%dma_start3A_263 : memref<128xi32, #tpu.memory_space<vmem>>) semaphore(%arg22 : memref<!tpu.dma_semaphore, #tpu.memory_space<semaphore_mem>>)
      %dma_wait3A_267 = arith.constant 0 : i32
      %dma_wait3A_268 = arith.constant 0 : i32
      %dma_wait3A_269 = tpu.memref_slice %arg12[%dma_wait3A_267, %dma_wait3A_268] : memref<128x128xf32, #tpu.memory_space<vmem>> -> memref<128x128xf32, #tpu.memory_space<vmem>>
      %dma_wait3A_270 = arith.constant 0 : i32
      %dma_wait3A_271 = tpu.memref_slice %arg10[%add3A_243, %dma_wait3A_270] : memref<79x128xi32, #tpu.memory_space<vmem>> -> memref<1x128xi32, #tpu.memory_space<vmem>>
      %dma_wait3A_272 = tpu.memref_squeeze %dma_wait3A_271 : memref<1x128xi32, #tpu.memory_space<vmem>> -> memref<128xi32, #tpu.memory_space<vmem>>
      %dma_wait3A_273 = arith.constant 0 : i32
      %dma_wait3A_274 = arith.constant 0 : i32
      %dma_wait3A_275 = tpu.memref_slice %arg8[%dma_wait3A_273, %dma_wait3A_274] : memref<264x128xf32, #tpu.memory_space<vmem_shared>> -> memref<264x128xf32, #tpu.memory_space<vmem_shared>>
      tpu.wait_indirect_dma semaphore(%arg22 : memref<!tpu.dma_semaphore, #tpu.memory_space<semaphore_mem>>) src(%dma_wait3A_275 : memref<264x128xf32, #tpu.memory_space<vmem_shared>>) dst(%dma_wait3A_269 : memref<128x128xf32, #tpu.memory_space<vmem>>)
      %mul3A_276 = arith.constant 128 : i32
      %mul3A_277 = arith.muli %add3A_243, %mul3A_276 : i32
      %add3A_278 = arith.addi %mul3A_9, %mul3A_277 : i32
      %dma_start3A_279 = arith.constant 0 : i32
      %dma_start3A_280 = arith.constant 0 : i32
      %dma_start3A_281 = tpu.memref_slice %arg12[%dma_start3A_279, %dma_start3A_280] : memref<128x128xf32, #tpu.memory_space<vmem>> -> memref<128x128xf32, #tpu.memory_space<vmem>>
      %dma_start3A_282 = arith.constant 0 : i32
      %dma_start3A_283 = tpu.memref_slice %arg7[%add3A_278, %dma_start3A_282] : memref<320000x128xf32, #tpu.memory_space<hbm>> -> memref<128x128xf32, #tpu.memory_space<hbm>>
      %dma_start3A_284 = arith.constant 0 : i32
      %dma_start3A_285 = tpu.memref_slice %arg7[%add3A_278, %dma_start3A_284] : memref<320000x128xf32, #tpu.memory_space<hbm>> -> memref<128x128xf32, #tpu.memory_space<hbm>>
      %dma_start3A_286 = arith.constant 0 : i32
      %dma_start3A_287 = arith.constant 0 : i32
      %dma_start3A_288 = tpu.memref_slice %arg12[%dma_start3A_286, %dma_start3A_287] : memref<128x128xf32, #tpu.memory_space<vmem>> -> memref<128x128xf32, #tpu.memory_space<vmem>>
      tpu.enqueue_dma source(%dma_start3A_288 : memref<128x128xf32, #tpu.memory_space<vmem>>) target(%dma_start3A_285 : memref<128x128xf32, #tpu.memory_space<hbm>>) target_semaphore(%arg20 : memref<!tpu.dma_semaphore, #tpu.memory_space<semaphore_mem>>)
      %mul3A_289 = arith.constant 2 : i32
      %mul3A_290 = arith.muli %add3A_237, %mul3A_289 : i32
      %add3A_291 = arith.constant 2 : i32
      %add3A_292 = arith.addi %add3A_291, %mul3A_290 : i32
      %add3A_293 = arith.constant 1 : i32
      %add3A_294 = arith.addi %add3A_292, %add3A_293 : i32
      %sub3A_295 = arith.constant 2 : i32
      %sub3A_296 = arith.subi %add3A_294, %sub3A_295 : i32
      %mul3A_297 = arith.constant 128 : i32
      %mul3A_298 = arith.muli %sub3A_296, %mul3A_297 : i32
      %add3A_299 = arith.addi %mul3A_9, %mul3A_298 : i32
      %dma_wait3A_300 = arith.constant 0 : i32
      %dma_wait3A_301 = arith.constant 0 : i32
      %dma_wait3A_302 = tpu.memref_slice %arg13[%dma_wait3A_300, %dma_wait3A_301] : memref<128x128xf32, #tpu.memory_space<vmem>> -> memref<128x128xf32, #tpu.memory_space<vmem>>
      %dma_wait3A_303 = arith.constant 0 : i32
      %dma_wait3A_304 = tpu.memref_slice %arg7[%add3A_299, %dma_wait3A_303] : memref<320000x128xf32, #tpu.memory_space<hbm>> -> memref<128x128xf32, #tpu.memory_space<hbm>>
      %dma_wait3A_305 = arith.constant 0 : i32
      %dma_wait3A_306 = tpu.memref_slice %arg7[%add3A_299, %dma_wait3A_305] : memref<320000x128xf32, #tpu.memory_space<hbm>> -> memref<128x128xf32, #tpu.memory_space<hbm>>
      %dma_wait3A_307 = arith.constant 0 : i32
      %dma_wait3A_308 = arith.constant 0 : i32
      %dma_wait3A_309 = tpu.memref_slice %arg13[%dma_wait3A_307, %dma_wait3A_308] : memref<128x128xf32, #tpu.memory_space<vmem>> -> memref<128x128xf32, #tpu.memory_space<vmem>>
      tpu.wait_dma2 semaphore(%arg21 : memref<!tpu.dma_semaphore, #tpu.memory_space<semaphore_mem>>) src(%dma_wait3A_309 : memref<128x128xf32, #tpu.memory_space<vmem>>) dst(%dma_wait3A_306 : memref<128x128xf32, #tpu.memory_space<hbm>>)
      %dma_start3A_310 = arith.constant 0 : i32
      %dma_start3A_311 = arith.constant 0 : i32
      %dma_start3A_312 = tpu.memref_slice %arg13[%dma_start3A_310, %dma_start3A_311] : memref<128x128xf32, #tpu.memory_space<vmem>> -> memref<128x128xf32, #tpu.memory_space<vmem>>
      %dma_start3A_313 = arith.constant 0 : i32
      %dma_start3A_314 = tpu.memref_slice %arg10[%add3A_294, %dma_start3A_313] : memref<79x128xi32, #tpu.memory_space<vmem>> -> memref<1x128xi32, #tpu.memory_space<vmem>>
      %dma_start3A_315 = tpu.memref_squeeze %dma_start3A_314 : memref<1x128xi32, #tpu.memory_space<vmem>> -> memref<128xi32, #tpu.memory_space<vmem>>
      %dma_start3A_316 = arith.constant 0 : i32
      %dma_start3A_317 = arith.constant 0 : i32
      %dma_start3A_318 = tpu.memref_slice %arg8[%dma_start3A_316, %dma_start3A_317] : memref<264x128xf32, #tpu.memory_space<vmem_shared>> -> memref<264x128xf32, #tpu.memory_space<vmem_shared>>
      tpu.enqueue_indirect_dma source(%dma_start3A_318 : memref<264x128xf32, #tpu.memory_space<vmem_shared>>) target(%dma_start3A_312 : memref<128x128xf32, #tpu.memory_space<vmem>>) offsets(%dma_start3A_315 : memref<128xi32, #tpu.memory_space<vmem>>) semaphore(%arg23 : memref<!tpu.dma_semaphore, #tpu.memory_space<semaphore_mem>>)
      %dma_wait3A_319 = arith.constant 0 : i32
      %dma_wait3A_320 = arith.constant 0 : i32
      %dma_wait3A_321 = tpu.memref_slice %arg13[%dma_wait3A_319, %dma_wait3A_320] : memref<128x128xf32, #tpu.memory_space<vmem>> -> memref<128x128xf32, #tpu.memory_space<vmem>>
      %dma_wait3A_322 = arith.constant 0 : i32
      %dma_wait3A_323 = tpu.memref_slice %arg10[%add3A_294, %dma_wait3A_322] : memref<79x128xi32, #tpu.memory_space<vmem>> -> memref<1x128xi32, #tpu.memory_space<vmem>>
      %dma_wait3A_324 = tpu.memref_squeeze %dma_wait3A_323 : memref<1x128xi32, #tpu.memory_space<vmem>> -> memref<128xi32, #tpu.memory_space<vmem>>
      %dma_wait3A_325 = arith.constant 0 : i32
      %dma_wait3A_326 = arith.constant 0 : i32
      %dma_wait3A_327 = tpu.memref_slice %arg8[%dma_wait3A_325, %dma_wait3A_326] : memref<264x128xf32, #tpu.memory_space<vmem_shared>> -> memref<264x128xf32, #tpu.memory_space<vmem_shared>>
      tpu.wait_indirect_dma semaphore(%arg23 : memref<!tpu.dma_semaphore, #tpu.memory_space<semaphore_mem>>) src(%dma_wait3A_327 : memref<264x128xf32, #tpu.memory_space<vmem_shared>>) dst(%dma_wait3A_321 : memref<128x128xf32, #tpu.memory_space<vmem>>)
      %mul3A_328 = arith.constant 128 : i32
      %mul3A_329 = arith.muli %add3A_294, %mul3A_328 : i32
      %add3A_330 = arith.addi %mul3A_9, %mul3A_329 : i32
      %dma_start3A_331 = arith.constant 0 : i32
      %dma_start3A_332 = arith.constant 0 : i32
      %dma_start3A_333 = tpu.memref_slice %arg13[%dma_start3A_331, %dma_start3A_332] : memref<128x128xf32, #tpu.memory_space<vmem>> -> memref<128x128xf32, #tpu.memory_space<vmem>>
      %dma_start3A_334 = arith.constant 0 : i32
      %dma_start3A_335 = tpu.memref_slice %arg7[%add3A_330, %dma_start3A_334] : memref<320000x128xf32, #tpu.memory_space<hbm>> -> memref<128x128xf32, #tpu.memory_space<hbm>>
      %dma_start3A_336 = arith.constant 0 : i32
      %dma_start3A_337 = tpu.memref_slice %arg7[%add3A_330, %dma_start3A_336] : memref<320000x128xf32, #tpu.memory_space<hbm>> -> memref<128x128xf32, #tpu.memory_space<hbm>>
      %dma_start3A_338 = arith.constant 0 : i32
      %dma_start3A_339 = arith.constant 0 : i32
      %dma_start3A_340 = tpu.memref_slice %arg13[%dma_start3A_338, %dma_start3A_339] : memref<128x128xf32, #tpu.memory_space<vmem>> -> memref<128x128xf32, #tpu.memory_space<vmem>>
      tpu.enqueue_dma source(%dma_start3A_340 : memref<128x128xf32, #tpu.memory_space<vmem>>) target(%dma_start3A_337 : memref<128x128xf32, #tpu.memory_space<hbm>>) target_semaphore(%arg21 : memref<!tpu.dma_semaphore, #tpu.memory_space<semaphore_mem>>)
    }
    %scan3A_160 = arith.constant 38 : i32
    %add3A_161 = arith.constant 9728 : i32
    %add3A_162 = arith.addi %mul3A_9, %add3A_161 : i32
    %dma_wait3A_163 = arith.constant 0 : i32
    %dma_wait3A_164 = arith.constant 0 : i32
    %dma_wait3A_165 = tpu.memref_slice %arg12[%dma_wait3A_163, %dma_wait3A_164] : memref<128x128xf32, #tpu.memory_space<vmem>> -> memref<128x128xf32, #tpu.memory_space<vmem>>
    %dma_wait3A_166 = arith.constant 0 : i32
    %dma_wait3A_167 = tpu.memref_slice %arg7[%add3A_162, %dma_wait3A_166] : memref<320000x128xf32, #tpu.memory_space<hbm>> -> memref<128x128xf32, #tpu.memory_space<hbm>>
    %dma_wait3A_168 = arith.constant 0 : i32
    %dma_wait3A_169 = tpu.memref_slice %arg7[%add3A_162, %dma_wait3A_168] : memref<320000x128xf32, #tpu.memory_space<hbm>> -> memref<128x128xf32, #tpu.memory_space<hbm>>
    %dma_wait3A_170 = arith.constant 0 : i32
    %dma_wait3A_171 = arith.constant 0 : i32
    %dma_wait3A_172 = tpu.memref_slice %arg12[%dma_wait3A_170, %dma_wait3A_171] : memref<128x128xf32, #tpu.memory_space<vmem>> -> memref<128x128xf32, #tpu.memory_space<vmem>>
    tpu.wait_dma2 semaphore(%arg20 : memref<!tpu.dma_semaphore, #tpu.memory_space<semaphore_mem>>) src(%dma_wait3A_172 : memref<128x128xf32, #tpu.memory_space<vmem>>) dst(%dma_wait3A_169 : memref<128x128xf32, #tpu.memory_space<hbm>>)
    %dma_start3A_173 = arith.constant 78 : i32
    %dma_start3A_174 = arith.constant 0 : i32
    %dma_start3A_175 = arith.constant 0 : i32
    %dma_start3A_176 = tpu.memref_slice %arg12[%dma_start3A_174, %dma_start3A_175] : memref<128x128xf32, #tpu.memory_space<vmem>> -> memref<16x128xf32, #tpu.memory_space<vmem>>
    %dma_start3A_177 = arith.constant 0 : i32
    %dma_start3A_178 = tpu.memref_slice %arg10[%dma_start3A_173, %dma_start3A_177] : memref<79x128xi32, #tpu.memory_space<vmem>> -> memref<1x16xi32, #tpu.memory_space<vmem>>
    %dma_start3A_179 = tpu.memref_squeeze %dma_start3A_178 : memref<1x16xi32, #tpu.memory_space<vmem>> -> memref<16xi32, #tpu.memory_space<vmem>>
    %dma_start3A_180 = arith.constant 0 : i32
    %dma_start3A_181 = arith.constant 0 : i32
    %dma_start3A_182 = tpu.memref_slice %arg8[%dma_start3A_180, %dma_start3A_181] : memref<264x128xf32, #tpu.memory_space<vmem_shared>> -> memref<264x128xf32, #tpu.memory_space<vmem_shared>>
    tpu.enqueue_indirect_dma source(%dma_start3A_182 : memref<264x128xf32, #tpu.memory_space<vmem_shared>>) target(%dma_start3A_176 : memref<16x128xf32, #tpu.memory_space<vmem>>) offsets(%dma_start3A_179 : memref<16xi32, #tpu.memory_space<vmem>>) semaphore(%arg22 : memref<!tpu.dma_semaphore, #tpu.memory_space<semaphore_mem>>)
    %dma_wait3A_183 = arith.constant 78 : i32
    %dma_wait3A_184 = arith.constant 0 : i32
    %dma_wait3A_185 = arith.constant 0 : i32
    %dma_wait3A_186 = tpu.memref_slice %arg12[%dma_wait3A_184, %dma_wait3A_185] : memref<128x128xf32, #tpu.memory_space<vmem>> -> memref<16x128xf32, #tpu.memory_space<vmem>>
    %dma_wait3A_187 = arith.constant 0 : i32
    %dma_wait3A_188 = tpu.memref_slice %arg10[%dma_wait3A_183, %dma_wait3A_187] : memref<79x128xi32, #tpu.memory_space<vmem>> -> memref<1x16xi32, #tpu.memory_space<vmem>>
    %dma_wait3A_189 = tpu.memref_squeeze %dma_wait3A_188 : memref<1x16xi32, #tpu.memory_space<vmem>> -> memref<16xi32, #tpu.memory_space<vmem>>
    %dma_wait3A_190 = arith.constant 0 : i32
    %dma_wait3A_191 = arith.constant 0 : i32
    %dma_wait3A_192 = tpu.memref_slice %arg8[%dma_wait3A_190, %dma_wait3A_191] : memref<264x128xf32, #tpu.memory_space<vmem_shared>> -> memref<264x128xf32, #tpu.memory_space<vmem_shared>>
    tpu.wait_indirect_dma semaphore(%arg22 : memref<!tpu.dma_semaphore, #tpu.memory_space<semaphore_mem>>) src(%dma_wait3A_192 : memref<264x128xf32, #tpu.memory_space<vmem_shared>>) dst(%dma_wait3A_186 : memref<16x128xf32, #tpu.memory_space<vmem>>)
    %add3A_193 = arith.constant 9984 : i32
    %add3A_194 = arith.addi %mul3A_9, %add3A_193 : i32
    %dma_start3A_195 = arith.constant 0 : i32
    %dma_start3A_196 = arith.constant 0 : i32
    %dma_start3A_197 = tpu.memref_slice %arg12[%dma_start3A_195, %dma_start3A_196] : memref<128x128xf32, #tpu.memory_space<vmem>> -> memref<16x128xf32, #tpu.memory_space<vmem>>
    %dma_start3A_198 = arith.constant 0 : i32
    %dma_start3A_199 = tpu.memref_slice %arg7[%add3A_194, %dma_start3A_198] : memref<320000x128xf32, #tpu.memory_space<hbm>> -> memref<16x128xf32, #tpu.memory_space<hbm>>
    %dma_start3A_200 = arith.constant 0 : i32
    %dma_start3A_201 = tpu.memref_slice %arg7[%add3A_194, %dma_start3A_200] : memref<320000x128xf32, #tpu.memory_space<hbm>> -> memref<16x128xf32, #tpu.memory_space<hbm>>
    %dma_start3A_202 = arith.constant 0 : i32
    %dma_start3A_203 = arith.constant 0 : i32
    %dma_start3A_204 = tpu.memref_slice %arg12[%dma_start3A_202, %dma_start3A_203] : memref<128x128xf32, #tpu.memory_space<vmem>> -> memref<16x128xf32, #tpu.memory_space<vmem>>
    tpu.enqueue_dma source(%dma_start3A_204 : memref<16x128xf32, #tpu.memory_space<vmem>>) target(%dma_start3A_201 : memref<16x128xf32, #tpu.memory_space<hbm>>) target_semaphore(%arg20 : memref<!tpu.dma_semaphore, #tpu.memory_space<semaphore_mem>>)
    %add3A_205 = arith.constant 9856 : i32
    %add3A_206 = arith.addi %mul3A_9, %add3A_205 : i32
    %dma_wait3A_207 = arith.constant 0 : i32
    %dma_wait3A_208 = arith.constant 0 : i32
    %dma_wait3A_209 = tpu.memref_slice %arg13[%dma_wait3A_207, %dma_wait3A_208] : memref<128x128xf32, #tpu.memory_space<vmem>> -> memref<128x128xf32, #tpu.memory_space<vmem>>
    %dma_wait3A_210 = arith.constant 0 : i32
    %dma_wait3A_211 = tpu.memref_slice %arg7[%add3A_206, %dma_wait3A_210] : memref<320000x128xf32, #tpu.memory_space<hbm>> -> memref<128x128xf32, #tpu.memory_space<hbm>>
    %dma_wait3A_212 = arith.constant 0 : i32
    %dma_wait3A_213 = tpu.memref_slice %arg7[%add3A_206, %dma_wait3A_212] : memref<320000x128xf32, #tpu.memory_space<hbm>> -> memref<128x128xf32, #tpu.memory_space<hbm>>
    %dma_wait3A_214 = arith.constant 0 : i32
    %dma_wait3A_215 = arith.constant 0 : i32
    %dma_wait3A_216 = tpu.memref_slice %arg13[%dma_wait3A_214, %dma_wait3A_215] : memref<128x128xf32, #tpu.memory_space<vmem>> -> memref<128x128xf32, #tpu.memory_space<vmem>>
    tpu.wait_dma2 semaphore(%arg21 : memref<!tpu.dma_semaphore, #tpu.memory_space<semaphore_mem>>) src(%dma_wait3A_216 : memref<128x128xf32, #tpu.memory_space<vmem>>) dst(%dma_wait3A_213 : memref<128x128xf32, #tpu.memory_space<hbm>>)
    %add3A_217 = arith.constant 9984 : i32
    %add3A_218 = arith.addi %mul3A_9, %add3A_217 : i32
    %dma_wait3A_219 = arith.constant 0 : i32
    %dma_wait3A_220 = arith.constant 0 : i32
    %dma_wait3A_221 = tpu.memref_slice %arg12[%dma_wait3A_219, %dma_wait3A_220] : memref<128x128xf32, #tpu.memory_space<vmem>> -> memref<16x128xf32, #tpu.memory_space<vmem>>
    %dma_wait3A_222 = arith.constant 0 : i32
    %dma_wait3A_223 = tpu.memref_slice %arg7[%add3A_218, %dma_wait3A_222] : memref<320000x128xf32, #tpu.memory_space<hbm>> -> memref<16x128xf32, #tpu.memory_space<hbm>>
    %dma_wait3A_224 = arith.constant 0 : i32
    %dma_wait3A_225 = tpu.memref_slice %arg7[%add3A_218, %dma_wait3A_224] : memref<320000x128xf32, #tpu.memory_space<hbm>> -> memref<16x128xf32, #tpu.memory_space<hbm>>
    %dma_wait3A_226 = arith.constant 0 : i32
    %dma_wait3A_227 = arith.constant 0 : i32
    %dma_wait3A_228 = tpu.memref_slice %arg12[%dma_wait3A_226, %dma_wait3A_227] : memref<128x128xf32, #tpu.memory_space<vmem>> -> memref<16x128xf32, #tpu.memory_space<vmem>>
    tpu.wait_dma2 semaphore(%arg20 : memref<!tpu.dma_semaphore, #tpu.memory_space<semaphore_mem>>) src(%dma_wait3A_228 : memref<16x128xf32, #tpu.memory_space<vmem>>) dst(%dma_wait3A_225 : memref<16x128xf32, #tpu.memory_space<hbm>>)
    %lt3A = arith.constant 25 : i32
    %lt3A_229 = arith.cmpi slt, %add3A, %lt3A : i32
    %convert_element_type3A_230 = arith.extui %lt3A_229 : i1 to i32
    %cond3A_231 = arith.constant 0 : i32
    %cond3A_232 = arith.cmpi ne, %convert_element_type3A_230, %cond3A_231 : i32
    scf.if %cond3A_232 {
      %mul3A_233 = arith.constant 400 : i32
      %mul3A_234 = arith.muli %add3A, %mul3A_233 : i32
      %add3A_235 = arith.constant 0 : i32
      %add3A_236 = arith.addi %add3A_235, %mul3A_234 : i32
      "tpu.region"() ({
        %run_scoped3A = tpu.sem_alloc : memref<!tpu.dma_semaphore, #tpu.memory_space<semaphore_mem>>
        %dma_start3A_623 = arith.constant 0 : i32
        %dma_start3A_624 = tpu.memref_slice %arg14[%dma_start3A_623] : memref<3600xi32, #tpu.memory_space<vmem>> -> memref<400xi32, #tpu.memory_space<vmem>>
        %dma_start3A_625 = tpu.memref_slice %arg2[%add3A_236] : memref<90000xi32, #tpu.memory_space<hbm>> -> memref<400xi32, #tpu.memory_space<hbm>>
        %dma_start3A_626 = arith.constant 0 : i32
        %dma_start3A_627 = tpu.memref_slice %arg14[%dma_start3A_626] : memref<3600xi32, #tpu.memory_space<vmem>> -> memref<400xi32, #tpu.memory_space<vmem>>
        %dma_start3A_628 = tpu.memref_slice %arg2[%add3A_236] : memref<90000xi32, #tpu.memory_space<hbm>> -> memref<400xi32, #tpu.memory_space<hbm>>
        tpu.enqueue_dma source(%dma_start3A_628 : memref<400xi32, #tpu.memory_space<hbm>>) target(%dma_start3A_627 : memref<400xi32, #tpu.memory_space<vmem>>) target_semaphore(%run_scoped3A : memref<!tpu.dma_semaphore, #tpu.memory_space<semaphore_mem>>)
        %dma_wait3A_629 = arith.constant 0 : i32
        %dma_wait3A_630 = tpu.memref_slice %arg14[%dma_wait3A_629] : memref<3600xi32, #tpu.memory_space<vmem>> -> memref<400xi32, #tpu.memory_space<vmem>>
        %dma_wait3A_631 = tpu.memref_slice %arg2[%add3A_236] : memref<90000xi32, #tpu.memory_space<hbm>> -> memref<400xi32, #tpu.memory_space<hbm>>
        %dma_wait3A_632 = arith.constant 0 : i32
        %dma_wait3A_633 = tpu.memref_slice %arg14[%dma_wait3A_632] : memref<3600xi32, #tpu.memory_space<vmem>> -> memref<400xi32, #tpu.memory_space<vmem>>
        %dma_wait3A_634 = tpu.memref_slice %arg2[%add3A_236] : memref<90000xi32, #tpu.memory_space<hbm>> -> memref<400xi32, #tpu.memory_space<hbm>>
        tpu.wait_dma2 semaphore(%run_scoped3A : memref<!tpu.dma_semaphore, #tpu.memory_space<semaphore_mem>>) src(%dma_wait3A_634 : memref<400xi32, #tpu.memory_space<hbm>>) dst(%dma_wait3A_633 : memref<400xi32, #tpu.memory_space<vmem>>)
        tpu.yield
      }) : () -> ()
      %add3A_237 = arith.constant 10000 : i32
      %add3A_238 = arith.addi %add3A_237, %mul3A_234 : i32
      "tpu.region"() ({
        %run_scoped3A = tpu.sem_alloc : memref<!tpu.dma_semaphore, #tpu.memory_space<semaphore_mem>>
        %dma_start3A_623 = arith.constant 400 : i32
        %dma_start3A_624 = tpu.memref_slice %arg14[%dma_start3A_623] : memref<3600xi32, #tpu.memory_space<vmem>> -> memref<400xi32, #tpu.memory_space<vmem>>
        %dma_start3A_625 = tpu.memref_slice %arg2[%add3A_238] : memref<90000xi32, #tpu.memory_space<hbm>> -> memref<400xi32, #tpu.memory_space<hbm>>
        %dma_start3A_626 = arith.constant 400 : i32
        %dma_start3A_627 = tpu.memref_slice %arg14[%dma_start3A_626] : memref<3600xi32, #tpu.memory_space<vmem>> -> memref<400xi32, #tpu.memory_space<vmem>>
        %dma_start3A_628 = tpu.memref_slice %arg2[%add3A_238] : memref<90000xi32, #tpu.memory_space<hbm>> -> memref<400xi32, #tpu.memory_space<hbm>>
        tpu.enqueue_dma source(%dma_start3A_628 : memref<400xi32, #tpu.memory_space<hbm>>) target(%dma_start3A_627 : memref<400xi32, #tpu.memory_space<vmem>>) target_semaphore(%run_scoped3A : memref<!tpu.dma_semaphore, #tpu.memory_space<semaphore_mem>>)
        %dma_wait3A_629 = arith.constant 400 : i32
        %dma_wait3A_630 = tpu.memref_slice %arg14[%dma_wait3A_629] : memref<3600xi32, #tpu.memory_space<vmem>> -> memref<400xi32, #tpu.memory_space<vmem>>
        %dma_wait3A_631 = tpu.memref_slice %arg2[%add3A_238] : memref<90000xi32, #tpu.memory_space<hbm>> -> memref<400xi32, #tpu.memory_space<hbm>>
        %dma_wait3A_632 = arith.constant 400 : i32
        %dma_wait3A_633 = tpu.memref_slice %arg14[%dma_wait3A_632] : memref<3600xi32, #tpu.memory_space<vmem>> -> memref<400xi32, #tpu.memory_space<vmem>>
        %dma_wait3A_634 = tpu.memref_slice %arg2[%add3A_238] : memref<90000xi32, #tpu.memory_space<hbm>> -> memref<400xi32, #tpu.memory_space<hbm>>
        tpu.wait_dma2 semaphore(%run_scoped3A : memref<!tpu.dma_semaphore, #tpu.memory_space<semaphore_mem>>) src(%dma_wait3A_634 : memref<400xi32, #tpu.memory_space<hbm>>) dst(%dma_wait3A_633 : memref<400xi32, #tpu.memory_space<vmem>>)
        tpu.yield
      }) : () -> ()
      %add3A_239 = arith.constant 20000 : i32
      %add3A_240 = arith.addi %add3A_239, %mul3A_234 : i32
      "tpu.region"() ({
        %run_scoped3A = tpu.sem_alloc : memref<!tpu.dma_semaphore, #tpu.memory_space<semaphore_mem>>
        %dma_start3A_623 = arith.constant 800 : i32
        %dma_start3A_624 = tpu.memref_slice %arg14[%dma_start3A_623] : memref<3600xi32, #tpu.memory_space<vmem>> -> memref<400xi32, #tpu.memory_space<vmem>>
        %dma_start3A_625 = tpu.memref_slice %arg2[%add3A_240] : memref<90000xi32, #tpu.memory_space<hbm>> -> memref<400xi32, #tpu.memory_space<hbm>>
        %dma_start3A_626 = arith.constant 800 : i32
        %dma_start3A_627 = tpu.memref_slice %arg14[%dma_start3A_626] : memref<3600xi32, #tpu.memory_space<vmem>> -> memref<400xi32, #tpu.memory_space<vmem>>
        %dma_start3A_628 = tpu.memref_slice %arg2[%add3A_240] : memref<90000xi32, #tpu.memory_space<hbm>> -> memref<400xi32, #tpu.memory_space<hbm>>
        tpu.enqueue_dma source(%dma_start3A_628 : memref<400xi32, #tpu.memory_space<hbm>>) target(%dma_start3A_627 : memref<400xi32, #tpu.memory_space<vmem>>) target_semaphore(%run_scoped3A : memref<!tpu.dma_semaphore, #tpu.memory_space<semaphore_mem>>)
        %dma_wait3A_629 = arith.constant 800 : i32
        %dma_wait3A_630 = tpu.memref_slice %arg14[%dma_wait3A_629] : memref<3600xi32, #tpu.memory_space<vmem>> -> memref<400xi32, #tpu.memory_space<vmem>>
        %dma_wait3A_631 = tpu.memref_slice %arg2[%add3A_240] : memref<90000xi32, #tpu.memory_space<hbm>> -> memref<400xi32, #tpu.memory_space<hbm>>
        %dma_wait3A_632 = arith.constant 800 : i32
        %dma_wait3A_633 = tpu.memref_slice %arg14[%dma_wait3A_632] : memref<3600xi32, #tpu.memory_space<vmem>> -> memref<400xi32, #tpu.memory_space<vmem>>
        %dma_wait3A_634 = tpu.memref_slice %arg2[%add3A_240] : memref<90000xi32, #tpu.memory_space<hbm>> -> memref<400xi32, #tpu.memory_space<hbm>>
        tpu.wait_dma2 semaphore(%run_scoped3A : memref<!tpu.dma_semaphore, #tpu.memory_space<semaphore_mem>>) src(%dma_wait3A_634 : memref<400xi32, #tpu.memory_space<hbm>>) dst(%dma_wait3A_633 : memref<400xi32, #tpu.memory_space<vmem>>)
        tpu.yield
      }) : () -> ()
      %add3A_241 = arith.constant 30000 : i32
      %add3A_242 = arith.addi %add3A_241, %mul3A_234 : i32
      "tpu.region"() ({
        %run_scoped3A = tpu.sem_alloc : memref<!tpu.dma_semaphore, #tpu.memory_space<semaphore_mem>>
        %dma_start3A_623 = arith.constant 1200 : i32
        %dma_start3A_624 = tpu.memref_slice %arg14[%dma_start3A_623] : memref<3600xi32, #tpu.memory_space<vmem>> -> memref<400xi32, #tpu.memory_space<vmem>>
        %dma_start3A_625 = tpu.memref_slice %arg2[%add3A_242] : memref<90000xi32, #tpu.memory_space<hbm>> -> memref<400xi32, #tpu.memory_space<hbm>>
        %dma_start3A_626 = arith.constant 1200 : i32
        %dma_start3A_627 = tpu.memref_slice %arg14[%dma_start3A_626] : memref<3600xi32, #tpu.memory_space<vmem>> -> memref<400xi32, #tpu.memory_space<vmem>>
        %dma_start3A_628 = tpu.memref_slice %arg2[%add3A_242] : memref<90000xi32, #tpu.memory_space<hbm>> -> memref<400xi32, #tpu.memory_space<hbm>>
        tpu.enqueue_dma source(%dma_start3A_628 : memref<400xi32, #tpu.memory_space<hbm>>) target(%dma_start3A_627 : memref<400xi32, #tpu.memory_space<vmem>>) target_semaphore(%run_scoped3A : memref<!tpu.dma_semaphore, #tpu.memory_space<semaphore_mem>>)
        %dma_wait3A_629 = arith.constant 1200 : i32
        %dma_wait3A_630 = tpu.memref_slice %arg14[%dma_wait3A_629] : memref<3600xi32, #tpu.memory_space<vmem>> -> memref<400xi32, #tpu.memory_space<vmem>>
        %dma_wait3A_631 = tpu.memref_slice %arg2[%add3A_242] : memref<90000xi32, #tpu.memory_space<hbm>> -> memref<400xi32, #tpu.memory_space<hbm>>
        %dma_wait3A_632 = arith.constant 1200 : i32
        %dma_wait3A_633 = tpu.memref_slice %arg14[%dma_wait3A_632] : memref<3600xi32, #tpu.memory_space<vmem>> -> memref<400xi32, #tpu.memory_space<vmem>>
        %dma_wait3A_634 = tpu.memref_slice %arg2[%add3A_242] : memref<90000xi32, #tpu.memory_space<hbm>> -> memref<400xi32, #tpu.memory_space<hbm>>
        tpu.wait_dma2 semaphore(%run_scoped3A : memref<!tpu.dma_semaphore, #tpu.memory_space<semaphore_mem>>) src(%dma_wait3A_634 : memref<400xi32, #tpu.memory_space<hbm>>) dst(%dma_wait3A_633 : memref<400xi32, #tpu.memory_space<vmem>>)
        tpu.yield
      }) : () -> ()
      %add3A_243 = arith.constant 40000 : i32
      %add3A_244 = arith.addi %add3A_243, %mul3A_234 : i32
      "tpu.region"() ({
        %run_scoped3A = tpu.sem_alloc : memref<!tpu.dma_semaphore, #tpu.memory_space<semaphore_mem>>
        %dma_start3A_623 = arith.constant 1600 : i32
        %dma_start3A_624 = tpu.memref_slice %arg14[%dma_start3A_623] : memref<3600xi32, #tpu.memory_space<vmem>> -> memref<400xi32, #tpu.memory_space<vmem>>
        %dma_start3A_625 = tpu.memref_slice %arg2[%add3A_244] : memref<90000xi32, #tpu.memory_space<hbm>> -> memref<400xi32, #tpu.memory_space<hbm>>
        %dma_start3A_626 = arith.constant 1600 : i32
        %dma_start3A_627 = tpu.memref_slice %arg14[%dma_start3A_626] : memref<3600xi32, #tpu.memory_space<vmem>> -> memref<400xi32, #tpu.memory_space<vmem>>
        %dma_start3A_628 = tpu.memref_slice %arg2[%add3A_244] : memref<90000xi32, #tpu.memory_space<hbm>> -> memref<400xi32, #tpu.memory_space<hbm>>
        tpu.enqueue_dma source(%dma_start3A_628 : memref<400xi32, #tpu.memory_space<hbm>>) target(%dma_start3A_627 : memref<400xi32, #tpu.memory_space<vmem>>) target_semaphore(%run_scoped3A : memref<!tpu.dma_semaphore, #tpu.memory_space<semaphore_mem>>)
        %dma_wait3A_629 = arith.constant 1600 : i32
        %dma_wait3A_630 = tpu.memref_slice %arg14[%dma_wait3A_629] : memref<3600xi32, #tpu.memory_space<vmem>> -> memref<400xi32, #tpu.memory_space<vmem>>
        %dma_wait3A_631 = tpu.memref_slice %arg2[%add3A_244] : memref<90000xi32, #tpu.memory_space<hbm>> -> memref<400xi32, #tpu.memory_space<hbm>>
        %dma_wait3A_632 = arith.constant 1600 : i32
        %dma_wait3A_633 = tpu.memref_slice %arg14[%dma_wait3A_632] : memref<3600xi32, #tpu.memory_space<vmem>> -> memref<400xi32, #tpu.memory_space<vmem>>
        %dma_wait3A_634 = tpu.memref_slice %arg2[%add3A_244] : memref<90000xi32, #tpu.memory_space<hbm>> -> memref<400xi32, #tpu.memory_space<hbm>>
        tpu.wait_dma2 semaphore(%run_scoped3A : memref<!tpu.dma_semaphore, #tpu.memory_space<semaphore_mem>>) src(%dma_wait3A_634 : memref<400xi32, #tpu.memory_space<hbm>>) dst(%dma_wait3A_633 : memref<400xi32, #tpu.memory_space<vmem>>)
        tpu.yield
      }) : () -> ()
      %add3A_245 = arith.constant 50000 : i32
      %add3A_246 = arith.addi %add3A_245, %mul3A_234 : i32
      "tpu.region"() ({
        %run_scoped3A = tpu.sem_alloc : memref<!tpu.dma_semaphore, #tpu.memory_space<semaphore_mem>>
        %dma_start3A_623 = arith.constant 2000 : i32
        %dma_start3A_624 = tpu.memref_slice %arg14[%dma_start3A_623] : memref<3600xi32, #tpu.memory_space<vmem>> -> memref<400xi32, #tpu.memory_space<vmem>>
        %dma_start3A_625 = tpu.memref_slice %arg2[%add3A_246] : memref<90000xi32, #tpu.memory_space<hbm>> -> memref<400xi32, #tpu.memory_space<hbm>>
        %dma_start3A_626 = arith.constant 2000 : i32
        %dma_start3A_627 = tpu.memref_slice %arg14[%dma_start3A_626] : memref<3600xi32, #tpu.memory_space<vmem>> -> memref<400xi32, #tpu.memory_space<vmem>>
        %dma_start3A_628 = tpu.memref_slice %arg2[%add3A_246] : memref<90000xi32, #tpu.memory_space<hbm>> -> memref<400xi32, #tpu.memory_space<hbm>>
        tpu.enqueue_dma source(%dma_start3A_628 : memref<400xi32, #tpu.memory_space<hbm>>) target(%dma_start3A_627 : memref<400xi32, #tpu.memory_space<vmem>>) target_semaphore(%run_scoped3A : memref<!tpu.dma_semaphore, #tpu.memory_space<semaphore_mem>>)
        %dma_wait3A_629 = arith.constant 2000 : i32
        %dma_wait3A_630 = tpu.memref_slice %arg14[%dma_wait3A_629] : memref<3600xi32, #tpu.memory_space<vmem>> -> memref<400xi32, #tpu.memory_space<vmem>>
        %dma_wait3A_631 = tpu.memref_slice %arg2[%add3A_246] : memref<90000xi32, #tpu.memory_space<hbm>> -> memref<400xi32, #tpu.memory_space<hbm>>
        %dma_wait3A_632 = arith.constant 2000 : i32
        %dma_wait3A_633 = tpu.memref_slice %arg14[%dma_wait3A_632] : memref<3600xi32, #tpu.memory_space<vmem>> -> memref<400xi32, #tpu.memory_space<vmem>>
        %dma_wait3A_634 = tpu.memref_slice %arg2[%add3A_246] : memref<90000xi32, #tpu.memory_space<hbm>> -> memref<400xi32, #tpu.memory_space<hbm>>
        tpu.wait_dma2 semaphore(%run_scoped3A : memref<!tpu.dma_semaphore, #tpu.memory_space<semaphore_mem>>) src(%dma_wait3A_634 : memref<400xi32, #tpu.memory_space<hbm>>) dst(%dma_wait3A_633 : memref<400xi32, #tpu.memory_space<vmem>>)
        tpu.yield
      }) : () -> ()
      %add3A_247 = arith.constant 60000 : i32
      %add3A_248 = arith.addi %add3A_247, %mul3A_234 : i32
      "tpu.region"() ({
        %run_scoped3A = tpu.sem_alloc : memref<!tpu.dma_semaphore, #tpu.memory_space<semaphore_mem>>
        %dma_start3A_623 = arith.constant 2400 : i32
        %dma_start3A_624 = tpu.memref_slice %arg14[%dma_start3A_623] : memref<3600xi32, #tpu.memory_space<vmem>> -> memref<400xi32, #tpu.memory_space<vmem>>
        %dma_start3A_625 = tpu.memref_slice %arg2[%add3A_248] : memref<90000xi32, #tpu.memory_space<hbm>> -> memref<400xi32, #tpu.memory_space<hbm>>
        %dma_start3A_626 = arith.constant 2400 : i32
        %dma_start3A_627 = tpu.memref_slice %arg14[%dma_start3A_626] : memref<3600xi32, #tpu.memory_space<vmem>> -> memref<400xi32, #tpu.memory_space<vmem>>
        %dma_start3A_628 = tpu.memref_slice %arg2[%add3A_248] : memref<90000xi32, #tpu.memory_space<hbm>> -> memref<400xi32, #tpu.memory_space<hbm>>
        tpu.enqueue_dma source(%dma_start3A_628 : memref<400xi32, #tpu.memory_space<hbm>>) target(%dma_start3A_627 : memref<400xi32, #tpu.memory_space<vmem>>) target_semaphore(%run_scoped3A : memref<!tpu.dma_semaphore, #tpu.memory_space<semaphore_mem>>)
        %dma_wait3A_629 = arith.constant 2400 : i32
        %dma_wait3A_630 = tpu.memref_slice %arg14[%dma_wait3A_629] : memref<3600xi32, #tpu.memory_space<vmem>> -> memref<400xi32, #tpu.memory_space<vmem>>
        %dma_wait3A_631 = tpu.memref_slice %arg2[%add3A_248] : memref<90000xi32, #tpu.memory_space<hbm>> -> memref<400xi32, #tpu.memory_space<hbm>>
        %dma_wait3A_632 = arith.constant 2400 : i32
        %dma_wait3A_633 = tpu.memref_slice %arg14[%dma_wait3A_632] : memref<3600xi32, #tpu.memory_space<vmem>> -> memref<400xi32, #tpu.memory_space<vmem>>
        %dma_wait3A_634 = tpu.memref_slice %arg2[%add3A_248] : memref<90000xi32, #tpu.memory_space<hbm>> -> memref<400xi32, #tpu.memory_space<hbm>>
        tpu.wait_dma2 semaphore(%run_scoped3A : memref<!tpu.dma_semaphore, #tpu.memory_space<semaphore_mem>>) src(%dma_wait3A_634 : memref<400xi32, #tpu.memory_space<hbm>>) dst(%dma_wait3A_633 : memref<400xi32, #tpu.memory_space<vmem>>)
        tpu.yield
      }) : () -> ()
      %add3A_249 = arith.constant 70000 : i32
      %add3A_250 = arith.addi %add3A_249, %mul3A_234 : i32
      "tpu.region"() ({
        %run_scoped3A = tpu.sem_alloc : memref<!tpu.dma_semaphore, #tpu.memory_space<semaphore_mem>>
        %dma_start3A_623 = arith.constant 2800 : i32
        %dma_start3A_624 = tpu.memref_slice %arg14[%dma_start3A_623] : memref<3600xi32, #tpu.memory_space<vmem>> -> memref<400xi32, #tpu.memory_space<vmem>>
        %dma_start3A_625 = tpu.memref_slice %arg2[%add3A_250] : memref<90000xi32, #tpu.memory_space<hbm>> -> memref<400xi32, #tpu.memory_space<hbm>>
        %dma_start3A_626 = arith.constant 2800 : i32
        %dma_start3A_627 = tpu.memref_slice %arg14[%dma_start3A_626] : memref<3600xi32, #tpu.memory_space<vmem>> -> memref<400xi32, #tpu.memory_space<vmem>>
        %dma_start3A_628 = tpu.memref_slice %arg2[%add3A_250] : memref<90000xi32, #tpu.memory_space<hbm>> -> memref<400xi32, #tpu.memory_space<hbm>>
        tpu.enqueue_dma source(%dma_start3A_628 : memref<400xi32, #tpu.memory_space<hbm>>) target(%dma_start3A_627 : memref<400xi32, #tpu.memory_space<vmem>>) target_semaphore(%run_scoped3A : memref<!tpu.dma_semaphore, #tpu.memory_space<semaphore_mem>>)
        %dma_wait3A_629 = arith.constant 2800 : i32
        %dma_wait3A_630 = tpu.memref_slice %arg14[%dma_wait3A_629] : memref<3600xi32, #tpu.memory_space<vmem>> -> memref<400xi32, #tpu.memory_space<vmem>>
        %dma_wait3A_631 = tpu.memref_slice %arg2[%add3A_250] : memref<90000xi32, #tpu.memory_space<hbm>> -> memref<400xi32, #tpu.memory_space<hbm>>
        %dma_wait3A_632 = arith.constant 2800 : i32
        %dma_wait3A_633 = tpu.memref_slice %arg14[%dma_wait3A_632] : memref<3600xi32, #tpu.memory_space<vmem>> -> memref<400xi32, #tpu.memory_space<vmem>>
        %dma_wait3A_634 = tpu.memref_slice %arg2[%add3A_250] : memref<90000xi32, #tpu.memory_space<hbm>> -> memref<400xi32, #tpu.memory_space<hbm>>
        tpu.wait_dma2 semaphore(%run_scoped3A : memref<!tpu.dma_semaphore, #tpu.memory_space<semaphore_mem>>) src(%dma_wait3A_634 : memref<400xi32, #tpu.memory_space<hbm>>) dst(%dma_wait3A_633 : memref<400xi32, #tpu.memory_space<vmem>>)
        tpu.yield
      }) : () -> ()
      %add3A_251 = arith.constant 80000 : i32
      %add3A_252 = arith.addi %add3A_251, %mul3A_234 : i32
      "tpu.region"() ({
        %run_scoped3A = tpu.sem_alloc : memref<!tpu.dma_semaphore, #tpu.memory_space<semaphore_mem>>
        %dma_start3A_623 = arith.constant 3200 : i32
        %dma_start3A_624 = tpu.memref_slice %arg14[%dma_start3A_623] : memref<3600xi32, #tpu.memory_space<vmem>> -> memref<400xi32, #tpu.memory_space<vmem>>
        %dma_start3A_625 = tpu.memref_slice %arg2[%add3A_252] : memref<90000xi32, #tpu.memory_space<hbm>> -> memref<400xi32, #tpu.memory_space<hbm>>
        %dma_start3A_626 = arith.constant 3200 : i32
        %dma_start3A_627 = tpu.memref_slice %arg14[%dma_start3A_626] : memref<3600xi32, #tpu.memory_space<vmem>> -> memref<400xi32, #tpu.memory_space<vmem>>
        %dma_start3A_628 = tpu.memref_slice %arg2[%add3A_252] : memref<90000xi32, #tpu.memory_space<hbm>> -> memref<400xi32, #tpu.memory_space<hbm>>
        tpu.enqueue_dma source(%dma_start3A_628 : memref<400xi32, #tpu.memory_space<hbm>>) target(%dma_start3A_627 : memref<400xi32, #tpu.memory_space<vmem>>) target_semaphore(%run_scoped3A : memref<!tpu.dma_semaphore, #tpu.memory_space<semaphore_mem>>)
        %dma_wait3A_629 = arith.constant 3200 : i32
        %dma_wait3A_630 = tpu.memref_slice %arg14[%dma_wait3A_629] : memref<3600xi32, #tpu.memory_space<vmem>> -> memref<400xi32, #tpu.memory_space<vmem>>
        %dma_wait3A_631 = tpu.memref_slice %arg2[%add3A_252] : memref<90000xi32, #tpu.memory_space<hbm>> -> memref<400xi32, #tpu.memory_space<hbm>>
        %dma_wait3A_632 = arith.constant 3200 : i32
        %dma_wait3A_633 = tpu.memref_slice %arg14[%dma_wait3A_632] : memref<3600xi32, #tpu.memory_space<vmem>> -> memref<400xi32, #tpu.memory_space<vmem>>
        %dma_wait3A_634 = tpu.memref_slice %arg2[%add3A_252] : memref<90000xi32, #tpu.memory_space<hbm>> -> memref<400xi32, #tpu.memory_space<hbm>>
        tpu.wait_dma2 semaphore(%run_scoped3A : memref<!tpu.dma_semaphore, #tpu.memory_space<semaphore_mem>>) src(%dma_wait3A_634 : memref<400xi32, #tpu.memory_space<hbm>>) dst(%dma_wait3A_633 : memref<400xi32, #tpu.memory_space<vmem>>)
        tpu.yield
      }) : () -> ()
      %scan3A_253 = arith.constant 0 : i32
      %scan3A_254 = arith.constant 25 : i32
      %scan3A_255 = arith.addi %scan3A_253, %scan3A_254 : i32
      %scan3A_256 = arith.constant 1 : i32
      scf.for %scan3A_623 = %scan3A_253 to %scan3A_255 step %scan3A_256  : i32 {
        %mul3A_624 = arith.constant 1 : i32
        %mul3A_625 = arith.muli %scan3A_623, %mul3A_624 : i32
        %add3A_626 = arith.constant 0 : i32
        %add3A_627 = arith.addi %add3A_626, %mul3A_625 : i32
        %jit3A = arith.constant 5 : i32
        %div3A = arith.divsi %add3A_627, %jit3A : i32
        %sign3A = arith.constant 0 : i32
        %sign3A_628 = arith.cmpi sgt, %add3A_627, %sign3A : i32
        %sign3A_629 = arith.extui %sign3A_628 : i1 to i32
        %sign3A_630 = arith.constant 0 : i32
        %sign3A_631 = arith.cmpi slt, %add3A_627, %sign3A_630 : i32
        %sign3A_632 = arith.extui %sign3A_631 : i1 to i32
        %sign3A_633 = arith.subi %sign3A_629, %sign3A_632 : i32
        %sign3A_634 = arith.constant 0 : i32
        %sign3A_635 = arith.cmpi sgt, %jit3A, %sign3A_634 : i32
        %sign3A_636 = arith.extui %sign3A_635 : i1 to i32
        %sign3A_637 = arith.constant 0 : i32
        %sign3A_638 = arith.cmpi slt, %jit3A, %sign3A_637 : i32
        %sign3A_639 = arith.extui %sign3A_638 : i1 to i32
        %sign3A_640 = arith.subi %sign3A_636, %sign3A_639 : i32
        %ne3A = arith.cmpi ne, %sign3A_633, %sign3A_640 : i32
        %rem3A = arith.remsi %add3A_627, %jit3A : i32
        %ne3A_641 = arith.constant 0 : i32
        %ne3A_642 = arith.cmpi ne, %rem3A, %ne3A_641 : i32
        %and3A = arith.andi %ne3A, %ne3A_642 : i1
        %sub3A = arith.constant 1 : i32
        %sub3A_643 = arith.subi %div3A, %sub3A : i32
        %select_n3A = arith.select %and3A, %sub3A_643, %div3A : i32
        %jit3A_644 = arith.constant 5 : i32
        %eq3A_645 = arith.constant 0 : i32
        %eq3A_646 = arith.cmpi eq, %jit3A_644, %eq3A_645 : i32
        %jit3A_647 = arith.constant 1 : i32
        %select_n3A_648 = arith.select %eq3A_646, %jit3A_647, %jit3A_644 : i32
        %rem3A_649 = arith.remsi %add3A_627, %select_n3A_648 : i32
        %ne3A_650 = arith.constant 0 : i32
        %ne3A_651 = arith.cmpi ne, %rem3A_649, %ne3A_650 : i32
        %lt3A_652 = arith.constant 0 : i32
        %lt3A_653 = arith.cmpi slt, %rem3A_649, %lt3A_652 : i32
        %lt3A_654 = arith.constant 0 : i32
        %lt3A_655 = arith.cmpi slt, %select_n3A_648, %lt3A_654 : i32
        %ne3A_656 = arith.xori %lt3A_653, %lt3A_655 : i1
        %and3A_657 = arith.andi %ne3A_656, %ne3A_651 : i1
        %add3A_658 = arith.addi %rem3A_649, %select_n3A_648 : i32
        %select_n3A_659 = arith.select %and3A_657, %add3A_658, %rem3A_649 : i32
        %mul3A_660 = arith.constant 16 : i32
        %mul3A_661 = arith.muli %select_n3A_659, %mul3A_660 : i32
        %mul3A_662 = arith.constant 80 : i32
        %mul3A_663 = arith.muli %select_n3A, %mul3A_662 : i32
        %add3A_664 = arith.constant 0 : i32
        %add3A_665 = arith.addi %add3A_664, %mul3A_663 : i32
        %mul3A_666 = arith.constant 16 : i32
        %mul3A_667 = arith.muli %select_n3A_659, %mul3A_666 : i32
        %add3A_668 = arith.addi %add3A_665, %mul3A_667 : i32
        %get3A = arith.index_cast %add3A_668 : i32 to index
        %get3A_669 = tpu.vector_load %arg14[%get3A] {strides = array<i32>} : memref<3600xi32, #tpu.memory_space<vmem>>, vector<16xi32>,
        %mul3A_670 = arith.constant 4 : i32
        %mul3A_671 = vector.broadcast %mul3A_670 : i32 to vector<16xi32>
        %mul3A_672 = arith.muli %get3A_669, %mul3A_671 : vector<16xi32>
        %mul3A_673 = arith.constant 80 : i32
        %mul3A_674 = arith.muli %select_n3A, %mul3A_673 : i32
        %add3A_675 = arith.constant 2800 : i32
        %add3A_676 = arith.addi %add3A_675, %mul3A_674 : i32
        %mul3A_677 = arith.constant 16 : i32
        %mul3A_678 = arith.muli %select_n3A_659, %mul3A_677 : i32
        %add3A_679 = arith.addi %add3A_676, %mul3A_678 : i32
        %get3A_680 = arith.index_cast %add3A_679 : i32 to index
        %get3A_681 = tpu.vector_load %arg14[%get3A_680] {strides = array<i32>} : memref<3600xi32, #tpu.memory_space<vmem>>, vector<16xi32>,
        %mul3A_682 = arith.constant 2 : i32
        %mul3A_683 = vector.broadcast %mul3A_682 : i32 to vector<16xi32>
        %mul3A_684 = arith.muli %get3A_681, %mul3A_683 : vector<16xi32>
        %add3A_685 = arith.addi %mul3A_672, %mul3A_684 : vector<16xi32>
        %mul3A_686 = arith.constant 80 : i32
        %mul3A_687 = arith.muli %select_n3A, %mul3A_686 : i32
        %add3A_688 = arith.constant 3200 : i32
        %add3A_689 = arith.addi %add3A_688, %mul3A_687 : i32
        %mul3A_690 = arith.constant 16 : i32
        %mul3A_691 = arith.muli %select_n3A_659, %mul3A_690 : i32
        %add3A_692 = arith.addi %add3A_689, %mul3A_691 : i32
        %get3A_693 = arith.index_cast %add3A_692 : i32 to index
        %get3A_694 = tpu.vector_load %arg14[%get3A_693] {strides = array<i32>} : memref<3600xi32, #tpu.memory_space<vmem>>, vector<16xi32>,
        %add3A_695 = arith.addi %add3A_685, %get3A_694 : vector<16xi32>
        %mul3A_696 = arith.constant 4 : i32
        %mul3A_697 = arith.muli %select_n3A, %mul3A_696 : i32
        %add3A_698 = arith.constant 0 : i32
        %add3A_699 = arith.addi %mul3A_697, %add3A_698 : i32
        %swap3A = arith.index_cast %add3A_699 : i32 to index
        %swap3A_700 = arith.index_cast %mul3A_661 : i32 to index
        %swap3A_701 = tpu.vector_load %arg15[%swap3A, %swap3A_700] {strides = array<i32>} : memref<20x80xi32, #tpu.memory_space<vmem>>, vector<16xi32>,
        tpu.vector_store %arg15[%swap3A, %swap3A_700], %add3A_695 {strides = array<i32>} : memref<20x80xi32, #tpu.memory_space<vmem>>, vector<16xi32>,
        %mul3A_702 = arith.constant 80 : i32
        %mul3A_703 = arith.muli %select_n3A, %mul3A_702 : i32
        %add3A_704 = arith.constant 400 : i32
        %add3A_705 = arith.addi %add3A_704, %mul3A_703 : i32
        %mul3A_706 = arith.constant 16 : i32
        %mul3A_707 = arith.muli %select_n3A_659, %mul3A_706 : i32
        %add3A_708 = arith.addi %add3A_705, %mul3A_707 : i32
        %get3A_709 = arith.index_cast %add3A_708 : i32 to index
        %get3A_710 = tpu.vector_load %arg14[%get3A_709] {strides = array<i32>} : memref<3600xi32, #tpu.memory_space<vmem>>, vector<16xi32>,
        %mul3A_711 = arith.constant 11 : i32
        %mul3A_712 = vector.broadcast %mul3A_711 : i32 to vector<16xi32>
        %mul3A_713 = arith.muli %get3A_710, %mul3A_712 : vector<16xi32>
        %mul3A_714 = arith.constant 80 : i32
        %mul3A_715 = arith.muli %select_n3A, %mul3A_714 : i32
        %add3A_716 = arith.constant 800 : i32
        %add3A_717 = arith.addi %add3A_716, %mul3A_715 : i32
        %mul3A_718 = arith.constant 16 : i32
        %mul3A_719 = arith.muli %select_n3A_659, %mul3A_718 : i32
        %add3A_720 = arith.addi %add3A_717, %mul3A_719 : i32
        %get3A_721 = arith.index_cast %add3A_720 : i32 to index
        %get3A_722 = tpu.vector_load %arg14[%get3A_721] {strides = array<i32>} : memref<3600xi32, #tpu.memory_space<vmem>>, vector<16xi32>,
        %add3A_723 = arith.addi %mul3A_713, %get3A_722 : vector<16xi32>
        %add3A_724 = arith.constant 476 : i32
        %add3A_725 = vector.broadcast %add3A_724 : i32 to vector<16xi32>
        %add3A_726 = arith.addi %add3A_723, %add3A_725 : vector<16xi32>
        %mul3A_727 = arith.constant 4 : i32
        %mul3A_728 = arith.muli %select_n3A, %mul3A_727 : i32
        %add3A_729 = arith.constant 1 : i32
        %add3A_730 = arith.addi %mul3A_728, %add3A_729 : i32
        %swap3A_731 = arith.index_cast %add3A_730 : i32 to index
        %swap3A_732 = arith.index_cast %mul3A_661 : i32 to index
        %swap3A_733 = tpu.vector_load %arg15[%swap3A_731, %swap3A_732] {strides = array<i32>} : memref<20x80xi32, #tpu.memory_space<vmem>>, vector<16xi32>,
        tpu.vector_store %arg15[%swap3A_731, %swap3A_732], %add3A_726 {strides = array<i32>} : memref<20x80xi32, #tpu.memory_space<vmem>>, vector<16xi32>,
        %mul3A_734 = arith.constant 80 : i32
        %mul3A_735 = arith.muli %select_n3A, %mul3A_734 : i32
        %add3A_736 = arith.constant 1200 : i32
        %add3A_737 = arith.addi %add3A_736, %mul3A_735 : i32
        %mul3A_738 = arith.constant 16 : i32
        %mul3A_739 = arith.muli %select_n3A_659, %mul3A_738 : i32
        %add3A_740 = arith.addi %add3A_737, %mul3A_739 : i32
        %get3A_741 = arith.index_cast %add3A_740 : i32 to index
        %get3A_742 = tpu.vector_load %arg14[%get3A_741] {strides = array<i32>} : memref<3600xi32, #tpu.memory_space<vmem>>, vector<16xi32>,
        %mul3A_743 = arith.constant 9 : i32
        %mul3A_744 = vector.broadcast %mul3A_743 : i32 to vector<16xi32>
        %mul3A_745 = arith.muli %get3A_742, %mul3A_744 : vector<16xi32>
        %mul3A_746 = arith.constant 80 : i32
        %mul3A_747 = arith.muli %select_n3A, %mul3A_746 : i32
        %add3A_748 = arith.constant 1600 : i32
        %add3A_749 = arith.addi %add3A_748, %mul3A_747 : i32
        %mul3A_750 = arith.constant 16 : i32
        %mul3A_751 = arith.muli %select_n3A_659, %mul3A_750 : i32
        %add3A_752 = arith.addi %add3A_749, %mul3A_751 : i32
        %get3A_753 = arith.index_cast %add3A_752 : i32 to index
        %get3A_754 = tpu.vector_load %arg14[%get3A_753] {strides = array<i32>} : memref<3600xi32, #tpu.memory_space<vmem>>, vector<16xi32>,
        %add3A_755 = arith.addi %mul3A_745, %get3A_754 : vector<16xi32>
        %add3A_756 = arith.constant 575 : i32
        %add3A_757 = vector.broadcast %add3A_756 : i32 to vector<16xi32>
        %add3A_758 = arith.addi %add3A_755, %add3A_757 : vector<16xi32>
        %mul3A_759 = arith.constant 4 : i32
        %mul3A_760 = arith.muli %select_n3A, %mul3A_759 : i32
        %add3A_761 = arith.constant 2 : i32
        %add3A_762 = arith.addi %mul3A_760, %add3A_761 : i32
        %swap3A_763 = arith.index_cast %add3A_762 : i32 to index
        %swap3A_764 = arith.index_cast %mul3A_661 : i32 to index
        %swap3A_765 = tpu.vector_load %arg15[%swap3A_763, %swap3A_764] {strides = array<i32>} : memref<20x80xi32, #tpu.memory_space<vmem>>, vector<16xi32>,
        tpu.vector_store %arg15[%swap3A_763, %swap3A_764], %add3A_758 {strides = array<i32>} : memref<20x80xi32, #tpu.memory_space<vmem>>, vector<16xi32>,
        %mul3A_766 = arith.constant 80 : i32
        %mul3A_767 = arith.muli %select_n3A, %mul3A_766 : i32
        %add3A_768 = arith.constant 2000 : i32
        %add3A_769 = arith.addi %add3A_768, %mul3A_767 : i32
        %mul3A_770 = arith.constant 16 : i32
        %mul3A_771 = arith.muli %select_n3A_659, %mul3A_770 : i32
        %add3A_772 = arith.addi %add3A_769, %mul3A_771 : i32
        %get3A_773 = arith.index_cast %add3A_772 : i32 to index
        %get3A_774 = tpu.vector_load %arg14[%get3A_773] {strides = array<i32>} : memref<3600xi32, #tpu.memory_space<vmem>>, vector<16xi32>,
        %mul3A_775 = arith.constant 8 : i32
        %mul3A_776 = vector.broadcast %mul3A_775 : i32 to vector<16xi32>
        %mul3A_777 = arith.muli %get3A_774, %mul3A_776 : vector<16xi32>
        %mul3A_778 = arith.constant 80 : i32
        %mul3A_779 = arith.muli %select_n3A, %mul3A_778 : i32
        %add3A_780 = arith.constant 2400 : i32
        %add3A_781 = arith.addi %add3A_780, %mul3A_779 : i32
        %mul3A_782 = arith.constant 16 : i32
        %mul3A_783 = arith.muli %select_n3A_659, %mul3A_782 : i32
        %add3A_784 = arith.addi %add3A_781, %mul3A_783 : i32
        %get3A_785 = arith.index_cast %add3A_784 : i32 to index
        %get3A_786 = tpu.vector_load %arg14[%get3A_785] {strides = array<i32>} : memref<3600xi32, #tpu.memory_space<vmem>>, vector<16xi32>,
        %add3A_787 = arith.addi %mul3A_777, %get3A_786 : vector<16xi32>
        %add3A_788 = arith.constant 683 : i32
        %add3A_789 = vector.broadcast %add3A_788 : i32 to vector<16xi32>
        %add3A_790 = arith.addi %add3A_787, %add3A_789 : vector<16xi32>
        %mul3A_791 = arith.constant 4 : i32
        %mul3A_792 = arith.muli %select_n3A, %mul3A_791 : i32
        %add3A_793 = arith.constant 3 : i32
        %add3A_794 = arith.addi %mul3A_792, %add3A_793 : i32
        %swap3A_795 = arith.index_cast %add3A_794 : i32 to index
        %swap3A_796 = arith.index_cast %mul3A_661 : i32 to index
        %swap3A_797 = tpu.vector_load %arg15[%swap3A_795, %swap3A_796] {strides = array<i32>} : memref<20x80xi32, #tpu.memory_space<vmem>>, vector<16xi32>,
        tpu.vector_store %arg15[%swap3A_795, %swap3A_796], %add3A_790 {strides = array<i32>} : memref<20x80xi32, #tpu.memory_space<vmem>>, vector<16xi32>,
      }
      %scan3A_257 = arith.constant 25 : i32
      %dma_start3A_258 = arith.constant 0 : i32
      %dma_start3A_259 = arith.constant 0 : i32
      %dma_start3A_260 = tpu.memref_slice %arg15[%dma_start3A_258, %dma_start3A_259] : memref<20x80xi32, #tpu.memory_space<vmem>> -> memref<1x80xi32, #tpu.memory_space<vmem>>
      %dma_start3A_261 = tpu.memref_squeeze %dma_start3A_260 : memref<1x80xi32, #tpu.memory_space<vmem>> -> memref<80xi32, #tpu.memory_space<vmem>>
      %dma_start3A_262 = arith.constant 0 : i32
      %dma_start3A_263 = arith.constant 0 : i32
      %dma_start3A_264 = tpu.memref_slice %arg9[%dma_start3A_262, %dma_start3A_263] : memref<723x128xf32, #tpu.memory_space<vmem_shared>> -> memref<723x128xf32, #tpu.memory_space<vmem_shared>>
      tpu.enqueue_indirect_dma source(%dma_start3A_264 : memref<723x128xf32, #tpu.memory_space<vmem_shared>>) target(%arg16 : memref<80x128xf32, #tpu.memory_space<vmem>>) offsets(%dma_start3A_261 : memref<80xi32, #tpu.memory_space<vmem>>) semaphore(%arg24 : memref<!tpu.dma_semaphore, #tpu.memory_space<semaphore_mem>>)
      %dma_start3A_265 = arith.constant 1 : i32
      %dma_start3A_266 = arith.constant 0 : i32
      %dma_start3A_267 = tpu.memref_slice %arg15[%dma_start3A_265, %dma_start3A_266] : memref<20x80xi32, #tpu.memory_space<vmem>> -> memref<1x80xi32, #tpu.memory_space<vmem>>
      %dma_start3A_268 = tpu.memref_squeeze %dma_start3A_267 : memref<1x80xi32, #tpu.memory_space<vmem>> -> memref<80xi32, #tpu.memory_space<vmem>>
      %dma_start3A_269 = arith.constant 0 : i32
      %dma_start3A_270 = arith.constant 0 : i32
      %dma_start3A_271 = tpu.memref_slice %arg9[%dma_start3A_269, %dma_start3A_270] : memref<723x128xf32, #tpu.memory_space<vmem_shared>> -> memref<723x128xf32, #tpu.memory_space<vmem_shared>>
      tpu.enqueue_indirect_dma source(%dma_start3A_271 : memref<723x128xf32, #tpu.memory_space<vmem_shared>>) target(%arg17 : memref<80x128xf32, #tpu.memory_space<vmem>>) offsets(%dma_start3A_268 : memref<80xi32, #tpu.memory_space<vmem>>) semaphore(%arg25 : memref<!tpu.dma_semaphore, #tpu.memory_space<semaphore_mem>>)
      %dma_start3A_272 = arith.constant 2 : i32
      %dma_start3A_273 = arith.constant 0 : i32
      %dma_start3A_274 = tpu.memref_slice %arg15[%dma_start3A_272, %dma_start3A_273] : memref<20x80xi32, #tpu.memory_space<vmem>> -> memref<1x80xi32, #tpu.memory_space<vmem>>
      %dma_start3A_275 = tpu.memref_squeeze %dma_start3A_274 : memref<1x80xi32, #tpu.memory_space<vmem>> -> memref<80xi32, #tpu.memory_space<vmem>>
      %dma_start3A_276 = arith.constant 0 : i32
      %dma_start3A_277 = arith.constant 0 : i32
      %dma_start3A_278 = tpu.memref_slice %arg9[%dma_start3A_276, %dma_start3A_277] : memref<723x128xf32, #tpu.memory_space<vmem_shared>> -> memref<723x128xf32, #tpu.memory_space<vmem_shared>>
      tpu.enqueue_indirect_dma source(%dma_start3A_278 : memref<723x128xf32, #tpu.memory_space<vmem_shared>>) target(%arg18 : memref<80x128xf32, #tpu.memory_space<vmem>>) offsets(%dma_start3A_275 : memref<80xi32, #tpu.memory_space<vmem>>) semaphore(%arg26 : memref<!tpu.dma_semaphore, #tpu.memory_space<semaphore_mem>>)
      %dma_start3A_279 = arith.constant 3 : i32
      %dma_start3A_280 = arith.constant 0 : i32
      %dma_start3A_281 = tpu.memref_slice %arg15[%dma_start3A_279, %dma_start3A_280] : memref<20x80xi32, #tpu.memory_space<vmem>> -> memref<1x80xi32, #tpu.memory_space<vmem>>
      %dma_start3A_282 = tpu.memref_squeeze %dma_start3A_281 : memref<1x80xi32, #tpu.memory_space<vmem>> -> memref<80xi32, #tpu.memory_space<vmem>>
      %dma_start3A_283 = arith.constant 0 : i32
      %dma_start3A_284 = arith.constant 0 : i32
      %dma_start3A_285 = tpu.memref_slice %arg9[%dma_start3A_283, %dma_start3A_284] : memref<723x128xf32, #tpu.memory_space<vmem_shared>> -> memref<723x128xf32, #tpu.memory_space<vmem_shared>>
      tpu.enqueue_indirect_dma source(%dma_start3A_285 : memref<723x128xf32, #tpu.memory_space<vmem_shared>>) target(%arg19 : memref<80x128xf32, #tpu.memory_space<vmem>>) offsets(%dma_start3A_282 : memref<80xi32, #tpu.memory_space<vmem>>) semaphore(%arg27 : memref<!tpu.dma_semaphore, #tpu.memory_space<semaphore_mem>>)
      %dma_wait3A_286 = arith.constant 0 : i32
      %dma_wait3A_287 = arith.constant 0 : i32
      %dma_wait3A_288 = tpu.memref_slice %arg15[%dma_wait3A_286, %dma_wait3A_287] : memref<20x80xi32, #tpu.memory_space<vmem>> -> memref<1x80xi32, #tpu.memory_space<vmem>>
      %dma_wait3A_289 = tpu.memref_squeeze %dma_wait3A_288 : memref<1x80xi32, #tpu.memory_space<vmem>> -> memref<80xi32, #tpu.memory_space<vmem>>
      %dma_wait3A_290 = arith.constant 0 : i32
      %dma_wait3A_291 = arith.constant 0 : i32
      %dma_wait3A_292 = tpu.memref_slice %arg9[%dma_wait3A_290, %dma_wait3A_291] : memref<723x128xf32, #tpu.memory_space<vmem_shared>> -> memref<723x128xf32, #tpu.memory_space<vmem_shared>>
      tpu.wait_indirect_dma semaphore(%arg24 : memref<!tpu.dma_semaphore, #tpu.memory_space<semaphore_mem>>) src(%dma_wait3A_292 : memref<723x128xf32, #tpu.memory_space<vmem_shared>>) dst(%arg16 : memref<80x128xf32, #tpu.memory_space<vmem>>)
      %dma_wait3A_293 = arith.constant 1 : i32
      %dma_wait3A_294 = arith.constant 0 : i32
      %dma_wait3A_295 = tpu.memref_slice %arg15[%dma_wait3A_293, %dma_wait3A_294] : memref<20x80xi32, #tpu.memory_space<vmem>> -> memref<1x80xi32, #tpu.memory_space<vmem>>
      %dma_wait3A_296 = tpu.memref_squeeze %dma_wait3A_295 : memref<1x80xi32, #tpu.memory_space<vmem>> -> memref<80xi32, #tpu.memory_space<vmem>>
      %dma_wait3A_297 = arith.constant 0 : i32
      %dma_wait3A_298 = arith.constant 0 : i32
      %dma_wait3A_299 = tpu.memref_slice %arg9[%dma_wait3A_297, %dma_wait3A_298] : memref<723x128xf32, #tpu.memory_space<vmem_shared>> -> memref<723x128xf32, #tpu.memory_space<vmem_shared>>
      tpu.wait_indirect_dma semaphore(%arg25 : memref<!tpu.dma_semaphore, #tpu.memory_space<semaphore_mem>>) src(%dma_wait3A_299 : memref<723x128xf32, #tpu.memory_space<vmem_shared>>) dst(%arg17 : memref<80x128xf32, #tpu.memory_space<vmem>>)
      %scan3A_300 = arith.constant 0 : i32
      %scan3A_301 = arith.constant 80 : i32
      %scan3A_302 = arith.addi %scan3A_300, %scan3A_301 : i32
      %scan3A_303 = arith.constant 1 : i32
      scf.for %scan3A_623 = %scan3A_300 to %scan3A_302 step %scan3A_303  : i32 {
        %mul3A_624 = arith.constant 1 : i32
        %mul3A_625 = arith.muli %scan3A_623, %mul3A_624 : i32
        %add3A_626 = arith.constant 0 : i32
        %add3A_627 = arith.addi %add3A_626, %mul3A_625 : i32
        %get3A = arith.index_cast %add3A_627 : i32 to index
        %get3A_628 = arith.constant 0 : index
        %get3A_629 = tpu.vector_load %arg16[%get3A, %get3A_628] {strides = array<i32>} : memref<80x128xf32, #tpu.memory_space<vmem>>, vector<16xf32>,
        %get3A_630 = arith.index_cast %add3A_627 : i32 to index
        %get3A_631 = arith.constant 0 : index
        %get3A_632 = tpu.vector_load %arg17[%get3A_630, %get3A_631] {strides = array<i32>} : memref<80x128xf32, #tpu.memory_space<vmem>>, vector<16xf32>,
        %add3A_633 = arith.addf %get3A_629, %get3A_632 : vector<16xf32>
        %swap3A = arith.index_cast %add3A_627 : i32 to index
        %swap3A_634 = arith.constant 0 : index
        %swap3A_635 = tpu.vector_load %arg16[%swap3A, %swap3A_634] {strides = array<i32>} : memref<80x128xf32, #tpu.memory_space<vmem>>, vector<16xf32>,
        tpu.vector_store %arg16[%swap3A, %swap3A_634], %add3A_633 {strides = array<i32>} : memref<80x128xf32, #tpu.memory_space<vmem>>, vector<16xf32>,
        %get3A_636 = arith.index_cast %add3A_627 : i32 to index
        %get3A_637 = arith.constant 16 : index
        %get3A_638 = tpu.vector_load %arg16[%get3A_636, %get3A_637] {strides = array<i32>} : memref<80x128xf32, #tpu.memory_space<vmem>>, vector<16xf32>,
        %get3A_639 = arith.index_cast %add3A_627 : i32 to index
        %get3A_640 = arith.constant 16 : index
        %get3A_641 = tpu.vector_load %arg17[%get3A_639, %get3A_640] {strides = array<i32>} : memref<80x128xf32, #tpu.memory_space<vmem>>, vector<16xf32>,
        %add3A_642 = arith.addf %get3A_638, %get3A_641 : vector<16xf32>
        %swap3A_643 = arith.index_cast %add3A_627 : i32 to index
        %swap3A_644 = arith.constant 16 : index
        %swap3A_645 = tpu.vector_load %arg16[%swap3A_643, %swap3A_644] {strides = array<i32>} : memref<80x128xf32, #tpu.memory_space<vmem>>, vector<16xf32>,
        tpu.vector_store %arg16[%swap3A_643, %swap3A_644], %add3A_642 {strides = array<i32>} : memref<80x128xf32, #tpu.memory_space<vmem>>, vector<16xf32>,
        %get3A_646 = arith.index_cast %add3A_627 : i32 to index
        %get3A_647 = arith.constant 32 : index
        %get3A_648 = tpu.vector_load %arg16[%get3A_646, %get3A_647] {strides = array<i32>} : memref<80x128xf32, #tpu.memory_space<vmem>>, vector<16xf32>,
        %get3A_649 = arith.index_cast %add3A_627 : i32 to index
        %get3A_650 = arith.constant 32 : index
        %get3A_651 = tpu.vector_load %arg17[%get3A_649, %get3A_650] {strides = array<i32>} : memref<80x128xf32, #tpu.memory_space<vmem>>, vector<16xf32>,
        %add3A_652 = arith.addf %get3A_648, %get3A_651 : vector<16xf32>
        %swap3A_653 = arith.index_cast %add3A_627 : i32 to index
        %swap3A_654 = arith.constant 32 : index
        %swap3A_655 = tpu.vector_load %arg16[%swap3A_653, %swap3A_654] {strides = array<i32>} : memref<80x128xf32, #tpu.memory_space<vmem>>, vector<16xf32>,
        tpu.vector_store %arg16[%swap3A_653, %swap3A_654], %add3A_652 {strides = array<i32>} : memref<80x128xf32, #tpu.memory_space<vmem>>, vector<16xf32>,
        %get3A_656 = arith.index_cast %add3A_627 : i32 to index
        %get3A_657 = arith.constant 48 : index
        %get3A_658 = tpu.vector_load %arg16[%get3A_656, %get3A_657] {strides = array<i32>} : memref<80x128xf32, #tpu.memory_space<vmem>>, vector<16xf32>,
        %get3A_659 = arith.index_cast %add3A_627 : i32 to index
        %get3A_660 = arith.constant 48 : index
        %get3A_661 = tpu.vector_load %arg17[%get3A_659, %get3A_660] {strides = array<i32>} : memref<80x128xf32, #tpu.memory_space<vmem>>, vector<16xf32>,
        %add3A_662 = arith.addf %get3A_658, %get3A_661 : vector<16xf32>
        %swap3A_663 = arith.index_cast %add3A_627 : i32 to index
        %swap3A_664 = arith.constant 48 : index
        %swap3A_665 = tpu.vector_load %arg16[%swap3A_663, %swap3A_664] {strides = array<i32>} : memref<80x128xf32, #tpu.memory_space<vmem>>, vector<16xf32>,
        tpu.vector_store %arg16[%swap3A_663, %swap3A_664], %add3A_662 {strides = array<i32>} : memref<80x128xf32, #tpu.memory_space<vmem>>, vector<16xf32>,
        %get3A_666 = arith.index_cast %add3A_627 : i32 to index
        %get3A_667 = arith.constant 64 : index
        %get3A_668 = tpu.vector_load %arg16[%get3A_666, %get3A_667] {strides = array<i32>} : memref<80x128xf32, #tpu.memory_space<vmem>>, vector<16xf32>,
        %get3A_669 = arith.index_cast %add3A_627 : i32 to index
        %get3A_670 = arith.constant 64 : index
        %get3A_671 = tpu.vector_load %arg17[%get3A_669, %get3A_670] {strides = array<i32>} : memref<80x128xf32, #tpu.memory_space<vmem>>, vector<16xf32>,
        %add3A_672 = arith.addf %get3A_668, %get3A_671 : vector<16xf32>
        %swap3A_673 = arith.index_cast %add3A_627 : i32 to index
        %swap3A_674 = arith.constant 64 : index
        %swap3A_675 = tpu.vector_load %arg16[%swap3A_673, %swap3A_674] {strides = array<i32>} : memref<80x128xf32, #tpu.memory_space<vmem>>, vector<16xf32>,
        tpu.vector_store %arg16[%swap3A_673, %swap3A_674], %add3A_672 {strides = array<i32>} : memref<80x128xf32, #tpu.memory_space<vmem>>, vector<16xf32>,
        %get3A_676 = arith.index_cast %add3A_627 : i32 to index
        %get3A_677 = arith.constant 80 : index
        %get3A_678 = tpu.vector_load %arg16[%get3A_676, %get3A_677] {strides = array<i32>} : memref<80x128xf32, #tpu.memory_space<vmem>>, vector<16xf32>,
        %get3A_679 = arith.index_cast %add3A_627 : i32 to index
        %get3A_680 = arith.constant 80 : index
        %get3A_681 = tpu.vector_load %arg17[%get3A_679, %get3A_680] {strides = array<i32>} : memref<80x128xf32, #tpu.memory_space<vmem>>, vector<16xf32>,
        %add3A_682 = arith.addf %get3A_678, %get3A_681 : vector<16xf32>
        %swap3A_683 = arith.index_cast %add3A_627 : i32 to index
        %swap3A_684 = arith.constant 80 : index
        %swap3A_685 = tpu.vector_load %arg16[%swap3A_683, %swap3A_684] {strides = array<i32>} : memref<80x128xf32, #tpu.memory_space<vmem>>, vector<16xf32>,
        tpu.vector_store %arg16[%swap3A_683, %swap3A_684], %add3A_682 {strides = array<i32>} : memref<80x128xf32, #tpu.memory_space<vmem>>, vector<16xf32>,
        %get3A_686 = arith.index_cast %add3A_627 : i32 to index
        %get3A_687 = arith.constant 96 : index
        %get3A_688 = tpu.vector_load %arg16[%get3A_686, %get3A_687] {strides = array<i32>} : memref<80x128xf32, #tpu.memory_space<vmem>>, vector<16xf32>,
        %get3A_689 = arith.index_cast %add3A_627 : i32 to index
        %get3A_690 = arith.constant 96 : index
        %get3A_691 = tpu.vector_load %arg17[%get3A_689, %get3A_690] {strides = array<i32>} : memref<80x128xf32, #tpu.memory_space<vmem>>, vector<16xf32>,
        %add3A_692 = arith.addf %get3A_688, %get3A_691 : vector<16xf32>
        %swap3A_693 = arith.index_cast %add3A_627 : i32 to index
        %swap3A_694 = arith.constant 96 : index
        %swap3A_695 = tpu.vector_load %arg16[%swap3A_693, %swap3A_694] {strides = array<i32>} : memref<80x128xf32, #tpu.memory_space<vmem>>, vector<16xf32>,
        tpu.vector_store %arg16[%swap3A_693, %swap3A_694], %add3A_692 {strides = array<i32>} : memref<80x128xf32, #tpu.memory_space<vmem>>, vector<16xf32>,
        %get3A_696 = arith.index_cast %add3A_627 : i32 to index
        %get3A_697 = arith.constant 112 : index
        %get3A_698 = tpu.vector_load %arg16[%get3A_696, %get3A_697] {strides = array<i32>} : memref<80x128xf32, #tpu.memory_space<vmem>>, vector<16xf32>,
        %get3A_699 = arith.index_cast %add3A_627 : i32 to index
        %get3A_700 = arith.constant 112 : index
        %get3A_701 = tpu.vector_load %arg17[%get3A_699, %get3A_700] {strides = array<i32>} : memref<80x128xf32, #tpu.memory_space<vmem>>, vector<16xf32>,
        %add3A_702 = arith.addf %get3A_698, %get3A_701 : vector<16xf32>
        %swap3A_703 = arith.index_cast %add3A_627 : i32 to index
        %swap3A_704 = arith.constant 112 : index
        %swap3A_705 = tpu.vector_load %arg16[%swap3A_703, %swap3A_704] {strides = array<i32>} : memref<80x128xf32, #tpu.memory_space<vmem>>, vector<16xf32>,
        tpu.vector_store %arg16[%swap3A_703, %swap3A_704], %add3A_702 {strides = array<i32>} : memref<80x128xf32, #tpu.memory_space<vmem>>, vector<16xf32>,
      }
      %scan3A_304 = arith.constant 80 : i32
      %dma_wait3A_305 = arith.constant 2 : i32
      %dma_wait3A_306 = arith.constant 0 : i32
      %dma_wait3A_307 = tpu.memref_slice %arg15[%dma_wait3A_305, %dma_wait3A_306] : memref<20x80xi32, #tpu.memory_space<vmem>> -> memref<1x80xi32, #tpu.memory_space<vmem>>
      %dma_wait3A_308 = tpu.memref_squeeze %dma_wait3A_307 : memref<1x80xi32, #tpu.memory_space<vmem>> -> memref<80xi32, #tpu.memory_space<vmem>>
      %dma_wait3A_309 = arith.constant 0 : i32
      %dma_wait3A_310 = arith.constant 0 : i32
      %dma_wait3A_311 = tpu.memref_slice %arg9[%dma_wait3A_309, %dma_wait3A_310] : memref<723x128xf32, #tpu.memory_space<vmem_shared>> -> memref<723x128xf32, #tpu.memory_space<vmem_shared>>
      tpu.wait_indirect_dma semaphore(%arg26 : memref<!tpu.dma_semaphore, #tpu.memory_space<semaphore_mem>>) src(%dma_wait3A_311 : memref<723x128xf32, #tpu.memory_space<vmem_shared>>) dst(%arg18 : memref<80x128xf32, #tpu.memory_space<vmem>>)
      %scan3A_312 = arith.constant 0 : i32
      %scan3A_313 = arith.constant 80 : i32
      %scan3A_314 = arith.addi %scan3A_312, %scan3A_313 : i32
      %scan3A_315 = arith.constant 1 : i32
      scf.for %scan3A_623 = %scan3A_312 to %scan3A_314 step %scan3A_315  : i32 {
        %mul3A_624 = arith.constant 1 : i32
        %mul3A_625 = arith.muli %scan3A_623, %mul3A_624 : i32
        %add3A_626 = arith.constant 0 : i32
        %add3A_627 = arith.addi %add3A_626, %mul3A_625 : i32
        %get3A = arith.index_cast %add3A_627 : i32 to index
        %get3A_628 = arith.constant 0 : index
        %get3A_629 = tpu.vector_load %arg16[%get3A, %get3A_628] {strides = array<i32>} : memref<80x128xf32, #tpu.memory_space<vmem>>, vector<16xf32>,
        %get3A_630 = arith.index_cast %add3A_627 : i32 to index
        %get3A_631 = arith.constant 0 : index
        %get3A_632 = tpu.vector_load %arg18[%get3A_630, %get3A_631] {strides = array<i32>} : memref<80x128xf32, #tpu.memory_space<vmem>>, vector<16xf32>,
        %add3A_633 = arith.addf %get3A_629, %get3A_632 : vector<16xf32>
        %swap3A = arith.index_cast %add3A_627 : i32 to index
        %swap3A_634 = arith.constant 0 : index
        %swap3A_635 = tpu.vector_load %arg16[%swap3A, %swap3A_634] {strides = array<i32>} : memref<80x128xf32, #tpu.memory_space<vmem>>, vector<16xf32>,
        tpu.vector_store %arg16[%swap3A, %swap3A_634], %add3A_633 {strides = array<i32>} : memref<80x128xf32, #tpu.memory_space<vmem>>, vector<16xf32>,
        %get3A_636 = arith.index_cast %add3A_627 : i32 to index
        %get3A_637 = arith.constant 16 : index
        %get3A_638 = tpu.vector_load %arg16[%get3A_636, %get3A_637] {strides = array<i32>} : memref<80x128xf32, #tpu.memory_space<vmem>>, vector<16xf32>,
        %get3A_639 = arith.index_cast %add3A_627 : i32 to index
        %get3A_640 = arith.constant 16 : index
        %get3A_641 = tpu.vector_load %arg18[%get3A_639, %get3A_640] {strides = array<i32>} : memref<80x128xf32, #tpu.memory_space<vmem>>, vector<16xf32>,
        %add3A_642 = arith.addf %get3A_638, %get3A_641 : vector<16xf32>
        %swap3A_643 = arith.index_cast %add3A_627 : i32 to index
        %swap3A_644 = arith.constant 16 : index
        %swap3A_645 = tpu.vector_load %arg16[%swap3A_643, %swap3A_644] {strides = array<i32>} : memref<80x128xf32, #tpu.memory_space<vmem>>, vector<16xf32>,
        tpu.vector_store %arg16[%swap3A_643, %swap3A_644], %add3A_642 {strides = array<i32>} : memref<80x128xf32, #tpu.memory_space<vmem>>, vector<16xf32>,
        %get3A_646 = arith.index_cast %add3A_627 : i32 to index
        %get3A_647 = arith.constant 32 : index
        %get3A_648 = tpu.vector_load %arg16[%get3A_646, %get3A_647] {strides = array<i32>} : memref<80x128xf32, #tpu.memory_space<vmem>>, vector<16xf32>,
        %get3A_649 = arith.index_cast %add3A_627 : i32 to index
        %get3A_650 = arith.constant 32 : index
        %get3A_651 = tpu.vector_load %arg18[%get3A_649, %get3A_650] {strides = array<i32>} : memref<80x128xf32, #tpu.memory_space<vmem>>, vector<16xf32>,
        %add3A_652 = arith.addf %get3A_648, %get3A_651 : vector<16xf32>
        %swap3A_653 = arith.index_cast %add3A_627 : i32 to index
        %swap3A_654 = arith.constant 32 : index
        %swap3A_655 = tpu.vector_load %arg16[%swap3A_653, %swap3A_654] {strides = array<i32>} : memref<80x128xf32, #tpu.memory_space<vmem>>, vector<16xf32>,
        tpu.vector_store %arg16[%swap3A_653, %swap3A_654], %add3A_652 {strides = array<i32>} : memref<80x128xf32, #tpu.memory_space<vmem>>, vector<16xf32>,
        %get3A_656 = arith.index_cast %add3A_627 : i32 to index
        %get3A_657 = arith.constant 48 : index
        %get3A_658 = tpu.vector_load %arg16[%get3A_656, %get3A_657] {strides = array<i32>} : memref<80x128xf32, #tpu.memory_space<vmem>>, vector<16xf32>,
        %get3A_659 = arith.index_cast %add3A_627 : i32 to index
        %get3A_660 = arith.constant 48 : index
        %get3A_661 = tpu.vector_load %arg18[%get3A_659, %get3A_660] {strides = array<i32>} : memref<80x128xf32, #tpu.memory_space<vmem>>, vector<16xf32>,
        %add3A_662 = arith.addf %get3A_658, %get3A_661 : vector<16xf32>
        %swap3A_663 = arith.index_cast %add3A_627 : i32 to index
        %swap3A_664 = arith.constant 48 : index
        %swap3A_665 = tpu.vector_load %arg16[%swap3A_663, %swap3A_664] {strides = array<i32>} : memref<80x128xf32, #tpu.memory_space<vmem>>, vector<16xf32>,
        tpu.vector_store %arg16[%swap3A_663, %swap3A_664], %add3A_662 {strides = array<i32>} : memref<80x128xf32, #tpu.memory_space<vmem>>, vector<16xf32>,
        %get3A_666 = arith.index_cast %add3A_627 : i32 to index
        %get3A_667 = arith.constant 64 : index
        %get3A_668 = tpu.vector_load %arg16[%get3A_666, %get3A_667] {strides = array<i32>} : memref<80x128xf32, #tpu.memory_space<vmem>>, vector<16xf32>,
        %get3A_669 = arith.index_cast %add3A_627 : i32 to index
        %get3A_670 = arith.constant 64 : index
        %get3A_671 = tpu.vector_load %arg18[%get3A_669, %get3A_670] {strides = array<i32>} : memref<80x128xf32, #tpu.memory_space<vmem>>, vector<16xf32>,
        %add3A_672 = arith.addf %get3A_668, %get3A_671 : vector<16xf32>
        %swap3A_673 = arith.index_cast %add3A_627 : i32 to index
        %swap3A_674 = arith.constant 64 : index
        %swap3A_675 = tpu.vector_load %arg16[%swap3A_673, %swap3A_674] {strides = array<i32>} : memref<80x128xf32, #tpu.memory_space<vmem>>, vector<16xf32>,
        tpu.vector_store %arg16[%swap3A_673, %swap3A_674], %add3A_672 {strides = array<i32>} : memref<80x128xf32, #tpu.memory_space<vmem>>, vector<16xf32>,
        %get3A_676 = arith.index_cast %add3A_627 : i32 to index
        %get3A_677 = arith.constant 80 : index
        %get3A_678 = tpu.vector_load %arg16[%get3A_676, %get3A_677] {strides = array<i32>} : memref<80x128xf32, #tpu.memory_space<vmem>>, vector<16xf32>,
        %get3A_679 = arith.index_cast %add3A_627 : i32 to index
        %get3A_680 = arith.constant 80 : index
        %get3A_681 = tpu.vector_load %arg18[%get3A_679, %get3A_680] {strides = array<i32>} : memref<80x128xf32, #tpu.memory_space<vmem>>, vector<16xf32>,
        %add3A_682 = arith.addf %get3A_678, %get3A_681 : vector<16xf32>
        %swap3A_683 = arith.index_cast %add3A_627 : i32 to index
        %swap3A_684 = arith.constant 80 : index
        %swap3A_685 = tpu.vector_load %arg16[%swap3A_683, %swap3A_684] {strides = array<i32>} : memref<80x128xf32, #tpu.memory_space<vmem>>, vector<16xf32>,
        tpu.vector_store %arg16[%swap3A_683, %swap3A_684], %add3A_682 {strides = array<i32>} : memref<80x128xf32, #tpu.memory_space<vmem>>, vector<16xf32>,
        %get3A_686 = arith.index_cast %add3A_627 : i32 to index
        %get3A_687 = arith.constant 96 : index
        %get3A_688 = tpu.vector_load %arg16[%get3A_686, %get3A_687] {strides = array<i32>} : memref<80x128xf32, #tpu.memory_space<vmem>>, vector<16xf32>,
        %get3A_689 = arith.index_cast %add3A_627 : i32 to index
        %get3A_690 = arith.constant 96 : index
        %get3A_691 = tpu.vector_load %arg18[%get3A_689, %get3A_690] {strides = array<i32>} : memref<80x128xf32, #tpu.memory_space<vmem>>, vector<16xf32>,
        %add3A_692 = arith.addf %get3A_688, %get3A_691 : vector<16xf32>
        %swap3A_693 = arith.index_cast %add3A_627 : i32 to index
        %swap3A_694 = arith.constant 96 : index
        %swap3A_695 = tpu.vector_load %arg16[%swap3A_693, %swap3A_694] {strides = array<i32>} : memref<80x128xf32, #tpu.memory_space<vmem>>, vector<16xf32>,
        tpu.vector_store %arg16[%swap3A_693, %swap3A_694], %add3A_692 {strides = array<i32>} : memref<80x128xf32, #tpu.memory_space<vmem>>, vector<16xf32>,
        %get3A_696 = arith.index_cast %add3A_627 : i32 to index
        %get3A_697 = arith.constant 112 : index
        %get3A_698 = tpu.vector_load %arg16[%get3A_696, %get3A_697] {strides = array<i32>} : memref<80x128xf32, #tpu.memory_space<vmem>>, vector<16xf32>,
        %get3A_699 = arith.index_cast %add3A_627 : i32 to index
        %get3A_700 = arith.constant 112 : index
        %get3A_701 = tpu.vector_load %arg18[%get3A_699, %get3A_700] {strides = array<i32>} : memref<80x128xf32, #tpu.memory_space<vmem>>, vector<16xf32>,
        %add3A_702 = arith.addf %get3A_698, %get3A_701 : vector<16xf32>
        %swap3A_703 = arith.index_cast %add3A_627 : i32 to index
        %swap3A_704 = arith.constant 112 : index
        %swap3A_705 = tpu.vector_load %arg16[%swap3A_703, %swap3A_704] {strides = array<i32>} : memref<80x128xf32, #tpu.memory_space<vmem>>, vector<16xf32>,
        tpu.vector_store %arg16[%swap3A_703, %swap3A_704], %add3A_702 {strides = array<i32>} : memref<80x128xf32, #tpu.memory_space<vmem>>, vector<16xf32>,
      }
      %scan3A_316 = arith.constant 80 : i32
      %dma_wait3A_317 = arith.constant 3 : i32
      %dma_wait3A_318 = arith.constant 0 : i32
      %dma_wait3A_319 = tpu.memref_slice %arg15[%dma_wait3A_317, %dma_wait3A_318] : memref<20x80xi32, #tpu.memory_space<vmem>> -> memref<1x80xi32, #tpu.memory_space<vmem>>
      %dma_wait3A_320 = tpu.memref_squeeze %dma_wait3A_319 : memref<1x80xi32, #tpu.memory_space<vmem>> -> memref<80xi32, #tpu.memory_space<vmem>>
      %dma_wait3A_321 = arith.constant 0 : i32
      %dma_wait3A_322 = arith.constant 0 : i32
      %dma_wait3A_323 = tpu.memref_slice %arg9[%dma_wait3A_321, %dma_wait3A_322] : memref<723x128xf32, #tpu.memory_space<vmem_shared>> -> memref<723x128xf32, #tpu.memory_space<vmem_shared>>
      tpu.wait_indirect_dma semaphore(%arg27 : memref<!tpu.dma_semaphore, #tpu.memory_space<semaphore_mem>>) src(%dma_wait3A_323 : memref<723x128xf32, #tpu.memory_space<vmem_shared>>) dst(%arg19 : memref<80x128xf32, #tpu.memory_space<vmem>>)
      %scan3A_324 = arith.constant 0 : i32
      %scan3A_325 = arith.constant 80 : i32
      %scan3A_326 = arith.addi %scan3A_324, %scan3A_325 : i32
      %scan3A_327 = arith.constant 1 : i32
      scf.for %scan3A_623 = %scan3A_324 to %scan3A_326 step %scan3A_327  : i32 {
        %mul3A_624 = arith.constant 1 : i32
        %mul3A_625 = arith.muli %scan3A_623, %mul3A_624 : i32
        %add3A_626 = arith.constant 0 : i32
        %add3A_627 = arith.addi %add3A_626, %mul3A_625 : i32
        %get3A = arith.index_cast %add3A_627 : i32 to index
        %get3A_628 = arith.constant 0 : index
        %get3A_629 = tpu.vector_load %arg16[%get3A, %get3A_628] {strides = array<i32>} : memref<80x128xf32, #tpu.memory_space<vmem>>, vector<16xf32>,
        %get3A_630 = arith.index_cast %add3A_627 : i32 to index
        %get3A_631 = arith.constant 0 : index
        %get3A_632 = tpu.vector_load %arg19[%get3A_630, %get3A_631] {strides = array<i32>} : memref<80x128xf32, #tpu.memory_space<vmem>>, vector<16xf32>,
        %add3A_633 = arith.addf %get3A_629, %get3A_632 : vector<16xf32>
        %swap3A = arith.index_cast %add3A_627 : i32 to index
        %swap3A_634 = arith.constant 0 : index
        %swap3A_635 = tpu.vector_load %arg16[%swap3A, %swap3A_634] {strides = array<i32>} : memref<80x128xf32, #tpu.memory_space<vmem>>, vector<16xf32>,
        tpu.vector_store %arg16[%swap3A, %swap3A_634], %add3A_633 {strides = array<i32>} : memref<80x128xf32, #tpu.memory_space<vmem>>, vector<16xf32>,
        %get3A_636 = arith.index_cast %add3A_627 : i32 to index
        %get3A_637 = arith.constant 16 : index
        %get3A_638 = tpu.vector_load %arg16[%get3A_636, %get3A_637] {strides = array<i32>} : memref<80x128xf32, #tpu.memory_space<vmem>>, vector<16xf32>,
        %get3A_639 = arith.index_cast %add3A_627 : i32 to index
        %get3A_640 = arith.constant 16 : index
        %get3A_641 = tpu.vector_load %arg19[%get3A_639, %get3A_640] {strides = array<i32>} : memref<80x128xf32, #tpu.memory_space<vmem>>, vector<16xf32>,
        %add3A_642 = arith.addf %get3A_638, %get3A_641 : vector<16xf32>
        %swap3A_643 = arith.index_cast %add3A_627 : i32 to index
        %swap3A_644 = arith.constant 16 : index
        %swap3A_645 = tpu.vector_load %arg16[%swap3A_643, %swap3A_644] {strides = array<i32>} : memref<80x128xf32, #tpu.memory_space<vmem>>, vector<16xf32>,
        tpu.vector_store %arg16[%swap3A_643, %swap3A_644], %add3A_642 {strides = array<i32>} : memref<80x128xf32, #tpu.memory_space<vmem>>, vector<16xf32>,
        %get3A_646 = arith.index_cast %add3A_627 : i32 to index
        %get3A_647 = arith.constant 32 : index
        %get3A_648 = tpu.vector_load %arg16[%get3A_646, %get3A_647] {strides = array<i32>} : memref<80x128xf32, #tpu.memory_space<vmem>>, vector<16xf32>,
        %get3A_649 = arith.index_cast %add3A_627 : i32 to index
        %get3A_650 = arith.constant 32 : index
        %get3A_651 = tpu.vector_load %arg19[%get3A_649, %get3A_650] {strides = array<i32>} : memref<80x128xf32, #tpu.memory_space<vmem>>, vector<16xf32>,
        %add3A_652 = arith.addf %get3A_648, %get3A_651 : vector<16xf32>
        %swap3A_653 = arith.index_cast %add3A_627 : i32 to index
        %swap3A_654 = arith.constant 32 : index
        %swap3A_655 = tpu.vector_load %arg16[%swap3A_653, %swap3A_654] {strides = array<i32>} : memref<80x128xf32, #tpu.memory_space<vmem>>, vector<16xf32>,
        tpu.vector_store %arg16[%swap3A_653, %swap3A_654], %add3A_652 {strides = array<i32>} : memref<80x128xf32, #tpu.memory_space<vmem>>, vector<16xf32>,
        %get3A_656 = arith.index_cast %add3A_627 : i32 to index
        %get3A_657 = arith.constant 48 : index
        %get3A_658 = tpu.vector_load %arg16[%get3A_656, %get3A_657] {strides = array<i32>} : memref<80x128xf32, #tpu.memory_space<vmem>>, vector<16xf32>,
        %get3A_659 = arith.index_cast %add3A_627 : i32 to index
        %get3A_660 = arith.constant 48 : index
        %get3A_661 = tpu.vector_load %arg19[%get3A_659, %get3A_660] {strides = array<i32>} : memref<80x128xf32, #tpu.memory_space<vmem>>, vector<16xf32>,
        %add3A_662 = arith.addf %get3A_658, %get3A_661 : vector<16xf32>
        %swap3A_663 = arith.index_cast %add3A_627 : i32 to index
        %swap3A_664 = arith.constant 48 : index
        %swap3A_665 = tpu.vector_load %arg16[%swap3A_663, %swap3A_664] {strides = array<i32>} : memref<80x128xf32, #tpu.memory_space<vmem>>, vector<16xf32>,
        tpu.vector_store %arg16[%swap3A_663, %swap3A_664], %add3A_662 {strides = array<i32>} : memref<80x128xf32, #tpu.memory_space<vmem>>, vector<16xf32>,
        %get3A_666 = arith.index_cast %add3A_627 : i32 to index
        %get3A_667 = arith.constant 64 : index
        %get3A_668 = tpu.vector_load %arg16[%get3A_666, %get3A_667] {strides = array<i32>} : memref<80x128xf32, #tpu.memory_space<vmem>>, vector<16xf32>,
        %get3A_669 = arith.index_cast %add3A_627 : i32 to index
        %get3A_670 = arith.constant 64 : index
        %get3A_671 = tpu.vector_load %arg19[%get3A_669, %get3A_670] {strides = array<i32>} : memref<80x128xf32, #tpu.memory_space<vmem>>, vector<16xf32>,
        %add3A_672 = arith.addf %get3A_668, %get3A_671 : vector<16xf32>
        %swap3A_673 = arith.index_cast %add3A_627 : i32 to index
        %swap3A_674 = arith.constant 64 : index
        %swap3A_675 = tpu.vector_load %arg16[%swap3A_673, %swap3A_674] {strides = array<i32>} : memref<80x128xf32, #tpu.memory_space<vmem>>, vector<16xf32>,
        tpu.vector_store %arg16[%swap3A_673, %swap3A_674], %add3A_672 {strides = array<i32>} : memref<80x128xf32, #tpu.memory_space<vmem>>, vector<16xf32>,
        %get3A_676 = arith.index_cast %add3A_627 : i32 to index
        %get3A_677 = arith.constant 80 : index
        %get3A_678 = tpu.vector_load %arg16[%get3A_676, %get3A_677] {strides = array<i32>} : memref<80x128xf32, #tpu.memory_space<vmem>>, vector<16xf32>,
        %get3A_679 = arith.index_cast %add3A_627 : i32 to index
        %get3A_680 = arith.constant 80 : index
        %get3A_681 = tpu.vector_load %arg19[%get3A_679, %get3A_680] {strides = array<i32>} : memref<80x128xf32, #tpu.memory_space<vmem>>, vector<16xf32>,
        %add3A_682 = arith.addf %get3A_678, %get3A_681 : vector<16xf32>
        %swap3A_683 = arith.index_cast %add3A_627 : i32 to index
        %swap3A_684 = arith.constant 80 : index
        %swap3A_685 = tpu.vector_load %arg16[%swap3A_683, %swap3A_684] {strides = array<i32>} : memref<80x128xf32, #tpu.memory_space<vmem>>, vector<16xf32>,
        tpu.vector_store %arg16[%swap3A_683, %swap3A_684], %add3A_682 {strides = array<i32>} : memref<80x128xf32, #tpu.memory_space<vmem>>, vector<16xf32>,
        %get3A_686 = arith.index_cast %add3A_627 : i32 to index
        %get3A_687 = arith.constant 96 : index
        %get3A_688 = tpu.vector_load %arg16[%get3A_686, %get3A_687] {strides = array<i32>} : memref<80x128xf32, #tpu.memory_space<vmem>>, vector<16xf32>,
        %get3A_689 = arith.index_cast %add3A_627 : i32 to index
        %get3A_690 = arith.constant 96 : index
        %get3A_691 = tpu.vector_load %arg19[%get3A_689, %get3A_690] {strides = array<i32>} : memref<80x128xf32, #tpu.memory_space<vmem>>, vector<16xf32>,
        %add3A_692 = arith.addf %get3A_688, %get3A_691 : vector<16xf32>
        %swap3A_693 = arith.index_cast %add3A_627 : i32 to index
        %swap3A_694 = arith.constant 96 : index
        %swap3A_695 = tpu.vector_load %arg16[%swap3A_693, %swap3A_694] {strides = array<i32>} : memref<80x128xf32, #tpu.memory_space<vmem>>, vector<16xf32>,
        tpu.vector_store %arg16[%swap3A_693, %swap3A_694], %add3A_692 {strides = array<i32>} : memref<80x128xf32, #tpu.memory_space<vmem>>, vector<16xf32>,
        %get3A_696 = arith.index_cast %add3A_627 : i32 to index
        %get3A_697 = arith.constant 112 : index
        %get3A_698 = tpu.vector_load %arg16[%get3A_696, %get3A_697] {strides = array<i32>} : memref<80x128xf32, #tpu.memory_space<vmem>>, vector<16xf32>,
        %get3A_699 = arith.index_cast %add3A_627 : i32 to index
        %get3A_700 = arith.constant 112 : index
        %get3A_701 = tpu.vector_load %arg19[%get3A_699, %get3A_700] {strides = array<i32>} : memref<80x128xf32, #tpu.memory_space<vmem>>, vector<16xf32>,
        %add3A_702 = arith.addf %get3A_698, %get3A_701 : vector<16xf32>
        %swap3A_703 = arith.index_cast %add3A_627 : i32 to index
        %swap3A_704 = arith.constant 112 : index
        %swap3A_705 = tpu.vector_load %arg16[%swap3A_703, %swap3A_704] {strides = array<i32>} : memref<80x128xf32, #tpu.memory_space<vmem>>, vector<16xf32>,
        tpu.vector_store %arg16[%swap3A_703, %swap3A_704], %add3A_702 {strides = array<i32>} : memref<80x128xf32, #tpu.memory_space<vmem>>, vector<16xf32>,
      }
      %scan3A_328 = arith.constant 80 : i32
      %add3A_329 = arith.constant 0 : i32
      %add3A_330 = arith.addi %mul3A_234, %add3A_329 : i32
      "tpu.region"() ({
        %run_scoped3A = tpu.sem_alloc : memref<!tpu.dma_semaphore, #tpu.memory_space<semaphore_mem>>
        %dma_start3A_623 = arith.constant 0 : i32
        %dma_start3A_624 = tpu.memref_slice %arg6[%add3A_330, %dma_start3A_623] : memref<10000x128xf32, #tpu.memory_space<hbm>> -> memref<80x128xf32, #tpu.memory_space<hbm>>
        %dma_start3A_625 = arith.constant 0 : i32
        %dma_start3A_626 = tpu.memref_slice %arg6[%add3A_330, %dma_start3A_625] : memref<10000x128xf32, #tpu.memory_space<hbm>> -> memref<80x128xf32, #tpu.memory_space<hbm>>
        tpu.enqueue_dma source(%arg16 : memref<80x128xf32, #tpu.memory_space<vmem>>) target(%dma_start3A_626 : memref<80x128xf32, #tpu.memory_space<hbm>>) target_semaphore(%run_scoped3A : memref<!tpu.dma_semaphore, #tpu.memory_space<semaphore_mem>>)
        %dma_wait3A_627 = arith.constant 0 : i32
        %dma_wait3A_628 = tpu.memref_slice %arg6[%add3A_330, %dma_wait3A_627] : memref<10000x128xf32, #tpu.memory_space<hbm>> -> memref<80x128xf32, #tpu.memory_space<hbm>>
        %dma_wait3A_629 = arith.constant 0 : i32
        %dma_wait3A_630 = tpu.memref_slice %arg6[%add3A_330, %dma_wait3A_629] : memref<10000x128xf32, #tpu.memory_space<hbm>> -> memref<80x128xf32, #tpu.memory_space<hbm>>
        tpu.wait_dma2 semaphore(%run_scoped3A : memref<!tpu.dma_semaphore, #tpu.memory_space<semaphore_mem>>) src(%arg16 : memref<80x128xf32, #tpu.memory_space<vmem>>) dst(%dma_wait3A_630 : memref<80x128xf32, #tpu.memory_space<hbm>>)
        tpu.yield
      }) : () -> ()
      %dma_start3A_331 = arith.constant 4 : i32
      %dma_start3A_332 = arith.constant 0 : i32
      %dma_start3A_333 = tpu.memref_slice %arg15[%dma_start3A_331, %dma_start3A_332] : memref<20x80xi32, #tpu.memory_space<vmem>> -> memref<1x80xi32, #tpu.memory_space<vmem>>
      %dma_start3A_334 = tpu.memref_squeeze %dma_start3A_333 : memref<1x80xi32, #tpu.memory_space<vmem>> -> memref<80xi32, #tpu.memory_space<vmem>>
      %dma_start3A_335 = arith.constant 0 : i32
      %dma_start3A_336 = arith.constant 0 : i32
      %dma_start3A_337 = tpu.memref_slice %arg9[%dma_start3A_335, %dma_start3A_336] : memref<723x128xf32, #tpu.memory_space<vmem_shared>> -> memref<723x128xf32, #tpu.memory_space<vmem_shared>>
      tpu.enqueue_indirect_dma source(%dma_start3A_337 : memref<723x128xf32, #tpu.memory_space<vmem_shared>>) target(%arg16 : memref<80x128xf32, #tpu.memory_space<vmem>>) offsets(%dma_start3A_334 : memref<80xi32, #tpu.memory_space<vmem>>) semaphore(%arg24 : memref<!tpu.dma_semaphore, #tpu.memory_space<semaphore_mem>>)
      %dma_start3A_338 = arith.constant 5 : i32
      %dma_start3A_339 = arith.constant 0 : i32
      %dma_start3A_340 = tpu.memref_slice %arg15[%dma_start3A_338, %dma_start3A_339] : memref<20x80xi32, #tpu.memory_space<vmem>> -> memref<1x80xi32, #tpu.memory_space<vmem>>
      %dma_start3A_341 = tpu.memref_squeeze %dma_start3A_340 : memref<1x80xi32, #tpu.memory_space<vmem>> -> memref<80xi32, #tpu.memory_space<vmem>>
      %dma_start3A_342 = arith.constant 0 : i32
      %dma_start3A_343 = arith.constant 0 : i32
      %dma_start3A_344 = tpu.memref_slice %arg9[%dma_start3A_342, %dma_start3A_343] : memref<723x128xf32, #tpu.memory_space<vmem_shared>> -> memref<723x128xf32, #tpu.memory_space<vmem_shared>>
      tpu.enqueue_indirect_dma source(%dma_start3A_344 : memref<723x128xf32, #tpu.memory_space<vmem_shared>>) target(%arg17 : memref<80x128xf32, #tpu.memory_space<vmem>>) offsets(%dma_start3A_341 : memref<80xi32, #tpu.memory_space<vmem>>) semaphore(%arg25 : memref<!tpu.dma_semaphore, #tpu.memory_space<semaphore_mem>>)
      %dma_start3A_345 = arith.constant 6 : i32
      %dma_start3A_346 = arith.constant 0 : i32
      %dma_start3A_347 = tpu.memref_slice %arg15[%dma_start3A_345, %dma_start3A_346] : memref<20x80xi32, #tpu.memory_space<vmem>> -> memref<1x80xi32, #tpu.memory_space<vmem>>
      %dma_start3A_348 = tpu.memref_squeeze %dma_start3A_347 : memref<1x80xi32, #tpu.memory_space<vmem>> -> memref<80xi32, #tpu.memory_space<vmem>>
      %dma_start3A_349 = arith.constant 0 : i32
      %dma_start3A_350 = arith.constant 0 : i32
      %dma_start3A_351 = tpu.memref_slice %arg9[%dma_start3A_349, %dma_start3A_350] : memref<723x128xf32, #tpu.memory_space<vmem_shared>> -> memref<723x128xf32, #tpu.memory_space<vmem_shared>>
      tpu.enqueue_indirect_dma source(%dma_start3A_351 : memref<723x128xf32, #tpu.memory_space<vmem_shared>>) target(%arg18 : memref<80x128xf32, #tpu.memory_space<vmem>>) offsets(%dma_start3A_348 : memref<80xi32, #tpu.memory_space<vmem>>) semaphore(%arg26 : memref<!tpu.dma_semaphore, #tpu.memory_space<semaphore_mem>>)
      %dma_start3A_352 = arith.constant 7 : i32
      %dma_start3A_353 = arith.constant 0 : i32
      %dma_start3A_354 = tpu.memref_slice %arg15[%dma_start3A_352, %dma_start3A_353] : memref<20x80xi32, #tpu.memory_space<vmem>> -> memref<1x80xi32, #tpu.memory_space<vmem>>
      %dma_start3A_355 = tpu.memref_squeeze %dma_start3A_354 : memref<1x80xi32, #tpu.memory_space<vmem>> -> memref<80xi32, #tpu.memory_space<vmem>>
      %dma_start3A_356 = arith.constant 0 : i32
      %dma_start3A_357 = arith.constant 0 : i32
      %dma_start3A_358 = tpu.memref_slice %arg9[%dma_start3A_356, %dma_start3A_357] : memref<723x128xf32, #tpu.memory_space<vmem_shared>> -> memref<723x128xf32, #tpu.memory_space<vmem_shared>>
      tpu.enqueue_indirect_dma source(%dma_start3A_358 : memref<723x128xf32, #tpu.memory_space<vmem_shared>>) target(%arg19 : memref<80x128xf32, #tpu.memory_space<vmem>>) offsets(%dma_start3A_355 : memref<80xi32, #tpu.memory_space<vmem>>) semaphore(%arg27 : memref<!tpu.dma_semaphore, #tpu.memory_space<semaphore_mem>>)
      %dma_wait3A_359 = arith.constant 4 : i32
      %dma_wait3A_360 = arith.constant 0 : i32
      %dma_wait3A_361 = tpu.memref_slice %arg15[%dma_wait3A_359, %dma_wait3A_360] : memref<20x80xi32, #tpu.memory_space<vmem>> -> memref<1x80xi32, #tpu.memory_space<vmem>>
      %dma_wait3A_362 = tpu.memref_squeeze %dma_wait3A_361 : memref<1x80xi32, #tpu.memory_space<vmem>> -> memref<80xi32, #tpu.memory_space<vmem>>
      %dma_wait3A_363 = arith.constant 0 : i32
      %dma_wait3A_364 = arith.constant 0 : i32
      %dma_wait3A_365 = tpu.memref_slice %arg9[%dma_wait3A_363, %dma_wait3A_364] : memref<723x128xf32, #tpu.memory_space<vmem_shared>> -> memref<723x128xf32, #tpu.memory_space<vmem_shared>>
      tpu.wait_indirect_dma semaphore(%arg24 : memref<!tpu.dma_semaphore, #tpu.memory_space<semaphore_mem>>) src(%dma_wait3A_365 : memref<723x128xf32, #tpu.memory_space<vmem_shared>>) dst(%arg16 : memref<80x128xf32, #tpu.memory_space<vmem>>)
      %dma_wait3A_366 = arith.constant 5 : i32
      %dma_wait3A_367 = arith.constant 0 : i32
      %dma_wait3A_368 = tpu.memref_slice %arg15[%dma_wait3A_366, %dma_wait3A_367] : memref<20x80xi32, #tpu.memory_space<vmem>> -> memref<1x80xi32, #tpu.memory_space<vmem>>
      %dma_wait3A_369 = tpu.memref_squeeze %dma_wait3A_368 : memref<1x80xi32, #tpu.memory_space<vmem>> -> memref<80xi32, #tpu.memory_space<vmem>>
      %dma_wait3A_370 = arith.constant 0 : i32
      %dma_wait3A_371 = arith.constant 0 : i32
      %dma_wait3A_372 = tpu.memref_slice %arg9[%dma_wait3A_370, %dma_wait3A_371] : memref<723x128xf32, #tpu.memory_space<vmem_shared>> -> memref<723x128xf32, #tpu.memory_space<vmem_shared>>
      tpu.wait_indirect_dma semaphore(%arg25 : memref<!tpu.dma_semaphore, #tpu.memory_space<semaphore_mem>>) src(%dma_wait3A_372 : memref<723x128xf32, #tpu.memory_space<vmem_shared>>) dst(%arg17 : memref<80x128xf32, #tpu.memory_space<vmem>>)
      %scan3A_373 = arith.constant 0 : i32
      %scan3A_374 = arith.constant 80 : i32
      %scan3A_375 = arith.addi %scan3A_373, %scan3A_374 : i32
      %scan3A_376 = arith.constant 1 : i32
      scf.for %scan3A_623 = %scan3A_373 to %scan3A_375 step %scan3A_376  : i32 {
        %mul3A_624 = arith.constant 1 : i32
        %mul3A_625 = arith.muli %scan3A_623, %mul3A_624 : i32
        %add3A_626 = arith.constant 0 : i32
        %add3A_627 = arith.addi %add3A_626, %mul3A_625 : i32
        %get3A = arith.index_cast %add3A_627 : i32 to index
        %get3A_628 = arith.constant 0 : index
        %get3A_629 = tpu.vector_load %arg16[%get3A, %get3A_628] {strides = array<i32>} : memref<80x128xf32, #tpu.memory_space<vmem>>, vector<16xf32>,
        %get3A_630 = arith.index_cast %add3A_627 : i32 to index
        %get3A_631 = arith.constant 0 : index
        %get3A_632 = tpu.vector_load %arg17[%get3A_630, %get3A_631] {strides = array<i32>} : memref<80x128xf32, #tpu.memory_space<vmem>>, vector<16xf32>,
        %add3A_633 = arith.addf %get3A_629, %get3A_632 : vector<16xf32>
        %swap3A = arith.index_cast %add3A_627 : i32 to index
        %swap3A_634 = arith.constant 0 : index
        %swap3A_635 = tpu.vector_load %arg16[%swap3A, %swap3A_634] {strides = array<i32>} : memref<80x128xf32, #tpu.memory_space<vmem>>, vector<16xf32>,
        tpu.vector_store %arg16[%swap3A, %swap3A_634], %add3A_633 {strides = array<i32>} : memref<80x128xf32, #tpu.memory_space<vmem>>, vector<16xf32>,
        %get3A_636 = arith.index_cast %add3A_627 : i32 to index
        %get3A_637 = arith.constant 16 : index
        %get3A_638 = tpu.vector_load %arg16[%get3A_636, %get3A_637] {strides = array<i32>} : memref<80x128xf32, #tpu.memory_space<vmem>>, vector<16xf32>,
        %get3A_639 = arith.index_cast %add3A_627 : i32 to index
        %get3A_640 = arith.constant 16 : index
        %get3A_641 = tpu.vector_load %arg17[%get3A_639, %get3A_640] {strides = array<i32>} : memref<80x128xf32, #tpu.memory_space<vmem>>, vector<16xf32>,
        %add3A_642 = arith.addf %get3A_638, %get3A_641 : vector<16xf32>
        %swap3A_643 = arith.index_cast %add3A_627 : i32 to index
        %swap3A_644 = arith.constant 16 : index
        %swap3A_645 = tpu.vector_load %arg16[%swap3A_643, %swap3A_644] {strides = array<i32>} : memref<80x128xf32, #tpu.memory_space<vmem>>, vector<16xf32>,
        tpu.vector_store %arg16[%swap3A_643, %swap3A_644], %add3A_642 {strides = array<i32>} : memref<80x128xf32, #tpu.memory_space<vmem>>, vector<16xf32>,
        %get3A_646 = arith.index_cast %add3A_627 : i32 to index
        %get3A_647 = arith.constant 32 : index
        %get3A_648 = tpu.vector_load %arg16[%get3A_646, %get3A_647] {strides = array<i32>} : memref<80x128xf32, #tpu.memory_space<vmem>>, vector<16xf32>,
        %get3A_649 = arith.index_cast %add3A_627 : i32 to index
        %get3A_650 = arith.constant 32 : index
        %get3A_651 = tpu.vector_load %arg17[%get3A_649, %get3A_650] {strides = array<i32>} : memref<80x128xf32, #tpu.memory_space<vmem>>, vector<16xf32>,
        %add3A_652 = arith.addf %get3A_648, %get3A_651 : vector<16xf32>
        %swap3A_653 = arith.index_cast %add3A_627 : i32 to index
        %swap3A_654 = arith.constant 32 : index
        %swap3A_655 = tpu.vector_load %arg16[%swap3A_653, %swap3A_654] {strides = array<i32>} : memref<80x128xf32, #tpu.memory_space<vmem>>, vector<16xf32>,
        tpu.vector_store %arg16[%swap3A_653, %swap3A_654], %add3A_652 {strides = array<i32>} : memref<80x128xf32, #tpu.memory_space<vmem>>, vector<16xf32>,
        %get3A_656 = arith.index_cast %add3A_627 : i32 to index
        %get3A_657 = arith.constant 48 : index
        %get3A_658 = tpu.vector_load %arg16[%get3A_656, %get3A_657] {strides = array<i32>} : memref<80x128xf32, #tpu.memory_space<vmem>>, vector<16xf32>,
        %get3A_659 = arith.index_cast %add3A_627 : i32 to index
        %get3A_660 = arith.constant 48 : index
        %get3A_661 = tpu.vector_load %arg17[%get3A_659, %get3A_660] {strides = array<i32>} : memref<80x128xf32, #tpu.memory_space<vmem>>, vector<16xf32>,
        %add3A_662 = arith.addf %get3A_658, %get3A_661 : vector<16xf32>
        %swap3A_663 = arith.index_cast %add3A_627 : i32 to index
        %swap3A_664 = arith.constant 48 : index
        %swap3A_665 = tpu.vector_load %arg16[%swap3A_663, %swap3A_664] {strides = array<i32>} : memref<80x128xf32, #tpu.memory_space<vmem>>, vector<16xf32>,
        tpu.vector_store %arg16[%swap3A_663, %swap3A_664], %add3A_662 {strides = array<i32>} : memref<80x128xf32, #tpu.memory_space<vmem>>, vector<16xf32>,
        %get3A_666 = arith.index_cast %add3A_627 : i32 to index
        %get3A_667 = arith.constant 64 : index
        %get3A_668 = tpu.vector_load %arg16[%get3A_666, %get3A_667] {strides = array<i32>} : memref<80x128xf32, #tpu.memory_space<vmem>>, vector<16xf32>,
        %get3A_669 = arith.index_cast %add3A_627 : i32 to index
        %get3A_670 = arith.constant 64 : index
        %get3A_671 = tpu.vector_load %arg17[%get3A_669, %get3A_670] {strides = array<i32>} : memref<80x128xf32, #tpu.memory_space<vmem>>, vector<16xf32>,
        %add3A_672 = arith.addf %get3A_668, %get3A_671 : vector<16xf32>
        %swap3A_673 = arith.index_cast %add3A_627 : i32 to index
        %swap3A_674 = arith.constant 64 : index
        %swap3A_675 = tpu.vector_load %arg16[%swap3A_673, %swap3A_674] {strides = array<i32>} : memref<80x128xf32, #tpu.memory_space<vmem>>, vector<16xf32>,
        tpu.vector_store %arg16[%swap3A_673, %swap3A_674], %add3A_672 {strides = array<i32>} : memref<80x128xf32, #tpu.memory_space<vmem>>, vector<16xf32>,
        %get3A_676 = arith.index_cast %add3A_627 : i32 to index
        %get3A_677 = arith.constant 80 : index
        %get3A_678 = tpu.vector_load %arg16[%get3A_676, %get3A_677] {strides = array<i32>} : memref<80x128xf32, #tpu.memory_space<vmem>>, vector<16xf32>,
        %get3A_679 = arith.index_cast %add3A_627 : i32 to index
        %get3A_680 = arith.constant 80 : index
        %get3A_681 = tpu.vector_load %arg17[%get3A_679, %get3A_680] {strides = array<i32>} : memref<80x128xf32, #tpu.memory_space<vmem>>, vector<16xf32>,
        %add3A_682 = arith.addf %get3A_678, %get3A_681 : vector<16xf32>
        %swap3A_683 = arith.index_cast %add3A_627 : i32 to index
        %swap3A_684 = arith.constant 80 : index
        %swap3A_685 = tpu.vector_load %arg16[%swap3A_683, %swap3A_684] {strides = array<i32>} : memref<80x128xf32, #tpu.memory_space<vmem>>, vector<16xf32>,
        tpu.vector_store %arg16[%swap3A_683, %swap3A_684], %add3A_682 {strides = array<i32>} : memref<80x128xf32, #tpu.memory_space<vmem>>, vector<16xf32>,
        %get3A_686 = arith.index_cast %add3A_627 : i32 to index
        %get3A_687 = arith.constant 96 : index
        %get3A_688 = tpu.vector_load %arg16[%get3A_686, %get3A_687] {strides = array<i32>} : memref<80x128xf32, #tpu.memory_space<vmem>>, vector<16xf32>,
        %get3A_689 = arith.index_cast %add3A_627 : i32 to index
        %get3A_690 = arith.constant 96 : index
        %get3A_691 = tpu.vector_load %arg17[%get3A_689, %get3A_690] {strides = array<i32>} : memref<80x128xf32, #tpu.memory_space<vmem>>, vector<16xf32>,
        %add3A_692 = arith.addf %get3A_688, %get3A_691 : vector<16xf32>
        %swap3A_693 = arith.index_cast %add3A_627 : i32 to index
        %swap3A_694 = arith.constant 96 : index
        %swap3A_695 = tpu.vector_load %arg16[%swap3A_693, %swap3A_694] {strides = array<i32>} : memref<80x128xf32, #tpu.memory_space<vmem>>, vector<16xf32>,
        tpu.vector_store %arg16[%swap3A_693, %swap3A_694], %add3A_692 {strides = array<i32>} : memref<80x128xf32, #tpu.memory_space<vmem>>, vector<16xf32>,
        %get3A_696 = arith.index_cast %add3A_627 : i32 to index
        %get3A_697 = arith.constant 112 : index
        %get3A_698 = tpu.vector_load %arg16[%get3A_696, %get3A_697] {strides = array<i32>} : memref<80x128xf32, #tpu.memory_space<vmem>>, vector<16xf32>,
        %get3A_699 = arith.index_cast %add3A_627 : i32 to index
        %get3A_700 = arith.constant 112 : index
        %get3A_701 = tpu.vector_load %arg17[%get3A_699, %get3A_700] {strides = array<i32>} : memref<80x128xf32, #tpu.memory_space<vmem>>, vector<16xf32>,
        %add3A_702 = arith.addf %get3A_698, %get3A_701 : vector<16xf32>
        %swap3A_703 = arith.index_cast %add3A_627 : i32 to index
        %swap3A_704 = arith.constant 112 : index
        %swap3A_705 = tpu.vector_load %arg16[%swap3A_703, %swap3A_704] {strides = array<i32>} : memref<80x128xf32, #tpu.memory_space<vmem>>, vector<16xf32>,
        tpu.vector_store %arg16[%swap3A_703, %swap3A_704], %add3A_702 {strides = array<i32>} : memref<80x128xf32, #tpu.memory_space<vmem>>, vector<16xf32>,
      }
      %scan3A_377 = arith.constant 80 : i32
      %dma_wait3A_378 = arith.constant 6 : i32
      %dma_wait3A_379 = arith.constant 0 : i32
      %dma_wait3A_380 = tpu.memref_slice %arg15[%dma_wait3A_378, %dma_wait3A_379] : memref<20x80xi32, #tpu.memory_space<vmem>> -> memref<1x80xi32, #tpu.memory_space<vmem>>
      %dma_wait3A_381 = tpu.memref_squeeze %dma_wait3A_380 : memref<1x80xi32, #tpu.memory_space<vmem>> -> memref<80xi32, #tpu.memory_space<vmem>>
      %dma_wait3A_382 = arith.constant 0 : i32
      %dma_wait3A_383 = arith.constant 0 : i32
      %dma_wait3A_384 = tpu.memref_slice %arg9[%dma_wait3A_382, %dma_wait3A_383] : memref<723x128xf32, #tpu.memory_space<vmem_shared>> -> memref<723x128xf32, #tpu.memory_space<vmem_shared>>
      tpu.wait_indirect_dma semaphore(%arg26 : memref<!tpu.dma_semaphore, #tpu.memory_space<semaphore_mem>>) src(%dma_wait3A_384 : memref<723x128xf32, #tpu.memory_space<vmem_shared>>) dst(%arg18 : memref<80x128xf32, #tpu.memory_space<vmem>>)
      %scan3A_385 = arith.constant 0 : i32
      %scan3A_386 = arith.constant 80 : i32
      %scan3A_387 = arith.addi %scan3A_385, %scan3A_386 : i32
      %scan3A_388 = arith.constant 1 : i32
      scf.for %scan3A_623 = %scan3A_385 to %scan3A_387 step %scan3A_388  : i32 {
        %mul3A_624 = arith.constant 1 : i32
        %mul3A_625 = arith.muli %scan3A_623, %mul3A_624 : i32
        %add3A_626 = arith.constant 0 : i32
        %add3A_627 = arith.addi %add3A_626, %mul3A_625 : i32
        %get3A = arith.index_cast %add3A_627 : i32 to index
        %get3A_628 = arith.constant 0 : index
        %get3A_629 = tpu.vector_load %arg16[%get3A, %get3A_628] {strides = array<i32>} : memref<80x128xf32, #tpu.memory_space<vmem>>, vector<16xf32>,
        %get3A_630 = arith.index_cast %add3A_627 : i32 to index
        %get3A_631 = arith.constant 0 : index
        %get3A_632 = tpu.vector_load %arg18[%get3A_630, %get3A_631] {strides = array<i32>} : memref<80x128xf32, #tpu.memory_space<vmem>>, vector<16xf32>,
        %add3A_633 = arith.addf %get3A_629, %get3A_632 : vector<16xf32>
        %swap3A = arith.index_cast %add3A_627 : i32 to index
        %swap3A_634 = arith.constant 0 : index
        %swap3A_635 = tpu.vector_load %arg16[%swap3A, %swap3A_634] {strides = array<i32>} : memref<80x128xf32, #tpu.memory_space<vmem>>, vector<16xf32>,
        tpu.vector_store %arg16[%swap3A, %swap3A_634], %add3A_633 {strides = array<i32>} : memref<80x128xf32, #tpu.memory_space<vmem>>, vector<16xf32>,
        %get3A_636 = arith.index_cast %add3A_627 : i32 to index
        %get3A_637 = arith.constant 16 : index
        %get3A_638 = tpu.vector_load %arg16[%get3A_636, %get3A_637] {strides = array<i32>} : memref<80x128xf32, #tpu.memory_space<vmem>>, vector<16xf32>,
        %get3A_639 = arith.index_cast %add3A_627 : i32 to index
        %get3A_640 = arith.constant 16 : index
        %get3A_641 = tpu.vector_load %arg18[%get3A_639, %get3A_640] {strides = array<i32>} : memref<80x128xf32, #tpu.memory_space<vmem>>, vector<16xf32>,
        %add3A_642 = arith.addf %get3A_638, %get3A_641 : vector<16xf32>
        %swap3A_643 = arith.index_cast %add3A_627 : i32 to index
        %swap3A_644 = arith.constant 16 : index
        %swap3A_645 = tpu.vector_load %arg16[%swap3A_643, %swap3A_644] {strides = array<i32>} : memref<80x128xf32, #tpu.memory_space<vmem>>, vector<16xf32>,
        tpu.vector_store %arg16[%swap3A_643, %swap3A_644], %add3A_642 {strides = array<i32>} : memref<80x128xf32, #tpu.memory_space<vmem>>, vector<16xf32>,
        %get3A_646 = arith.index_cast %add3A_627 : i32 to index
        %get3A_647 = arith.constant 32 : index
        %get3A_648 = tpu.vector_load %arg16[%get3A_646, %get3A_647] {strides = array<i32>} : memref<80x128xf32, #tpu.memory_space<vmem>>, vector<16xf32>,
        %get3A_649 = arith.index_cast %add3A_627 : i32 to index
        %get3A_650 = arith.constant 32 : index
        %get3A_651 = tpu.vector_load %arg18[%get3A_649, %get3A_650] {strides = array<i32>} : memref<80x128xf32, #tpu.memory_space<vmem>>, vector<16xf32>,
        %add3A_652 = arith.addf %get3A_648, %get3A_651 : vector<16xf32>
        %swap3A_653 = arith.index_cast %add3A_627 : i32 to index
        %swap3A_654 = arith.constant 32 : index
        %swap3A_655 = tpu.vector_load %arg16[%swap3A_653, %swap3A_654] {strides = array<i32>} : memref<80x128xf32, #tpu.memory_space<vmem>>, vector<16xf32>,
        tpu.vector_store %arg16[%swap3A_653, %swap3A_654], %add3A_652 {strides = array<i32>} : memref<80x128xf32, #tpu.memory_space<vmem>>, vector<16xf32>,
        %get3A_656 = arith.index_cast %add3A_627 : i32 to index
        %get3A_657 = arith.constant 48 : index
        %get3A_658 = tpu.vector_load %arg16[%get3A_656, %get3A_657] {strides = array<i32>} : memref<80x128xf32, #tpu.memory_space<vmem>>, vector<16xf32>,
        %get3A_659 = arith.index_cast %add3A_627 : i32 to index
        %get3A_660 = arith.constant 48 : index
        %get3A_661 = tpu.vector_load %arg18[%get3A_659, %get3A_660] {strides = array<i32>} : memref<80x128xf32, #tpu.memory_space<vmem>>, vector<16xf32>,
        %add3A_662 = arith.addf %get3A_658, %get3A_661 : vector<16xf32>
        %swap3A_663 = arith.index_cast %add3A_627 : i32 to index
        %swap3A_664 = arith.constant 48 : index
        %swap3A_665 = tpu.vector_load %arg16[%swap3A_663, %swap3A_664] {strides = array<i32>} : memref<80x128xf32, #tpu.memory_space<vmem>>, vector<16xf32>,
        tpu.vector_store %arg16[%swap3A_663, %swap3A_664], %add3A_662 {strides = array<i32>} : memref<80x128xf32, #tpu.memory_space<vmem>>, vector<16xf32>,
        %get3A_666 = arith.index_cast %add3A_627 : i32 to index
        %get3A_667 = arith.constant 64 : index
        %get3A_668 = tpu.vector_load %arg16[%get3A_666, %get3A_667] {strides = array<i32>} : memref<80x128xf32, #tpu.memory_space<vmem>>, vector<16xf32>,
        %get3A_669 = arith.index_cast %add3A_627 : i32 to index
        %get3A_670 = arith.constant 64 : index
        %get3A_671 = tpu.vector_load %arg18[%get3A_669, %get3A_670] {strides = array<i32>} : memref<80x128xf32, #tpu.memory_space<vmem>>, vector<16xf32>,
        %add3A_672 = arith.addf %get3A_668, %get3A_671 : vector<16xf32>
        %swap3A_673 = arith.index_cast %add3A_627 : i32 to index
        %swap3A_674 = arith.constant 64 : index
        %swap3A_675 = tpu.vector_load %arg16[%swap3A_673, %swap3A_674] {strides = array<i32>} : memref<80x128xf32, #tpu.memory_space<vmem>>, vector<16xf32>,
        tpu.vector_store %arg16[%swap3A_673, %swap3A_674], %add3A_672 {strides = array<i32>} : memref<80x128xf32, #tpu.memory_space<vmem>>, vector<16xf32>,
        %get3A_676 = arith.index_cast %add3A_627 : i32 to index
        %get3A_677 = arith.constant 80 : index
        %get3A_678 = tpu.vector_load %arg16[%get3A_676, %get3A_677] {strides = array<i32>} : memref<80x128xf32, #tpu.memory_space<vmem>>, vector<16xf32>,
        %get3A_679 = arith.index_cast %add3A_627 : i32 to index
        %get3A_680 = arith.constant 80 : index
        %get3A_681 = tpu.vector_load %arg18[%get3A_679, %get3A_680] {strides = array<i32>} : memref<80x128xf32, #tpu.memory_space<vmem>>, vector<16xf32>,
        %add3A_682 = arith.addf %get3A_678, %get3A_681 : vector<16xf32>
        %swap3A_683 = arith.index_cast %add3A_627 : i32 to index
        %swap3A_684 = arith.constant 80 : index
        %swap3A_685 = tpu.vector_load %arg16[%swap3A_683, %swap3A_684] {strides = array<i32>} : memref<80x128xf32, #tpu.memory_space<vmem>>, vector<16xf32>,
        tpu.vector_store %arg16[%swap3A_683, %swap3A_684], %add3A_682 {strides = array<i32>} : memref<80x128xf32, #tpu.memory_space<vmem>>, vector<16xf32>,
        %get3A_686 = arith.index_cast %add3A_627 : i32 to index
        %get3A_687 = arith.constant 96 : index
        %get3A_688 = tpu.vector_load %arg16[%get3A_686, %get3A_687] {strides = array<i32>} : memref<80x128xf32, #tpu.memory_space<vmem>>, vector<16xf32>,
        %get3A_689 = arith.index_cast %add3A_627 : i32 to index
        %get3A_690 = arith.constant 96 : index
        %get3A_691 = tpu.vector_load %arg18[%get3A_689, %get3A_690] {strides = array<i32>} : memref<80x128xf32, #tpu.memory_space<vmem>>, vector<16xf32>,
        %add3A_692 = arith.addf %get3A_688, %get3A_691 : vector<16xf32>
        %swap3A_693 = arith.index_cast %add3A_627 : i32 to index
        %swap3A_694 = arith.constant 96 : index
        %swap3A_695 = tpu.vector_load %arg16[%swap3A_693, %swap3A_694] {strides = array<i32>} : memref<80x128xf32, #tpu.memory_space<vmem>>, vector<16xf32>,
        tpu.vector_store %arg16[%swap3A_693, %swap3A_694], %add3A_692 {strides = array<i32>} : memref<80x128xf32, #tpu.memory_space<vmem>>, vector<16xf32>,
        %get3A_696 = arith.index_cast %add3A_627 : i32 to index
        %get3A_697 = arith.constant 112 : index
        %get3A_698 = tpu.vector_load %arg16[%get3A_696, %get3A_697] {strides = array<i32>} : memref<80x128xf32, #tpu.memory_space<vmem>>, vector<16xf32>,
        %get3A_699 = arith.index_cast %add3A_627 : i32 to index
        %get3A_700 = arith.constant 112 : index
        %get3A_701 = tpu.vector_load %arg18[%get3A_699, %get3A_700] {strides = array<i32>} : memref<80x128xf32, #tpu.memory_space<vmem>>, vector<16xf32>,
        %add3A_702 = arith.addf %get3A_698, %get3A_701 : vector<16xf32>
        %swap3A_703 = arith.index_cast %add3A_627 : i32 to index
        %swap3A_704 = arith.constant 112 : index
        %swap3A_705 = tpu.vector_load %arg16[%swap3A_703, %swap3A_704] {strides = array<i32>} : memref<80x128xf32, #tpu.memory_space<vmem>>, vector<16xf32>,
        tpu.vector_store %arg16[%swap3A_703, %swap3A_704], %add3A_702 {strides = array<i32>} : memref<80x128xf32, #tpu.memory_space<vmem>>, vector<16xf32>,
      }
      %scan3A_389 = arith.constant 80 : i32
      %dma_wait3A_390 = arith.constant 7 : i32
      %dma_wait3A_391 = arith.constant 0 : i32
      %dma_wait3A_392 = tpu.memref_slice %arg15[%dma_wait3A_390, %dma_wait3A_391] : memref<20x80xi32, #tpu.memory_space<vmem>> -> memref<1x80xi32, #tpu.memory_space<vmem>>
      %dma_wait3A_393 = tpu.memref_squeeze %dma_wait3A_392 : memref<1x80xi32, #tpu.memory_space<vmem>> -> memref<80xi32, #tpu.memory_space<vmem>>
      %dma_wait3A_394 = arith.constant 0 : i32
      %dma_wait3A_395 = arith.constant 0 : i32
      %dma_wait3A_396 = tpu.memref_slice %arg9[%dma_wait3A_394, %dma_wait3A_395] : memref<723x128xf32, #tpu.memory_space<vmem_shared>> -> memref<723x128xf32, #tpu.memory_space<vmem_shared>>
      tpu.wait_indirect_dma semaphore(%arg27 : memref<!tpu.dma_semaphore, #tpu.memory_space<semaphore_mem>>) src(%dma_wait3A_396 : memref<723x128xf32, #tpu.memory_space<vmem_shared>>) dst(%arg19 : memref<80x128xf32, #tpu.memory_space<vmem>>)
      %scan3A_397 = arith.constant 0 : i32
      %scan3A_398 = arith.constant 80 : i32
      %scan3A_399 = arith.addi %scan3A_397, %scan3A_398 : i32
      %scan3A_400 = arith.constant 1 : i32
      scf.for %scan3A_623 = %scan3A_397 to %scan3A_399 step %scan3A_400  : i32 {
        %mul3A_624 = arith.constant 1 : i32
        %mul3A_625 = arith.muli %scan3A_623, %mul3A_624 : i32
        %add3A_626 = arith.constant 0 : i32
        %add3A_627 = arith.addi %add3A_626, %mul3A_625 : i32
        %get3A = arith.index_cast %add3A_627 : i32 to index
        %get3A_628 = arith.constant 0 : index
        %get3A_629 = tpu.vector_load %arg16[%get3A, %get3A_628] {strides = array<i32>} : memref<80x128xf32, #tpu.memory_space<vmem>>, vector<16xf32>,
        %get3A_630 = arith.index_cast %add3A_627 : i32 to index
        %get3A_631 = arith.constant 0 : index
        %get3A_632 = tpu.vector_load %arg19[%get3A_630, %get3A_631] {strides = array<i32>} : memref<80x128xf32, #tpu.memory_space<vmem>>, vector<16xf32>,
        %add3A_633 = arith.addf %get3A_629, %get3A_632 : vector<16xf32>
        %swap3A = arith.index_cast %add3A_627 : i32 to index
        %swap3A_634 = arith.constant 0 : index
        %swap3A_635 = tpu.vector_load %arg16[%swap3A, %swap3A_634] {strides = array<i32>} : memref<80x128xf32, #tpu.memory_space<vmem>>, vector<16xf32>,
        tpu.vector_store %arg16[%swap3A, %swap3A_634], %add3A_633 {strides = array<i32>} : memref<80x128xf32, #tpu.memory_space<vmem>>, vector<16xf32>,
        %get3A_636 = arith.index_cast %add3A_627 : i32 to index
        %get3A_637 = arith.constant 16 : index
        %get3A_638 = tpu.vector_load %arg16[%get3A_636, %get3A_637] {strides = array<i32>} : memref<80x128xf32, #tpu.memory_space<vmem>>, vector<16xf32>,
        %get3A_639 = arith.index_cast %add3A_627 : i32 to index
        %get3A_640 = arith.constant 16 : index
        %get3A_641 = tpu.vector_load %arg19[%get3A_639, %get3A_640] {strides = array<i32>} : memref<80x128xf32, #tpu.memory_space<vmem>>, vector<16xf32>,
        %add3A_642 = arith.addf %get3A_638, %get3A_641 : vector<16xf32>
        %swap3A_643 = arith.index_cast %add3A_627 : i32 to index
        %swap3A_644 = arith.constant 16 : index
        %swap3A_645 = tpu.vector_load %arg16[%swap3A_643, %swap3A_644] {strides = array<i32>} : memref<80x128xf32, #tpu.memory_space<vmem>>, vector<16xf32>,
        tpu.vector_store %arg16[%swap3A_643, %swap3A_644], %add3A_642 {strides = array<i32>} : memref<80x128xf32, #tpu.memory_space<vmem>>, vector<16xf32>,
        %get3A_646 = arith.index_cast %add3A_627 : i32 to index
        %get3A_647 = arith.constant 32 : index
        %get3A_648 = tpu.vector_load %arg16[%get3A_646, %get3A_647] {strides = array<i32>} : memref<80x128xf32, #tpu.memory_space<vmem>>, vector<16xf32>,
        %get3A_649 = arith.index_cast %add3A_627 : i32 to index
        %get3A_650 = arith.constant 32 : index
        %get3A_651 = tpu.vector_load %arg19[%get3A_649, %get3A_650] {strides = array<i32>} : memref<80x128xf32, #tpu.memory_space<vmem>>, vector<16xf32>,
        %add3A_652 = arith.addf %get3A_648, %get3A_651 : vector<16xf32>
        %swap3A_653 = arith.index_cast %add3A_627 : i32 to index
        %swap3A_654 = arith.constant 32 : index
        %swap3A_655 = tpu.vector_load %arg16[%swap3A_653, %swap3A_654] {strides = array<i32>} : memref<80x128xf32, #tpu.memory_space<vmem>>, vector<16xf32>,
        tpu.vector_store %arg16[%swap3A_653, %swap3A_654], %add3A_652 {strides = array<i32>} : memref<80x128xf32, #tpu.memory_space<vmem>>, vector<16xf32>,
        %get3A_656 = arith.index_cast %add3A_627 : i32 to index
        %get3A_657 = arith.constant 48 : index
        %get3A_658 = tpu.vector_load %arg16[%get3A_656, %get3A_657] {strides = array<i32>} : memref<80x128xf32, #tpu.memory_space<vmem>>, vector<16xf32>,
        %get3A_659 = arith.index_cast %add3A_627 : i32 to index
        %get3A_660 = arith.constant 48 : index
        %get3A_661 = tpu.vector_load %arg19[%get3A_659, %get3A_660] {strides = array<i32>} : memref<80x128xf32, #tpu.memory_space<vmem>>, vector<16xf32>,
        %add3A_662 = arith.addf %get3A_658, %get3A_661 : vector<16xf32>
        %swap3A_663 = arith.index_cast %add3A_627 : i32 to index
        %swap3A_664 = arith.constant 48 : index
        %swap3A_665 = tpu.vector_load %arg16[%swap3A_663, %swap3A_664] {strides = array<i32>} : memref<80x128xf32, #tpu.memory_space<vmem>>, vector<16xf32>,
        tpu.vector_store %arg16[%swap3A_663, %swap3A_664], %add3A_662 {strides = array<i32>} : memref<80x128xf32, #tpu.memory_space<vmem>>, vector<16xf32>,
        %get3A_666 = arith.index_cast %add3A_627 : i32 to index
        %get3A_667 = arith.constant 64 : index
        %get3A_668 = tpu.vector_load %arg16[%get3A_666, %get3A_667] {strides = array<i32>} : memref<80x128xf32, #tpu.memory_space<vmem>>, vector<16xf32>,
        %get3A_669 = arith.index_cast %add3A_627 : i32 to index
        %get3A_670 = arith.constant 64 : index
        %get3A_671 = tpu.vector_load %arg19[%get3A_669, %get3A_670] {strides = array<i32>} : memref<80x128xf32, #tpu.memory_space<vmem>>, vector<16xf32>,
        %add3A_672 = arith.addf %get3A_668, %get3A_671 : vector<16xf32>
        %swap3A_673 = arith.index_cast %add3A_627 : i32 to index
        %swap3A_674 = arith.constant 64 : index
        %swap3A_675 = tpu.vector_load %arg16[%swap3A_673, %swap3A_674] {strides = array<i32>} : memref<80x128xf32, #tpu.memory_space<vmem>>, vector<16xf32>,
        tpu.vector_store %arg16[%swap3A_673, %swap3A_674], %add3A_672 {strides = array<i32>} : memref<80x128xf32, #tpu.memory_space<vmem>>, vector<16xf32>,
        %get3A_676 = arith.index_cast %add3A_627 : i32 to index
        %get3A_677 = arith.constant 80 : index
        %get3A_678 = tpu.vector_load %arg16[%get3A_676, %get3A_677] {strides = array<i32>} : memref<80x128xf32, #tpu.memory_space<vmem>>, vector<16xf32>,
        %get3A_679 = arith.index_cast %add3A_627 : i32 to index
        %get3A_680 = arith.constant 80 : index
        %get3A_681 = tpu.vector_load %arg19[%get3A_679, %get3A_680] {strides = array<i32>} : memref<80x128xf32, #tpu.memory_space<vmem>>, vector<16xf32>,
        %add3A_682 = arith.addf %get3A_678, %get3A_681 : vector<16xf32>
        %swap3A_683 = arith.index_cast %add3A_627 : i32 to index
        %swap3A_684 = arith.constant 80 : index
        %swap3A_685 = tpu.vector_load %arg16[%swap3A_683, %swap3A_684] {strides = array<i32>} : memref<80x128xf32, #tpu.memory_space<vmem>>, vector<16xf32>,
        tpu.vector_store %arg16[%swap3A_683, %swap3A_684], %add3A_682 {strides = array<i32>} : memref<80x128xf32, #tpu.memory_space<vmem>>, vector<16xf32>,
        %get3A_686 = arith.index_cast %add3A_627 : i32 to index
        %get3A_687 = arith.constant 96 : index
        %get3A_688 = tpu.vector_load %arg16[%get3A_686, %get3A_687] {strides = array<i32>} : memref<80x128xf32, #tpu.memory_space<vmem>>, vector<16xf32>,
        %get3A_689 = arith.index_cast %add3A_627 : i32 to index
        %get3A_690 = arith.constant 96 : index
        %get3A_691 = tpu.vector_load %arg19[%get3A_689, %get3A_690] {strides = array<i32>} : memref<80x128xf32, #tpu.memory_space<vmem>>, vector<16xf32>,
        %add3A_692 = arith.addf %get3A_688, %get3A_691 : vector<16xf32>
        %swap3A_693 = arith.index_cast %add3A_627 : i32 to index
        %swap3A_694 = arith.constant 96 : index
        %swap3A_695 = tpu.vector_load %arg16[%swap3A_693, %swap3A_694] {strides = array<i32>} : memref<80x128xf32, #tpu.memory_space<vmem>>, vector<16xf32>,
        tpu.vector_store %arg16[%swap3A_693, %swap3A_694], %add3A_692 {strides = array<i32>} : memref<80x128xf32, #tpu.memory_space<vmem>>, vector<16xf32>,
        %get3A_696 = arith.index_cast %add3A_627 : i32 to index
        %get3A_697 = arith.constant 112 : index
        %get3A_698 = tpu.vector_load %arg16[%get3A_696, %get3A_697] {strides = array<i32>} : memref<80x128xf32, #tpu.memory_space<vmem>>, vector<16xf32>,
        %get3A_699 = arith.index_cast %add3A_627 : i32 to index
        %get3A_700 = arith.constant 112 : index
        %get3A_701 = tpu.vector_load %arg19[%get3A_699, %get3A_700] {strides = array<i32>} : memref<80x128xf32, #tpu.memory_space<vmem>>, vector<16xf32>,
        %add3A_702 = arith.addf %get3A_698, %get3A_701 : vector<16xf32>
        %swap3A_703 = arith.index_cast %add3A_627 : i32 to index
        %swap3A_704 = arith.constant 112 : index
        %swap3A_705 = tpu.vector_load %arg16[%swap3A_703, %swap3A_704] {strides = array<i32>} : memref<80x128xf32, #tpu.memory_space<vmem>>, vector<16xf32>,
        tpu.vector_store %arg16[%swap3A_703, %swap3A_704], %add3A_702 {strides = array<i32>} : memref<80x128xf32, #tpu.memory_space<vmem>>, vector<16xf32>,
      }
      %scan3A_401 = arith.constant 80 : i32
      %add3A_402 = arith.constant 80 : i32
      %add3A_403 = arith.addi %mul3A_234, %add3A_402 : i32
      "tpu.region"() ({
        %run_scoped3A = tpu.sem_alloc : memref<!tpu.dma_semaphore, #tpu.memory_space<semaphore_mem>>
        %dma_start3A_623 = arith.constant 0 : i32
        %dma_start3A_624 = tpu.memref_slice %arg6[%add3A_403, %dma_start3A_623] : memref<10000x128xf32, #tpu.memory_space<hbm>> -> memref<80x128xf32, #tpu.memory_space<hbm>>
        %dma_start3A_625 = arith.constant 0 : i32
        %dma_start3A_626 = tpu.memref_slice %arg6[%add3A_403, %dma_start3A_625] : memref<10000x128xf32, #tpu.memory_space<hbm>> -> memref<80x128xf32, #tpu.memory_space<hbm>>
        tpu.enqueue_dma source(%arg16 : memref<80x128xf32, #tpu.memory_space<vmem>>) target(%dma_start3A_626 : memref<80x128xf32, #tpu.memory_space<hbm>>) target_semaphore(%run_scoped3A : memref<!tpu.dma_semaphore, #tpu.memory_space<semaphore_mem>>)
        %dma_wait3A_627 = arith.constant 0 : i32
        %dma_wait3A_628 = tpu.memref_slice %arg6[%add3A_403, %dma_wait3A_627] : memref<10000x128xf32, #tpu.memory_space<hbm>> -> memref<80x128xf32, #tpu.memory_space<hbm>>
        %dma_wait3A_629 = arith.constant 0 : i32
        %dma_wait3A_630 = tpu.memref_slice %arg6[%add3A_403, %dma_wait3A_629] : memref<10000x128xf32, #tpu.memory_space<hbm>> -> memref<80x128xf32, #tpu.memory_space<hbm>>
        tpu.wait_dma2 semaphore(%run_scoped3A : memref<!tpu.dma_semaphore, #tpu.memory_space<semaphore_mem>>) src(%arg16 : memref<80x128xf32, #tpu.memory_space<vmem>>) dst(%dma_wait3A_630 : memref<80x128xf32, #tpu.memory_space<hbm>>)
        tpu.yield
      }) : () -> ()
      %dma_start3A_404 = arith.constant 8 : i32
      %dma_start3A_405 = arith.constant 0 : i32
      %dma_start3A_406 = tpu.memref_slice %arg15[%dma_start3A_404, %dma_start3A_405] : memref<20x80xi32, #tpu.memory_space<vmem>> -> memref<1x80xi32, #tpu.memory_space<vmem>>
      %dma_start3A_407 = tpu.memref_squeeze %dma_start3A_406 : memref<1x80xi32, #tpu.memory_space<vmem>> -> memref<80xi32, #tpu.memory_space<vmem>>
      %dma_start3A_408 = arith.constant 0 : i32
      %dma_start3A_409 = arith.constant 0 : i32
      %dma_start3A_410 = tpu.memref_slice %arg9[%dma_start3A_408, %dma_start3A_409] : memref<723x128xf32, #tpu.memory_space<vmem_shared>> -> memref<723x128xf32, #tpu.memory_space<vmem_shared>>
      tpu.enqueue_indirect_dma source(%dma_start3A_410 : memref<723x128xf32, #tpu.memory_space<vmem_shared>>) target(%arg16 : memref<80x128xf32, #tpu.memory_space<vmem>>) offsets(%dma_start3A_407 : memref<80xi32, #tpu.memory_space<vmem>>) semaphore(%arg24 : memref<!tpu.dma_semaphore, #tpu.memory_space<semaphore_mem>>)
      %dma_start3A_411 = arith.constant 9 : i32
      %dma_start3A_412 = arith.constant 0 : i32
      %dma_start3A_413 = tpu.memref_slice %arg15[%dma_start3A_411, %dma_start3A_412] : memref<20x80xi32, #tpu.memory_space<vmem>> -> memref<1x80xi32, #tpu.memory_space<vmem>>
      %dma_start3A_414 = tpu.memref_squeeze %dma_start3A_413 : memref<1x80xi32, #tpu.memory_space<vmem>> -> memref<80xi32, #tpu.memory_space<vmem>>
      %dma_start3A_415 = arith.constant 0 : i32
      %dma_start3A_416 = arith.constant 0 : i32
      %dma_start3A_417 = tpu.memref_slice %arg9[%dma_start3A_415, %dma_start3A_416] : memref<723x128xf32, #tpu.memory_space<vmem_shared>> -> memref<723x128xf32, #tpu.memory_space<vmem_shared>>
      tpu.enqueue_indirect_dma source(%dma_start3A_417 : memref<723x128xf32, #tpu.memory_space<vmem_shared>>) target(%arg17 : memref<80x128xf32, #tpu.memory_space<vmem>>) offsets(%dma_start3A_414 : memref<80xi32, #tpu.memory_space<vmem>>) semaphore(%arg25 : memref<!tpu.dma_semaphore, #tpu.memory_space<semaphore_mem>>)
      %dma_start3A_418 = arith.constant 10 : i32
      %dma_start3A_419 = arith.constant 0 : i32
      %dma_start3A_420 = tpu.memref_slice %arg15[%dma_start3A_418, %dma_start3A_419] : memref<20x80xi32, #tpu.memory_space<vmem>> -> memref<1x80xi32, #tpu.memory_space<vmem>>
      %dma_start3A_421 = tpu.memref_squeeze %dma_start3A_420 : memref<1x80xi32, #tpu.memory_space<vmem>> -> memref<80xi32, #tpu.memory_space<vmem>>
      %dma_start3A_422 = arith.constant 0 : i32
      %dma_start3A_423 = arith.constant 0 : i32
      %dma_start3A_424 = tpu.memref_slice %arg9[%dma_start3A_422, %dma_start3A_423] : memref<723x128xf32, #tpu.memory_space<vmem_shared>> -> memref<723x128xf32, #tpu.memory_space<vmem_shared>>
      tpu.enqueue_indirect_dma source(%dma_start3A_424 : memref<723x128xf32, #tpu.memory_space<vmem_shared>>) target(%arg18 : memref<80x128xf32, #tpu.memory_space<vmem>>) offsets(%dma_start3A_421 : memref<80xi32, #tpu.memory_space<vmem>>) semaphore(%arg26 : memref<!tpu.dma_semaphore, #tpu.memory_space<semaphore_mem>>)
      %dma_start3A_425 = arith.constant 11 : i32
      %dma_start3A_426 = arith.constant 0 : i32
      %dma_start3A_427 = tpu.memref_slice %arg15[%dma_start3A_425, %dma_start3A_426] : memref<20x80xi32, #tpu.memory_space<vmem>> -> memref<1x80xi32, #tpu.memory_space<vmem>>
      %dma_start3A_428 = tpu.memref_squeeze %dma_start3A_427 : memref<1x80xi32, #tpu.memory_space<vmem>> -> memref<80xi32, #tpu.memory_space<vmem>>
      %dma_start3A_429 = arith.constant 0 : i32
      %dma_start3A_430 = arith.constant 0 : i32
      %dma_start3A_431 = tpu.memref_slice %arg9[%dma_start3A_429, %dma_start3A_430] : memref<723x128xf32, #tpu.memory_space<vmem_shared>> -> memref<723x128xf32, #tpu.memory_space<vmem_shared>>
      tpu.enqueue_indirect_dma source(%dma_start3A_431 : memref<723x128xf32, #tpu.memory_space<vmem_shared>>) target(%arg19 : memref<80x128xf32, #tpu.memory_space<vmem>>) offsets(%dma_start3A_428 : memref<80xi32, #tpu.memory_space<vmem>>) semaphore(%arg27 : memref<!tpu.dma_semaphore, #tpu.memory_space<semaphore_mem>>)
      %dma_wait3A_432 = arith.constant 8 : i32
      %dma_wait3A_433 = arith.constant 0 : i32
      %dma_wait3A_434 = tpu.memref_slice %arg15[%dma_wait3A_432, %dma_wait3A_433] : memref<20x80xi32, #tpu.memory_space<vmem>> -> memref<1x80xi32, #tpu.memory_space<vmem>>
      %dma_wait3A_435 = tpu.memref_squeeze %dma_wait3A_434 : memref<1x80xi32, #tpu.memory_space<vmem>> -> memref<80xi32, #tpu.memory_space<vmem>>
      %dma_wait3A_436 = arith.constant 0 : i32
      %dma_wait3A_437 = arith.constant 0 : i32
      %dma_wait3A_438 = tpu.memref_slice %arg9[%dma_wait3A_436, %dma_wait3A_437] : memref<723x128xf32, #tpu.memory_space<vmem_shared>> -> memref<723x128xf32, #tpu.memory_space<vmem_shared>>
      tpu.wait_indirect_dma semaphore(%arg24 : memref<!tpu.dma_semaphore, #tpu.memory_space<semaphore_mem>>) src(%dma_wait3A_438 : memref<723x128xf32, #tpu.memory_space<vmem_shared>>) dst(%arg16 : memref<80x128xf32, #tpu.memory_space<vmem>>)
      %dma_wait3A_439 = arith.constant 9 : i32
      %dma_wait3A_440 = arith.constant 0 : i32
      %dma_wait3A_441 = tpu.memref_slice %arg15[%dma_wait3A_439, %dma_wait3A_440] : memref<20x80xi32, #tpu.memory_space<vmem>> -> memref<1x80xi32, #tpu.memory_space<vmem>>
      %dma_wait3A_442 = tpu.memref_squeeze %dma_wait3A_441 : memref<1x80xi32, #tpu.memory_space<vmem>> -> memref<80xi32, #tpu.memory_space<vmem>>
      %dma_wait3A_443 = arith.constant 0 : i32
      %dma_wait3A_444 = arith.constant 0 : i32
      %dma_wait3A_445 = tpu.memref_slice %arg9[%dma_wait3A_443, %dma_wait3A_444] : memref<723x128xf32, #tpu.memory_space<vmem_shared>> -> memref<723x128xf32, #tpu.memory_space<vmem_shared>>
      tpu.wait_indirect_dma semaphore(%arg25 : memref<!tpu.dma_semaphore, #tpu.memory_space<semaphore_mem>>) src(%dma_wait3A_445 : memref<723x128xf32, #tpu.memory_space<vmem_shared>>) dst(%arg17 : memref<80x128xf32, #tpu.memory_space<vmem>>)
      %scan3A_446 = arith.constant 0 : i32
      %scan3A_447 = arith.constant 80 : i32
      %scan3A_448 = arith.addi %scan3A_446, %scan3A_447 : i32
      %scan3A_449 = arith.constant 1 : i32
      scf.for %scan3A_623 = %scan3A_446 to %scan3A_448 step %scan3A_449  : i32 {
        %mul3A_624 = arith.constant 1 : i32
        %mul3A_625 = arith.muli %scan3A_623, %mul3A_624 : i32
        %add3A_626 = arith.constant 0 : i32
        %add3A_627 = arith.addi %add3A_626, %mul3A_625 : i32
        %get3A = arith.index_cast %add3A_627 : i32 to index
        %get3A_628 = arith.constant 0 : index
        %get3A_629 = tpu.vector_load %arg16[%get3A, %get3A_628] {strides = array<i32>} : memref<80x128xf32, #tpu.memory_space<vmem>>, vector<16xf32>,
        %get3A_630 = arith.index_cast %add3A_627 : i32 to index
        %get3A_631 = arith.constant 0 : index
        %get3A_632 = tpu.vector_load %arg17[%get3A_630, %get3A_631] {strides = array<i32>} : memref<80x128xf32, #tpu.memory_space<vmem>>, vector<16xf32>,
        %add3A_633 = arith.addf %get3A_629, %get3A_632 : vector<16xf32>
        %swap3A = arith.index_cast %add3A_627 : i32 to index
        %swap3A_634 = arith.constant 0 : index
        %swap3A_635 = tpu.vector_load %arg16[%swap3A, %swap3A_634] {strides = array<i32>} : memref<80x128xf32, #tpu.memory_space<vmem>>, vector<16xf32>,
        tpu.vector_store %arg16[%swap3A, %swap3A_634], %add3A_633 {strides = array<i32>} : memref<80x128xf32, #tpu.memory_space<vmem>>, vector<16xf32>,
        %get3A_636 = arith.index_cast %add3A_627 : i32 to index
        %get3A_637 = arith.constant 16 : index
        %get3A_638 = tpu.vector_load %arg16[%get3A_636, %get3A_637] {strides = array<i32>} : memref<80x128xf32, #tpu.memory_space<vmem>>, vector<16xf32>,
        %get3A_639 = arith.index_cast %add3A_627 : i32 to index
        %get3A_640 = arith.constant 16 : index
        %get3A_641 = tpu.vector_load %arg17[%get3A_639, %get3A_640] {strides = array<i32>} : memref<80x128xf32, #tpu.memory_space<vmem>>, vector<16xf32>,
        %add3A_642 = arith.addf %get3A_638, %get3A_641 : vector<16xf32>
        %swap3A_643 = arith.index_cast %add3A_627 : i32 to index
        %swap3A_644 = arith.constant 16 : index
        %swap3A_645 = tpu.vector_load %arg16[%swap3A_643, %swap3A_644] {strides = array<i32>} : memref<80x128xf32, #tpu.memory_space<vmem>>, vector<16xf32>,
        tpu.vector_store %arg16[%swap3A_643, %swap3A_644], %add3A_642 {strides = array<i32>} : memref<80x128xf32, #tpu.memory_space<vmem>>, vector<16xf32>,
        %get3A_646 = arith.index_cast %add3A_627 : i32 to index
        %get3A_647 = arith.constant 32 : index
        %get3A_648 = tpu.vector_load %arg16[%get3A_646, %get3A_647] {strides = array<i32>} : memref<80x128xf32, #tpu.memory_space<vmem>>, vector<16xf32>,
        %get3A_649 = arith.index_cast %add3A_627 : i32 to index
        %get3A_650 = arith.constant 32 : index
        %get3A_651 = tpu.vector_load %arg17[%get3A_649, %get3A_650] {strides = array<i32>} : memref<80x128xf32, #tpu.memory_space<vmem>>, vector<16xf32>,
        %add3A_652 = arith.addf %get3A_648, %get3A_651 : vector<16xf32>
        %swap3A_653 = arith.index_cast %add3A_627 : i32 to index
        %swap3A_654 = arith.constant 32 : index
        %swap3A_655 = tpu.vector_load %arg16[%swap3A_653, %swap3A_654] {strides = array<i32>} : memref<80x128xf32, #tpu.memory_space<vmem>>, vector<16xf32>,
        tpu.vector_store %arg16[%swap3A_653, %swap3A_654], %add3A_652 {strides = array<i32>} : memref<80x128xf32, #tpu.memory_space<vmem>>, vector<16xf32>,
        %get3A_656 = arith.index_cast %add3A_627 : i32 to index
        %get3A_657 = arith.constant 48 : index
        %get3A_658 = tpu.vector_load %arg16[%get3A_656, %get3A_657] {strides = array<i32>} : memref<80x128xf32, #tpu.memory_space<vmem>>, vector<16xf32>,
        %get3A_659 = arith.index_cast %add3A_627 : i32 to index
        %get3A_660 = arith.constant 48 : index
        %get3A_661 = tpu.vector_load %arg17[%get3A_659, %get3A_660] {strides = array<i32>} : memref<80x128xf32, #tpu.memory_space<vmem>>, vector<16xf32>,
        %add3A_662 = arith.addf %get3A_658, %get3A_661 : vector<16xf32>
        %swap3A_663 = arith.index_cast %add3A_627 : i32 to index
        %swap3A_664 = arith.constant 48 : index
        %swap3A_665 = tpu.vector_load %arg16[%swap3A_663, %swap3A_664] {strides = array<i32>} : memref<80x128xf32, #tpu.memory_space<vmem>>, vector<16xf32>,
        tpu.vector_store %arg16[%swap3A_663, %swap3A_664], %add3A_662 {strides = array<i32>} : memref<80x128xf32, #tpu.memory_space<vmem>>, vector<16xf32>,
        %get3A_666 = arith.index_cast %add3A_627 : i32 to index
        %get3A_667 = arith.constant 64 : index
        %get3A_668 = tpu.vector_load %arg16[%get3A_666, %get3A_667] {strides = array<i32>} : memref<80x128xf32, #tpu.memory_space<vmem>>, vector<16xf32>,
        %get3A_669 = arith.index_cast %add3A_627 : i32 to index
        %get3A_670 = arith.constant 64 : index
        %get3A_671 = tpu.vector_load %arg17[%get3A_669, %get3A_670] {strides = array<i32>} : memref<80x128xf32, #tpu.memory_space<vmem>>, vector<16xf32>,
        %add3A_672 = arith.addf %get3A_668, %get3A_671 : vector<16xf32>
        %swap3A_673 = arith.index_cast %add3A_627 : i32 to index
        %swap3A_674 = arith.constant 64 : index
        %swap3A_675 = tpu.vector_load %arg16[%swap3A_673, %swap3A_674] {strides = array<i32>} : memref<80x128xf32, #tpu.memory_space<vmem>>, vector<16xf32>,
        tpu.vector_store %arg16[%swap3A_673, %swap3A_674], %add3A_672 {strides = array<i32>} : memref<80x128xf32, #tpu.memory_space<vmem>>, vector<16xf32>,
        %get3A_676 = arith.index_cast %add3A_627 : i32 to index
        %get3A_677 = arith.constant 80 : index
        %get3A_678 = tpu.vector_load %arg16[%get3A_676, %get3A_677] {strides = array<i32>} : memref<80x128xf32, #tpu.memory_space<vmem>>, vector<16xf32>,
        %get3A_679 = arith.index_cast %add3A_627 : i32 to index
        %get3A_680 = arith.constant 80 : index
        %get3A_681 = tpu.vector_load %arg17[%get3A_679, %get3A_680] {strides = array<i32>} : memref<80x128xf32, #tpu.memory_space<vmem>>, vector<16xf32>,
        %add3A_682 = arith.addf %get3A_678, %get3A_681 : vector<16xf32>
        %swap3A_683 = arith.index_cast %add3A_627 : i32 to index
        %swap3A_684 = arith.constant 80 : index
        %swap3A_685 = tpu.vector_load %arg16[%swap3A_683, %swap3A_684] {strides = array<i32>} : memref<80x128xf32, #tpu.memory_space<vmem>>, vector<16xf32>,
        tpu.vector_store %arg16[%swap3A_683, %swap3A_684], %add3A_682 {strides = array<i32>} : memref<80x128xf32, #tpu.memory_space<vmem>>, vector<16xf32>,
        %get3A_686 = arith.index_cast %add3A_627 : i32 to index
        %get3A_687 = arith.constant 96 : index
        %get3A_688 = tpu.vector_load %arg16[%get3A_686, %get3A_687] {strides = array<i32>} : memref<80x128xf32, #tpu.memory_space<vmem>>, vector<16xf32>,
        %get3A_689 = arith.index_cast %add3A_627 : i32 to index
        %get3A_690 = arith.constant 96 : index
        %get3A_691 = tpu.vector_load %arg17[%get3A_689, %get3A_690] {strides = array<i32>} : memref<80x128xf32, #tpu.memory_space<vmem>>, vector<16xf32>,
        %add3A_692 = arith.addf %get3A_688, %get3A_691 : vector<16xf32>
        %swap3A_693 = arith.index_cast %add3A_627 : i32 to index
        %swap3A_694 = arith.constant 96 : index
        %swap3A_695 = tpu.vector_load %arg16[%swap3A_693, %swap3A_694] {strides = array<i32>} : memref<80x128xf32, #tpu.memory_space<vmem>>, vector<16xf32>,
        tpu.vector_store %arg16[%swap3A_693, %swap3A_694], %add3A_692 {strides = array<i32>} : memref<80x128xf32, #tpu.memory_space<vmem>>, vector<16xf32>,
        %get3A_696 = arith.index_cast %add3A_627 : i32 to index
        %get3A_697 = arith.constant 112 : index
        %get3A_698 = tpu.vector_load %arg16[%get3A_696, %get3A_697] {strides = array<i32>} : memref<80x128xf32, #tpu.memory_space<vmem>>, vector<16xf32>,
        %get3A_699 = arith.index_cast %add3A_627 : i32 to index
        %get3A_700 = arith.constant 112 : index
        %get3A_701 = tpu.vector_load %arg17[%get3A_699, %get3A_700] {strides = array<i32>} : memref<80x128xf32, #tpu.memory_space<vmem>>, vector<16xf32>,
        %add3A_702 = arith.addf %get3A_698, %get3A_701 : vector<16xf32>
        %swap3A_703 = arith.index_cast %add3A_627 : i32 to index
        %swap3A_704 = arith.constant 112 : index
        %swap3A_705 = tpu.vector_load %arg16[%swap3A_703, %swap3A_704] {strides = array<i32>} : memref<80x128xf32, #tpu.memory_space<vmem>>, vector<16xf32>,
        tpu.vector_store %arg16[%swap3A_703, %swap3A_704], %add3A_702 {strides = array<i32>} : memref<80x128xf32, #tpu.memory_space<vmem>>, vector<16xf32>,
      }
      %scan3A_450 = arith.constant 80 : i32
      %dma_wait3A_451 = arith.constant 10 : i32
      %dma_wait3A_452 = arith.constant 0 : i32
      %dma_wait3A_453 = tpu.memref_slice %arg15[%dma_wait3A_451, %dma_wait3A_452] : memref<20x80xi32, #tpu.memory_space<vmem>> -> memref<1x80xi32, #tpu.memory_space<vmem>>
      %dma_wait3A_454 = tpu.memref_squeeze %dma_wait3A_453 : memref<1x80xi32, #tpu.memory_space<vmem>> -> memref<80xi32, #tpu.memory_space<vmem>>
      %dma_wait3A_455 = arith.constant 0 : i32
      %dma_wait3A_456 = arith.constant 0 : i32
      %dma_wait3A_457 = tpu.memref_slice %arg9[%dma_wait3A_455, %dma_wait3A_456] : memref<723x128xf32, #tpu.memory_space<vmem_shared>> -> memref<723x128xf32, #tpu.memory_space<vmem_shared>>
      tpu.wait_indirect_dma semaphore(%arg26 : memref<!tpu.dma_semaphore, #tpu.memory_space<semaphore_mem>>) src(%dma_wait3A_457 : memref<723x128xf32, #tpu.memory_space<vmem_shared>>) dst(%arg18 : memref<80x128xf32, #tpu.memory_space<vmem>>)
      %scan3A_458 = arith.constant 0 : i32
      %scan3A_459 = arith.constant 80 : i32
      %scan3A_460 = arith.addi %scan3A_458, %scan3A_459 : i32
      %scan3A_461 = arith.constant 1 : i32
      scf.for %scan3A_623 = %scan3A_458 to %scan3A_460 step %scan3A_461  : i32 {
        %mul3A_624 = arith.constant 1 : i32
        %mul3A_625 = arith.muli %scan3A_623, %mul3A_624 : i32
        %add3A_626 = arith.constant 0 : i32
        %add3A_627 = arith.addi %add3A_626, %mul3A_625 : i32
        %get3A = arith.index_cast %add3A_627 : i32 to index
        %get3A_628 = arith.constant 0 : index
        %get3A_629 = tpu.vector_load %arg16[%get3A, %get3A_628] {strides = array<i32>} : memref<80x128xf32, #tpu.memory_space<vmem>>, vector<16xf32>,
        %get3A_630 = arith.index_cast %add3A_627 : i32 to index
        %get3A_631 = arith.constant 0 : index
        %get3A_632 = tpu.vector_load %arg18[%get3A_630, %get3A_631] {strides = array<i32>} : memref<80x128xf32, #tpu.memory_space<vmem>>, vector<16xf32>,
        %add3A_633 = arith.addf %get3A_629, %get3A_632 : vector<16xf32>
        %swap3A = arith.index_cast %add3A_627 : i32 to index
        %swap3A_634 = arith.constant 0 : index
        %swap3A_635 = tpu.vector_load %arg16[%swap3A, %swap3A_634] {strides = array<i32>} : memref<80x128xf32, #tpu.memory_space<vmem>>, vector<16xf32>,
        tpu.vector_store %arg16[%swap3A, %swap3A_634], %add3A_633 {strides = array<i32>} : memref<80x128xf32, #tpu.memory_space<vmem>>, vector<16xf32>,
        %get3A_636 = arith.index_cast %add3A_627 : i32 to index
        %get3A_637 = arith.constant 16 : index
        %get3A_638 = tpu.vector_load %arg16[%get3A_636, %get3A_637] {strides = array<i32>} : memref<80x128xf32, #tpu.memory_space<vmem>>, vector<16xf32>,
        %get3A_639 = arith.index_cast %add3A_627 : i32 to index
        %get3A_640 = arith.constant 16 : index
        %get3A_641 = tpu.vector_load %arg18[%get3A_639, %get3A_640] {strides = array<i32>} : memref<80x128xf32, #tpu.memory_space<vmem>>, vector<16xf32>,
        %add3A_642 = arith.addf %get3A_638, %get3A_641 : vector<16xf32>
        %swap3A_643 = arith.index_cast %add3A_627 : i32 to index
        %swap3A_644 = arith.constant 16 : index
        %swap3A_645 = tpu.vector_load %arg16[%swap3A_643, %swap3A_644] {strides = array<i32>} : memref<80x128xf32, #tpu.memory_space<vmem>>, vector<16xf32>,
        tpu.vector_store %arg16[%swap3A_643, %swap3A_644], %add3A_642 {strides = array<i32>} : memref<80x128xf32, #tpu.memory_space<vmem>>, vector<16xf32>,
        %get3A_646 = arith.index_cast %add3A_627 : i32 to index
        %get3A_647 = arith.constant 32 : index
        %get3A_648 = tpu.vector_load %arg16[%get3A_646, %get3A_647] {strides = array<i32>} : memref<80x128xf32, #tpu.memory_space<vmem>>, vector<16xf32>,
        %get3A_649 = arith.index_cast %add3A_627 : i32 to index
        %get3A_650 = arith.constant 32 : index
        %get3A_651 = tpu.vector_load %arg18[%get3A_649, %get3A_650] {strides = array<i32>} : memref<80x128xf32, #tpu.memory_space<vmem>>, vector<16xf32>,
        %add3A_652 = arith.addf %get3A_648, %get3A_651 : vector<16xf32>
        %swap3A_653 = arith.index_cast %add3A_627 : i32 to index
        %swap3A_654 = arith.constant 32 : index
        %swap3A_655 = tpu.vector_load %arg16[%swap3A_653, %swap3A_654] {strides = array<i32>} : memref<80x128xf32, #tpu.memory_space<vmem>>, vector<16xf32>,
        tpu.vector_store %arg16[%swap3A_653, %swap3A_654], %add3A_652 {strides = array<i32>} : memref<80x128xf32, #tpu.memory_space<vmem>>, vector<16xf32>,
        %get3A_656 = arith.index_cast %add3A_627 : i32 to index
        %get3A_657 = arith.constant 48 : index
        %get3A_658 = tpu.vector_load %arg16[%get3A_656, %get3A_657] {strides = array<i32>} : memref<80x128xf32, #tpu.memory_space<vmem>>, vector<16xf32>,
        %get3A_659 = arith.index_cast %add3A_627 : i32 to index
        %get3A_660 = arith.constant 48 : index
        %get3A_661 = tpu.vector_load %arg18[%get3A_659, %get3A_660] {strides = array<i32>} : memref<80x128xf32, #tpu.memory_space<vmem>>, vector<16xf32>,
        %add3A_662 = arith.addf %get3A_658, %get3A_661 : vector<16xf32>
        %swap3A_663 = arith.index_cast %add3A_627 : i32 to index
        %swap3A_664 = arith.constant 48 : index
        %swap3A_665 = tpu.vector_load %arg16[%swap3A_663, %swap3A_664] {strides = array<i32>} : memref<80x128xf32, #tpu.memory_space<vmem>>, vector<16xf32>,
        tpu.vector_store %arg16[%swap3A_663, %swap3A_664], %add3A_662 {strides = array<i32>} : memref<80x128xf32, #tpu.memory_space<vmem>>, vector<16xf32>,
        %get3A_666 = arith.index_cast %add3A_627 : i32 to index
        %get3A_667 = arith.constant 64 : index
        %get3A_668 = tpu.vector_load %arg16[%get3A_666, %get3A_667] {strides = array<i32>} : memref<80x128xf32, #tpu.memory_space<vmem>>, vector<16xf32>,
        %get3A_669 = arith.index_cast %add3A_627 : i32 to index
        %get3A_670 = arith.constant 64 : index
        %get3A_671 = tpu.vector_load %arg18[%get3A_669, %get3A_670] {strides = array<i32>} : memref<80x128xf32, #tpu.memory_space<vmem>>, vector<16xf32>,
        %add3A_672 = arith.addf %get3A_668, %get3A_671 : vector<16xf32>
        %swap3A_673 = arith.index_cast %add3A_627 : i32 to index
        %swap3A_674 = arith.constant 64 : index
        %swap3A_675 = tpu.vector_load %arg16[%swap3A_673, %swap3A_674] {strides = array<i32>} : memref<80x128xf32, #tpu.memory_space<vmem>>, vector<16xf32>,
        tpu.vector_store %arg16[%swap3A_673, %swap3A_674], %add3A_672 {strides = array<i32>} : memref<80x128xf32, #tpu.memory_space<vmem>>, vector<16xf32>,
        %get3A_676 = arith.index_cast %add3A_627 : i32 to index
        %get3A_677 = arith.constant 80 : index
        %get3A_678 = tpu.vector_load %arg16[%get3A_676, %get3A_677] {strides = array<i32>} : memref<80x128xf32, #tpu.memory_space<vmem>>, vector<16xf32>,
        %get3A_679 = arith.index_cast %add3A_627 : i32 to index
        %get3A_680 = arith.constant 80 : index
        %get3A_681 = tpu.vector_load %arg18[%get3A_679, %get3A_680] {strides = array<i32>} : memref<80x128xf32, #tpu.memory_space<vmem>>, vector<16xf32>,
        %add3A_682 = arith.addf %get3A_678, %get3A_681 : vector<16xf32>
        %swap3A_683 = arith.index_cast %add3A_627 : i32 to index
        %swap3A_684 = arith.constant 80 : index
        %swap3A_685 = tpu.vector_load %arg16[%swap3A_683, %swap3A_684] {strides = array<i32>} : memref<80x128xf32, #tpu.memory_space<vmem>>, vector<16xf32>,
        tpu.vector_store %arg16[%swap3A_683, %swap3A_684], %add3A_682 {strides = array<i32>} : memref<80x128xf32, #tpu.memory_space<vmem>>, vector<16xf32>,
        %get3A_686 = arith.index_cast %add3A_627 : i32 to index
        %get3A_687 = arith.constant 96 : index
        %get3A_688 = tpu.vector_load %arg16[%get3A_686, %get3A_687] {strides = array<i32>} : memref<80x128xf32, #tpu.memory_space<vmem>>, vector<16xf32>,
        %get3A_689 = arith.index_cast %add3A_627 : i32 to index
        %get3A_690 = arith.constant 96 : index
        %get3A_691 = tpu.vector_load %arg18[%get3A_689, %get3A_690] {strides = array<i32>} : memref<80x128xf32, #tpu.memory_space<vmem>>, vector<16xf32>,
        %add3A_692 = arith.addf %get3A_688, %get3A_691 : vector<16xf32>
        %swap3A_693 = arith.index_cast %add3A_627 : i32 to index
        %swap3A_694 = arith.constant 96 : index
        %swap3A_695 = tpu.vector_load %arg16[%swap3A_693, %swap3A_694] {strides = array<i32>} : memref<80x128xf32, #tpu.memory_space<vmem>>, vector<16xf32>,
        tpu.vector_store %arg16[%swap3A_693, %swap3A_694], %add3A_692 {strides = array<i32>} : memref<80x128xf32, #tpu.memory_space<vmem>>, vector<16xf32>,
        %get3A_696 = arith.index_cast %add3A_627 : i32 to index
        %get3A_697 = arith.constant 112 : index
        %get3A_698 = tpu.vector_load %arg16[%get3A_696, %get3A_697] {strides = array<i32>} : memref<80x128xf32, #tpu.memory_space<vmem>>, vector<16xf32>,
        %get3A_699 = arith.index_cast %add3A_627 : i32 to index
        %get3A_700 = arith.constant 112 : index
        %get3A_701 = tpu.vector_load %arg18[%get3A_699, %get3A_700] {strides = array<i32>} : memref<80x128xf32, #tpu.memory_space<vmem>>, vector<16xf32>,
        %add3A_702 = arith.addf %get3A_698, %get3A_701 : vector<16xf32>
        %swap3A_703 = arith.index_cast %add3A_627 : i32 to index
        %swap3A_704 = arith.constant 112 : index
        %swap3A_705 = tpu.vector_load %arg16[%swap3A_703, %swap3A_704] {strides = array<i32>} : memref<80x128xf32, #tpu.memory_space<vmem>>, vector<16xf32>,
        tpu.vector_store %arg16[%swap3A_703, %swap3A_704], %add3A_702 {strides = array<i32>} : memref<80x128xf32, #tpu.memory_space<vmem>>, vector<16xf32>,
      }
      %scan3A_462 = arith.constant 80 : i32
      %dma_wait3A_463 = arith.constant 11 : i32
      %dma_wait3A_464 = arith.constant 0 : i32
      %dma_wait3A_465 = tpu.memref_slice %arg15[%dma_wait3A_463, %dma_wait3A_464] : memref<20x80xi32, #tpu.memory_space<vmem>> -> memref<1x80xi32, #tpu.memory_space<vmem>>
      %dma_wait3A_466 = tpu.memref_squeeze %dma_wait3A_465 : memref<1x80xi32, #tpu.memory_space<vmem>> -> memref<80xi32, #tpu.memory_space<vmem>>
      %dma_wait3A_467 = arith.constant 0 : i32
      %dma_wait3A_468 = arith.constant 0 : i32
      %dma_wait3A_469 = tpu.memref_slice %arg9[%dma_wait3A_467, %dma_wait3A_468] : memref<723x128xf32, #tpu.memory_space<vmem_shared>> -> memref<723x128xf32, #tpu.memory_space<vmem_shared>>
      tpu.wait_indirect_dma semaphore(%arg27 : memref<!tpu.dma_semaphore, #tpu.memory_space<semaphore_mem>>) src(%dma_wait3A_469 : memref<723x128xf32, #tpu.memory_space<vmem_shared>>) dst(%arg19 : memref<80x128xf32, #tpu.memory_space<vmem>>)
      %scan3A_470 = arith.constant 0 : i32
      %scan3A_471 = arith.constant 80 : i32
      %scan3A_472 = arith.addi %scan3A_470, %scan3A_471 : i32
      %scan3A_473 = arith.constant 1 : i32
      scf.for %scan3A_623 = %scan3A_470 to %scan3A_472 step %scan3A_473  : i32 {
        %mul3A_624 = arith.constant 1 : i32
        %mul3A_625 = arith.muli %scan3A_623, %mul3A_624 : i32
        %add3A_626 = arith.constant 0 : i32
        %add3A_627 = arith.addi %add3A_626, %mul3A_625 : i32
        %get3A = arith.index_cast %add3A_627 : i32 to index
        %get3A_628 = arith.constant 0 : index
        %get3A_629 = tpu.vector_load %arg16[%get3A, %get3A_628] {strides = array<i32>} : memref<80x128xf32, #tpu.memory_space<vmem>>, vector<16xf32>,
        %get3A_630 = arith.index_cast %add3A_627 : i32 to index
        %get3A_631 = arith.constant 0 : index
        %get3A_632 = tpu.vector_load %arg19[%get3A_630, %get3A_631] {strides = array<i32>} : memref<80x128xf32, #tpu.memory_space<vmem>>, vector<16xf32>,
        %add3A_633 = arith.addf %get3A_629, %get3A_632 : vector<16xf32>
        %swap3A = arith.index_cast %add3A_627 : i32 to index
        %swap3A_634 = arith.constant 0 : index
        %swap3A_635 = tpu.vector_load %arg16[%swap3A, %swap3A_634] {strides = array<i32>} : memref<80x128xf32, #tpu.memory_space<vmem>>, vector<16xf32>,
        tpu.vector_store %arg16[%swap3A, %swap3A_634], %add3A_633 {strides = array<i32>} : memref<80x128xf32, #tpu.memory_space<vmem>>, vector<16xf32>,
        %get3A_636 = arith.index_cast %add3A_627 : i32 to index
        %get3A_637 = arith.constant 16 : index
        %get3A_638 = tpu.vector_load %arg16[%get3A_636, %get3A_637] {strides = array<i32>} : memref<80x128xf32, #tpu.memory_space<vmem>>, vector<16xf32>,
        %get3A_639 = arith.index_cast %add3A_627 : i32 to index
        %get3A_640 = arith.constant 16 : index
        %get3A_641 = tpu.vector_load %arg19[%get3A_639, %get3A_640] {strides = array<i32>} : memref<80x128xf32, #tpu.memory_space<vmem>>, vector<16xf32>,
        %add3A_642 = arith.addf %get3A_638, %get3A_641 : vector<16xf32>
        %swap3A_643 = arith.index_cast %add3A_627 : i32 to index
        %swap3A_644 = arith.constant 16 : index
        %swap3A_645 = tpu.vector_load %arg16[%swap3A_643, %swap3A_644] {strides = array<i32>} : memref<80x128xf32, #tpu.memory_space<vmem>>, vector<16xf32>,
        tpu.vector_store %arg16[%swap3A_643, %swap3A_644], %add3A_642 {strides = array<i32>} : memref<80x128xf32, #tpu.memory_space<vmem>>, vector<16xf32>,
        %get3A_646 = arith.index_cast %add3A_627 : i32 to index
        %get3A_647 = arith.constant 32 : index
        %get3A_648 = tpu.vector_load %arg16[%get3A_646, %get3A_647] {strides = array<i32>} : memref<80x128xf32, #tpu.memory_space<vmem>>, vector<16xf32>,
        %get3A_649 = arith.index_cast %add3A_627 : i32 to index
        %get3A_650 = arith.constant 32 : index
        %get3A_651 = tpu.vector_load %arg19[%get3A_649, %get3A_650] {strides = array<i32>} : memref<80x128xf32, #tpu.memory_space<vmem>>, vector<16xf32>,
        %add3A_652 = arith.addf %get3A_648, %get3A_651 : vector<16xf32>
        %swap3A_653 = arith.index_cast %add3A_627 : i32 to index
        %swap3A_654 = arith.constant 32 : index
        %swap3A_655 = tpu.vector_load %arg16[%swap3A_653, %swap3A_654] {strides = array<i32>} : memref<80x128xf32, #tpu.memory_space<vmem>>, vector<16xf32>,
        tpu.vector_store %arg16[%swap3A_653, %swap3A_654], %add3A_652 {strides = array<i32>} : memref<80x128xf32, #tpu.memory_space<vmem>>, vector<16xf32>,
        %get3A_656 = arith.index_cast %add3A_627 : i32 to index
        %get3A_657 = arith.constant 48 : index
        %get3A_658 = tpu.vector_load %arg16[%get3A_656, %get3A_657] {strides = array<i32>} : memref<80x128xf32, #tpu.memory_space<vmem>>, vector<16xf32>,
        %get3A_659 = arith.index_cast %add3A_627 : i32 to index
        %get3A_660 = arith.constant 48 : index
        %get3A_661 = tpu.vector_load %arg19[%get3A_659, %get3A_660] {strides = array<i32>} : memref<80x128xf32, #tpu.memory_space<vmem>>, vector<16xf32>,
        %add3A_662 = arith.addf %get3A_658, %get3A_661 : vector<16xf32>
        %swap3A_663 = arith.index_cast %add3A_627 : i32 to index
        %swap3A_664 = arith.constant 48 : index
        %swap3A_665 = tpu.vector_load %arg16[%swap3A_663, %swap3A_664] {strides = array<i32>} : memref<80x128xf32, #tpu.memory_space<vmem>>, vector<16xf32>,
        tpu.vector_store %arg16[%swap3A_663, %swap3A_664], %add3A_662 {strides = array<i32>} : memref<80x128xf32, #tpu.memory_space<vmem>>, vector<16xf32>,
        %get3A_666 = arith.index_cast %add3A_627 : i32 to index
        %get3A_667 = arith.constant 64 : index
        %get3A_668 = tpu.vector_load %arg16[%get3A_666, %get3A_667] {strides = array<i32>} : memref<80x128xf32, #tpu.memory_space<vmem>>, vector<16xf32>,
        %get3A_669 = arith.index_cast %add3A_627 : i32 to index
        %get3A_670 = arith.constant 64 : index
        %get3A_671 = tpu.vector_load %arg19[%get3A_669, %get3A_670] {strides = array<i32>} : memref<80x128xf32, #tpu.memory_space<vmem>>, vector<16xf32>,
        %add3A_672 = arith.addf %get3A_668, %get3A_671 : vector<16xf32>
        %swap3A_673 = arith.index_cast %add3A_627 : i32 to index
        %swap3A_674 = arith.constant 64 : index
        %swap3A_675 = tpu.vector_load %arg16[%swap3A_673, %swap3A_674] {strides = array<i32>} : memref<80x128xf32, #tpu.memory_space<vmem>>, vector<16xf32>,
        tpu.vector_store %arg16[%swap3A_673, %swap3A_674], %add3A_672 {strides = array<i32>} : memref<80x128xf32, #tpu.memory_space<vmem>>, vector<16xf32>,
        %get3A_676 = arith.index_cast %add3A_627 : i32 to index
        %get3A_677 = arith.constant 80 : index
        %get3A_678 = tpu.vector_load %arg16[%get3A_676, %get3A_677] {strides = array<i32>} : memref<80x128xf32, #tpu.memory_space<vmem>>, vector<16xf32>,
        %get3A_679 = arith.index_cast %add3A_627 : i32 to index
        %get3A_680 = arith.constant 80 : index
        %get3A_681 = tpu.vector_load %arg19[%get3A_679, %get3A_680] {strides = array<i32>} : memref<80x128xf32, #tpu.memory_space<vmem>>, vector<16xf32>,
        %add3A_682 = arith.addf %get3A_678, %get3A_681 : vector<16xf32>
        %swap3A_683 = arith.index_cast %add3A_627 : i32 to index
        %swap3A_684 = arith.constant 80 : index
        %swap3A_685 = tpu.vector_load %arg16[%swap3A_683, %swap3A_684] {strides = array<i32>} : memref<80x128xf32, #tpu.memory_space<vmem>>, vector<16xf32>,
        tpu.vector_store %arg16[%swap3A_683, %swap3A_684], %add3A_682 {strides = array<i32>} : memref<80x128xf32, #tpu.memory_space<vmem>>, vector<16xf32>,
        %get3A_686 = arith.index_cast %add3A_627 : i32 to index
        %get3A_687 = arith.constant 96 : index
        %get3A_688 = tpu.vector_load %arg16[%get3A_686, %get3A_687] {strides = array<i32>} : memref<80x128xf32, #tpu.memory_space<vmem>>, vector<16xf32>,
        %get3A_689 = arith.index_cast %add3A_627 : i32 to index
        %get3A_690 = arith.constant 96 : index
        %get3A_691 = tpu.vector_load %arg19[%get3A_689, %get3A_690] {strides = array<i32>} : memref<80x128xf32, #tpu.memory_space<vmem>>, vector<16xf32>,
        %add3A_692 = arith.addf %get3A_688, %get3A_691 : vector<16xf32>
        %swap3A_693 = arith.index_cast %add3A_627 : i32 to index
        %swap3A_694 = arith.constant 96 : index
        %swap3A_695 = tpu.vector_load %arg16[%swap3A_693, %swap3A_694] {strides = array<i32>} : memref<80x128xf32, #tpu.memory_space<vmem>>, vector<16xf32>,
        tpu.vector_store %arg16[%swap3A_693, %swap3A_694], %add3A_692 {strides = array<i32>} : memref<80x128xf32, #tpu.memory_space<vmem>>, vector<16xf32>,
        %get3A_696 = arith.index_cast %add3A_627 : i32 to index
        %get3A_697 = arith.constant 112 : index
        %get3A_698 = tpu.vector_load %arg16[%get3A_696, %get3A_697] {strides = array<i32>} : memref<80x128xf32, #tpu.memory_space<vmem>>, vector<16xf32>,
        %get3A_699 = arith.index_cast %add3A_627 : i32 to index
        %get3A_700 = arith.constant 112 : index
        %get3A_701 = tpu.vector_load %arg19[%get3A_699, %get3A_700] {strides = array<i32>} : memref<80x128xf32, #tpu.memory_space<vmem>>, vector<16xf32>,
        %add3A_702 = arith.addf %get3A_698, %get3A_701 : vector<16xf32>
        %swap3A_703 = arith.index_cast %add3A_627 : i32 to index
        %swap3A_704 = arith.constant 112 : index
        %swap3A_705 = tpu.vector_load %arg16[%swap3A_703, %swap3A_704] {strides = array<i32>} : memref<80x128xf32, #tpu.memory_space<vmem>>, vector<16xf32>,
        tpu.vector_store %arg16[%swap3A_703, %swap3A_704], %add3A_702 {strides = array<i32>} : memref<80x128xf32, #tpu.memory_space<vmem>>, vector<16xf32>,
      }
      %scan3A_474 = arith.constant 80 : i32
      %add3A_475 = arith.constant 160 : i32
      %add3A_476 = arith.addi %mul3A_234, %add3A_475 : i32
      "tpu.region"() ({
        %run_scoped3A = tpu.sem_alloc : memref<!tpu.dma_semaphore, #tpu.memory_space<semaphore_mem>>
        %dma_start3A_623 = arith.constant 0 : i32
        %dma_start3A_624 = tpu.memref_slice %arg6[%add3A_476, %dma_start3A_623] : memref<10000x128xf32, #tpu.memory_space<hbm>> -> memref<80x128xf32, #tpu.memory_space<hbm>>
        %dma_start3A_625 = arith.constant 0 : i32
        %dma_start3A_626 = tpu.memref_slice %arg6[%add3A_476, %dma_start3A_625] : memref<10000x128xf32, #tpu.memory_space<hbm>> -> memref<80x128xf32, #tpu.memory_space<hbm>>
        tpu.enqueue_dma source(%arg16 : memref<80x128xf32, #tpu.memory_space<vmem>>) target(%dma_start3A_626 : memref<80x128xf32, #tpu.memory_space<hbm>>) target_semaphore(%run_scoped3A : memref<!tpu.dma_semaphore, #tpu.memory_space<semaphore_mem>>)
        %dma_wait3A_627 = arith.constant 0 : i32
        %dma_wait3A_628 = tpu.memref_slice %arg6[%add3A_476, %dma_wait3A_627] : memref<10000x128xf32, #tpu.memory_space<hbm>> -> memref<80x128xf32, #tpu.memory_space<hbm>>
        %dma_wait3A_629 = arith.constant 0 : i32
        %dma_wait3A_630 = tpu.memref_slice %arg6[%add3A_476, %dma_wait3A_629] : memref<10000x128xf32, #tpu.memory_space<hbm>> -> memref<80x128xf32, #tpu.memory_space<hbm>>
        tpu.wait_dma2 semaphore(%run_scoped3A : memref<!tpu.dma_semaphore, #tpu.memory_space<semaphore_mem>>) src(%arg16 : memref<80x128xf32, #tpu.memory_space<vmem>>) dst(%dma_wait3A_630 : memref<80x128xf32, #tpu.memory_space<hbm>>)
        tpu.yield
      }) : () -> ()
      %dma_start3A_477 = arith.constant 12 : i32
      %dma_start3A_478 = arith.constant 0 : i32
      %dma_start3A_479 = tpu.memref_slice %arg15[%dma_start3A_477, %dma_start3A_478] : memref<20x80xi32, #tpu.memory_space<vmem>> -> memref<1x80xi32, #tpu.memory_space<vmem>>
      %dma_start3A_480 = tpu.memref_squeeze %dma_start3A_479 : memref<1x80xi32, #tpu.memory_space<vmem>> -> memref<80xi32, #tpu.memory_space<vmem>>
      %dma_start3A_481 = arith.constant 0 : i32
      %dma_start3A_482 = arith.constant 0 : i32
      %dma_start3A_483 = tpu.memref_slice %arg9[%dma_start3A_481, %dma_start3A_482] : memref<723x128xf32, #tpu.memory_space<vmem_shared>> -> memref<723x128xf32, #tpu.memory_space<vmem_shared>>
      tpu.enqueue_indirect_dma source(%dma_start3A_483 : memref<723x128xf32, #tpu.memory_space<vmem_shared>>) target(%arg16 : memref<80x128xf32, #tpu.memory_space<vmem>>) offsets(%dma_start3A_480 : memref<80xi32, #tpu.memory_space<vmem>>) semaphore(%arg24 : memref<!tpu.dma_semaphore, #tpu.memory_space<semaphore_mem>>)
      %dma_start3A_484 = arith.constant 13 : i32
      %dma_start3A_485 = arith.constant 0 : i32
      %dma_start3A_486 = tpu.memref_slice %arg15[%dma_start3A_484, %dma_start3A_485] : memref<20x80xi32, #tpu.memory_space<vmem>> -> memref<1x80xi32, #tpu.memory_space<vmem>>
      %dma_start3A_487 = tpu.memref_squeeze %dma_start3A_486 : memref<1x80xi32, #tpu.memory_space<vmem>> -> memref<80xi32, #tpu.memory_space<vmem>>
      %dma_start3A_488 = arith.constant 0 : i32
      %dma_start3A_489 = arith.constant 0 : i32
      %dma_start3A_490 = tpu.memref_slice %arg9[%dma_start3A_488, %dma_start3A_489] : memref<723x128xf32, #tpu.memory_space<vmem_shared>> -> memref<723x128xf32, #tpu.memory_space<vmem_shared>>
      tpu.enqueue_indirect_dma source(%dma_start3A_490 : memref<723x128xf32, #tpu.memory_space<vmem_shared>>) target(%arg17 : memref<80x128xf32, #tpu.memory_space<vmem>>) offsets(%dma_start3A_487 : memref<80xi32, #tpu.memory_space<vmem>>) semaphore(%arg25 : memref<!tpu.dma_semaphore, #tpu.memory_space<semaphore_mem>>)
      %dma_start3A_491 = arith.constant 14 : i32
      %dma_start3A_492 = arith.constant 0 : i32
      %dma_start3A_493 = tpu.memref_slice %arg15[%dma_start3A_491, %dma_start3A_492] : memref<20x80xi32, #tpu.memory_space<vmem>> -> memref<1x80xi32, #tpu.memory_space<vmem>>
      %dma_start3A_494 = tpu.memref_squeeze %dma_start3A_493 : memref<1x80xi32, #tpu.memory_space<vmem>> -> memref<80xi32, #tpu.memory_space<vmem>>
      %dma_start3A_495 = arith.constant 0 : i32
      %dma_start3A_496 = arith.constant 0 : i32
      %dma_start3A_497 = tpu.memref_slice %arg9[%dma_start3A_495, %dma_start3A_496] : memref<723x128xf32, #tpu.memory_space<vmem_shared>> -> memref<723x128xf32, #tpu.memory_space<vmem_shared>>
      tpu.enqueue_indirect_dma source(%dma_start3A_497 : memref<723x128xf32, #tpu.memory_space<vmem_shared>>) target(%arg18 : memref<80x128xf32, #tpu.memory_space<vmem>>) offsets(%dma_start3A_494 : memref<80xi32, #tpu.memory_space<vmem>>) semaphore(%arg26 : memref<!tpu.dma_semaphore, #tpu.memory_space<semaphore_mem>>)
      %dma_start3A_498 = arith.constant 15 : i32
      %dma_start3A_499 = arith.constant 0 : i32
      %dma_start3A_500 = tpu.memref_slice %arg15[%dma_start3A_498, %dma_start3A_499] : memref<20x80xi32, #tpu.memory_space<vmem>> -> memref<1x80xi32, #tpu.memory_space<vmem>>
      %dma_start3A_501 = tpu.memref_squeeze %dma_start3A_500 : memref<1x80xi32, #tpu.memory_space<vmem>> -> memref<80xi32, #tpu.memory_space<vmem>>
      %dma_start3A_502 = arith.constant 0 : i32
      %dma_start3A_503 = arith.constant 0 : i32
      %dma_start3A_504 = tpu.memref_slice %arg9[%dma_start3A_502, %dma_start3A_503] : memref<723x128xf32, #tpu.memory_space<vmem_shared>> -> memref<723x128xf32, #tpu.memory_space<vmem_shared>>
      tpu.enqueue_indirect_dma source(%dma_start3A_504 : memref<723x128xf32, #tpu.memory_space<vmem_shared>>) target(%arg19 : memref<80x128xf32, #tpu.memory_space<vmem>>) offsets(%dma_start3A_501 : memref<80xi32, #tpu.memory_space<vmem>>) semaphore(%arg27 : memref<!tpu.dma_semaphore, #tpu.memory_space<semaphore_mem>>)
      %dma_wait3A_505 = arith.constant 12 : i32
      %dma_wait3A_506 = arith.constant 0 : i32
      %dma_wait3A_507 = tpu.memref_slice %arg15[%dma_wait3A_505, %dma_wait3A_506] : memref<20x80xi32, #tpu.memory_space<vmem>> -> memref<1x80xi32, #tpu.memory_space<vmem>>
      %dma_wait3A_508 = tpu.memref_squeeze %dma_wait3A_507 : memref<1x80xi32, #tpu.memory_space<vmem>> -> memref<80xi32, #tpu.memory_space<vmem>>
      %dma_wait3A_509 = arith.constant 0 : i32
      %dma_wait3A_510 = arith.constant 0 : i32
      %dma_wait3A_511 = tpu.memref_slice %arg9[%dma_wait3A_509, %dma_wait3A_510] : memref<723x128xf32, #tpu.memory_space<vmem_shared>> -> memref<723x128xf32, #tpu.memory_space<vmem_shared>>
      tpu.wait_indirect_dma semaphore(%arg24 : memref<!tpu.dma_semaphore, #tpu.memory_space<semaphore_mem>>) src(%dma_wait3A_511 : memref<723x128xf32, #tpu.memory_space<vmem_shared>>) dst(%arg16 : memref<80x128xf32, #tpu.memory_space<vmem>>)
      %dma_wait3A_512 = arith.constant 13 : i32
      %dma_wait3A_513 = arith.constant 0 : i32
      %dma_wait3A_514 = tpu.memref_slice %arg15[%dma_wait3A_512, %dma_wait3A_513] : memref<20x80xi32, #tpu.memory_space<vmem>> -> memref<1x80xi32, #tpu.memory_space<vmem>>
      %dma_wait3A_515 = tpu.memref_squeeze %dma_wait3A_514 : memref<1x80xi32, #tpu.memory_space<vmem>> -> memref<80xi32, #tpu.memory_space<vmem>>
      %dma_wait3A_516 = arith.constant 0 : i32
      %dma_wait3A_517 = arith.constant 0 : i32
      %dma_wait3A_518 = tpu.memref_slice %arg9[%dma_wait3A_516, %dma_wait3A_517] : memref<723x128xf32, #tpu.memory_space<vmem_shared>> -> memref<723x128xf32, #tpu.memory_space<vmem_shared>>
      tpu.wait_indirect_dma semaphore(%arg25 : memref<!tpu.dma_semaphore, #tpu.memory_space<semaphore_mem>>) src(%dma_wait3A_518 : memref<723x128xf32, #tpu.memory_space<vmem_shared>>) dst(%arg17 : memref<80x128xf32, #tpu.memory_space<vmem>>)
      %scan3A_519 = arith.constant 0 : i32
      %scan3A_520 = arith.constant 80 : i32
      %scan3A_521 = arith.addi %scan3A_519, %scan3A_520 : i32
      %scan3A_522 = arith.constant 1 : i32
      scf.for %scan3A_623 = %scan3A_519 to %scan3A_521 step %scan3A_522  : i32 {
        %mul3A_624 = arith.constant 1 : i32
        %mul3A_625 = arith.muli %scan3A_623, %mul3A_624 : i32
        %add3A_626 = arith.constant 0 : i32
        %add3A_627 = arith.addi %add3A_626, %mul3A_625 : i32
        %get3A = arith.index_cast %add3A_627 : i32 to index
        %get3A_628 = arith.constant 0 : index
        %get3A_629 = tpu.vector_load %arg16[%get3A, %get3A_628] {strides = array<i32>} : memref<80x128xf32, #tpu.memory_space<vmem>>, vector<16xf32>,
        %get3A_630 = arith.index_cast %add3A_627 : i32 to index
        %get3A_631 = arith.constant 0 : index
        %get3A_632 = tpu.vector_load %arg17[%get3A_630, %get3A_631] {strides = array<i32>} : memref<80x128xf32, #tpu.memory_space<vmem>>, vector<16xf32>,
        %add3A_633 = arith.addf %get3A_629, %get3A_632 : vector<16xf32>
        %swap3A = arith.index_cast %add3A_627 : i32 to index
        %swap3A_634 = arith.constant 0 : index
        %swap3A_635 = tpu.vector_load %arg16[%swap3A, %swap3A_634] {strides = array<i32>} : memref<80x128xf32, #tpu.memory_space<vmem>>, vector<16xf32>,
        tpu.vector_store %arg16[%swap3A, %swap3A_634], %add3A_633 {strides = array<i32>} : memref<80x128xf32, #tpu.memory_space<vmem>>, vector<16xf32>,
        %get3A_636 = arith.index_cast %add3A_627 : i32 to index
        %get3A_637 = arith.constant 16 : index
        %get3A_638 = tpu.vector_load %arg16[%get3A_636, %get3A_637] {strides = array<i32>} : memref<80x128xf32, #tpu.memory_space<vmem>>, vector<16xf32>,
        %get3A_639 = arith.index_cast %add3A_627 : i32 to index
        %get3A_640 = arith.constant 16 : index
        %get3A_641 = tpu.vector_load %arg17[%get3A_639, %get3A_640] {strides = array<i32>} : memref<80x128xf32, #tpu.memory_space<vmem>>, vector<16xf32>,
        %add3A_642 = arith.addf %get3A_638, %get3A_641 : vector<16xf32>
        %swap3A_643 = arith.index_cast %add3A_627 : i32 to index
        %swap3A_644 = arith.constant 16 : index
        %swap3A_645 = tpu.vector_load %arg16[%swap3A_643, %swap3A_644] {strides = array<i32>} : memref<80x128xf32, #tpu.memory_space<vmem>>, vector<16xf32>,
        tpu.vector_store %arg16[%swap3A_643, %swap3A_644], %add3A_642 {strides = array<i32>} : memref<80x128xf32, #tpu.memory_space<vmem>>, vector<16xf32>,
        %get3A_646 = arith.index_cast %add3A_627 : i32 to index
        %get3A_647 = arith.constant 32 : index
        %get3A_648 = tpu.vector_load %arg16[%get3A_646, %get3A_647] {strides = array<i32>} : memref<80x128xf32, #tpu.memory_space<vmem>>, vector<16xf32>,
        %get3A_649 = arith.index_cast %add3A_627 : i32 to index
        %get3A_650 = arith.constant 32 : index
        %get3A_651 = tpu.vector_load %arg17[%get3A_649, %get3A_650] {strides = array<i32>} : memref<80x128xf32, #tpu.memory_space<vmem>>, vector<16xf32>,
        %add3A_652 = arith.addf %get3A_648, %get3A_651 : vector<16xf32>
        %swap3A_653 = arith.index_cast %add3A_627 : i32 to index
        %swap3A_654 = arith.constant 32 : index
        %swap3A_655 = tpu.vector_load %arg16[%swap3A_653, %swap3A_654] {strides = array<i32>} : memref<80x128xf32, #tpu.memory_space<vmem>>, vector<16xf32>,
        tpu.vector_store %arg16[%swap3A_653, %swap3A_654], %add3A_652 {strides = array<i32>} : memref<80x128xf32, #tpu.memory_space<vmem>>, vector<16xf32>,
        %get3A_656 = arith.index_cast %add3A_627 : i32 to index
        %get3A_657 = arith.constant 48 : index
        %get3A_658 = tpu.vector_load %arg16[%get3A_656, %get3A_657] {strides = array<i32>} : memref<80x128xf32, #tpu.memory_space<vmem>>, vector<16xf32>,
        %get3A_659 = arith.index_cast %add3A_627 : i32 to index
        %get3A_660 = arith.constant 48 : index
        %get3A_661 = tpu.vector_load %arg17[%get3A_659, %get3A_660] {strides = array<i32>} : memref<80x128xf32, #tpu.memory_space<vmem>>, vector<16xf32>,
        %add3A_662 = arith.addf %get3A_658, %get3A_661 : vector<16xf32>
        %swap3A_663 = arith.index_cast %add3A_627 : i32 to index
        %swap3A_664 = arith.constant 48 : index
        %swap3A_665 = tpu.vector_load %arg16[%swap3A_663, %swap3A_664] {strides = array<i32>} : memref<80x128xf32, #tpu.memory_space<vmem>>, vector<16xf32>,
        tpu.vector_store %arg16[%swap3A_663, %swap3A_664], %add3A_662 {strides = array<i32>} : memref<80x128xf32, #tpu.memory_space<vmem>>, vector<16xf32>,
        %get3A_666 = arith.index_cast %add3A_627 : i32 to index
        %get3A_667 = arith.constant 64 : index
        %get3A_668 = tpu.vector_load %arg16[%get3A_666, %get3A_667] {strides = array<i32>} : memref<80x128xf32, #tpu.memory_space<vmem>>, vector<16xf32>,
        %get3A_669 = arith.index_cast %add3A_627 : i32 to index
        %get3A_670 = arith.constant 64 : index
        %get3A_671 = tpu.vector_load %arg17[%get3A_669, %get3A_670] {strides = array<i32>} : memref<80x128xf32, #tpu.memory_space<vmem>>, vector<16xf32>,
        %add3A_672 = arith.addf %get3A_668, %get3A_671 : vector<16xf32>
        %swap3A_673 = arith.index_cast %add3A_627 : i32 to index
        %swap3A_674 = arith.constant 64 : index
        %swap3A_675 = tpu.vector_load %arg16[%swap3A_673, %swap3A_674] {strides = array<i32>} : memref<80x128xf32, #tpu.memory_space<vmem>>, vector<16xf32>,
        tpu.vector_store %arg16[%swap3A_673, %swap3A_674], %add3A_672 {strides = array<i32>} : memref<80x128xf32, #tpu.memory_space<vmem>>, vector<16xf32>,
        %get3A_676 = arith.index_cast %add3A_627 : i32 to index
        %get3A_677 = arith.constant 80 : index
        %get3A_678 = tpu.vector_load %arg16[%get3A_676, %get3A_677] {strides = array<i32>} : memref<80x128xf32, #tpu.memory_space<vmem>>, vector<16xf32>,
        %get3A_679 = arith.index_cast %add3A_627 : i32 to index
        %get3A_680 = arith.constant 80 : index
        %get3A_681 = tpu.vector_load %arg17[%get3A_679, %get3A_680] {strides = array<i32>} : memref<80x128xf32, #tpu.memory_space<vmem>>, vector<16xf32>,
        %add3A_682 = arith.addf %get3A_678, %get3A_681 : vector<16xf32>
        %swap3A_683 = arith.index_cast %add3A_627 : i32 to index
        %swap3A_684 = arith.constant 80 : index
        %swap3A_685 = tpu.vector_load %arg16[%swap3A_683, %swap3A_684] {strides = array<i32>} : memref<80x128xf32, #tpu.memory_space<vmem>>, vector<16xf32>,
        tpu.vector_store %arg16[%swap3A_683, %swap3A_684], %add3A_682 {strides = array<i32>} : memref<80x128xf32, #tpu.memory_space<vmem>>, vector<16xf32>,
        %get3A_686 = arith.index_cast %add3A_627 : i32 to index
        %get3A_687 = arith.constant 96 : index
        %get3A_688 = tpu.vector_load %arg16[%get3A_686, %get3A_687] {strides = array<i32>} : memref<80x128xf32, #tpu.memory_space<vmem>>, vector<16xf32>,
        %get3A_689 = arith.index_cast %add3A_627 : i32 to index
        %get3A_690 = arith.constant 96 : index
        %get3A_691 = tpu.vector_load %arg17[%get3A_689, %get3A_690] {strides = array<i32>} : memref<80x128xf32, #tpu.memory_space<vmem>>, vector<16xf32>,
        %add3A_692 = arith.addf %get3A_688, %get3A_691 : vector<16xf32>
        %swap3A_693 = arith.index_cast %add3A_627 : i32 to index
        %swap3A_694 = arith.constant 96 : index
        %swap3A_695 = tpu.vector_load %arg16[%swap3A_693, %swap3A_694] {strides = array<i32>} : memref<80x128xf32, #tpu.memory_space<vmem>>, vector<16xf32>,
        tpu.vector_store %arg16[%swap3A_693, %swap3A_694], %add3A_692 {strides = array<i32>} : memref<80x128xf32, #tpu.memory_space<vmem>>, vector<16xf32>,
        %get3A_696 = arith.index_cast %add3A_627 : i32 to index
        %get3A_697 = arith.constant 112 : index
        %get3A_698 = tpu.vector_load %arg16[%get3A_696, %get3A_697] {strides = array<i32>} : memref<80x128xf32, #tpu.memory_space<vmem>>, vector<16xf32>,
        %get3A_699 = arith.index_cast %add3A_627 : i32 to index
        %get3A_700 = arith.constant 112 : index
        %get3A_701 = tpu.vector_load %arg17[%get3A_699, %get3A_700] {strides = array<i32>} : memref<80x128xf32, #tpu.memory_space<vmem>>, vector<16xf32>,
        %add3A_702 = arith.addf %get3A_698, %get3A_701 : vector<16xf32>
        %swap3A_703 = arith.index_cast %add3A_627 : i32 to index
        %swap3A_704 = arith.constant 112 : index
        %swap3A_705 = tpu.vector_load %arg16[%swap3A_703, %swap3A_704] {strides = array<i32>} : memref<80x128xf32, #tpu.memory_space<vmem>>, vector<16xf32>,
        tpu.vector_store %arg16[%swap3A_703, %swap3A_704], %add3A_702 {strides = array<i32>} : memref<80x128xf32, #tpu.memory_space<vmem>>, vector<16xf32>,
      }
      %scan3A_523 = arith.constant 80 : i32
      %dma_wait3A_524 = arith.constant 14 : i32
      %dma_wait3A_525 = arith.constant 0 : i32
      %dma_wait3A_526 = tpu.memref_slice %arg15[%dma_wait3A_524, %dma_wait3A_525] : memref<20x80xi32, #tpu.memory_space<vmem>> -> memref<1x80xi32, #tpu.memory_space<vmem>>
      %dma_wait3A_527 = tpu.memref_squeeze %dma_wait3A_526 : memref<1x80xi32, #tpu.memory_space<vmem>> -> memref<80xi32, #tpu.memory_space<vmem>>
      %dma_wait3A_528 = arith.constant 0 : i32
      %dma_wait3A_529 = arith.constant 0 : i32
      %dma_wait3A_530 = tpu.memref_slice %arg9[%dma_wait3A_528, %dma_wait3A_529] : memref<723x128xf32, #tpu.memory_space<vmem_shared>> -> memref<723x128xf32, #tpu.memory_space<vmem_shared>>
      tpu.wait_indirect_dma semaphore(%arg26 : memref<!tpu.dma_semaphore, #tpu.memory_space<semaphore_mem>>) src(%dma_wait3A_530 : memref<723x128xf32, #tpu.memory_space<vmem_shared>>) dst(%arg18 : memref<80x128xf32, #tpu.memory_space<vmem>>)
      %scan3A_531 = arith.constant 0 : i32
      %scan3A_532 = arith.constant 80 : i32
      %scan3A_533 = arith.addi %scan3A_531, %scan3A_532 : i32
      %scan3A_534 = arith.constant 1 : i32
      scf.for %scan3A_623 = %scan3A_531 to %scan3A_533 step %scan3A_534  : i32 {
        %mul3A_624 = arith.constant 1 : i32
        %mul3A_625 = arith.muli %scan3A_623, %mul3A_624 : i32
        %add3A_626 = arith.constant 0 : i32
        %add3A_627 = arith.addi %add3A_626, %mul3A_625 : i32
        %get3A = arith.index_cast %add3A_627 : i32 to index
        %get3A_628 = arith.constant 0 : index
        %get3A_629 = tpu.vector_load %arg16[%get3A, %get3A_628] {strides = array<i32>} : memref<80x128xf32, #tpu.memory_space<vmem>>, vector<16xf32>,
        %get3A_630 = arith.index_cast %add3A_627 : i32 to index
        %get3A_631 = arith.constant 0 : index
        %get3A_632 = tpu.vector_load %arg18[%get3A_630, %get3A_631] {strides = array<i32>} : memref<80x128xf32, #tpu.memory_space<vmem>>, vector<16xf32>,
        %add3A_633 = arith.addf %get3A_629, %get3A_632 : vector<16xf32>
        %swap3A = arith.index_cast %add3A_627 : i32 to index
        %swap3A_634 = arith.constant 0 : index
        %swap3A_635 = tpu.vector_load %arg16[%swap3A, %swap3A_634] {strides = array<i32>} : memref<80x128xf32, #tpu.memory_space<vmem>>, vector<16xf32>,
        tpu.vector_store %arg16[%swap3A, %swap3A_634], %add3A_633 {strides = array<i32>} : memref<80x128xf32, #tpu.memory_space<vmem>>, vector<16xf32>,
        %get3A_636 = arith.index_cast %add3A_627 : i32 to index
        %get3A_637 = arith.constant 16 : index
        %get3A_638 = tpu.vector_load %arg16[%get3A_636, %get3A_637] {strides = array<i32>} : memref<80x128xf32, #tpu.memory_space<vmem>>, vector<16xf32>,
        %get3A_639 = arith.index_cast %add3A_627 : i32 to index
        %get3A_640 = arith.constant 16 : index
        %get3A_641 = tpu.vector_load %arg18[%get3A_639, %get3A_640] {strides = array<i32>} : memref<80x128xf32, #tpu.memory_space<vmem>>, vector<16xf32>,
        %add3A_642 = arith.addf %get3A_638, %get3A_641 : vector<16xf32>
        %swap3A_643 = arith.index_cast %add3A_627 : i32 to index
        %swap3A_644 = arith.constant 16 : index
        %swap3A_645 = tpu.vector_load %arg16[%swap3A_643, %swap3A_644] {strides = array<i32>} : memref<80x128xf32, #tpu.memory_space<vmem>>, vector<16xf32>,
        tpu.vector_store %arg16[%swap3A_643, %swap3A_644], %add3A_642 {strides = array<i32>} : memref<80x128xf32, #tpu.memory_space<vmem>>, vector<16xf32>,
        %get3A_646 = arith.index_cast %add3A_627 : i32 to index
        %get3A_647 = arith.constant 32 : index
        %get3A_648 = tpu.vector_load %arg16[%get3A_646, %get3A_647] {strides = array<i32>} : memref<80x128xf32, #tpu.memory_space<vmem>>, vector<16xf32>,
        %get3A_649 = arith.index_cast %add3A_627 : i32 to index
        %get3A_650 = arith.constant 32 : index
        %get3A_651 = tpu.vector_load %arg18[%get3A_649, %get3A_650] {strides = array<i32>} : memref<80x128xf32, #tpu.memory_space<vmem>>, vector<16xf32>,
        %add3A_652 = arith.addf %get3A_648, %get3A_651 : vector<16xf32>
        %swap3A_653 = arith.index_cast %add3A_627 : i32 to index
        %swap3A_654 = arith.constant 32 : index
        %swap3A_655 = tpu.vector_load %arg16[%swap3A_653, %swap3A_654] {strides = array<i32>} : memref<80x128xf32, #tpu.memory_space<vmem>>, vector<16xf32>,
        tpu.vector_store %arg16[%swap3A_653, %swap3A_654], %add3A_652 {strides = array<i32>} : memref<80x128xf32, #tpu.memory_space<vmem>>, vector<16xf32>,
        %get3A_656 = arith.index_cast %add3A_627 : i32 to index
        %get3A_657 = arith.constant 48 : index
        %get3A_658 = tpu.vector_load %arg16[%get3A_656, %get3A_657] {strides = array<i32>} : memref<80x128xf32, #tpu.memory_space<vmem>>, vector<16xf32>,
        %get3A_659 = arith.index_cast %add3A_627 : i32 to index
        %get3A_660 = arith.constant 48 : index
        %get3A_661 = tpu.vector_load %arg18[%get3A_659, %get3A_660] {strides = array<i32>} : memref<80x128xf32, #tpu.memory_space<vmem>>, vector<16xf32>,
        %add3A_662 = arith.addf %get3A_658, %get3A_661 : vector<16xf32>
        %swap3A_663 = arith.index_cast %add3A_627 : i32 to index
        %swap3A_664 = arith.constant 48 : index
        %swap3A_665 = tpu.vector_load %arg16[%swap3A_663, %swap3A_664] {strides = array<i32>} : memref<80x128xf32, #tpu.memory_space<vmem>>, vector<16xf32>,
        tpu.vector_store %arg16[%swap3A_663, %swap3A_664], %add3A_662 {strides = array<i32>} : memref<80x128xf32, #tpu.memory_space<vmem>>, vector<16xf32>,
        %get3A_666 = arith.index_cast %add3A_627 : i32 to index
        %get3A_667 = arith.constant 64 : index
        %get3A_668 = tpu.vector_load %arg16[%get3A_666, %get3A_667] {strides = array<i32>} : memref<80x128xf32, #tpu.memory_space<vmem>>, vector<16xf32>,
        %get3A_669 = arith.index_cast %add3A_627 : i32 to index
        %get3A_670 = arith.constant 64 : index
        %get3A_671 = tpu.vector_load %arg18[%get3A_669, %get3A_670] {strides = array<i32>} : memref<80x128xf32, #tpu.memory_space<vmem>>, vector<16xf32>,
        %add3A_672 = arith.addf %get3A_668, %get3A_671 : vector<16xf32>
        %swap3A_673 = arith.index_cast %add3A_627 : i32 to index
        %swap3A_674 = arith.constant 64 : index
        %swap3A_675 = tpu.vector_load %arg16[%swap3A_673, %swap3A_674] {strides = array<i32>} : memref<80x128xf32, #tpu.memory_space<vmem>>, vector<16xf32>,
        tpu.vector_store %arg16[%swap3A_673, %swap3A_674], %add3A_672 {strides = array<i32>} : memref<80x128xf32, #tpu.memory_space<vmem>>, vector<16xf32>,
        %get3A_676 = arith.index_cast %add3A_627 : i32 to index
        %get3A_677 = arith.constant 80 : index
        %get3A_678 = tpu.vector_load %arg16[%get3A_676, %get3A_677] {strides = array<i32>} : memref<80x128xf32, #tpu.memory_space<vmem>>, vector<16xf32>,
        %get3A_679 = arith.index_cast %add3A_627 : i32 to index
        %get3A_680 = arith.constant 80 : index
        %get3A_681 = tpu.vector_load %arg18[%get3A_679, %get3A_680] {strides = array<i32>} : memref<80x128xf32, #tpu.memory_space<vmem>>, vector<16xf32>,
        %add3A_682 = arith.addf %get3A_678, %get3A_681 : vector<16xf32>
        %swap3A_683 = arith.index_cast %add3A_627 : i32 to index
        %swap3A_684 = arith.constant 80 : index
        %swap3A_685 = tpu.vector_load %arg16[%swap3A_683, %swap3A_684] {strides = array<i32>} : memref<80x128xf32, #tpu.memory_space<vmem>>, vector<16xf32>,
        tpu.vector_store %arg16[%swap3A_683, %swap3A_684], %add3A_682 {strides = array<i32>} : memref<80x128xf32, #tpu.memory_space<vmem>>, vector<16xf32>,
        %get3A_686 = arith.index_cast %add3A_627 : i32 to index
        %get3A_687 = arith.constant 96 : index
        %get3A_688 = tpu.vector_load %arg16[%get3A_686, %get3A_687] {strides = array<i32>} : memref<80x128xf32, #tpu.memory_space<vmem>>, vector<16xf32>,
        %get3A_689 = arith.index_cast %add3A_627 : i32 to index
        %get3A_690 = arith.constant 96 : index
        %get3A_691 = tpu.vector_load %arg18[%get3A_689, %get3A_690] {strides = array<i32>} : memref<80x128xf32, #tpu.memory_space<vmem>>, vector<16xf32>,
        %add3A_692 = arith.addf %get3A_688, %get3A_691 : vector<16xf32>
        %swap3A_693 = arith.index_cast %add3A_627 : i32 to index
        %swap3A_694 = arith.constant 96 : index
        %swap3A_695 = tpu.vector_load %arg16[%swap3A_693, %swap3A_694] {strides = array<i32>} : memref<80x128xf32, #tpu.memory_space<vmem>>, vector<16xf32>,
        tpu.vector_store %arg16[%swap3A_693, %swap3A_694], %add3A_692 {strides = array<i32>} : memref<80x128xf32, #tpu.memory_space<vmem>>, vector<16xf32>,
        %get3A_696 = arith.index_cast %add3A_627 : i32 to index
        %get3A_697 = arith.constant 112 : index
        %get3A_698 = tpu.vector_load %arg16[%get3A_696, %get3A_697] {strides = array<i32>} : memref<80x128xf32, #tpu.memory_space<vmem>>, vector<16xf32>,
        %get3A_699 = arith.index_cast %add3A_627 : i32 to index
        %get3A_700 = arith.constant 112 : index
        %get3A_701 = tpu.vector_load %arg18[%get3A_699, %get3A_700] {strides = array<i32>} : memref<80x128xf32, #tpu.memory_space<vmem>>, vector<16xf32>,
        %add3A_702 = arith.addf %get3A_698, %get3A_701 : vector<16xf32>
        %swap3A_703 = arith.index_cast %add3A_627 : i32 to index
        %swap3A_704 = arith.constant 112 : index
        %swap3A_705 = tpu.vector_load %arg16[%swap3A_703, %swap3A_704] {strides = array<i32>} : memref<80x128xf32, #tpu.memory_space<vmem>>, vector<16xf32>,
        tpu.vector_store %arg16[%swap3A_703, %swap3A_704], %add3A_702 {strides = array<i32>} : memref<80x128xf32, #tpu.memory_space<vmem>>, vector<16xf32>,
      }
      %scan3A_535 = arith.constant 80 : i32
      %dma_wait3A_536 = arith.constant 15 : i32
      %dma_wait3A_537 = arith.constant 0 : i32
      %dma_wait3A_538 = tpu.memref_slice %arg15[%dma_wait3A_536, %dma_wait3A_537] : memref<20x80xi32, #tpu.memory_space<vmem>> -> memref<1x80xi32, #tpu.memory_space<vmem>>
      %dma_wait3A_539 = tpu.memref_squeeze %dma_wait3A_538 : memref<1x80xi32, #tpu.memory_space<vmem>> -> memref<80xi32, #tpu.memory_space<vmem>>
      %dma_wait3A_540 = arith.constant 0 : i32
      %dma_wait3A_541 = arith.constant 0 : i32
      %dma_wait3A_542 = tpu.memref_slice %arg9[%dma_wait3A_540, %dma_wait3A_541] : memref<723x128xf32, #tpu.memory_space<vmem_shared>> -> memref<723x128xf32, #tpu.memory_space<vmem_shared>>
      tpu.wait_indirect_dma semaphore(%arg27 : memref<!tpu.dma_semaphore, #tpu.memory_space<semaphore_mem>>) src(%dma_wait3A_542 : memref<723x128xf32, #tpu.memory_space<vmem_shared>>) dst(%arg19 : memref<80x128xf32, #tpu.memory_space<vmem>>)
      %scan3A_543 = arith.constant 0 : i32
      %scan3A_544 = arith.constant 80 : i32
      %scan3A_545 = arith.addi %scan3A_543, %scan3A_544 : i32
      %scan3A_546 = arith.constant 1 : i32
      scf.for %scan3A_623 = %scan3A_543 to %scan3A_545 step %scan3A_546  : i32 {
        %mul3A_624 = arith.constant 1 : i32
        %mul3A_625 = arith.muli %scan3A_623, %mul3A_624 : i32
        %add3A_626 = arith.constant 0 : i32
        %add3A_627 = arith.addi %add3A_626, %mul3A_625 : i32
        %get3A = arith.index_cast %add3A_627 : i32 to index
        %get3A_628 = arith.constant 0 : index
        %get3A_629 = tpu.vector_load %arg16[%get3A, %get3A_628] {strides = array<i32>} : memref<80x128xf32, #tpu.memory_space<vmem>>, vector<16xf32>,
        %get3A_630 = arith.index_cast %add3A_627 : i32 to index
        %get3A_631 = arith.constant 0 : index
        %get3A_632 = tpu.vector_load %arg19[%get3A_630, %get3A_631] {strides = array<i32>} : memref<80x128xf32, #tpu.memory_space<vmem>>, vector<16xf32>,
        %add3A_633 = arith.addf %get3A_629, %get3A_632 : vector<16xf32>
        %swap3A = arith.index_cast %add3A_627 : i32 to index
        %swap3A_634 = arith.constant 0 : index
        %swap3A_635 = tpu.vector_load %arg16[%swap3A, %swap3A_634] {strides = array<i32>} : memref<80x128xf32, #tpu.memory_space<vmem>>, vector<16xf32>,
        tpu.vector_store %arg16[%swap3A, %swap3A_634], %add3A_633 {strides = array<i32>} : memref<80x128xf32, #tpu.memory_space<vmem>>, vector<16xf32>,
        %get3A_636 = arith.index_cast %add3A_627 : i32 to index
        %get3A_637 = arith.constant 16 : index
        %get3A_638 = tpu.vector_load %arg16[%get3A_636, %get3A_637] {strides = array<i32>} : memref<80x128xf32, #tpu.memory_space<vmem>>, vector<16xf32>,
        %get3A_639 = arith.index_cast %add3A_627 : i32 to index
        %get3A_640 = arith.constant 16 : index
        %get3A_641 = tpu.vector_load %arg19[%get3A_639, %get3A_640] {strides = array<i32>} : memref<80x128xf32, #tpu.memory_space<vmem>>, vector<16xf32>,
        %add3A_642 = arith.addf %get3A_638, %get3A_641 : vector<16xf32>
        %swap3A_643 = arith.index_cast %add3A_627 : i32 to index
        %swap3A_644 = arith.constant 16 : index
        %swap3A_645 = tpu.vector_load %arg16[%swap3A_643, %swap3A_644] {strides = array<i32>} : memref<80x128xf32, #tpu.memory_space<vmem>>, vector<16xf32>,
        tpu.vector_store %arg16[%swap3A_643, %swap3A_644], %add3A_642 {strides = array<i32>} : memref<80x128xf32, #tpu.memory_space<vmem>>, vector<16xf32>,
        %get3A_646 = arith.index_cast %add3A_627 : i32 to index
        %get3A_647 = arith.constant 32 : index
        %get3A_648 = tpu.vector_load %arg16[%get3A_646, %get3A_647] {strides = array<i32>} : memref<80x128xf32, #tpu.memory_space<vmem>>, vector<16xf32>,
        %get3A_649 = arith.index_cast %add3A_627 : i32 to index
        %get3A_650 = arith.constant 32 : index
        %get3A_651 = tpu.vector_load %arg19[%get3A_649, %get3A_650] {strides = array<i32>} : memref<80x128xf32, #tpu.memory_space<vmem>>, vector<16xf32>,
        %add3A_652 = arith.addf %get3A_648, %get3A_651 : vector<16xf32>
        %swap3A_653 = arith.index_cast %add3A_627 : i32 to index
        %swap3A_654 = arith.constant 32 : index
        %swap3A_655 = tpu.vector_load %arg16[%swap3A_653, %swap3A_654] {strides = array<i32>} : memref<80x128xf32, #tpu.memory_space<vmem>>, vector<16xf32>,
        tpu.vector_store %arg16[%swap3A_653, %swap3A_654], %add3A_652 {strides = array<i32>} : memref<80x128xf32, #tpu.memory_space<vmem>>, vector<16xf32>,
        %get3A_656 = arith.index_cast %add3A_627 : i32 to index
        %get3A_657 = arith.constant 48 : index
        %get3A_658 = tpu.vector_load %arg16[%get3A_656, %get3A_657] {strides = array<i32>} : memref<80x128xf32, #tpu.memory_space<vmem>>, vector<16xf32>,
        %get3A_659 = arith.index_cast %add3A_627 : i32 to index
        %get3A_660 = arith.constant 48 : index
        %get3A_661 = tpu.vector_load %arg19[%get3A_659, %get3A_660] {strides = array<i32>} : memref<80x128xf32, #tpu.memory_space<vmem>>, vector<16xf32>,
        %add3A_662 = arith.addf %get3A_658, %get3A_661 : vector<16xf32>
        %swap3A_663 = arith.index_cast %add3A_627 : i32 to index
        %swap3A_664 = arith.constant 48 : index
        %swap3A_665 = tpu.vector_load %arg16[%swap3A_663, %swap3A_664] {strides = array<i32>} : memref<80x128xf32, #tpu.memory_space<vmem>>, vector<16xf32>,
        tpu.vector_store %arg16[%swap3A_663, %swap3A_664], %add3A_662 {strides = array<i32>} : memref<80x128xf32, #tpu.memory_space<vmem>>, vector<16xf32>,
        %get3A_666 = arith.index_cast %add3A_627 : i32 to index
        %get3A_667 = arith.constant 64 : index
        %get3A_668 = tpu.vector_load %arg16[%get3A_666, %get3A_667] {strides = array<i32>} : memref<80x128xf32, #tpu.memory_space<vmem>>, vector<16xf32>,
        %get3A_669 = arith.index_cast %add3A_627 : i32 to index
        %get3A_670 = arith.constant 64 : index
        %get3A_671 = tpu.vector_load %arg19[%get3A_669, %get3A_670] {strides = array<i32>} : memref<80x128xf32, #tpu.memory_space<vmem>>, vector<16xf32>,
        %add3A_672 = arith.addf %get3A_668, %get3A_671 : vector<16xf32>
        %swap3A_673 = arith.index_cast %add3A_627 : i32 to index
        %swap3A_674 = arith.constant 64 : index
        %swap3A_675 = tpu.vector_load %arg16[%swap3A_673, %swap3A_674] {strides = array<i32>} : memref<80x128xf32, #tpu.memory_space<vmem>>, vector<16xf32>,
        tpu.vector_store %arg16[%swap3A_673, %swap3A_674], %add3A_672 {strides = array<i32>} : memref<80x128xf32, #tpu.memory_space<vmem>>, vector<16xf32>,
        %get3A_676 = arith.index_cast %add3A_627 : i32 to index
        %get3A_677 = arith.constant 80 : index
        %get3A_678 = tpu.vector_load %arg16[%get3A_676, %get3A_677] {strides = array<i32>} : memref<80x128xf32, #tpu.memory_space<vmem>>, vector<16xf32>,
        %get3A_679 = arith.index_cast %add3A_627 : i32 to index
        %get3A_680 = arith.constant 80 : index
        %get3A_681 = tpu.vector_load %arg19[%get3A_679, %get3A_680] {strides = array<i32>} : memref<80x128xf32, #tpu.memory_space<vmem>>, vector<16xf32>,
        %add3A_682 = arith.addf %get3A_678, %get3A_681 : vector<16xf32>
        %swap3A_683 = arith.index_cast %add3A_627 : i32 to index
        %swap3A_684 = arith.constant 80 : index
        %swap3A_685 = tpu.vector_load %arg16[%swap3A_683, %swap3A_684] {strides = array<i32>} : memref<80x128xf32, #tpu.memory_space<vmem>>, vector<16xf32>,
        tpu.vector_store %arg16[%swap3A_683, %swap3A_684], %add3A_682 {strides = array<i32>} : memref<80x128xf32, #tpu.memory_space<vmem>>, vector<16xf32>,
        %get3A_686 = arith.index_cast %add3A_627 : i32 to index
        %get3A_687 = arith.constant 96 : index
        %get3A_688 = tpu.vector_load %arg16[%get3A_686, %get3A_687] {strides = array<i32>} : memref<80x128xf32, #tpu.memory_space<vmem>>, vector<16xf32>,
        %get3A_689 = arith.index_cast %add3A_627 : i32 to index
        %get3A_690 = arith.constant 96 : index
        %get3A_691 = tpu.vector_load %arg19[%get3A_689, %get3A_690] {strides = array<i32>} : memref<80x128xf32, #tpu.memory_space<vmem>>, vector<16xf32>,
        %add3A_692 = arith.addf %get3A_688, %get3A_691 : vector<16xf32>
        %swap3A_693 = arith.index_cast %add3A_627 : i32 to index
        %swap3A_694 = arith.constant 96 : index
        %swap3A_695 = tpu.vector_load %arg16[%swap3A_693, %swap3A_694] {strides = array<i32>} : memref<80x128xf32, #tpu.memory_space<vmem>>, vector<16xf32>,
        tpu.vector_store %arg16[%swap3A_693, %swap3A_694], %add3A_692 {strides = array<i32>} : memref<80x128xf32, #tpu.memory_space<vmem>>, vector<16xf32>,
        %get3A_696 = arith.index_cast %add3A_627 : i32 to index
        %get3A_697 = arith.constant 112 : index
        %get3A_698 = tpu.vector_load %arg16[%get3A_696, %get3A_697] {strides = array<i32>} : memref<80x128xf32, #tpu.memory_space<vmem>>, vector<16xf32>,
        %get3A_699 = arith.index_cast %add3A_627 : i32 to index
        %get3A_700 = arith.constant 112 : index
        %get3A_701 = tpu.vector_load %arg19[%get3A_699, %get3A_700] {strides = array<i32>} : memref<80x128xf32, #tpu.memory_space<vmem>>, vector<16xf32>,
        %add3A_702 = arith.addf %get3A_698, %get3A_701 : vector<16xf32>
        %swap3A_703 = arith.index_cast %add3A_627 : i32 to index
        %swap3A_704 = arith.constant 112 : index
        %swap3A_705 = tpu.vector_load %arg16[%swap3A_703, %swap3A_704] {strides = array<i32>} : memref<80x128xf32, #tpu.memory_space<vmem>>, vector<16xf32>,
        tpu.vector_store %arg16[%swap3A_703, %swap3A_704], %add3A_702 {strides = array<i32>} : memref<80x128xf32, #tpu.memory_space<vmem>>, vector<16xf32>,
      }
      %scan3A_547 = arith.constant 80 : i32
      %add3A_548 = arith.constant 240 : i32
      %add3A_549 = arith.addi %mul3A_234, %add3A_548 : i32
      "tpu.region"() ({
        %run_scoped3A = tpu.sem_alloc : memref<!tpu.dma_semaphore, #tpu.memory_space<semaphore_mem>>
        %dma_start3A_623 = arith.constant 0 : i32
        %dma_start3A_624 = tpu.memref_slice %arg6[%add3A_549, %dma_start3A_623] : memref<10000x128xf32, #tpu.memory_space<hbm>> -> memref<80x128xf32, #tpu.memory_space<hbm>>
        %dma_start3A_625 = arith.constant 0 : i32
        %dma_start3A_626 = tpu.memref_slice %arg6[%add3A_549, %dma_start3A_625] : memref<10000x128xf32, #tpu.memory_space<hbm>> -> memref<80x128xf32, #tpu.memory_space<hbm>>
        tpu.enqueue_dma source(%arg16 : memref<80x128xf32, #tpu.memory_space<vmem>>) target(%dma_start3A_626 : memref<80x128xf32, #tpu.memory_space<hbm>>) target_semaphore(%run_scoped3A : memref<!tpu.dma_semaphore, #tpu.memory_space<semaphore_mem>>)
        %dma_wait3A_627 = arith.constant 0 : i32
        %dma_wait3A_628 = tpu.memref_slice %arg6[%add3A_549, %dma_wait3A_627] : memref<10000x128xf32, #tpu.memory_space<hbm>> -> memref<80x128xf32, #tpu.memory_space<hbm>>
        %dma_wait3A_629 = arith.constant 0 : i32
        %dma_wait3A_630 = tpu.memref_slice %arg6[%add3A_549, %dma_wait3A_629] : memref<10000x128xf32, #tpu.memory_space<hbm>> -> memref<80x128xf32, #tpu.memory_space<hbm>>
        tpu.wait_dma2 semaphore(%run_scoped3A : memref<!tpu.dma_semaphore, #tpu.memory_space<semaphore_mem>>) src(%arg16 : memref<80x128xf32, #tpu.memory_space<vmem>>) dst(%dma_wait3A_630 : memref<80x128xf32, #tpu.memory_space<hbm>>)
        tpu.yield
      }) : () -> ()
      %dma_start3A_550 = arith.constant 16 : i32
      %dma_start3A_551 = arith.constant 0 : i32
      %dma_start3A_552 = tpu.memref_slice %arg15[%dma_start3A_550, %dma_start3A_551] : memref<20x80xi32, #tpu.memory_space<vmem>> -> memref<1x80xi32, #tpu.memory_space<vmem>>
      %dma_start3A_553 = tpu.memref_squeeze %dma_start3A_552 : memref<1x80xi32, #tpu.memory_space<vmem>> -> memref<80xi32, #tpu.memory_space<vmem>>
      %dma_start3A_554 = arith.constant 0 : i32
      %dma_start3A_555 = arith.constant 0 : i32
      %dma_start3A_556 = tpu.memref_slice %arg9[%dma_start3A_554, %dma_start3A_555] : memref<723x128xf32, #tpu.memory_space<vmem_shared>> -> memref<723x128xf32, #tpu.memory_space<vmem_shared>>
      tpu.enqueue_indirect_dma source(%dma_start3A_556 : memref<723x128xf32, #tpu.memory_space<vmem_shared>>) target(%arg16 : memref<80x128xf32, #tpu.memory_space<vmem>>) offsets(%dma_start3A_553 : memref<80xi32, #tpu.memory_space<vmem>>) semaphore(%arg24 : memref<!tpu.dma_semaphore, #tpu.memory_space<semaphore_mem>>)
      %dma_start3A_557 = arith.constant 17 : i32
      %dma_start3A_558 = arith.constant 0 : i32
      %dma_start3A_559 = tpu.memref_slice %arg15[%dma_start3A_557, %dma_start3A_558] : memref<20x80xi32, #tpu.memory_space<vmem>> -> memref<1x80xi32, #tpu.memory_space<vmem>>
      %dma_start3A_560 = tpu.memref_squeeze %dma_start3A_559 : memref<1x80xi32, #tpu.memory_space<vmem>> -> memref<80xi32, #tpu.memory_space<vmem>>
      %dma_start3A_561 = arith.constant 0 : i32
      %dma_start3A_562 = arith.constant 0 : i32
      %dma_start3A_563 = tpu.memref_slice %arg9[%dma_start3A_561, %dma_start3A_562] : memref<723x128xf32, #tpu.memory_space<vmem_shared>> -> memref<723x128xf32, #tpu.memory_space<vmem_shared>>
      tpu.enqueue_indirect_dma source(%dma_start3A_563 : memref<723x128xf32, #tpu.memory_space<vmem_shared>>) target(%arg17 : memref<80x128xf32, #tpu.memory_space<vmem>>) offsets(%dma_start3A_560 : memref<80xi32, #tpu.memory_space<vmem>>) semaphore(%arg25 : memref<!tpu.dma_semaphore, #tpu.memory_space<semaphore_mem>>)
      %dma_start3A_564 = arith.constant 18 : i32
      %dma_start3A_565 = arith.constant 0 : i32
      %dma_start3A_566 = tpu.memref_slice %arg15[%dma_start3A_564, %dma_start3A_565] : memref<20x80xi32, #tpu.memory_space<vmem>> -> memref<1x80xi32, #tpu.memory_space<vmem>>
      %dma_start3A_567 = tpu.memref_squeeze %dma_start3A_566 : memref<1x80xi32, #tpu.memory_space<vmem>> -> memref<80xi32, #tpu.memory_space<vmem>>
      %dma_start3A_568 = arith.constant 0 : i32
      %dma_start3A_569 = arith.constant 0 : i32
      %dma_start3A_570 = tpu.memref_slice %arg9[%dma_start3A_568, %dma_start3A_569] : memref<723x128xf32, #tpu.memory_space<vmem_shared>> -> memref<723x128xf32, #tpu.memory_space<vmem_shared>>
      tpu.enqueue_indirect_dma source(%dma_start3A_570 : memref<723x128xf32, #tpu.memory_space<vmem_shared>>) target(%arg18 : memref<80x128xf32, #tpu.memory_space<vmem>>) offsets(%dma_start3A_567 : memref<80xi32, #tpu.memory_space<vmem>>) semaphore(%arg26 : memref<!tpu.dma_semaphore, #tpu.memory_space<semaphore_mem>>)
      %dma_start3A_571 = arith.constant 19 : i32
      %dma_start3A_572 = arith.constant 0 : i32
      %dma_start3A_573 = tpu.memref_slice %arg15[%dma_start3A_571, %dma_start3A_572] : memref<20x80xi32, #tpu.memory_space<vmem>> -> memref<1x80xi32, #tpu.memory_space<vmem>>
      %dma_start3A_574 = tpu.memref_squeeze %dma_start3A_573 : memref<1x80xi32, #tpu.memory_space<vmem>> -> memref<80xi32, #tpu.memory_space<vmem>>
      %dma_start3A_575 = arith.constant 0 : i32
      %dma_start3A_576 = arith.constant 0 : i32
      %dma_start3A_577 = tpu.memref_slice %arg9[%dma_start3A_575, %dma_start3A_576] : memref<723x128xf32, #tpu.memory_space<vmem_shared>> -> memref<723x128xf32, #tpu.memory_space<vmem_shared>>
      tpu.enqueue_indirect_dma source(%dma_start3A_577 : memref<723x128xf32, #tpu.memory_space<vmem_shared>>) target(%arg19 : memref<80x128xf32, #tpu.memory_space<vmem>>) offsets(%dma_start3A_574 : memref<80xi32, #tpu.memory_space<vmem>>) semaphore(%arg27 : memref<!tpu.dma_semaphore, #tpu.memory_space<semaphore_mem>>)
      %dma_wait3A_578 = arith.constant 16 : i32
      %dma_wait3A_579 = arith.constant 0 : i32
      %dma_wait3A_580 = tpu.memref_slice %arg15[%dma_wait3A_578, %dma_wait3A_579] : memref<20x80xi32, #tpu.memory_space<vmem>> -> memref<1x80xi32, #tpu.memory_space<vmem>>
      %dma_wait3A_581 = tpu.memref_squeeze %dma_wait3A_580 : memref<1x80xi32, #tpu.memory_space<vmem>> -> memref<80xi32, #tpu.memory_space<vmem>>
      %dma_wait3A_582 = arith.constant 0 : i32
      %dma_wait3A_583 = arith.constant 0 : i32
      %dma_wait3A_584 = tpu.memref_slice %arg9[%dma_wait3A_582, %dma_wait3A_583] : memref<723x128xf32, #tpu.memory_space<vmem_shared>> -> memref<723x128xf32, #tpu.memory_space<vmem_shared>>
      tpu.wait_indirect_dma semaphore(%arg24 : memref<!tpu.dma_semaphore, #tpu.memory_space<semaphore_mem>>) src(%dma_wait3A_584 : memref<723x128xf32, #tpu.memory_space<vmem_shared>>) dst(%arg16 : memref<80x128xf32, #tpu.memory_space<vmem>>)
      %dma_wait3A_585 = arith.constant 17 : i32
      %dma_wait3A_586 = arith.constant 0 : i32
      %dma_wait3A_587 = tpu.memref_slice %arg15[%dma_wait3A_585, %dma_wait3A_586] : memref<20x80xi32, #tpu.memory_space<vmem>> -> memref<1x80xi32, #tpu.memory_space<vmem>>
      %dma_wait3A_588 = tpu.memref_squeeze %dma_wait3A_587 : memref<1x80xi32, #tpu.memory_space<vmem>> -> memref<80xi32, #tpu.memory_space<vmem>>
      %dma_wait3A_589 = arith.constant 0 : i32
      %dma_wait3A_590 = arith.constant 0 : i32
      %dma_wait3A_591 = tpu.memref_slice %arg9[%dma_wait3A_589, %dma_wait3A_590] : memref<723x128xf32, #tpu.memory_space<vmem_shared>> -> memref<723x128xf32, #tpu.memory_space<vmem_shared>>
      tpu.wait_indirect_dma semaphore(%arg25 : memref<!tpu.dma_semaphore, #tpu.memory_space<semaphore_mem>>) src(%dma_wait3A_591 : memref<723x128xf32, #tpu.memory_space<vmem_shared>>) dst(%arg17 : memref<80x128xf32, #tpu.memory_space<vmem>>)
      %scan3A_592 = arith.constant 0 : i32
      %scan3A_593 = arith.constant 80 : i32
      %scan3A_594 = arith.addi %scan3A_592, %scan3A_593 : i32
      %scan3A_595 = arith.constant 1 : i32
      scf.for %scan3A_623 = %scan3A_592 to %scan3A_594 step %scan3A_595  : i32 {
        %mul3A_624 = arith.constant 1 : i32
        %mul3A_625 = arith.muli %scan3A_623, %mul3A_624 : i32
        %add3A_626 = arith.constant 0 : i32
        %add3A_627 = arith.addi %add3A_626, %mul3A_625 : i32
        %get3A = arith.index_cast %add3A_627 : i32 to index
        %get3A_628 = arith.constant 0 : index
        %get3A_629 = tpu.vector_load %arg16[%get3A, %get3A_628] {strides = array<i32>} : memref<80x128xf32, #tpu.memory_space<vmem>>, vector<16xf32>,
        %get3A_630 = arith.index_cast %add3A_627 : i32 to index
        %get3A_631 = arith.constant 0 : index
        %get3A_632 = tpu.vector_load %arg17[%get3A_630, %get3A_631] {strides = array<i32>} : memref<80x128xf32, #tpu.memory_space<vmem>>, vector<16xf32>,
        %add3A_633 = arith.addf %get3A_629, %get3A_632 : vector<16xf32>
        %swap3A = arith.index_cast %add3A_627 : i32 to index
        %swap3A_634 = arith.constant 0 : index
        %swap3A_635 = tpu.vector_load %arg16[%swap3A, %swap3A_634] {strides = array<i32>} : memref<80x128xf32, #tpu.memory_space<vmem>>, vector<16xf32>,
        tpu.vector_store %arg16[%swap3A, %swap3A_634], %add3A_633 {strides = array<i32>} : memref<80x128xf32, #tpu.memory_space<vmem>>, vector<16xf32>,
        %get3A_636 = arith.index_cast %add3A_627 : i32 to index
        %get3A_637 = arith.constant 16 : index
        %get3A_638 = tpu.vector_load %arg16[%get3A_636, %get3A_637] {strides = array<i32>} : memref<80x128xf32, #tpu.memory_space<vmem>>, vector<16xf32>,
        %get3A_639 = arith.index_cast %add3A_627 : i32 to index
        %get3A_640 = arith.constant 16 : index
        %get3A_641 = tpu.vector_load %arg17[%get3A_639, %get3A_640] {strides = array<i32>} : memref<80x128xf32, #tpu.memory_space<vmem>>, vector<16xf32>,
        %add3A_642 = arith.addf %get3A_638, %get3A_641 : vector<16xf32>
        %swap3A_643 = arith.index_cast %add3A_627 : i32 to index
        %swap3A_644 = arith.constant 16 : index
        %swap3A_645 = tpu.vector_load %arg16[%swap3A_643, %swap3A_644] {strides = array<i32>} : memref<80x128xf32, #tpu.memory_space<vmem>>, vector<16xf32>,
        tpu.vector_store %arg16[%swap3A_643, %swap3A_644], %add3A_642 {strides = array<i32>} : memref<80x128xf32, #tpu.memory_space<vmem>>, vector<16xf32>,
        %get3A_646 = arith.index_cast %add3A_627 : i32 to index
        %get3A_647 = arith.constant 32 : index
        %get3A_648 = tpu.vector_load %arg16[%get3A_646, %get3A_647] {strides = array<i32>} : memref<80x128xf32, #tpu.memory_space<vmem>>, vector<16xf32>,
        %get3A_649 = arith.index_cast %add3A_627 : i32 to index
        %get3A_650 = arith.constant 32 : index
        %get3A_651 = tpu.vector_load %arg17[%get3A_649, %get3A_650] {strides = array<i32>} : memref<80x128xf32, #tpu.memory_space<vmem>>, vector<16xf32>,
        %add3A_652 = arith.addf %get3A_648, %get3A_651 : vector<16xf32>
        %swap3A_653 = arith.index_cast %add3A_627 : i32 to index
        %swap3A_654 = arith.constant 32 : index
        %swap3A_655 = tpu.vector_load %arg16[%swap3A_653, %swap3A_654] {strides = array<i32>} : memref<80x128xf32, #tpu.memory_space<vmem>>, vector<16xf32>,
        tpu.vector_store %arg16[%swap3A_653, %swap3A_654], %add3A_652 {strides = array<i32>} : memref<80x128xf32, #tpu.memory_space<vmem>>, vector<16xf32>,
        %get3A_656 = arith.index_cast %add3A_627 : i32 to index
        %get3A_657 = arith.constant 48 : index
        %get3A_658 = tpu.vector_load %arg16[%get3A_656, %get3A_657] {strides = array<i32>} : memref<80x128xf32, #tpu.memory_space<vmem>>, vector<16xf32>,
        %get3A_659 = arith.index_cast %add3A_627 : i32 to index
        %get3A_660 = arith.constant 48 : index
        %get3A_661 = tpu.vector_load %arg17[%get3A_659, %get3A_660] {strides = array<i32>} : memref<80x128xf32, #tpu.memory_space<vmem>>, vector<16xf32>,
        %add3A_662 = arith.addf %get3A_658, %get3A_661 : vector<16xf32>
        %swap3A_663 = arith.index_cast %add3A_627 : i32 to index
        %swap3A_664 = arith.constant 48 : index
        %swap3A_665 = tpu.vector_load %arg16[%swap3A_663, %swap3A_664] {strides = array<i32>} : memref<80x128xf32, #tpu.memory_space<vmem>>, vector<16xf32>,
        tpu.vector_store %arg16[%swap3A_663, %swap3A_664], %add3A_662 {strides = array<i32>} : memref<80x128xf32, #tpu.memory_space<vmem>>, vector<16xf32>,
        %get3A_666 = arith.index_cast %add3A_627 : i32 to index
        %get3A_667 = arith.constant 64 : index
        %get3A_668 = tpu.vector_load %arg16[%get3A_666, %get3A_667] {strides = array<i32>} : memref<80x128xf32, #tpu.memory_space<vmem>>, vector<16xf32>,
        %get3A_669 = arith.index_cast %add3A_627 : i32 to index
        %get3A_670 = arith.constant 64 : index
        %get3A_671 = tpu.vector_load %arg17[%get3A_669, %get3A_670] {strides = array<i32>} : memref<80x128xf32, #tpu.memory_space<vmem>>, vector<16xf32>,
        %add3A_672 = arith.addf %get3A_668, %get3A_671 : vector<16xf32>
        %swap3A_673 = arith.index_cast %add3A_627 : i32 to index
        %swap3A_674 = arith.constant 64 : index
        %swap3A_675 = tpu.vector_load %arg16[%swap3A_673, %swap3A_674] {strides = array<i32>} : memref<80x128xf32, #tpu.memory_space<vmem>>, vector<16xf32>,
        tpu.vector_store %arg16[%swap3A_673, %swap3A_674], %add3A_672 {strides = array<i32>} : memref<80x128xf32, #tpu.memory_space<vmem>>, vector<16xf32>,
        %get3A_676 = arith.index_cast %add3A_627 : i32 to index
        %get3A_677 = arith.constant 80 : index
        %get3A_678 = tpu.vector_load %arg16[%get3A_676, %get3A_677] {strides = array<i32>} : memref<80x128xf32, #tpu.memory_space<vmem>>, vector<16xf32>,
        %get3A_679 = arith.index_cast %add3A_627 : i32 to index
        %get3A_680 = arith.constant 80 : index
        %get3A_681 = tpu.vector_load %arg17[%get3A_679, %get3A_680] {strides = array<i32>} : memref<80x128xf32, #tpu.memory_space<vmem>>, vector<16xf32>,
        %add3A_682 = arith.addf %get3A_678, %get3A_681 : vector<16xf32>
        %swap3A_683 = arith.index_cast %add3A_627 : i32 to index
        %swap3A_684 = arith.constant 80 : index
        %swap3A_685 = tpu.vector_load %arg16[%swap3A_683, %swap3A_684] {strides = array<i32>} : memref<80x128xf32, #tpu.memory_space<vmem>>, vector<16xf32>,
        tpu.vector_store %arg16[%swap3A_683, %swap3A_684], %add3A_682 {strides = array<i32>} : memref<80x128xf32, #tpu.memory_space<vmem>>, vector<16xf32>,
        %get3A_686 = arith.index_cast %add3A_627 : i32 to index
        %get3A_687 = arith.constant 96 : index
        %get3A_688 = tpu.vector_load %arg16[%get3A_686, %get3A_687] {strides = array<i32>} : memref<80x128xf32, #tpu.memory_space<vmem>>, vector<16xf32>,
        %get3A_689 = arith.index_cast %add3A_627 : i32 to index
        %get3A_690 = arith.constant 96 : index
        %get3A_691 = tpu.vector_load %arg17[%get3A_689, %get3A_690] {strides = array<i32>} : memref<80x128xf32, #tpu.memory_space<vmem>>, vector<16xf32>,
        %add3A_692 = arith.addf %get3A_688, %get3A_691 : vector<16xf32>
        %swap3A_693 = arith.index_cast %add3A_627 : i32 to index
        %swap3A_694 = arith.constant 96 : index
        %swap3A_695 = tpu.vector_load %arg16[%swap3A_693, %swap3A_694] {strides = array<i32>} : memref<80x128xf32, #tpu.memory_space<vmem>>, vector<16xf32>,
        tpu.vector_store %arg16[%swap3A_693, %swap3A_694], %add3A_692 {strides = array<i32>} : memref<80x128xf32, #tpu.memory_space<vmem>>, vector<16xf32>,
        %get3A_696 = arith.index_cast %add3A_627 : i32 to index
        %get3A_697 = arith.constant 112 : index
        %get3A_698 = tpu.vector_load %arg16[%get3A_696, %get3A_697] {strides = array<i32>} : memref<80x128xf32, #tpu.memory_space<vmem>>, vector<16xf32>,
        %get3A_699 = arith.index_cast %add3A_627 : i32 to index
        %get3A_700 = arith.constant 112 : index
        %get3A_701 = tpu.vector_load %arg17[%get3A_699, %get3A_700] {strides = array<i32>} : memref<80x128xf32, #tpu.memory_space<vmem>>, vector<16xf32>,
        %add3A_702 = arith.addf %get3A_698, %get3A_701 : vector<16xf32>
        %swap3A_703 = arith.index_cast %add3A_627 : i32 to index
        %swap3A_704 = arith.constant 112 : index
        %swap3A_705 = tpu.vector_load %arg16[%swap3A_703, %swap3A_704] {strides = array<i32>} : memref<80x128xf32, #tpu.memory_space<vmem>>, vector<16xf32>,
        tpu.vector_store %arg16[%swap3A_703, %swap3A_704], %add3A_702 {strides = array<i32>} : memref<80x128xf32, #tpu.memory_space<vmem>>, vector<16xf32>,
      }
      %scan3A_596 = arith.constant 80 : i32
      %dma_wait3A_597 = arith.constant 18 : i32
      %dma_wait3A_598 = arith.constant 0 : i32
      %dma_wait3A_599 = tpu.memref_slice %arg15[%dma_wait3A_597, %dma_wait3A_598] : memref<20x80xi32, #tpu.memory_space<vmem>> -> memref<1x80xi32, #tpu.memory_space<vmem>>
      %dma_wait3A_600 = tpu.memref_squeeze %dma_wait3A_599 : memref<1x80xi32, #tpu.memory_space<vmem>> -> memref<80xi32, #tpu.memory_space<vmem>>
      %dma_wait3A_601 = arith.constant 0 : i32
      %dma_wait3A_602 = arith.constant 0 : i32
      %dma_wait3A_603 = tpu.memref_slice %arg9[%dma_wait3A_601, %dma_wait3A_602] : memref<723x128xf32, #tpu.memory_space<vmem_shared>> -> memref<723x128xf32, #tpu.memory_space<vmem_shared>>
      tpu.wait_indirect_dma semaphore(%arg26 : memref<!tpu.dma_semaphore, #tpu.memory_space<semaphore_mem>>) src(%dma_wait3A_603 : memref<723x128xf32, #tpu.memory_space<vmem_shared>>) dst(%arg18 : memref<80x128xf32, #tpu.memory_space<vmem>>)
      %scan3A_604 = arith.constant 0 : i32
      %scan3A_605 = arith.constant 80 : i32
      %scan3A_606 = arith.addi %scan3A_604, %scan3A_605 : i32
      %scan3A_607 = arith.constant 1 : i32
      scf.for %scan3A_623 = %scan3A_604 to %scan3A_606 step %scan3A_607  : i32 {
        %mul3A_624 = arith.constant 1 : i32
        %mul3A_625 = arith.muli %scan3A_623, %mul3A_624 : i32
        %add3A_626 = arith.constant 0 : i32
        %add3A_627 = arith.addi %add3A_626, %mul3A_625 : i32
        %get3A = arith.index_cast %add3A_627 : i32 to index
        %get3A_628 = arith.constant 0 : index
        %get3A_629 = tpu.vector_load %arg16[%get3A, %get3A_628] {strides = array<i32>} : memref<80x128xf32, #tpu.memory_space<vmem>>, vector<16xf32>,
        %get3A_630 = arith.index_cast %add3A_627 : i32 to index
        %get3A_631 = arith.constant 0 : index
        %get3A_632 = tpu.vector_load %arg18[%get3A_630, %get3A_631] {strides = array<i32>} : memref<80x128xf32, #tpu.memory_space<vmem>>, vector<16xf32>,
        %add3A_633 = arith.addf %get3A_629, %get3A_632 : vector<16xf32>
        %swap3A = arith.index_cast %add3A_627 : i32 to index
        %swap3A_634 = arith.constant 0 : index
        %swap3A_635 = tpu.vector_load %arg16[%swap3A, %swap3A_634] {strides = array<i32>} : memref<80x128xf32, #tpu.memory_space<vmem>>, vector<16xf32>,
        tpu.vector_store %arg16[%swap3A, %swap3A_634], %add3A_633 {strides = array<i32>} : memref<80x128xf32, #tpu.memory_space<vmem>>, vector<16xf32>,
        %get3A_636 = arith.index_cast %add3A_627 : i32 to index
        %get3A_637 = arith.constant 16 : index
        %get3A_638 = tpu.vector_load %arg16[%get3A_636, %get3A_637] {strides = array<i32>} : memref<80x128xf32, #tpu.memory_space<vmem>>, vector<16xf32>,
        %get3A_639 = arith.index_cast %add3A_627 : i32 to index
        %get3A_640 = arith.constant 16 : index
        %get3A_641 = tpu.vector_load %arg18[%get3A_639, %get3A_640] {strides = array<i32>} : memref<80x128xf32, #tpu.memory_space<vmem>>, vector<16xf32>,
        %add3A_642 = arith.addf %get3A_638, %get3A_641 : vector<16xf32>
        %swap3A_643 = arith.index_cast %add3A_627 : i32 to index
        %swap3A_644 = arith.constant 16 : index
        %swap3A_645 = tpu.vector_load %arg16[%swap3A_643, %swap3A_644] {strides = array<i32>} : memref<80x128xf32, #tpu.memory_space<vmem>>, vector<16xf32>,
        tpu.vector_store %arg16[%swap3A_643, %swap3A_644], %add3A_642 {strides = array<i32>} : memref<80x128xf32, #tpu.memory_space<vmem>>, vector<16xf32>,
        %get3A_646 = arith.index_cast %add3A_627 : i32 to index
        %get3A_647 = arith.constant 32 : index
        %get3A_648 = tpu.vector_load %arg16[%get3A_646, %get3A_647] {strides = array<i32>} : memref<80x128xf32, #tpu.memory_space<vmem>>, vector<16xf32>,
        %get3A_649 = arith.index_cast %add3A_627 : i32 to index
        %get3A_650 = arith.constant 32 : index
        %get3A_651 = tpu.vector_load %arg18[%get3A_649, %get3A_650] {strides = array<i32>} : memref<80x128xf32, #tpu.memory_space<vmem>>, vector<16xf32>,
        %add3A_652 = arith.addf %get3A_648, %get3A_651 : vector<16xf32>
        %swap3A_653 = arith.index_cast %add3A_627 : i32 to index
        %swap3A_654 = arith.constant 32 : index
        %swap3A_655 = tpu.vector_load %arg16[%swap3A_653, %swap3A_654] {strides = array<i32>} : memref<80x128xf32, #tpu.memory_space<vmem>>, vector<16xf32>,
        tpu.vector_store %arg16[%swap3A_653, %swap3A_654], %add3A_652 {strides = array<i32>} : memref<80x128xf32, #tpu.memory_space<vmem>>, vector<16xf32>,
        %get3A_656 = arith.index_cast %add3A_627 : i32 to index
        %get3A_657 = arith.constant 48 : index
        %get3A_658 = tpu.vector_load %arg16[%get3A_656, %get3A_657] {strides = array<i32>} : memref<80x128xf32, #tpu.memory_space<vmem>>, vector<16xf32>,
        %get3A_659 = arith.index_cast %add3A_627 : i32 to index
        %get3A_660 = arith.constant 48 : index
        %get3A_661 = tpu.vector_load %arg18[%get3A_659, %get3A_660] {strides = array<i32>} : memref<80x128xf32, #tpu.memory_space<vmem>>, vector<16xf32>,
        %add3A_662 = arith.addf %get3A_658, %get3A_661 : vector<16xf32>
        %swap3A_663 = arith.index_cast %add3A_627 : i32 to index
        %swap3A_664 = arith.constant 48 : index
        %swap3A_665 = tpu.vector_load %arg16[%swap3A_663, %swap3A_664] {strides = array<i32>} : memref<80x128xf32, #tpu.memory_space<vmem>>, vector<16xf32>,
        tpu.vector_store %arg16[%swap3A_663, %swap3A_664], %add3A_662 {strides = array<i32>} : memref<80x128xf32, #tpu.memory_space<vmem>>, vector<16xf32>,
        %get3A_666 = arith.index_cast %add3A_627 : i32 to index
        %get3A_667 = arith.constant 64 : index
        %get3A_668 = tpu.vector_load %arg16[%get3A_666, %get3A_667] {strides = array<i32>} : memref<80x128xf32, #tpu.memory_space<vmem>>, vector<16xf32>,
        %get3A_669 = arith.index_cast %add3A_627 : i32 to index
        %get3A_670 = arith.constant 64 : index
        %get3A_671 = tpu.vector_load %arg18[%get3A_669, %get3A_670] {strides = array<i32>} : memref<80x128xf32, #tpu.memory_space<vmem>>, vector<16xf32>,
        %add3A_672 = arith.addf %get3A_668, %get3A_671 : vector<16xf32>
        %swap3A_673 = arith.index_cast %add3A_627 : i32 to index
        %swap3A_674 = arith.constant 64 : index
        %swap3A_675 = tpu.vector_load %arg16[%swap3A_673, %swap3A_674] {strides = array<i32>} : memref<80x128xf32, #tpu.memory_space<vmem>>, vector<16xf32>,
        tpu.vector_store %arg16[%swap3A_673, %swap3A_674], %add3A_672 {strides = array<i32>} : memref<80x128xf32, #tpu.memory_space<vmem>>, vector<16xf32>,
        %get3A_676 = arith.index_cast %add3A_627 : i32 to index
        %get3A_677 = arith.constant 80 : index
        %get3A_678 = tpu.vector_load %arg16[%get3A_676, %get3A_677] {strides = array<i32>} : memref<80x128xf32, #tpu.memory_space<vmem>>, vector<16xf32>,
        %get3A_679 = arith.index_cast %add3A_627 : i32 to index
        %get3A_680 = arith.constant 80 : index
        %get3A_681 = tpu.vector_load %arg18[%get3A_679, %get3A_680] {strides = array<i32>} : memref<80x128xf32, #tpu.memory_space<vmem>>, vector<16xf32>,
        %add3A_682 = arith.addf %get3A_678, %get3A_681 : vector<16xf32>
        %swap3A_683 = arith.index_cast %add3A_627 : i32 to index
        %swap3A_684 = arith.constant 80 : index
        %swap3A_685 = tpu.vector_load %arg16[%swap3A_683, %swap3A_684] {strides = array<i32>} : memref<80x128xf32, #tpu.memory_space<vmem>>, vector<16xf32>,
        tpu.vector_store %arg16[%swap3A_683, %swap3A_684], %add3A_682 {strides = array<i32>} : memref<80x128xf32, #tpu.memory_space<vmem>>, vector<16xf32>,
        %get3A_686 = arith.index_cast %add3A_627 : i32 to index
        %get3A_687 = arith.constant 96 : index
        %get3A_688 = tpu.vector_load %arg16[%get3A_686, %get3A_687] {strides = array<i32>} : memref<80x128xf32, #tpu.memory_space<vmem>>, vector<16xf32>,
        %get3A_689 = arith.index_cast %add3A_627 : i32 to index
        %get3A_690 = arith.constant 96 : index
        %get3A_691 = tpu.vector_load %arg18[%get3A_689, %get3A_690] {strides = array<i32>} : memref<80x128xf32, #tpu.memory_space<vmem>>, vector<16xf32>,
        %add3A_692 = arith.addf %get3A_688, %get3A_691 : vector<16xf32>
        %swap3A_693 = arith.index_cast %add3A_627 : i32 to index
        %swap3A_694 = arith.constant 96 : index
        %swap3A_695 = tpu.vector_load %arg16[%swap3A_693, %swap3A_694] {strides = array<i32>} : memref<80x128xf32, #tpu.memory_space<vmem>>, vector<16xf32>,
        tpu.vector_store %arg16[%swap3A_693, %swap3A_694], %add3A_692 {strides = array<i32>} : memref<80x128xf32, #tpu.memory_space<vmem>>, vector<16xf32>,
        %get3A_696 = arith.index_cast %add3A_627 : i32 to index
        %get3A_697 = arith.constant 112 : index
        %get3A_698 = tpu.vector_load %arg16[%get3A_696, %get3A_697] {strides = array<i32>} : memref<80x128xf32, #tpu.memory_space<vmem>>, vector<16xf32>,
        %get3A_699 = arith.index_cast %add3A_627 : i32 to index
        %get3A_700 = arith.constant 112 : index
        %get3A_701 = tpu.vector_load %arg18[%get3A_699, %get3A_700] {strides = array<i32>} : memref<80x128xf32, #tpu.memory_space<vmem>>, vector<16xf32>,
        %add3A_702 = arith.addf %get3A_698, %get3A_701 : vector<16xf32>
        %swap3A_703 = arith.index_cast %add3A_627 : i32 to index
        %swap3A_704 = arith.constant 112 : index
        %swap3A_705 = tpu.vector_load %arg16[%swap3A_703, %swap3A_704] {strides = array<i32>} : memref<80x128xf32, #tpu.memory_space<vmem>>, vector<16xf32>,
        tpu.vector_store %arg16[%swap3A_703, %swap3A_704], %add3A_702 {strides = array<i32>} : memref<80x128xf32, #tpu.memory_space<vmem>>, vector<16xf32>,
      }
      %scan3A_608 = arith.constant 80 : i32
      %dma_wait3A_609 = arith.constant 19 : i32
      %dma_wait3A_610 = arith.constant 0 : i32
      %dma_wait3A_611 = tpu.memref_slice %arg15[%dma_wait3A_609, %dma_wait3A_610] : memref<20x80xi32, #tpu.memory_space<vmem>> -> memref<1x80xi32, #tpu.memory_space<vmem>>
      %dma_wait3A_612 = tpu.memref_squeeze %dma_wait3A_611 : memref<1x80xi32, #tpu.memory_space<vmem>> -> memref<80xi32, #tpu.memory_space<vmem>>
      %dma_wait3A_613 = arith.constant 0 : i32
      %dma_wait3A_614 = arith.constant 0 : i32
      %dma_wait3A_615 = tpu.memref_slice %arg9[%dma_wait3A_613, %dma_wait3A_614] : memref<723x128xf32, #tpu.memory_space<vmem_shared>> -> memref<723x128xf32, #tpu.memory_space<vmem_shared>>
      tpu.wait_indirect_dma semaphore(%arg27 : memref<!tpu.dma_semaphore, #tpu.memory_space<semaphore_mem>>) src(%dma_wait3A_615 : memref<723x128xf32, #tpu.memory_space<vmem_shared>>) dst(%arg19 : memref<80x128xf32, #tpu.memory_space<vmem>>)
      %scan3A_616 = arith.constant 0 : i32
      %scan3A_617 = arith.constant 80 : i32
      %scan3A_618 = arith.addi %scan3A_616, %scan3A_617 : i32
      %scan3A_619 = arith.constant 1 : i32
      scf.for %scan3A_623 = %scan3A_616 to %scan3A_618 step %scan3A_619  : i32 {
        %mul3A_624 = arith.constant 1 : i32
        %mul3A_625 = arith.muli %scan3A_623, %mul3A_624 : i32
        %add3A_626 = arith.constant 0 : i32
        %add3A_627 = arith.addi %add3A_626, %mul3A_625 : i32
        %get3A = arith.index_cast %add3A_627 : i32 to index
        %get3A_628 = arith.constant 0 : index
        %get3A_629 = tpu.vector_load %arg16[%get3A, %get3A_628] {strides = array<i32>} : memref<80x128xf32, #tpu.memory_space<vmem>>, vector<16xf32>,
        %get3A_630 = arith.index_cast %add3A_627 : i32 to index
        %get3A_631 = arith.constant 0 : index
        %get3A_632 = tpu.vector_load %arg19[%get3A_630, %get3A_631] {strides = array<i32>} : memref<80x128xf32, #tpu.memory_space<vmem>>, vector<16xf32>,
        %add3A_633 = arith.addf %get3A_629, %get3A_632 : vector<16xf32>
        %swap3A = arith.index_cast %add3A_627 : i32 to index
        %swap3A_634 = arith.constant 0 : index
        %swap3A_635 = tpu.vector_load %arg16[%swap3A, %swap3A_634] {strides = array<i32>} : memref<80x128xf32, #tpu.memory_space<vmem>>, vector<16xf32>,
        tpu.vector_store %arg16[%swap3A, %swap3A_634], %add3A_633 {strides = array<i32>} : memref<80x128xf32, #tpu.memory_space<vmem>>, vector<16xf32>,
        %get3A_636 = arith.index_cast %add3A_627 : i32 to index
        %get3A_637 = arith.constant 16 : index
        %get3A_638 = tpu.vector_load %arg16[%get3A_636, %get3A_637] {strides = array<i32>} : memref<80x128xf32, #tpu.memory_space<vmem>>, vector<16xf32>,
        %get3A_639 = arith.index_cast %add3A_627 : i32 to index
        %get3A_640 = arith.constant 16 : index
        %get3A_641 = tpu.vector_load %arg19[%get3A_639, %get3A_640] {strides = array<i32>} : memref<80x128xf32, #tpu.memory_space<vmem>>, vector<16xf32>,
        %add3A_642 = arith.addf %get3A_638, %get3A_641 : vector<16xf32>
        %swap3A_643 = arith.index_cast %add3A_627 : i32 to index
        %swap3A_644 = arith.constant 16 : index
        %swap3A_645 = tpu.vector_load %arg16[%swap3A_643, %swap3A_644] {strides = array<i32>} : memref<80x128xf32, #tpu.memory_space<vmem>>, vector<16xf32>,
        tpu.vector_store %arg16[%swap3A_643, %swap3A_644], %add3A_642 {strides = array<i32>} : memref<80x128xf32, #tpu.memory_space<vmem>>, vector<16xf32>,
        %get3A_646 = arith.index_cast %add3A_627 : i32 to index
        %get3A_647 = arith.constant 32 : index
        %get3A_648 = tpu.vector_load %arg16[%get3A_646, %get3A_647] {strides = array<i32>} : memref<80x128xf32, #tpu.memory_space<vmem>>, vector<16xf32>,
        %get3A_649 = arith.index_cast %add3A_627 : i32 to index
        %get3A_650 = arith.constant 32 : index
        %get3A_651 = tpu.vector_load %arg19[%get3A_649, %get3A_650] {strides = array<i32>} : memref<80x128xf32, #tpu.memory_space<vmem>>, vector<16xf32>,
        %add3A_652 = arith.addf %get3A_648, %get3A_651 : vector<16xf32>
        %swap3A_653 = arith.index_cast %add3A_627 : i32 to index
        %swap3A_654 = arith.constant 32 : index
        %swap3A_655 = tpu.vector_load %arg16[%swap3A_653, %swap3A_654] {strides = array<i32>} : memref<80x128xf32, #tpu.memory_space<vmem>>, vector<16xf32>,
        tpu.vector_store %arg16[%swap3A_653, %swap3A_654], %add3A_652 {strides = array<i32>} : memref<80x128xf32, #tpu.memory_space<vmem>>, vector<16xf32>,
        %get3A_656 = arith.index_cast %add3A_627 : i32 to index
        %get3A_657 = arith.constant 48 : index
        %get3A_658 = tpu.vector_load %arg16[%get3A_656, %get3A_657] {strides = array<i32>} : memref<80x128xf32, #tpu.memory_space<vmem>>, vector<16xf32>,
        %get3A_659 = arith.index_cast %add3A_627 : i32 to index
        %get3A_660 = arith.constant 48 : index
        %get3A_661 = tpu.vector_load %arg19[%get3A_659, %get3A_660] {strides = array<i32>} : memref<80x128xf32, #tpu.memory_space<vmem>>, vector<16xf32>,
        %add3A_662 = arith.addf %get3A_658, %get3A_661 : vector<16xf32>
        %swap3A_663 = arith.index_cast %add3A_627 : i32 to index
        %swap3A_664 = arith.constant 48 : index
        %swap3A_665 = tpu.vector_load %arg16[%swap3A_663, %swap3A_664] {strides = array<i32>} : memref<80x128xf32, #tpu.memory_space<vmem>>, vector<16xf32>,
        tpu.vector_store %arg16[%swap3A_663, %swap3A_664], %add3A_662 {strides = array<i32>} : memref<80x128xf32, #tpu.memory_space<vmem>>, vector<16xf32>,
        %get3A_666 = arith.index_cast %add3A_627 : i32 to index
        %get3A_667 = arith.constant 64 : index
        %get3A_668 = tpu.vector_load %arg16[%get3A_666, %get3A_667] {strides = array<i32>} : memref<80x128xf32, #tpu.memory_space<vmem>>, vector<16xf32>,
        %get3A_669 = arith.index_cast %add3A_627 : i32 to index
        %get3A_670 = arith.constant 64 : index
        %get3A_671 = tpu.vector_load %arg19[%get3A_669, %get3A_670] {strides = array<i32>} : memref<80x128xf32, #tpu.memory_space<vmem>>, vector<16xf32>,
        %add3A_672 = arith.addf %get3A_668, %get3A_671 : vector<16xf32>
        %swap3A_673 = arith.index_cast %add3A_627 : i32 to index
        %swap3A_674 = arith.constant 64 : index
        %swap3A_675 = tpu.vector_load %arg16[%swap3A_673, %swap3A_674] {strides = array<i32>} : memref<80x128xf32, #tpu.memory_space<vmem>>, vector<16xf32>,
        tpu.vector_store %arg16[%swap3A_673, %swap3A_674], %add3A_672 {strides = array<i32>} : memref<80x128xf32, #tpu.memory_space<vmem>>, vector<16xf32>,
        %get3A_676 = arith.index_cast %add3A_627 : i32 to index
        %get3A_677 = arith.constant 80 : index
        %get3A_678 = tpu.vector_load %arg16[%get3A_676, %get3A_677] {strides = array<i32>} : memref<80x128xf32, #tpu.memory_space<vmem>>, vector<16xf32>,
        %get3A_679 = arith.index_cast %add3A_627 : i32 to index
        %get3A_680 = arith.constant 80 : index
        %get3A_681 = tpu.vector_load %arg19[%get3A_679, %get3A_680] {strides = array<i32>} : memref<80x128xf32, #tpu.memory_space<vmem>>, vector<16xf32>,
        %add3A_682 = arith.addf %get3A_678, %get3A_681 : vector<16xf32>
        %swap3A_683 = arith.index_cast %add3A_627 : i32 to index
        %swap3A_684 = arith.constant 80 : index
        %swap3A_685 = tpu.vector_load %arg16[%swap3A_683, %swap3A_684] {strides = array<i32>} : memref<80x128xf32, #tpu.memory_space<vmem>>, vector<16xf32>,
        tpu.vector_store %arg16[%swap3A_683, %swap3A_684], %add3A_682 {strides = array<i32>} : memref<80x128xf32, #tpu.memory_space<vmem>>, vector<16xf32>,
        %get3A_686 = arith.index_cast %add3A_627 : i32 to index
        %get3A_687 = arith.constant 96 : index
        %get3A_688 = tpu.vector_load %arg16[%get3A_686, %get3A_687] {strides = array<i32>} : memref<80x128xf32, #tpu.memory_space<vmem>>, vector<16xf32>,
        %get3A_689 = arith.index_cast %add3A_627 : i32 to index
        %get3A_690 = arith.constant 96 : index
        %get3A_691 = tpu.vector_load %arg19[%get3A_689, %get3A_690] {strides = array<i32>} : memref<80x128xf32, #tpu.memory_space<vmem>>, vector<16xf32>,
        %add3A_692 = arith.addf %get3A_688, %get3A_691 : vector<16xf32>
        %swap3A_693 = arith.index_cast %add3A_627 : i32 to index
        %swap3A_694 = arith.constant 96 : index
        %swap3A_695 = tpu.vector_load %arg16[%swap3A_693, %swap3A_694] {strides = array<i32>} : memref<80x128xf32, #tpu.memory_space<vmem>>, vector<16xf32>,
        tpu.vector_store %arg16[%swap3A_693, %swap3A_694], %add3A_692 {strides = array<i32>} : memref<80x128xf32, #tpu.memory_space<vmem>>, vector<16xf32>,
        %get3A_696 = arith.index_cast %add3A_627 : i32 to index
        %get3A_697 = arith.constant 112 : index
        %get3A_698 = tpu.vector_load %arg16[%get3A_696, %get3A_697] {strides = array<i32>} : memref<80x128xf32, #tpu.memory_space<vmem>>, vector<16xf32>,
        %get3A_699 = arith.index_cast %add3A_627 : i32 to index
        %get3A_700 = arith.constant 112 : index
        %get3A_701 = tpu.vector_load %arg19[%get3A_699, %get3A_700] {strides = array<i32>} : memref<80x128xf32, #tpu.memory_space<vmem>>, vector<16xf32>,
        %add3A_702 = arith.addf %get3A_698, %get3A_701 : vector<16xf32>
        %swap3A_703 = arith.index_cast %add3A_627 : i32 to index
        %swap3A_704 = arith.constant 112 : index
        %swap3A_705 = tpu.vector_load %arg16[%swap3A_703, %swap3A_704] {strides = array<i32>} : memref<80x128xf32, #tpu.memory_space<vmem>>, vector<16xf32>,
        tpu.vector_store %arg16[%swap3A_703, %swap3A_704], %add3A_702 {strides = array<i32>} : memref<80x128xf32, #tpu.memory_space<vmem>>, vector<16xf32>,
      }
      %scan3A_620 = arith.constant 80 : i32
      %add3A_621 = arith.constant 320 : i32
      %add3A_622 = arith.addi %mul3A_234, %add3A_621 : i32
      "tpu.region"() ({
        %run_scoped3A = tpu.sem_alloc : memref<!tpu.dma_semaphore, #tpu.memory_space<semaphore_mem>>
        %dma_start3A_623 = arith.constant 0 : i32
        %dma_start3A_624 = tpu.memref_slice %arg6[%add3A_622, %dma_start3A_623] : memref<10000x128xf32, #tpu.memory_space<hbm>> -> memref<80x128xf32, #tpu.memory_space<hbm>>
        %dma_start3A_625 = arith.constant 0 : i32
        %dma_start3A_626 = tpu.memref_slice %arg6[%add3A_622, %dma_start3A_625] : memref<10000x128xf32, #tpu.memory_space<hbm>> -> memref<80x128xf32, #tpu.memory_space<hbm>>
        tpu.enqueue_dma source(%arg16 : memref<80x128xf32, #tpu.memory_space<vmem>>) target(%dma_start3A_626 : memref<80x128xf32, #tpu.memory_space<hbm>>) target_semaphore(%run_scoped3A : memref<!tpu.dma_semaphore, #tpu.memory_space<semaphore_mem>>)
        %dma_wait3A_627 = arith.constant 0 : i32
        %dma_wait3A_628 = tpu.memref_slice %arg6[%add3A_622, %dma_wait3A_627] : memref<10000x128xf32, #tpu.memory_space<hbm>> -> memref<80x128xf32, #tpu.memory_space<hbm>>
        %dma_wait3A_629 = arith.constant 0 : i32
        %dma_wait3A_630 = tpu.memref_slice %arg6[%add3A_622, %dma_wait3A_629] : memref<10000x128xf32, #tpu.memory_space<hbm>> -> memref<80x128xf32, #tpu.memory_space<hbm>>
        tpu.wait_dma2 semaphore(%run_scoped3A : memref<!tpu.dma_semaphore, #tpu.memory_space<semaphore_mem>>) src(%arg16 : memref<80x128xf32, #tpu.memory_space<vmem>>) dst(%dma_wait3A_630 : memref<80x128xf32, #tpu.memory_space<hbm>>)
        tpu.yield
      }) : () -> ()
    } else {
    }
    return
  }
}

</mosaic_0001>

<sc_bundles>
// kernel: kernel.3.cloned.1.call-start
scs
__scs_entry_jumppad:
0x0: {  	(pc) =	sbr.rel $0x88, $3  }
0x1: {  	(tag) =	ssettag $0x0;
	lr =	simm.s32 $0x1  }
0x2: {  	[smem:$0x3F93] =	sst lr;
	_ =	strace $0xD0000000  }
0x3: {  	_ = 	snop  }
0x4: {  	_ = 	snop  }
0x5: {  	_ = 	snop  }
0x6: {  	_ = 	snop  }
0x7: {  	_ = 	snop  }
__scs_overlays_trampoline_lowered:
0x8: {  	[smem:$0x3FA2] =	sst s0  }
0x9: {  	[smem:$0x3FA3] =	sst s1  }
0xa: {  	[smem:$0x3FA4] =	sst s2  }
0xb: {  	[smem:$0x3FA5] =	sst s3  }
0xc: {  	[smem:$0x3FA6] =	sst s4  }
0xd: {  	[smem:$0x3FA7] =	sst s5  }
0xe: {  	[smem:$0x3FA8] =	sst s6  }
0xf: {  	[smem:$0x3FA9] =	sst s7  }
0x10: {  	[smem:$0x3FAA] =	sst s8  }
0x11: {  	[smem:$0x3FAB] =	sst s9;
	s0 =	simm.s32 @!p0 $0x0  }
0x12: {  	s1 =	sld [smem:$0x3F91];
	s0 =	simm.s32 @p0 $0x1  }
0x13: {  	[smem:$0x3FAC] =	sst s0;
	s0 =	simm.s32 @!p1 $0x0  }
0x14: {  	s2 =	sld [smem:$0x3F90];
	s0 =	simm.s32 @p1 $0x1  }
0x15: {  	[smem:$0x3FAD] =	sst s0;
	s0 =	simm.s32 @!p2 $0x0  }
0x16: {  	s3 =	sld [smem:$0x3FDB];
	s0 =	simm.s32 @p2 $0x1  }
0x17: {  	s4 =	simm.s32 $0x1BF5;
	[smem:$0x3FAF] =	sst s0  }
0x18: {  	s0 =	sld [smem:$0x3F92];
	_ =	swait.ge [sflag:s4], $0x0  }
0x19: {  	s7 =	sld [smem:$0x3F93]  }
0x1a: {  	s8 =	sadd.s32 $0xFFFFE003, lr  }
0x1b: {  	s9 =	sadd.s32 $0xFFFFFEF7, lr;
	s5 =	simm.s32 $0xFFFFFFFF;
	p2 =	slt.u32 s8, $0xFFFFF086  }
0x1c: {  	p1 =	slt.u32 s9, $0xF7A;
	s5 =	simm.s32 @!p2 $0x0  }
0x1d: {  	s5 =	simm.s32 @p1 $0x1;
	p0 =	seq.s32 s7, s2  }
0x1e: {  	s7 =	smul.u32 @!p0 $0xF7A, s2;
	p2 =	seq.s32 @!p0 s5, $0x0  }
0x1f: {  	s9 =	smul.u32 $0xF7A, s1;
	s8 =	simm.s32 @!p0 $0x1BF5;
	p2 =	por !p2, p0  }
0x20: {  	[sflag:s8] =	ssyncset.s32 @!p0 $0xFFFFF086;
	s6 =	sadd.s32 @!p0 s3, s7;
	s7 =	simm.s32 @!p0 $0x108  }
0x21: {  	s3 =	sadd.s32 s3, s9;
	s6 =	sadd.s32 @!p0 $0x88, s6;
	s7 =	simm.s32 @p2 $0x1082  }
0x22: {  	[simem:s7], [sflag:s8] =	dma.local @!p0 [hbm:s6], $0xF7A  }
0x23: {  	s9 =	sor.u32 $0xD0000000, s2;
	s6 =	simm.s32 $0x108;
	_ =	swait.ge @!p0 [sflag:s8], $0x0  }
0x24: {  	s3 =	sadd.s32 $0x88, s3;
	s6 =	simm.s32 @!p1 $0x1082;
	[sflag:s4] =	ssyncset.s32 $0xFFFFF086  }
0x25: {  	[simem:s6], [sflag:s4] =	dma.local [hbm:s3], $0xF7A  }
0x26: {  	[smem:$0x3F93] =	sst s1;
	(tag) =	ssettag s2;
	_ =	strace s9  }
0x27: {  	s1 =	sld [smem:$0x3FA3]  }
0x28: {  	s2 =	sld [smem:$0x3FA4]  }
0x29: {  	s4 =	sld [smem:$0x3FA6]  }
0x2a: {  	p0 =	seq.s32 s5, $0x0;
	s5 =	sld [smem:$0x3FA7]  }
0x2b: {  	s6 =	sld [smem:$0x3FA8]  }
0x2c: {  	s7 =	sld [smem:$0x3FA9]  }
0x2d: {  	s3 =	simm.s32 $0x108;
	s8 =	sld [smem:$0x3FAA]  }
0x2e: {  	s3 =	simm.s32 @!p0 $0x1082;
	s9 =	sld [smem:$0x3FAB]  }
0x2f: {  	lr =	sadd.s32 s0, s3;
	s0 =	sld [smem:$0x3FA2]  }
0x30: {  	s3 =	sld [smem:$0x3FA5]  }
0x31: {  	[smem:$0x3FAE] =	sst s10  }
0x32: {  	s10 =	sld [smem:$0x3FAC];
	_ =	sdelay $0x3  }
0x33: {  	p0 =	seq.s32 s10, $0x1;
	s10 =	sld [smem:$0x3FAE];
	_ =	sdelay $0x3  }
0x34: {  	[smem:$0x3FAE] =	sst s10  }
0x35: {  	s10 =	sld [smem:$0x3FAD];
	_ =	sdelay $0x3  }
0x36: {  	p1 =	seq.s32 s10, $0x1;
	s10 =	sld [smem:$0x3FAE];
	_ =	sdelay $0x3  }
0x37: {  	[smem:$0x3FAE] =	sst s10  }
0x38: {  	s10 =	sld [smem:$0x3FAF]  }
0x39: {  	_ = 	snop;
	(pc) =	sbr.ind lr, $3  }
0x3a: {  	_ = 	snop  }
0x3b: {  	_ = 	snop  }
0x3c: {  	p2 =	seq.s32 s10, $0x1;
	s10 =	sld [smem:$0x3FAE]  }
0x3d: {  	_ =	shalt  }
0x3e: {  	_ =	shalt  }
0x3f: {  	_ =	shalt  }
0x40: {  	_ =	shalt  }
0x41: {  	_ =	shalt  }
0x42: {  	_ =	shalt  }
0x43: {  	_ =	shalt  }
0x44: {  	_ =	shalt  }
0x45: {  	_ =	shalt  }
0x46: {  	_ =	shalt  }
0x47: {  	_ =	shalt  }
0x48: {  	_ =	shalt  }
0x49: {  	_ =	shalt  }
0x4a: {  	_ =	shalt  }
0x4b: {  	_ =	shalt  }
0x4c: {  	_ =	shalt  }
0x4d: {  	_ =	shalt  }
0x4e: {  	_ =	shalt  }
0x4f: {  	_ =	shalt  }
0x50: {  	_ =	shalt  }
0x51: {  	_ =	shalt  }
0x52: {  	_ =	shalt  }
0x53: {  	_ =	shalt  }
0x54: {  	_ =	shalt  }
0x55: {  	_ =	shalt  }
0x56: {  	_ =	shalt  }
0x57: {  	_ =	shalt  }
0x58: {  	_ =	shalt  }
0x59: {  	_ =	shalt  }
0x5a: {  	_ =	shalt  }
0x5b: {  	_ =	shalt  }
0x5c: {  	_ =	shalt  }
0x5d: {  	_ =	shalt  }
0x5e: {  	_ =	shalt  }
0x5f: {  	_ =	shalt  }
0x60: {  	_ =	shalt  }
0x61: {  	_ =	shalt  }
0x62: {  	_ =	shalt  }
0x63: {  	_ =	shalt  }
0x64: {  	_ =	shalt  }
0x65: {  	_ =	shalt  }
0x66: {  	_ =	shalt  }
0x67: {  	_ =	shalt  }
0x68: {  	_ =	shalt  }
0x69: {  	_ =	shalt  }
0x6a: {  	_ =	shalt  }
0x6b: {  	_ =	shalt  }
0x6c: {  	_ =	shalt  }
0x6d: {  	_ =	shalt  }
0x6e: {  	_ =	shalt  }
0x6f: {  	_ =	shalt  }
0x70: {  	_ =	shalt  }
0x71: {  	_ =	shalt  }
0x72: {  	_ =	shalt  }
0x73: {  	_ =	shalt  }
0x74: {  	_ =	shalt  }
0x75: {  	_ =	shalt  }
0x76: {  	_ =	shalt  }
0x77: {  	_ =	shalt  }
0x78: {  	_ =	shalt  }
0x79: {  	_ =	shalt  }
0x7a: {  	_ =	shalt  }
0x7b: {  	_ =	shalt  }
0x7c: {  	_ =	shalt  }
0x7d: {  	_ =	shalt  }
0x7e: {  	_ =	shalt  }
0x7f: {  	_ =	shalt  }
0x80: {  	_ =	shalt  }
0x81: {  	_ =	shalt  }
0x82: {  	_ =	shalt  }
0x83: {  	_ =	shalt  }
0x84: {  	_ =	shalt  }
0x85: {  	_ =	shalt  }
0x86: {  	_ =	shalt  }
0x87: {  	_ =	shalt  }
.Lfunc_end0:
.L_simem_size_0:
called_computation_lowered:
.L_overlay_start_0:
0x88: {  	s2 =	sld [smem:$0x3FD9]  }
0x89: {  	s3 =	sld [smem:$0x3FFE];
	_ =	sdelay $0x1  }
0x8a: {  	s1 =	srdreg.scid  }
0x8b: {  	s0 =	sand.u32 $0x1, s1  }
0x8c: {  	s14 =	sshll.u32 s0, $0xA;
	s2 =	sadd.s32 s3, s2  }
0x8d: {  	s2 =	sadd.s32 s2, s14  }
0x8e: {  	[smem:$0x3FBA] =	sst s2  }
0x8f: {  	_ = 	snop  }
0x90: {  	s2 =	sld [smem:$0x3FD0];
	_ =	sdelay $0x2  }
0x91: {  	s15 =	simm.s32 $0xA;
	s4 =	simm.s32 $0x10  }
0x92: {  	[smem:s4], [sflag:s15] =	dma.local [hbm:s2], $0x1  }
0x93: {  	_ =	swait.eq [sflag:s15], $0x1  }
0x94: {  	[sflag:s15] =	ssyncset.done $0x0  }
0x95: {  	s16 =	sld [smem:$0x10];
	[sflag:s15] =	ssyncadd.s32 $0xFFFFFFFF  }
0x96: {  	s17 =	sld [smem:$0x11];
	(tm) =	ssettm $0x1  }
0x97: {  	s18 =	sld [smem:$0x3FFB];
	_ =	sdelay $0x3  }
0x98: {  	_ =	strace s18  }
0x99: {  	s4 =	sld [smem:$0x3FFC];
	_ =	sdelay $0x3  }
0x9a: {  	_ =	strace s4  }
0x9b: {  	s4 =	sld [smem:$0x3FFD];
	_ =	sdelay $0x3  }
0x9c: {  	_ =	strace s4  }
0x9d: {  	_ =	strace $0x8FFFFFFF  }
0x9e: {  	s19 =	sld [smem:$0x3FDB];
	_ =	sdelay $0x1  }
0x9f: {  	s5 =	simm.s32 $_scs_section_size  }
0xa0: {  	s6 =	simm.s32 $_size__tile_overlayer_lowered;
	s7 =	simm.s32 $_tile_overlayer_lowered  }
0xa1: {  	s22 =	simm.s32 $0x1BFF;
	s21 =	sshll.u32 s7, $0x1;
	s4 =	sadd.s32 s5, s19  }
0xa2: {  	s8 =	simm.s32 $0x0;
	s20 =	sshll.u32 s6, $0x1;
	s6 =	sadd.s32 s21, s4  }
0xa3: {  	[timem:s8], [sflag:s22] =	dma.local [hbm:s6], s20  }
0xa4: {  	_ =	swait.ge [sflag:s22], s20  }
0xa5: {  	s5 =	ssub.s32 $0x0, s20;
	[sflag:s22] =	ssyncset.done $0x0  }
0xa6: {  	[sflag:s22] =	ssyncadd.s32 s5;
	_ =	sdelay $0x1  }
0xa7: {  	s23 =	simm.s32 $0x1B8B  }
0xa8: {  	_ =	swait.ge [sflag:s23], $0x1  }
0xa9: {  	[sflag:s23] =	ssyncset.done $0x0  }
0xaa: {  	s25 =	simm.s32 $0x1B8E;
	s24 =	sld [smem:$0x3FFE];
	[sflag:s23] =	ssyncadd.s32 $0xFFFFFFFF  }
0xab: {  	s26 =	simm.s32 $execute0_lowered;
	[smem:$0x3FD2] =	sst s25  }
0xac: {  	s6 =	sshll.u32 s26, $0x1;
	_ =	strace $0x80000046;
	[dreg:$0x1] =	wrdreg $0xFFFFFFFF  }
0xad: {  	s28 =	simm.s32 $_size_execute0_lowered;
	s4 =	sadd.s32 s4, s6;
	[dreg:$0x0] =	wrdreg $0x0  }
0xae: {  	s6 =	sshll.u32 s28, $0x1;
	[dreg:$0x2] =	wrdreg s4  }
0xaf: {  	[dreg:$0x3] =	wrdreg s6  }
0xb0: {  	[dreg:$0x4] =	wrdreg $0xC0  }
0xb1: {  	_ =	task [dreg:s8], $0x5FFFF  }
0xb2: {  	[dreg:$0x1] =	wrdreg $0xFFFFFFFF  }
0xb3: {  	[dreg:$0x0] =	wrdreg $0x60  }
0xb4: {  	[dreg:$0x2] =	wrdreg s24  }
0xb5: {  	[dreg:$0x3] =	wrdreg s16  }
0xb6: {  	[dreg:$0x4] =	wrdreg s17  }
0xb7: {  	[dreg:$0x5] =	wrdreg $0x0  }
0xb8: {  	[dreg:$0x6] =	wrdreg $0x8400  }
0xb9: {  	[dreg:$0x7] =	wrdreg $0x9  }
0xba: {  	_ =	task.clear_ibuf [dreg:s8], $0x8FFFF;
	_ =	strace $0x90000046  }
0xbb: {  	s29 =	simm.s32 $0x9;
	_ =	strace $0x80000048  }
0xbc: {  	_ =	swait.ge [sflag:s29], $0x1  }
0xbd: {  	[sflag:s29] =	ssyncadd.s32 $0xFFFFFFFF  }
0xbe: {  	_ =	strace $0x90000048  }
0xbf: {  	_ =	sfence  }
0xc0: {  	s30 =	sld [smem:$0x0];
	_ =	sdelay $0x2  }
0xc1: {  	s31 =	sshll.u32 s1, $0xD;
	s1 =	sshrl.u32 s1, $0x2  }
0xc2: {  	s3 =	sand.u32 $0x4000, s31;
	s1 =	sadd.s32 s1, s30  }
0xc3: {  	s0 =	sor.u32 s3, s0;
	s1 =	sshll.u32 s1, $0x11  }
0xc4: {  	s0 =	sor.u32 s1, s0  }
0xc5: {  	s0 =	sadd.s32 $0x8F2B, s0  }
0xc6: {  	[sflag:s0] =	ssyncadd.remote.s32 $0x1  }
0xc7: {  	_ =	sfence.sel $0xFFFF  }
0xc8: {  	[dreg:$0x0] =	wrdreg $0xFFFFFFFF;
	(pc) =	sbr.abs _section_cstart, $3  }
0xc9: {  	[dreg:$0x1] =	wrdreg $0xFFFFFFFF  }
0xca: {  	_ =	task.clear_ibuf [dreg:s8], $0x2FFFF;
	_ =	strace $0x9FFFFFFF  }
0xcb: {  	(tm) =	ssettm $0x7FFFFFFF  }
tec
execute0_lowered:
.L_overlay_start_1:
0x0: {  	(tag) =	ssettag $0x1  }
0x1: {  	s0 =	rddreg [dreg:$0x0]  }
0x2: {  	s1 =	rddreg [dreg:$0x1]  }
0x3: {  	s5 =	rddreg [dreg:$0x2]  }
0x4: {  	s3 =	srdreg.scid;
	s14 =	stileid.u32  }
0x5: {  	s2 =	rddreg [dreg:$0x3];
	s6 =	sand.u32 $0x1, s3;
	s4 =	sshll.u32 s14, $0x1  }
0x6: {  	s28 =	simm.s32 $0x46D8;
	s29 =	simm.s32 $0x9;
	s7 =	sor.u32 s6, s4  }
0x7: {  	s30 =	simm.s32 $0x4EA8;
	s31 =	simm.s32 $0x5678;
	s8 =	smul.u32 $0x190, s7  }
0x8: {  	s3 =	rddreg [dreg:$0x4];
	s15 =	sadd.s32 $0x22400, s0;
	s9 =	smul.u32 $0x2710, s7  }
0x9: {  	s20 =	smul.u32 $0x4E200, s14;
	p1 =	seq.s32 s14, $0x1;
	s4 =	simm.s32 $0x0  }
0xa: {  	[smem:$0x7FF] =	sst s4;
	s8 =	sshrl.u32 s8, $0x3;
	s9 =	sshrl.u32 s9, $0x3  }
0xb: {  	s8 =	sadd.s32 s8, s0;
	s9 =	sadd.s32 s9, s0;
	s0 =	sadd.s32 $0x21200, s0  }
0xc: {  	_ =	strace $0x80000047;
	[dreg:$0x6] =	wrdreg s0;
	s23 =	sadd.s32 $0x3C00, s9  }
0xd: {  	s10 =	ssub.s32 $0x2, s6;
	s24 =	sadd.s32 $0xD840, s9;
	[dreg:$0x7] =	wrdreg s23  }
0xe: {  	s6 =	smul.u32 $0x27100, s6;
	s25 =	sadd.s32 $0x17480, s9;
	[dreg:$0x8] =	wrdreg s24  }
0xf: {  	s11 =	sshrl.u32 s10, $0x1;
	s12 =	sadd.s32 $0x3CFA, s9;
	[dreg:$0x9] =	wrdreg s25  }
0x10: {  	s26 =	smul.u32 $0x27100, s7;
	s13 =	sadd.s32 $0xD93A, s9;
	[dreg:$0xa] =	wrdreg s12  }
0x11: {  	s16 =	smul.u32 $0xC800, s7;
	s17 =	sadd.s32 $0x3DF4, s9;
	[dreg:$0xb] =	wrdreg s13  }
0x12: {  	s0 =	ssub.s32 s10, s11;
	s10 =	sadd.s32 s5, s26;
	[dreg:$0xd] =	wrdreg s17  }
0x13: {  	s18 =	smul.u32 $0x1900, s7;
	s22 =	sadd.s32 $0x17674, s9;
	[dreg:$0x10] =	wrdreg s10  }
0x14: {  	s19 =	smul.u32 $0x138800, s7;
	s26 =	sadd.s32 $0x3FE8, s9;
	[dreg:$0x11] =	wrdreg s22  }
0x15: {  	p0 =	sgt.u32 s7, $0x18;
	s7 =	sadd.s32 $0x17868, s9;
	[dreg:$0x15] =	wrdreg s26  }
0x16: {  	s11 =	sshrl.u32 s16, $0x3;
	s16 =	sadd.s32 $0x19C4, s8;
	[dreg:$0x17] =	wrdreg s7  }
0x17: {  	s21 =	sshrl.u32 s19, $0x3;
	s19 =	sadd.s32 $0x2388, s8;
	[dreg:$0x1c] =	wrdreg s16  }
0x18: {  	p2 =	sne.s32 @!p1 s14, $0x0;
	s12 =	sadd.s32 $0x1757A, s9;
	[dreg:$0x1e] =	wrdreg s19  }
0x19: {  	s14 =	simm.s32 $0x170D8;
	s13 =	sadd.s32 $0xDA34, s9;
	[dreg:$0xc] =	wrdreg s12  }
0x1a: {  	p2 =	por p2, p1;
	s23 =	sadd.s32 $0x3EEE, s9;
	[dreg:$0xe] =	wrdreg s13  }
0x1b: {  	s10 =	sadd.s32 s5, s21;
	s24 =	sadd.s32 $0xDB2E, s9;
	[dreg:$0x12] =	wrdreg s23  }
0x1c: {  	s5 =	sadd.s32 s20, s5;
	s25 =	sadd.s32 $0x1776E, s9;
	[dreg:$0x13] =	wrdreg s24  }
0x1d: {  	s17 =	sadd.s32 $0x1EA6, s8;
	s20 =	sadd.s32 $0x286A, s8;
	[dreg:$0x14] =	wrdreg s25  }
0x1e: {  	s21 =	sadd.s32 $0x2D4C, s8;
	s22 =	sadd.s32 $0x322E, s8;
	[dreg:$0x1d] =	wrdreg s17  }
0x1f: {  	s0 =	smax.u32 s0, $0x1;
	s7 =	simm.s32 $0x4;
	[dreg:$0x1f] =	wrdreg s20  }
0x20: {  	s16 =	simm.s32 $0x5;
	s19 =	simm.s32 $0x7;
	[smem:$0x7F6] =	sst s21  }
0x21: {  	s12 =	sadd.s32 s1, s18;
	s1 =	sadd.s32 s1, s11;
	[smem:$0x7F7] =	sst s22  }
0x22: {  	s18 =	sadd.s32 s6, s5;
	s6 =	sadd.s32 $0xDC28, s9;
	[smem:$0x7FD] =	sst s0  }
0x23: {  	s9 =	sadd.s32 $0x800, s10;
	s11 =	sadd.s32 $0x27000, s10;
	[dreg:$0xf] =	wrdreg s12  }
0x24: {  	s13 =	sadd.s32 $0x14E2, s8;
	s23 =	sadd.s32 $0x3710, s8;
	[dreg:$0x16] =	wrdreg s6  }
0x25: {  	s0 =	simm.s32 $0x5E58;
	s5 =	simm.s32 $0x3;
	[dreg:$0x18] =	wrdreg s9  }
0x26: {  	s10 =	simm.s32 $0x50;
	s17 =	simm.s32 $0x6;
	[dreg:$0x19] =	wrdreg s11  }
0x27: {  	s20 =	simm.s32 $0x8;
	s21 =	simm.s32 $0x0;
	[dreg:$0x1b] =	wrdreg s13  }
0x28: {  	s12 =	sadd.s32 $0x1000, s8;
	[smem:$0x7F8] =	sst s23;
	s24 =	sadd.s32 $0x500, s1  }
.Ltmp0:
0x29: {  	s25 =	sadd.s32 $0xA00, s1;
	[dreg:$0x1a] =	wrdreg s12;
	(pc) =	sbr.rel .LBB2_1-.Ltmp0, $4  }
0x2a: {  	s26 =	sadd.s32 $0xF00, s1;
	s1 =	sadd.s32 $0x1400, s1;
	[smem:$0x7F9] =	sst s24  }
0x2b: {  	s6 =	simm.s32 $0x9E58;
	s8 =	simm.s32 $0x1;
	[smem:$0x7FA] =	sst s25  }
0x2c: {  	s9 =	simm.s32 $0x2;
	s11 =	simm.s32 $0xF8D8;
	[smem:$0x7FB] =	sst s26  }
0x2d: {  	s13 =	simm.s32 $0x148D8;
	[smem:$0x7FC] =	sst s1;
	s1 =	simm.s32 $0x80  }
.LBB2_46:
0x2e: {  	[tilespmem:s22+$0xF8D8] =	vst v12;
	v5 =	vadd.f32 v5, v10;
	v63 =	vld [tilespmem:s22+$0xF948]  }
0x2f: {  	[tilespmem:s22+$0xF8E8] =	vst v11;
	v4 =	vadd.f32 v4, v9  }
0x30: {  	v3 =	vadd.f32 v3, v8;
	[tilespmem:s22+$0xF8F8] =	vst v5  }
0x31: {  	v2 =	vadd.f32 v2, v6;
	[tilespmem:s22+$0xF908] =	vst v4  }
0x32: {  	v1 =	vadd.f32 v1, v7;
	[tilespmem:s22+$0xF918] =	vst v3  }
0x33: {  	s15 =	sld [smem:$0x7FC];
	[tilespmem:s22+$0xF928] =	vst v2;
	v0 =	vadd.f32 v0, v63  }
0x34: {  	[tilespmem:s22+$0xF938] =	vst v1  }
0x35: {  	[tilespmem:s22+$0xF948] =	vst v0  }
0x36: {  	[hbm4b:s15+s4] =	stream.linear.scatter [tilespmem:s11], [sflag:$0x9], $0x2800, $0x38;
	[tilespmem:$0x198D8] =	vst v63  }
0x37: {  	_ =	swait.ge [sflag:s29], $0x2800  }
0x38: {  	[sflag:s29] =	ssyncset.done $0x0  }
0x39: {  	s15 =	smov.u32 s12;
	[sflag:s29] =	ssyncadd.s32 $0xFFFFD800  }
.LBB2_47:
0x3a: {  	s12 =	sld [smem:$0x7FD];
	_ =	sdelay $0x1  }
0x3b: {  	s21 =	sadd.s32 $0x1, s21  }
0x3c: {  	p3 =	sne.s32 s21, s12  }
.Ltmp1:
0x3d: {  	_ = 	snop;
	(pc) =	sbr.rel @!p3 .LBB2_48-.Ltmp1, $1  }
0x3e: {  	_ =	sdelay $0x3  }
.LBB2_1:
0x3f: {  	s22 =	sshrl.u32 @p1 s3, $0x3;
	s23 =	simm.s32 @p1 $0x1C49  }
0x40: {  	[spmem:s22], [sflag:s23] =	dma.local @p1 [hbm:s15], $0x2D30  }
0x41: {  	s22 =	simm.s32 @p1 $0x9  }
0x42: {  	_ =	swait.ge @p1 [sflag:s22], $0x2D30  }
0x43: {  	s23 =	simm.s32 @!p2 $0x1C09;
	[sflag:s22] =	ssyncset.done @p1 $0x0  }
0x44: {  	s12 =	rddreg [dreg:$0x6];
	[sflag:s22] =	ssyncadd.s32 @p1 $0xFFFFD2D0;
	s22 =	sshrl.u32 @!p2 s2, $0x3  }
0x45: {  	[spmem:s22], [sflag:s23] =	dma.local @!p2 [hbm:s12], $0x1080  }
0x46: {  	s22 =	simm.s32 @!p2 $0x9  }
0x47: {  	_ =	swait.ge @!p2 [sflag:s22], $0x1080  }
0x48: {  	[sflag:s22] =	ssyncset.done @!p2 $0x0  }
0x49: {  	[sflag:s22] =	ssyncadd.s32 @!p2 $0xFFFFEF80  }
0x4a: {  	[bflag:$0x0] =	sbarrier.arrive $0xFFFF  }
0x4b: {  	s26 =	rddreg [dreg:$0x7]  }
0x4c: {  	[tilespmem:s28], [sflag:$0x9] =	stream.linear.gather [hbm4b:s26+s4], $0x7D0, $0x38;
	[tilespmem:$0x198D8] =	vst v63  }
0x4d: {  	_ =	swait.ge [sflag:s29], $0x7D0  }
0x4e: {  	[sflag:s29] =	ssyncset.done $0x0  }
0x4f: {  	s22 =	rddreg [dreg:$0x8];
	[sflag:s29] =	ssyncadd.s32 $0xFFFFF830  }
0x50: {  	[tilespmem:s30], [sflag:$0x9] =	stream.linear.gather [hbm4b:s22+s4], $0x7D0, $0x38;
	[tilespmem:$0x198D8] =	vst v63  }
0x51: {  	_ =	swait.ge [sflag:s29], $0x7D0  }
0x52: {  	[sflag:s29] =	ssyncset.done $0x0  }
0x53: {  	s23 =	rddreg [dreg:$0x9];
	[sflag:s29] =	ssyncadd.s32 $0xFFFFF830  }
0x54: {  	[tilespmem:s31], [sflag:$0x9] =	stream.linear.gather [hbm4b:s23+s4], $0x7D0, $0x38;
	[tilespmem:$0x198D8] =	vst v63  }
0x55: {  	_ =	swait.ge [sflag:s29], $0x7D0  }
0x56: {  	[sflag:s29] =	ssyncset.done $0x0  }
0x57: {  	s24 =	simm.s32 $0x0;
	[sflag:s29] =	ssyncadd.s32 $0xFFFFF830  }
0x58: {  	v0 =	vld [tilespmem:s24+$0x46D8]  }
0x59: {  	v1 =	vld [tilespmem:s24+$0x4EA8];
	_ =	sdelay $0x1  }
0x5a: {  	v2 =	vld [tilespmem:s24+$0x5678];
	_ =	sdelay $0x1  }
0x5b: {  	v0 =	vmul.u32 $0xC, v0  }
0x5c: {  	s25 =	sand.u32 $0x1E00, s4;
	v1 =	vshll.u32 v1, $0x1  }
0x5d: {  	s26 =	sand.u32 $0x70, s4;
	s24 =	sshrl.u32 s25, $0x2;
	v0 =	vadd.s32 v0, v1  }
0x5e: {  	s22 =	simm.s32 $0x40;
	s23 =	sor.u32 s26, s24;
	v0 =	vadd.s32 v2, v0  }
0x5f: {  	s25 =	simm.s32 $0x10;
	s24 =	simm.s32 $0x80;
	[tilespmem:s23+$0x1ED8] =	vst v0;
	s23 =	simm.s32 $0x0  }
.LBB2_2:
0x60: {  	p3 =	sne.s32 s24, $0x1F00;
	v0 =	vld [tilespmem:s25+$0x46D8]  }
0x61: {  	v1 =	vld [tilespmem:s25+$0x4EA8];
	_ =	sdelay $0x1  }
0x62: {  	v2 =	vld [tilespmem:s25+$0x5678];
	_ =	sdelay $0x1  }
.Ltmp2:
0x63: {  	v0 =	vmul.u32 $0xC, v0;
	(pc) =	sbr.rel @p3 .LBB2_2-.Ltmp2, $4  }
0x64: {  	s23 =	sadd.s32 $0x10, s23;
	s25 =	sand.u32 $0x1E00, s22;
	s22 =	smov.u32 s24;
	v1 =	vshll.u32 v1, $0x1  }
0x65: {  	s26 =	sand.u32 $0x70, s23;
	s25 =	sshrl.u32 s25, $0x2;
	v0 =	vadd.s32 v0, v1  }
0x66: {  	s26 =	sor.u32 s26, s25;
	v0 =	vadd.s32 v2, v0  }
0x67: {  	s24 =	sadd.s32 $0x40, s24;
	s25 =	sshra.s32 s22, $0x2;
	[tilespmem:s26+$0x1ED8] =	vst v0  }
0x68: {  	v0 =	vld [tilespmem:s25+$0x46D8]  }
0x69: {  	v1 =	vld [tilespmem:s25+$0x4EA8];
	_ =	sdelay $0x1  }
0x6a: {  	v2 =	vld [tilespmem:s25+$0x5678];
	_ =	sdelay $0x1  }
0x6b: {  	v0 =	vmul.u32 $0xC, v0  }
0x6c: {  	s22 =	sand.u32 $0x1E00, s22;
	s23 =	sadd.s32 $0x10, s23;
	v1 =	vshll.u32 v1, $0x1  }
0x6d: {  	s23 =	sand.u32 $0x70, s23;
	s22 =	sshrl.u32 s22, $0x2;
	v0 =	vadd.s32 v0, v1  }
0x6e: {  	s22 =	sor.u32 s23, s22;
	v0 =	vadd.s32 v2, v0  }
0x6f: {  	s12 =	rddreg [dreg:$0xa];
	[tilespmem:s22+$0x1ED8] =	vst v0;
	s22 =	simm.s32 $0x0  }
0x70: {  	[tilespmem:s28], [sflag:$0x9] =	stream.linear.gather [hbm4b:s12+s22], $0x7D0, $0x38;
	[tilespmem:$0x198D8] =	vst v63  }
0x71: {  	_ =	swait.ge [sflag:s29], $0x7D0  }
0x72: {  	[sflag:s29] =	ssyncset.done $0x0  }
0x73: {  	s25 =	rddreg [dreg:$0xb];
	[sflag:s29] =	ssyncadd.s32 $0xFFFFF830  }
0x74: {  	[tilespmem:s30], [sflag:$0x9] =	stream.linear.gather [hbm4b:s25+s22], $0x7D0, $0x38;
	[tilespmem:$0x198D8] =	vst v63  }
0x75: {  	_ =	swait.ge [sflag:s29], $0x7D0  }
0x76: {  	[sflag:s29] =	ssyncset.done $0x0  }
0x77: {  	s26 =	rddreg [dreg:$0xc];
	[sflag:s29] =	ssyncadd.s32 $0xFFFFF830  }
0x78: {  	[tilespmem:s31], [sflag:$0x9] =	stream.linear.gather [hbm4b:s26+s22], $0x7D0, $0x38;
	[tilespmem:$0x198D8] =	vst v63  }
0x79: {  	_ =	swait.ge [sflag:s29], $0x7D0  }
0x7a: {  	s24 =	simm.s32 $0x7E0;
	[sflag:s29] =	ssyncset.done $0x0  }
0x7b: {  	s23 =	simm.s32 $0x7D0;
	s25 =	simm.s32 $0x0;
	[sflag:s29] =	ssyncadd.s32 $0xFFFFF830  }
.LBB2_4:
0x7c: {  	p3 =	sne.s32 s24, $0xF90;
	v0 =	vld [tilespmem:s25+$0x46D8]  }
0x7d: {  	v1 =	vld [tilespmem:s25+$0x4EA8];
	_ =	sdelay $0x1  }
0x7e: {  	v2 =	vld [tilespmem:s25+$0x5678];
	_ =	sdelay $0x1  }
.Ltmp3:
0x7f: {  	s25 =	sadd.s32 $0x1F40, s22;
	v0 =	vmul.u32 $0xC, v0;
	(pc) =	sbr.rel @p3 .LBB2_4-.Ltmp3, $4  }
0x80: {  	s25 =	sand.u32 $0x3E00, s25;
	v1 =	vshll.u32 v1, $0x1  }
0x81: {  	s26 =	sand.u32 $0x70, s23;
	s23 =	smov.u32 s24;
	s25 =	sshrl.u32 s25, $0x2;
	v0 =	vadd.s32 v0, v1  }
0x82: {  	s22 =	sadd.s32 $0x40, s22;
	s26 =	sor.u32 s26, s25;
	v0 =	vadd.s32 v2, v0  }
0x83: {  	s24 =	sadd.s32 $0x10, s24;
	s25 =	sshra.s32 s22, $0x2;
	[tilespmem:s26+$0x1ED8] =	vst v0  }
0x84: {  	v0 =	vld [tilespmem:s25+$0x46D8]  }
0x85: {  	v1 =	vld [tilespmem:s25+$0x4EA8];
	_ =	sdelay $0x1  }
0x86: {  	v2 =	vld [tilespmem:s25+$0x5678];
	_ =	sdelay $0x1  }
0x87: {  	s22 =	sadd.s32 $0x1F40, s22;
	v0 =	vmul.u32 $0xC, v0  }
0x88: {  	s22 =	sand.u32 $0x3E00, s22;
	v1 =	vshll.u32 v1, $0x1  }
0x89: {  	s23 =	sand.u32 $0x70, s23;
	s22 =	sshrl.u32 s22, $0x2;
	v0 =	vadd.s32 v0, v1  }
0x8a: {  	s22 =	sor.u32 s23, s22;
	v0 =	vadd.s32 v2, v0  }
0x8b: {  	s12 =	rddreg [dreg:$0xd];
	[tilespmem:s22+$0x1ED8] =	vst v0;
	s22 =	simm.s32 $0x0  }
0x8c: {  	[tilespmem:s28], [sflag:$0x9] =	stream.linear.gather [hbm4b:s12+s22], $0x7D0, $0x38;
	[tilespmem:$0x198D8] =	vst v63  }
0x8d: {  	_ =	swait.ge [sflag:s29], $0x7D0  }
0x8e: {  	[sflag:s29] =	ssyncset.done $0x0  }
0x8f: {  	s25 =	rddreg [dreg:$0xe];
	[sflag:s29] =	ssyncadd.s32 $0xFFFFF830  }
0x90: {  	[tilespmem:s30], [sflag:$0x9] =	stream.linear.gather [hbm4b:s25+s22], $0x7D0, $0x38;
	[tilespmem:$0x198D8] =	vst v63  }
0x91: {  	_ =	swait.ge [sflag:s29], $0x7D0  }
0x92: {  	[sflag:s29] =	ssyncset.done $0x0  }
0x93: {  	s26 =	rddreg [dreg:$0x11];
	[sflag:s29] =	ssyncadd.s32 $0xFFFFF830  }
0x94: {  	[tilespmem:s31], [sflag:$0x9] =	stream.linear.gather [hbm4b:s26+s22], $0x7D0, $0x38;
	[tilespmem:$0x198D8] =	vst v63  }
0x95: {  	_ =	swait.ge [sflag:s29], $0x7D0  }
0x96: {  	s24 =	simm.s32 $0xFB0;
	[sflag:s29] =	ssyncset.done $0x0  }
0x97: {  	s23 =	simm.s32 $0xFA0;
	s25 =	simm.s32 $0x0;
	[sflag:s29] =	ssyncadd.s32 $0xFFFFF830  }
.LBB2_6:
0x98: {  	p3 =	sne.s32 s24, $0x1760;
	v0 =	vld [tilespmem:s25+$0x46D8]  }
0x99: {  	v1 =	vld [tilespmem:s25+$0x4EA8];
	_ =	sdelay $0x1  }
0x9a: {  	v2 =	vld [tilespmem:s25+$0x5678];
	_ =	sdelay $0x1  }
.Ltmp4:
0x9b: {  	s25 =	sadd.s32 $0x3E80, s22;
	v0 =	vmul.u32 $0xC, v0;
	(pc) =	sbr.rel @p3 .LBB2_6-.Ltmp4, $4  }
0x9c: {  	s25 =	sand.u32 $0x7E00, s25;
	v1 =	vshll.u32 v1, $0x1  }
0x9d: {  	s26 =	sand.u32 $0x70, s23;
	s23 =	smov.u32 s24;
	s25 =	sshrl.u32 s25, $0x2;
	v0 =	vadd.s32 v0, v1  }
0x9e: {  	s22 =	sadd.s32 $0x40, s22;
	s26 =	sor.u32 s26, s25;
	v0 =	vadd.s32 v2, v0  }
0x9f: {  	s24 =	sadd.s32 $0x10, s24;
	s25 =	sshra.s32 s22, $0x2;
	[tilespmem:s26+$0x1ED8] =	vst v0  }
0xa0: {  	v0 =	vld [tilespmem:s25+$0x46D8]  }
0xa1: {  	v1 =	vld [tilespmem:s25+$0x4EA8];
	_ =	sdelay $0x1  }
0xa2: {  	v2 =	vld [tilespmem:s25+$0x5678];
	_ =	sdelay $0x1  }
0xa3: {  	s22 =	sadd.s32 $0x3E80, s22;
	v0 =	vmul.u32 $0xC, v0  }
0xa4: {  	s22 =	sand.u32 $0x7E00, s22;
	v1 =	vshll.u32 v1, $0x1  }
0xa5: {  	s23 =	sand.u32 $0x70, s23;
	s22 =	sshrl.u32 s22, $0x2;
	v0 =	vadd.s32 v0, v1  }
0xa6: {  	s22 =	sor.u32 s23, s22;
	v0 =	vadd.s32 v2, v0  }
0xa7: {  	s12 =	rddreg [dreg:$0x12];
	[tilespmem:s22+$0x1ED8] =	vst v0;
	s22 =	simm.s32 $0x0  }
0xa8: {  	[tilespmem:s28], [sflag:$0x9] =	stream.linear.gather [hbm4b:s12+s22], $0x7D0, $0x38;
	[tilespmem:$0x198D8] =	vst v63  }
0xa9: {  	_ =	swait.ge [sflag:s29], $0x7D0  }
0xaa: {  	[sflag:s29] =	ssyncset.done $0x0  }
0xab: {  	s25 =	rddreg [dreg:$0x13];
	[sflag:s29] =	ssyncadd.s32 $0xFFFFF830  }
0xac: {  	[tilespmem:s30], [sflag:$0x9] =	stream.linear.gather [hbm4b:s25+s22], $0x7D0, $0x38;
	[tilespmem:$0x198D8] =	vst v63  }
0xad: {  	_ =	swait.ge [sflag:s29], $0x7D0  }
0xae: {  	[sflag:s29] =	ssyncset.done $0x0  }
0xaf: {  	s26 =	rddreg [dreg:$0x14];
	[sflag:s29] =	ssyncadd.s32 $0xFFFFF830  }
0xb0: {  	[tilespmem:s31], [sflag:$0x9] =	stream.linear.gather [hbm4b:s26+s22], $0x7D0, $0x38;
	[tilespmem:$0x198D8] =	vst v63  }
0xb1: {  	_ =	swait.ge [sflag:s29], $0x7D0  }
0xb2: {  	s24 =	simm.s32 $0x1780;
	[sflag:s29] =	ssyncset.done $0x0  }
0xb3: {  	s23 =	simm.s32 $0x1770;
	s25 =	simm.s32 $0x0;
	[sflag:s29] =	ssyncadd.s32 $0xFFFFF830  }
.LBB2_8:
0xb4: {  	p3 =	sne.s32 s24, $0x1F30;
	v0 =	vld [tilespmem:s25+$0x46D8]  }
0xb5: {  	v1 =	vld [tilespmem:s25+$0x4EA8];
	_ =	sdelay $0x1  }
0xb6: {  	v2 =	vld [tilespmem:s25+$0x5678];
	_ =	sdelay $0x1  }
.Ltmp5:
0xb7: {  	s25 =	sadd.s32 $0x5DC0, s22;
	v0 =	vmul.u32 $0xC, v0;
	(pc) =	sbr.rel @p3 .LBB2_8-.Ltmp5, $4  }
0xb8: {  	s25 =	sand.u32 $0x7E00, s25;
	v1 =	vshll.u32 v1, $0x1  }
0xb9: {  	s26 =	sand.u32 $0x70, s23;
	s23 =	smov.u32 s24;
	s25 =	sshrl.u32 s25, $0x2;
	v0 =	vadd.s32 v0, v1  }
0xba: {  	s22 =	sadd.s32 $0x40, s22;
	s26 =	sor.u32 s26, s25;
	v0 =	vadd.s32 v2, v0  }
0xbb: {  	s24 =	sadd.s32 $0x10, s24;
	s25 =	sshra.s32 s22, $0x2;
	[tilespmem:s26+$0x1ED8] =	vst v0  }
0xbc: {  	v0 =	vld [tilespmem:s25+$0x46D8]  }
0xbd: {  	v1 =	vld [tilespmem:s25+$0x4EA8];
	_ =	sdelay $0x1  }
0xbe: {  	v2 =	vld [tilespmem:s25+$0x5678];
	_ =	sdelay $0x1  }
0xbf: {  	s22 =	sadd.s32 $0x5DC0, s22;
	v0 =	vmul.u32 $0xC, v0  }
0xc0: {  	s22 =	sand.u32 $0x7E00, s22;
	v1 =	vshll.u32 v1, $0x1  }
0xc1: {  	s23 =	sand.u32 $0x70, s23;
	s22 =	sshrl.u32 s22, $0x2;
	v0 =	vadd.s32 v0, v1  }
0xc2: {  	s22 =	sor.u32 s23, s22;
	v0 =	vadd.s32 v2, v0  }
0xc3: {  	s12 =	rddreg [dreg:$0x15];
	[tilespmem:s22+$0x1ED8] =	vst v0;
	s22 =	simm.s32 $0x0  }
0xc4: {  	[tilespmem:s28], [sflag:$0x9] =	stream.linear.gather [hbm4b:s12+s22], $0x7D0, $0x38;
	[tilespmem:$0x198D8] =	vst v63  }
0xc5: {  	_ =	swait.ge [sflag:s29], $0x7D0  }
0xc6: {  	[sflag:s29] =	ssyncset.done $0x0  }
0xc7: {  	s25 =	rddreg [dreg:$0x16];
	[sflag:s29] =	ssyncadd.s32 $0xFFFFF830  }
0xc8: {  	[tilespmem:s30], [sflag:$0x9] =	stream.linear.gather [hbm4b:s25+s22], $0x7D0, $0x38;
	[tilespmem:$0x198D8] =	vst v63  }
0xc9: {  	_ =	swait.ge [sflag:s29], $0x7D0  }
0xca: {  	[sflag:s29] =	ssyncset.done $0x0  }
0xcb: {  	s26 =	rddreg [dreg:$0x17];
	[sflag:s29] =	ssyncadd.s32 $0xFFFFF830  }
0xcc: {  	[tilespmem:s31], [sflag:$0x9] =	stream.linear.gather [hbm4b:s26+s22], $0x7D0, $0x38;
	[tilespmem:$0x198D8] =	vst v63  }
0xcd: {  	_ =	swait.ge [sflag:s29], $0x7D0  }
0xce: {  	s24 =	simm.s32 $0x1F50;
	[sflag:s29] =	ssyncset.done $0x0  }
0xcf: {  	s23 =	simm.s32 $0x1F40;
	s25 =	simm.s32 $0x0;
	[sflag:s29] =	ssyncadd.s32 $0xFFFFF830  }
.LBB2_10:
0xd0: {  	p3 =	sne.s32 s24, $0x2700;
	v0 =	vld [tilespmem:s25+$0x46D8]  }
0xd1: {  	v1 =	vld [tilespmem:s25+$0x4EA8];
	_ =	sdelay $0x1  }
0xd2: {  	v2 =	vld [tilespmem:s25+$0x5678];
	_ =	sdelay $0x1  }
.Ltmp6:
0xd3: {  	s25 =	sadd.s32 $0x7D00, s22;
	v0 =	vmul.u32 $0xC, v0;
	(pc) =	sbr.rel @p3 .LBB2_10-.Ltmp6, $4  }
0xd4: {  	s25 =	sand.u32 $0xFE00, s25;
	v1 =	vshll.u32 v1, $0x1  }
0xd5: {  	s26 =	sand.u32 $0x70, s23;
	s23 =	smov.u32 s24;
	s25 =	sshrl.u32 s25, $0x2;
	v0 =	vadd.s32 v0, v1  }
0xd6: {  	s22 =	sadd.s32 $0x40, s22;
	s26 =	sor.u32 s26, s25;
	v0 =	vadd.s32 v2, v0  }
0xd7: {  	s24 =	sadd.s32 $0x10, s24;
	s25 =	sshra.s32 s22, $0x2;
	[tilespmem:s26+$0x1ED8] =	vst v0  }
0xd8: {  	v0 =	vld [tilespmem:s25+$0x46D8]  }
0xd9: {  	v1 =	vld [tilespmem:s25+$0x4EA8];
	_ =	sdelay $0x1  }
0xda: {  	v2 =	vld [tilespmem:s25+$0x5678];
	_ =	sdelay $0x1  }
0xdb: {  	s22 =	sadd.s32 $0x7D00, s22;
	v0 =	vmul.u32 $0xC, v0  }
0xdc: {  	s22 =	sand.u32 $0xFE00, s22;
	v1 =	vshll.u32 v1, $0x1  }
0xdd: {  	s23 =	sand.u32 $0x70, s23;
	s22 =	sshrl.u32 s22, $0x2;
	v0 =	vadd.s32 v0, v1  }
0xde: {  	s22 =	sor.u32 s23, s22;
	v0 =	vadd.s32 v2, v0  }
0xdf: {  	s12 =	simm.s32 $0x1ED8;
	[tilespmem:s22+$0x1ED8] =	vst v0  }
0xe0: {  	[tilespmem:s0], [sflag:$0x3] =	stream.indirect.gather [spmem:s2], $0x80, s12, s1, $0xb8;
	[tilespmem:$0x198D8] =	vst v63  }
0xe1: {  	_ =	swait.ge [sflag:s5], $0x4000  }
0xe2: {  	[sflag:s5] =	ssyncset.done $0x0  }
0xe3: {  	s23 =	simm.s32 $0x0;
	s24 =	rddreg [dreg:$0x10];
	[sflag:s5] =	ssyncadd.s32 $0xFFFFC000  }
0xe4: {  	[hbm4b:s24+s23] =	stream.linear.scatter [tilespmem:s0], [sflag:$0x1], $0x4000, $0x38;
	[tilespmem:$0x198D8] =	vst v63  }
0xe5: {  	s25 =	simm.s32 $0x1F58  }
0xe6: {  	[tilespmem:s6], [sflag:$0x4] =	stream.indirect.gather [spmem:s2], $0x80, s25, s1, $0xb8;
	[tilespmem:$0x198D8] =	vst v63  }
0xe7: {  	_ =	swait.ge [sflag:s7], $0x4000  }
0xe8: {  	[sflag:s7] =	ssyncset.done $0x0  }
0xe9: {  	s26 =	rddreg [dreg:$0x18];
	[sflag:s7] =	ssyncadd.s32 $0xFFFFC000  }
0xea: {  	[hbm4b:s26+s23] =	stream.linear.scatter [tilespmem:s6], [sflag:$0x2], $0x4000, $0x38;
	[tilespmem:$0x198D8] =	vst v63  }
0xeb: {  	_ =	swait.ge [sflag:s8], $0x4000  }
0xec: {  	[sflag:s8] =	ssyncset.done $0x0  }
0xed: {  	s23 =	simm.s32 $0x1FD8;
	[sflag:s8] =	ssyncadd.s32 $0xFFFFC000  }
0xee: {  	[tilespmem:s0], [sflag:$0x3] =	stream.indirect.gather [spmem:s2], $0x80, s23, s1, $0xb8;
	[tilespmem:$0x198D8] =	vst v63  }
0xef: {  	_ =	swait.ge [sflag:s5], $0x4000  }
0xf0: {  	s24 =	sadd.s32 $0x0, s18;
	[sflag:s5] =	ssyncset.done $0x0  }
0xf1: {  	s25 =	sadd.s32 $0x1000, s24;
	[sflag:s5] =	ssyncadd.s32 $0xFFFFC000  }
0xf2: {  	[hbm4b:s25+s4] =	stream.linear.scatter [tilespmem:s0], [sflag:$0x1], $0x4000, $0x38;
	[tilespmem:$0x198D8] =	vst v63  }
0xf3: {  	_ =	swait.ge [sflag:s9], $0x4000  }
0xf4: {  	[sflag:s9] =	ssyncset.done $0x0  }
0xf5: {  	s26 =	simm.s32 $0x2058;
	[sflag:s9] =	ssyncadd.s32 $0xFFFFC000  }
0xf6: {  	[tilespmem:s6], [sflag:$0x4] =	stream.indirect.gather [spmem:s2], $0x80, s26, s1, $0xb8;
	[tilespmem:$0x198D8] =	vst v63  }
0xf7: {  	_ =	swait.ge [sflag:s7], $0x4000  }
0xf8: {  	s22 =	simm.s32 $0x1000;
	[sflag:s7] =	ssyncset.done $0x0  }
0xf9: {  	s24 =	sadd.s32 $0x1800, s24;
	s23 =	simm.s32 $0x2158;
	[sflag:s7] =	ssyncadd.s32 $0xFFFFC000  }
.LBB2_12:
0xfa: {  	[hbm4b:s24+s4] =	stream.linear.scatter [tilespmem:s6], [sflag:$0x2], $0x4000, $0x38;
	[tilespmem:$0x198D8] =	vst v63  }
0xfb: {  	s24 =	smov.u32 s22  }
0xfc: {  	p3 =	sne.s32 s22, $0x25000;
	s22 =	sadd.s32 $0x1000, s22;
	_ =	swait.ge [sflag:s8], $0x4000  }
0xfd: {  	[sflag:s8] =	ssyncset.done $0x0  }
0xfe: {  	s25 =	sadd.s32 $0xFFFFFF80, s23;
	[sflag:s8] =	ssyncadd.s32 $0xFFFFC000  }
0xff: {  	[tilespmem:s0], [sflag:$0x3] =	stream.indirect.gather [spmem:s2], $0x80, s25, s1, $0xb8;
	[tilespmem:$0x198D8] =	vst v63  }
0x100: {  	_ =	swait.ge [sflag:s5], $0x4000  }
0x101: {  	s24 =	sadd.s32 s24, s18;
	[sflag:s5] =	ssyncset.done $0x0  }
0x102: {  	s25 =	sadd.s32 $0x1000, s24;
	[sflag:s5] =	ssyncadd.s32 $0xFFFFC000  }
0x103: {  	[hbm4b:s25+s4] =	stream.linear.scatter [tilespmem:s0], [sflag:$0x1], $0x4000, $0x38;
	[tilespmem:$0x198D8] =	vst v63  }
0x104: {  	_ =	swait.ge [sflag:s9], $0x4000  }
0x105: {  	[sflag:s9] =	ssyncset.done $0x0  }
.Ltmp7:
0x106: {  	[sflag:s9] =	ssyncadd.s32 $0xFFFFC000;
	(pc) =	sbr.rel @p3 .LBB2_12-.Ltmp7, $4  }
0x107: {  	[tilespmem:s6], [sflag:$0x4] =	stream.indirect.gather [spmem:s2], $0x80, s23, s1, $0xb8;
	[tilespmem:$0x198D8] =	vst v63  }
0x108: {  	_ =	swait.ge [sflag:s7], $0x4000  }
0x109: {  	[sflag:s7] =	ssyncset.done $0x0  }
0x10a: {  	s24 =	sadd.s32 $0x1800, s24;
	s23 =	sadd.s32 $0x100, s23;
	[sflag:s7] =	ssyncadd.s32 $0xFFFFC000  }
0x10b: {  	[hbm4b:s24+s4] =	stream.linear.scatter [tilespmem:s6], [sflag:$0x2], $0x4000, $0x38;
	[tilespmem:$0x198D8] =	vst v63  }
0x10c: {  	_ =	swait.ge [sflag:s8], $0x4000  }
0x10d: {  	[sflag:s8] =	ssyncset.done $0x0  }
0x10e: {  	s12 =	simm.s32 $0x10;
	s22 =	simm.s32 $0x45D8;
	[sflag:s8] =	ssyncadd.s32 $0xFFFFC000  }
0x10f: {  	[tilespmem:s0], [sflag:$0x3] =	stream.indirect.gather [spmem:s2], $0x80, s22, s12, $0xb8;
	[tilespmem:$0x198D8] =	vst v63  }
0x110: {  	_ =	swait.ge [sflag:s5], $0x800  }
0x111: {  	[sflag:s5] =	ssyncset.done $0x0  }
0x112: {  	s26 =	rddreg [dreg:$0x19];
	[sflag:s5] =	ssyncadd.s32 $0xFFFFF800  }
0x113: {  	[hbm4b:s26+s4] =	stream.linear.scatter [tilespmem:s0], [sflag:$0x1], $0x800, $0x38;
	[tilespmem:$0x198D8] =	vst v63  }
0x114: {  	_ =	swait.ge [sflag:s9], $0x4000  }
.Ltmp8:
0x115: {  	[sflag:s9] =	ssyncset.done $0x0;
	(pc) =	sbr.rel @p0 .LBB2_47-.Ltmp8, $4  }
0x116: {  	[sflag:s9] =	ssyncadd.s32 $0xFFFFC000  }
0x117: {  	_ =	swait.ge [sflag:s8], $0x800  }
0x118: {  	[sflag:s8] =	ssyncset.done $0x0  }
0x119: {  	[sflag:s8] =	ssyncadd.s32 $0xFFFFF800  }
0x11a: {  	s22 =	simm.s32 $0x0;
	s26 =	rddreg [dreg:$0x1a];
	s23 =	simm.s32 $0xDE58  }
0x11b: {  	[tilespmem:s23], [sflag:$0x9] =	stream.linear.gather [hbm4b:s26+s22], $0x190, $0x38;
	[tilespmem:$0x198D8] =	vst v63  }
0x11c: {  	_ =	swait.ge [sflag:s29], $0x190  }
0x11d: {  	[sflag:s29] =	ssyncset.done $0x0  }
0x11e: {  	s24 =	simm.s32 $0xDFE8;
	s23 =	rddreg [dreg:$0x1b];
	[sflag:s29] =	ssyncadd.s32 $0xFFFFFE70  }
0x11f: {  	[tilespmem:s24], [sflag:$0x9] =	stream.linear.gather [hbm4b:s23+s22], $0x190, $0x38;
	[tilespmem:$0x198D8] =	vst v63  }
0x120: {  	_ =	swait.ge [sflag:s29], $0x190  }
0x121: {  	[sflag:s29] =	ssyncset.done $0x0  }
0x122: {  	s26 =	simm.s32 $0xE178;
	s25 =	rddreg [dreg:$0x1c];
	[sflag:s29] =	ssyncadd.s32 $0xFFFFFE70  }
0x123: {  	[tilespmem:s26], [sflag:$0x9] =	stream.linear.gather [hbm4b:s25+s22], $0x190, $0x38;
	[tilespmem:$0x198D8] =	vst v63  }
0x124: {  	_ =	swait.ge [sflag:s29], $0x190  }
0x125: {  	[sflag:s29] =	ssyncset.done $0x0  }
0x126: {  	s24 =	simm.s32 $0xE308;
	s23 =	rddreg [dreg:$0x1d];
	[sflag:s29] =	ssyncadd.s32 $0xFFFFFE70  }
0x127: {  	[tilespmem:s24], [sflag:$0x9] =	stream.linear.gather [hbm4b:s23+s22], $0x190, $0x38;
	[tilespmem:$0x198D8] =	vst v63  }
0x128: {  	_ =	swait.ge [sflag:s29], $0x190  }
0x129: {  	[sflag:s29] =	ssyncset.done $0x0  }
0x12a: {  	s26 =	simm.s32 $0xE498;
	s25 =	rddreg [dreg:$0x1e];
	[sflag:s29] =	ssyncadd.s32 $0xFFFFFE70  }
0x12b: {  	[tilespmem:s26], [sflag:$0x9] =	stream.linear.gather [hbm4b:s25+s22], $0x190, $0x38;
	[tilespmem:$0x198D8] =	vst v63  }
0x12c: {  	_ =	swait.ge [sflag:s29], $0x190  }
0x12d: {  	[sflag:s29] =	ssyncset.done $0x0  }
0x12e: {  	s24 =	simm.s32 $0xE628;
	s23 =	rddreg [dreg:$0x1f];
	[sflag:s29] =	ssyncadd.s32 $0xFFFFFE70  }
0x12f: {  	[tilespmem:s24], [sflag:$0x9] =	stream.linear.gather [hbm4b:s23+s22], $0x190, $0x38;
	[tilespmem:$0x198D8] =	vst v63  }
0x130: {  	_ =	swait.ge [sflag:s29], $0x190  }
0x131: {  	s25 =	sld [smem:$0x7F6]  }
0x132: {  	[sflag:s29] =	ssyncset.done $0x0  }
0x133: {  	s26 =	simm.s32 $0xE7B8;
	[sflag:s29] =	ssyncadd.s32 $0xFFFFFE70  }
0x134: {  	[tilespmem:s26], [sflag:$0x9] =	stream.linear.gather [hbm4b:s25+s22], $0x190, $0x38;
	[tilespmem:$0x198D8] =	vst v63  }
0x135: {  	_ =	swait.ge [sflag:s29], $0x190  }
0x136: {  	s23 =	sld [smem:$0x7F7]  }
0x137: {  	[sflag:s29] =	ssyncset.done $0x0  }
0x138: {  	s24 =	simm.s32 $0xE948;
	[sflag:s29] =	ssyncadd.s32 $0xFFFFFE70  }
0x139: {  	[tilespmem:s24], [sflag:$0x9] =	stream.linear.gather [hbm4b:s23+s22], $0x190, $0x38;
	[tilespmem:$0x198D8] =	vst v63  }
0x13a: {  	s25 =	smul.u32 $0xCD, s22;
	_ =	swait.ge [sflag:s29], $0x190  }
0x13b: {  	s26 =	sld [smem:$0x7F8]  }
0x13c: {  	s25 =	sshrl.u32 s25, $0xA;
	[sflag:s29] =	ssyncset.done $0x0  }
0x13d: {  	s24 =	simm.s32 $0xEAD8;
	s23 =	smul.u32 $0x5, s25;
	[sflag:s29] =	ssyncadd.s32 $0xFFFFFE70  }
0x13e: {  	[tilespmem:s24], [sflag:$0x9] =	stream.linear.gather [hbm4b:s26+s22], $0x190, $0x38;
	[tilespmem:$0x198D8] =	vst v63  }
0x13f: {  	s22 =	sand.u32 $0x3F, s25  }
0x140: {  	s23 =	ssub.s32 $0x0, s23;
	s26 =	smul.u32 $0x140, s22  }
0x141: {  	s23 =	sshll.u32 s23, $0x4;
	_ =	swait.ge [sflag:s29], $0x190  }
0x142: {  	s23 =	sand.u32 $0xF0, s23;
	[sflag:s29] =	ssyncset.done $0x0;
	s24 =	sshrl.u32 s26, $0x2  }
0x143: {  	[sflag:s29] =	ssyncadd.s32 $0xFFFFFE70;
	s26 =	sadd.s32 s23, s24  }
0x144: {  	v0 =	vld [tilespmem:s26+$0xDE58]  }
0x145: {  	v1 =	vld [tilespmem:s26+$0xE948];
	_ =	sdelay $0x1  }
0x146: {  	v2 =	vld [tilespmem:s26+$0xEAD8];
	_ =	sdelay $0x2  }
0x147: {  	v0 =	vshll.u32 v0, $0x2;
	v1 =	vshll.u32 v1, $0x1  }
0x148: {  	s22 =	sshll.u32 s22, $0x9;
	v0 =	vadd.s32 v0, v1  }
0x149: {  	s22 =	sor.u32 s23, s22;
	v0 =	vadd.s32 v2, v0  }
0x14a: {  	[tilespmem:s22+$0xECD8] =	vst v0  }
0x14b: {  	v0 =	vld [tilespmem:s26+$0xDFE8];
	_ =	sdelay $0x1  }
0x14c: {  	v1 =	vld [tilespmem:s26+$0xE178];
	_ =	sdelay $0x2  }
0x14d: {  	v0 =	vmul.u32 $0xB, v0;
	_ =	sdelay $0x1  }
0x14e: {  	v0 =	vadd.s32 v0, v1  }
0x14f: {  	v0 =	vadd.s32 $0x1DC, v0  }
0x150: {  	[tilespmem:s22+$0xED58] =	vst v0  }
0x151: {  	v0 =	vld [tilespmem:s26+$0xE308];
	_ =	sdelay $0x1  }
0x152: {  	v1 =	vld [tilespmem:s26+$0xE498];
	_ =	sdelay $0x2  }
0x153: {  	v0 =	vmul.u32 $0x9, v0;
	_ =	sdelay $0x1  }
0x154: {  	v0 =	vadd.s32 v0, v1  }
0x155: {  	v0 =	vadd.s32 $0x23F, v0  }
0x156: {  	s23 =	simm.s32 $0x1;
	[tilespmem:s22+$0xEDD8] =	vst v0  }
0x157: {  	s25 =	smul.u32 $0xCD, s23;
	v0 =	vld [tilespmem:s26+$0xE628]  }
0x158: {  	s12 =	smov.u32 s15;
	s24 =	simm.s32 $0x2;
	v1 =	vld [tilespmem:s26+$0xE7B8]  }
.LBB2_15:
0x159: {  	p3 =	sne.s32 s24, $0x18;
	s25 =	sshrl.u32 s25, $0xA  }
0x15a: {  	s26 =	smul.u32 $0x5, s25  }
0x15b: {  	s25 =	sand.u32 $0x3F, s25  }
0x15c: {  	s15 =	smul.u32 $0x140, s25;
	s26 =	ssub.s32 s23, s26;
	v0 =	vshll.u32 v0, $0x3;
	s23 =	smov.u32 s24  }
0x15d: {  	s26 =	sshll.u32 s26, $0x4;
	v0 =	vadd.s32 v0, v1  }
0x15e: {  	s15 =	sshrl.u32 s15, $0x2;
	s26 =	sand.u32 $0xF0, s26;
	v0 =	vadd.s32 $0x2AB, v0  }
0x15f: {  	s15 =	sadd.s32 s26, s15;
	[tilespmem:s22+$0xEE58] =	vst v0  }
0x160: {  	v0 =	vld [tilespmem:s15+$0xDE58]  }
0x161: {  	v1 =	vld [tilespmem:s15+$0xE948]  }
0x162: {  	v2 =	vld [tilespmem:s15+$0xEAD8];
	_ =	sdelay $0x3  }
0x163: {  	v0 =	vshll.u32 v0, $0x2;
	v1 =	vshll.u32 v1, $0x1  }
0x164: {  	s22 =	sshll.u32 s25, $0x9;
	v0 =	vadd.s32 v0, v1  }
0x165: {  	s22 =	sor.u32 s26, s22;
	v0 =	vadd.s32 v2, v0  }
0x166: {  	[tilespmem:s22+$0xECD8] =	vst v0  }
0x167: {  	v0 =	vld [tilespmem:s15+$0xDFE8];
	_ =	sdelay $0x1  }
0x168: {  	v1 =	vld [tilespmem:s15+$0xE178];
	_ =	sdelay $0x2  }
0x169: {  	v0 =	vmul.u32 $0xB, v0;
	_ =	sdelay $0x1  }
0x16a: {  	v0 =	vadd.s32 v0, v1  }
0x16b: {  	v0 =	vadd.s32 $0x1DC, v0  }
0x16c: {  	[tilespmem:s22+$0xED58] =	vst v0  }
0x16d: {  	v0 =	vld [tilespmem:s15+$0xE308];
	_ =	sdelay $0x1  }
0x16e: {  	v1 =	vld [tilespmem:s15+$0xE498];
	_ =	sdelay $0x2  }
0x16f: {  	v0 =	vmul.u32 $0x9, v0;
	_ =	sdelay $0x1  }
.Ltmp9:
0x170: {  	v0 =	vadd.s32 v0, v1;
	(pc) =	sbr.rel @p3 .LBB2_15-.Ltmp9, $4  }
0x171: {  	v0 =	vadd.s32 $0x23F, v0  }
0x172: {  	[tilespmem:s22+$0xEDD8] =	vst v0  }
0x173: {  	s25 =	smul.u32 $0xCD, s24;
	v0 =	vld [tilespmem:s15+$0xE628]  }
0x174: {  	s24 =	sadd.s32 $0x1, s24;
	v1 =	vld [tilespmem:s15+$0xE7B8]  }
0x175: {  	s15 =	sshrl.u32 s25, $0xA  }
0x176: {  	s24 =	smul.u32 $0x5, s15  }
0x177: {  	s15 =	sand.u32 $0x3F, s15  }
0x178: {  	s26 =	smul.u32 $0x140, s15;
	s23 =	ssub.s32 s23, s24;
	v0 =	vshll.u32 v0, $0x3  }
0x179: {  	s23 =	sshll.u32 s23, $0x4;
	v0 =	vadd.s32 v0, v1  }
0x17a: {  	s24 =	sshrl.u32 s26, $0x2;
	s23 =	sand.u32 $0xF0, s23;
	v0 =	vadd.s32 $0x2AB, v0  }
0x17b: {  	s24 =	sadd.s32 s23, s24;
	[tilespmem:s22+$0xEE58] =	vst v0  }
0x17c: {  	v0 =	vld [tilespmem:s24+$0xDE58]  }
0x17d: {  	v1 =	vld [tilespmem:s24+$0xE948];
	_ =	sdelay $0x1  }
0x17e: {  	v2 =	vld [tilespmem:s24+$0xEAD8];
	_ =	sdelay $0x2  }
0x17f: {  	v0 =	vshll.u32 v0, $0x2;
	v1 =	vshll.u32 v1, $0x1  }
0x180: {  	s15 =	sshll.u32 s15, $0x9;
	v0 =	vadd.s32 v0, v1  }
0x181: {  	s15 =	sor.u32 s23, s15;
	v0 =	vadd.s32 v2, v0  }
0x182: {  	[tilespmem:s15+$0xECD8] =	vst v0  }
0x183: {  	v0 =	vld [tilespmem:s24+$0xDFE8];
	_ =	sdelay $0x1  }
0x184: {  	v1 =	vld [tilespmem:s24+$0xE178];
	_ =	sdelay $0x2  }
0x185: {  	v0 =	vmul.u32 $0xB, v0;
	_ =	sdelay $0x1  }
0x186: {  	v0 =	vadd.s32 v0, v1  }
0x187: {  	v0 =	vadd.s32 $0x1DC, v0  }
0x188: {  	[tilespmem:s15+$0xED58] =	vst v0  }
0x189: {  	v0 =	vld [tilespmem:s24+$0xE308];
	_ =	sdelay $0x1  }
0x18a: {  	v1 =	vld [tilespmem:s24+$0xE498];
	_ =	sdelay $0x2  }
0x18b: {  	v0 =	vmul.u32 $0x9, v0;
	_ =	sdelay $0x1  }
0x18c: {  	v0 =	vadd.s32 v0, v1  }
0x18d: {  	v0 =	vadd.s32 $0x23F, v0  }
0x18e: {  	[tilespmem:s15+$0xEDD8] =	vst v0  }
0x18f: {  	v0 =	vld [tilespmem:s24+$0xE628]  }
0x190: {  	v1 =	vld [tilespmem:s24+$0xE7B8];
	_ =	sdelay $0x3  }
0x191: {  	v0 =	vshll.u32 v0, $0x3  }
0x192: {  	v0 =	vadd.s32 v0, v1  }
0x193: {  	v0 =	vadd.s32 $0x2AB, v0  }
0x194: {  	s22 =	simm.s32 $0xECD8;
	[tilespmem:s15+$0xEE58] =	vst v0  }
0x195: {  	[tilespmem:s11], [sflag:$0x5] =	stream.indirect.gather [spmem:s3], $0x80, s22, s10, $0xb8;
	[tilespmem:$0x198D8] =	vst v63  }
0x196: {  	s23 =	simm.s32 $0xED58;
	s24 =	simm.s32 $0x120D8  }
0x197: {  	[tilespmem:s24], [sflag:$0x6] =	stream.indirect.gather [spmem:s3], $0x80, s23, s10, $0xb8;
	[tilespmem:$0x198D8] =	vst v63  }
0x198: {  	s25 =	simm.s32 $0xEDD8  }
0x199: {  	[tilespmem:s13], [sflag:$0x7] =	stream.indirect.gather [spmem:s3], $0x80, s25, s10, $0xb8;
	[tilespmem:$0x198D8] =	vst v63  }
0x19a: {  	s26 =	simm.s32 $0xEE58  }
0x19b: {  	[tilespmem:s14], [sflag:$0x8] =	stream.indirect.gather [spmem:s3], $0x80, s26, s10, $0xb8;
	[tilespmem:$0x198D8] =	vst v63  }
0x19c: {  	_ =	swait.ge [sflag:s16], $0x2800  }
0x19d: {  	[sflag:s16] =	ssyncset.done $0x0  }
0x19e: {  	[sflag:s16] =	ssyncadd.s32 $0xFFFFD800  }
0x19f: {  	_ =	swait.ge [sflag:s17], $0x2800  }
0x1a0: {  	[sflag:s17] =	ssyncset.done $0x0  }
0x1a1: {  	s22 =	simm.s32 $0x0;
	[sflag:s17] =	ssyncadd.s32 $0xFFFFD800  }
0x1a2: {  	v7 =	vld [tilespmem:s22+$0x120D8]  }
0x1a3: {  	v11 =	vld [tilespmem:s22+$0x120E8]  }
0x1a4: {  	v5 =	vld [tilespmem:s22+$0x120F8]  }
0x1a5: {  	v4 =	vld [tilespmem:s22+$0x12108]  }
0x1a6: {  	v3 =	vld [tilespmem:s22+$0x12118]  }
0x1a7: {  	v2 =	vld [tilespmem:s22+$0x12128]  }
0x1a8: {  	v1 =	vld [tilespmem:s22+$0x12138]  }
0x1a9: {  	v0 =	vld [tilespmem:s22+$0x12148]  }
0x1aa: {  	v12 =	vld [tilespmem:s22+$0xF8D8]  }
0x1ab: {  	v13 =	vld [tilespmem:s22+$0xF8E8]  }
0x1ac: {  	v10 =	vld [tilespmem:s22+$0xF8F8]  }
0x1ad: {  	v9 =	vld [tilespmem:s22+$0xF908]  }
0x1ae: {  	v8 =	vld [tilespmem:s22+$0xF918]  }
0x1af: {  	v6 =	vld [tilespmem:s22+$0xF928];
	v12 =	vadd.f32 v7, v12  }
0x1b0: {  	s23 =	simm.s32 $0x200;
	v11 =	vadd.f32 v11, v13;
	v7 =	vld [tilespmem:s22+$0xF938]  }
.LBB2_17:
0x1b1: {  	s15 =	sshra.s32 s23, $0x2;
	p3 =	sne.s32 s23, $0x9E00;
	[tilespmem:s22+$0xF8D8] =	vst v12;
	v5 =	vadd.f32 v5, v10;
	v10 =	vld [tilespmem:s22+$0xF948]  }
0x1b2: {  	v12 =	vld [tilespmem:s15+$0x120D8];
	[tilespmem:s22+$0xF8E8] =	vst v11;
	v4 =	vadd.f32 v4, v9  }
0x1b3: {  	v11 =	vld [tilespmem:s15+$0x120E8];
	[tilespmem:s22+$0xF8F8] =	vst v5;
	v3 =	vadd.f32 v3, v8  }
0x1b4: {  	v5 =	vld [tilespmem:s15+$0x120F8];
	[tilespmem:s22+$0xF908] =	vst v4;
	v2 =	vadd.f32 v2, v6  }
0x1b5: {  	v4 =	vld [tilespmem:s15+$0x12108];
	[tilespmem:s22+$0xF918] =	vst v3;
	v1 =	vadd.f32 v1, v7  }
0x1b6: {  	v3 =	vld [tilespmem:s15+$0x12118];
	[tilespmem:s22+$0xF928] =	vst v2;
	v0 =	vadd.f32 v0, v10  }
0x1b7: {  	v2 =	vld [tilespmem:s15+$0x12128];
	[tilespmem:s22+$0xF938] =	vst v1  }
0x1b8: {  	v1 =	vld [tilespmem:s15+$0x12138];
	[tilespmem:s22+$0xF948] =	vst v0;
	s22 =	smov.u32 s15  }
0x1b9: {  	v0 =	vld [tilespmem:s22+$0x12148]  }
0x1ba: {  	v6 =	vld [tilespmem:s22+$0xF8D8]  }
0x1bb: {  	v7 =	vld [tilespmem:s22+$0xF8E8]  }
.Ltmp10:
0x1bc: {  	v10 =	vld [tilespmem:s22+$0xF8F8];
	(pc) =	sbr.rel @p3 .LBB2_17-.Ltmp10, $4  }
0x1bd: {  	v9 =	vld [tilespmem:s22+$0xF908]  }
0x1be: {  	v8 =	vld [tilespmem:s22+$0xF918]  }
0x1bf: {  	v12 =	vadd.f32 v12, v6;
	v6 =	vld [tilespmem:s22+$0xF928]  }
0x1c0: {  	s23 =	sadd.s32 $0x200, s23;
	v11 =	vadd.f32 v11, v7;
	v7 =	vld [tilespmem:s22+$0xF938]  }
0x1c1: {  	[tilespmem:s22+$0xF8D8] =	vst v12;
	v5 =	vadd.f32 v5, v10;
	v10 =	vld [tilespmem:s22+$0xF948]  }
0x1c2: {  	[tilespmem:s22+$0xF8E8] =	vst v11;
	v4 =	vadd.f32 v4, v9  }
0x1c3: {  	[tilespmem:s22+$0xF8F8] =	vst v5;
	v3 =	vadd.f32 v3, v8  }
0x1c4: {  	[tilespmem:s22+$0xF908] =	vst v4;
	v2 =	vadd.f32 v2, v6  }
0x1c5: {  	[tilespmem:s22+$0xF918] =	vst v3;
	v1 =	vadd.f32 v1, v7  }
0x1c6: {  	[tilespmem:s22+$0xF928] =	vst v2;
	v0 =	vadd.f32 v0, v10  }
0x1c7: {  	[tilespmem:s22+$0xF938] =	vst v1  }
0x1c8: {  	[tilespmem:s22+$0xF948] =	vst v0  }
0x1c9: {  	_ =	swait.ge [sflag:s19], $0x2800  }
0x1ca: {  	[sflag:s19] =	ssyncset.done $0x0  }
0x1cb: {  	s22 =	simm.s32 $0x0;
	[sflag:s19] =	ssyncadd.s32 $0xFFFFD800  }
0x1cc: {  	v7 =	vld [tilespmem:s22+$0x148D8]  }
0x1cd: {  	v11 =	vld [tilespmem:s22+$0x148E8]  }
0x1ce: {  	v5 =	vld [tilespmem:s22+$0x148F8]  }
0x1cf: {  	v4 =	vld [tilespmem:s22+$0x14908]  }
0x1d0: {  	v3 =	vld [tilespmem:s22+$0x14918]  }
0x1d1: {  	v2 =	vld [tilespmem:s22+$0x14928]  }
0x1d2: {  	v1 =	vld [tilespmem:s22+$0x14938]  }
0x1d3: {  	v0 =	vld [tilespmem:s22+$0x14948]  }
0x1d4: {  	v12 =	vld [tilespmem:s22+$0xF8D8]  }
0x1d5: {  	v13 =	vld [tilespmem:s22+$0xF8E8]  }
0x1d6: {  	v10 =	vld [tilespmem:s22+$0xF8F8]  }
0x1d7: {  	v9 =	vld [tilespmem:s22+$0xF908]  }
0x1d8: {  	v8 =	vld [tilespmem:s22+$0xF918]  }
0x1d9: {  	v6 =	vld [tilespmem:s22+$0xF928];
	v12 =	vadd.f32 v7, v12  }
0x1da: {  	s23 =	simm.s32 $0x200;
	v11 =	vadd.f32 v11, v13;
	v7 =	vld [tilespmem:s22+$0xF938]  }
.LBB2_19:
0x1db: {  	s15 =	sshra.s32 s23, $0x2;
	p3 =	sne.s32 s23, $0x9E00;
	[tilespmem:s22+$0xF8D8] =	vst v12;
	v5 =	vadd.f32 v5, v10;
	v10 =	vld [tilespmem:s22+$0xF948]  }
0x1dc: {  	v12 =	vld [tilespmem:s15+$0x148D8];
	[tilespmem:s22+$0xF8E8] =	vst v11;
	v4 =	vadd.f32 v4, v9  }
0x1dd: {  	v11 =	vld [tilespmem:s15+$0x148E8];
	[tilespmem:s22+$0xF8F8] =	vst v5;
	v3 =	vadd.f32 v3, v8  }
0x1de: {  	v5 =	vld [tilespmem:s15+$0x148F8];
	[tilespmem:s22+$0xF908] =	vst v4;
	v2 =	vadd.f32 v2, v6  }
0x1df: {  	v4 =	vld [tilespmem:s15+$0x14908];
	[tilespmem:s22+$0xF918] =	vst v3;
	v1 =	vadd.f32 v1, v7  }
0x1e0: {  	v3 =	vld [tilespmem:s15+$0x14918];
	[tilespmem:s22+$0xF928] =	vst v2;
	v0 =	vadd.f32 v0, v10  }
0x1e1: {  	v2 =	vld [tilespmem:s15+$0x14928];
	[tilespmem:s22+$0xF938] =	vst v1  }
0x1e2: {  	v1 =	vld [tilespmem:s15+$0x14938];
	[tilespmem:s22+$0xF948] =	vst v0;
	s22 =	smov.u32 s15  }
0x1e3: {  	v0 =	vld [tilespmem:s22+$0x14948]  }
0x1e4: {  	v6 =	vld [tilespmem:s22+$0xF8D8]  }
0x1e5: {  	v7 =	vld [tilespmem:s22+$0xF8E8]  }
.Ltmp11:
0x1e6: {  	v10 =	vld [tilespmem:s22+$0xF8F8];
	(pc) =	sbr.rel @p3 .LBB2_19-.Ltmp11, $4  }
0x1e7: {  	v9 =	vld [tilespmem:s22+$0xF908]  }
0x1e8: {  	v8 =	vld [tilespmem:s22+$0xF918]  }
0x1e9: {  	v12 =	vadd.f32 v12, v6;
	v6 =	vld [tilespmem:s22+$0xF928]  }
0x1ea: {  	s23 =	sadd.s32 $0x200, s23;
	v11 =	vadd.f32 v11, v7;
	v7 =	vld [tilespmem:s22+$0xF938]  }
0x1eb: {  	[tilespmem:s22+$0xF8D8] =	vst v12;
	v5 =	vadd.f32 v5, v10;
	v10 =	vld [tilespmem:s22+$0xF948]  }
0x1ec: {  	[tilespmem:s22+$0xF8E8] =	vst v11;
	v4 =	vadd.f32 v4, v9  }
0x1ed: {  	[tilespmem:s22+$0xF8F8] =	vst v5;
	v3 =	vadd.f32 v3, v8  }
0x1ee: {  	[tilespmem:s22+$0xF908] =	vst v4;
	v2 =	vadd.f32 v2, v6  }
0x1ef: {  	[tilespmem:s22+$0xF918] =	vst v3;
	v1 =	vadd.f32 v1, v7  }
0x1f0: {  	[tilespmem:s22+$0xF928] =	vst v2;
	v0 =	vadd.f32 v0, v10  }
0x1f1: {  	[tilespmem:s22+$0xF938] =	vst v1  }
0x1f2: {  	[tilespmem:s22+$0xF948] =	vst v0  }
0x1f3: {  	_ =	swait.ge [sflag:s20], $0x2800  }
0x1f4: {  	[sflag:s20] =	ssyncset.done $0x0  }
0x1f5: {  	s22 =	simm.s32 $0x0;
	[sflag:s20] =	ssyncadd.s32 $0xFFFFD800  }
0x1f6: {  	v7 =	vld [tilespmem:s22+$0x170D8]  }
0x1f7: {  	v11 =	vld [tilespmem:s22+$0x170E8]  }
0x1f8: {  	v5 =	vld [tilespmem:s22+$0x170F8]  }
0x1f9: {  	v4 =	vld [tilespmem:s22+$0x17108]  }
0x1fa: {  	v3 =	vld [tilespmem:s22+$0x17118]  }
0x1fb: {  	v2 =	vld [tilespmem:s22+$0x17128]  }
0x1fc: {  	v1 =	vld [tilespmem:s22+$0x17138]  }
0x1fd: {  	v0 =	vld [tilespmem:s22+$0x17148]  }
0x1fe: {  	v12 =	vld [tilespmem:s22+$0xF8D8]  }
0x1ff: {  	v13 =	vld [tilespmem:s22+$0xF8E8]  }
0x200: {  	v10 =	vld [tilespmem:s22+$0xF8F8]  }
0x201: {  	v9 =	vld [tilespmem:s22+$0xF908]  }
0x202: {  	v8 =	vld [tilespmem:s22+$0xF918]  }
0x203: {  	v6 =	vld [tilespmem:s22+$0xF928];
	v12 =	vadd.f32 v7, v12  }
0x204: {  	s23 =	simm.s32 $0x200;
	v11 =	vadd.f32 v11, v13;
	v7 =	vld [tilespmem:s22+$0xF938]  }
.LBB2_21:
0x205: {  	s15 =	sshra.s32 s23, $0x2;
	p3 =	sne.s32 s23, $0x9E00;
	[tilespmem:s22+$0xF8D8] =	vst v12;
	v5 =	vadd.f32 v5, v10;
	v10 =	vld [tilespmem:s22+$0xF948]  }
0x206: {  	v12 =	vld [tilespmem:s15+$0x170D8];
	[tilespmem:s22+$0xF8E8] =	vst v11;
	v4 =	vadd.f32 v4, v9  }
0x207: {  	v11 =	vld [tilespmem:s15+$0x170E8];
	[tilespmem:s22+$0xF8F8] =	vst v5;
	v3 =	vadd.f32 v3, v8  }
0x208: {  	v5 =	vld [tilespmem:s15+$0x170F8];
	[tilespmem:s22+$0xF908] =	vst v4;
	v2 =	vadd.f32 v2, v6  }
0x209: {  	v4 =	vld [tilespmem:s15+$0x17108];
	[tilespmem:s22+$0xF918] =	vst v3;
	v1 =	vadd.f32 v1, v7  }
0x20a: {  	v3 =	vld [tilespmem:s15+$0x17118];
	[tilespmem:s22+$0xF928] =	vst v2;
	v0 =	vadd.f32 v0, v10  }
0x20b: {  	v2 =	vld [tilespmem:s15+$0x17128];
	[tilespmem:s22+$0xF938] =	vst v1  }
0x20c: {  	v1 =	vld [tilespmem:s15+$0x17138];
	[tilespmem:s22+$0xF948] =	vst v0;
	s22 =	smov.u32 s15  }
0x20d: {  	v0 =	vld [tilespmem:s22+$0x17148]  }
0x20e: {  	v6 =	vld [tilespmem:s22+$0xF8D8]  }
0x20f: {  	v7 =	vld [tilespmem:s22+$0xF8E8]  }
.Ltmp12:
0x210: {  	v10 =	vld [tilespmem:s22+$0xF8F8];
	(pc) =	sbr.rel @p3 .LBB2_21-.Ltmp12, $4  }
0x211: {  	v9 =	vld [tilespmem:s22+$0xF908]  }
0x212: {  	v8 =	vld [tilespmem:s22+$0xF918]  }
0x213: {  	v12 =	vadd.f32 v12, v6;
	v6 =	vld [tilespmem:s22+$0xF928]  }
0x214: {  	s23 =	sadd.s32 $0x200, s23;
	v11 =	vadd.f32 v11, v7;
	v7 =	vld [tilespmem:s22+$0xF938]  }
0x215: {  	[tilespmem:s22+$0xF8D8] =	vst v12;
	v5 =	vadd.f32 v5, v10;
	v10 =	vld [tilespmem:s22+$0xF948]  }
0x216: {  	[tilespmem:s22+$0xF8E8] =	vst v11;
	v4 =	vadd.f32 v4, v9  }
0x217: {  	[tilespmem:s22+$0xF8F8] =	vst v5;
	v3 =	vadd.f32 v3, v8  }
0x218: {  	[tilespmem:s22+$0xF908] =	vst v4;
	v2 =	vadd.f32 v2, v6  }
0x219: {  	[tilespmem:s22+$0xF918] =	vst v3;
	v1 =	vadd.f32 v1, v7  }
0x21a: {  	[tilespmem:s22+$0xF928] =	vst v2;
	v0 =	vadd.f32 v0, v10  }
0x21b: {  	[tilespmem:s22+$0xF938] =	vst v1  }
0x21c: {  	s15 =	simm.s32 $0x0;
	s26 =	rddreg [dreg:$0xf];
	[tilespmem:s22+$0xF948] =	vst v0  }
0x21d: {  	[hbm4b:s26+s15] =	stream.linear.scatter [tilespmem:s11], [sflag:$0x9], $0x2800, $0x38;
	[tilespmem:$0x198D8] =	vst v63  }
0x21e: {  	_ =	swait.ge [sflag:s29], $0x2800  }
0x21f: {  	[sflag:s29] =	ssyncset.done $0x0  }
0x220: {  	s22 =	simm.s32 $0xEED8;
	[sflag:s29] =	ssyncadd.s32 $0xFFFFD800  }
0x221: {  	[tilespmem:s11], [sflag:$0x5] =	stream.indirect.gather [spmem:s3], $0x80, s22, s10, $0xb8;
	[tilespmem:$0x198D8] =	vst v63  }
0x222: {  	s23 =	simm.s32 $0xEF58  }
0x223: {  	[tilespmem:s24], [sflag:$0x6] =	stream.indirect.gather [spmem:s3], $0x80, s23, s10, $0xb8;
	[tilespmem:$0x198D8] =	vst v63  }
0x224: {  	s25 =	simm.s32 $0xEFD8  }
0x225: {  	[tilespmem:s13], [sflag:$0x7] =	stream.indirect.gather [spmem:s3], $0x80, s25, s10, $0xb8;
	[tilespmem:$0x198D8] =	vst v63  }
0x226: {  	s26 =	simm.s32 $0xF058  }
0x227: {  	[tilespmem:s14], [sflag:$0x8] =	stream.indirect.gather [spmem:s3], $0x80, s26, s10, $0xb8;
	[tilespmem:$0x198D8] =	vst v63  }
0x228: {  	_ =	swait.ge [sflag:s16], $0x2800  }
0x229: {  	[sflag:s16] =	ssyncset.done $0x0  }
0x22a: {  	[sflag:s16] =	ssyncadd.s32 $0xFFFFD800  }
0x22b: {  	_ =	swait.ge [sflag:s17], $0x2800  }
0x22c: {  	[sflag:s17] =	ssyncset.done $0x0  }
0x22d: {  	s22 =	simm.s32 $0x0;
	[sflag:s17] =	ssyncadd.s32 $0xFFFFD800  }
0x22e: {  	v7 =	vld [tilespmem:s22+$0x120D8]  }
0x22f: {  	v11 =	vld [tilespmem:s22+$0x120E8]  }
0x230: {  	v5 =	vld [tilespmem:s22+$0x120F8]  }
0x231: {  	v4 =	vld [tilespmem:s22+$0x12108]  }
0x232: {  	v3 =	vld [tilespmem:s22+$0x12118]  }
0x233: {  	v2 =	vld [tilespmem:s22+$0x12128]  }
0x234: {  	v1 =	vld [tilespmem:s22+$0x12138]  }
0x235: {  	v0 =	vld [tilespmem:s22+$0x12148]  }
0x236: {  	v12 =	vld [tilespmem:s22+$0xF8D8]  }
0x237: {  	v13 =	vld [tilespmem:s22+$0xF8E8]  }
0x238: {  	v10 =	vld [tilespmem:s22+$0xF8F8]  }
0x239: {  	v9 =	vld [tilespmem:s22+$0xF908]  }
0x23a: {  	v8 =	vld [tilespmem:s22+$0xF918]  }
0x23b: {  	v6 =	vld [tilespmem:s22+$0xF928];
	v12 =	vadd.f32 v7, v12  }
0x23c: {  	s23 =	simm.s32 $0x200;
	v11 =	vadd.f32 v11, v13;
	v7 =	vld [tilespmem:s22+$0xF938]  }
.LBB2_23:
0x23d: {  	s15 =	sshra.s32 s23, $0x2;
	p3 =	sne.s32 s23, $0x9E00;
	[tilespmem:s22+$0xF8D8] =	vst v12;
	v5 =	vadd.f32 v5, v10;
	v10 =	vld [tilespmem:s22+$0xF948]  }
0x23e: {  	v12 =	vld [tilespmem:s15+$0x120D8];
	[tilespmem:s22+$0xF8E8] =	vst v11;
	v4 =	vadd.f32 v4, v9  }
0x23f: {  	v11 =	vld [tilespmem:s15+$0x120E8];
	[tilespmem:s22+$0xF8F8] =	vst v5;
	v3 =	vadd.f32 v3, v8  }
0x240: {  	v5 =	vld [tilespmem:s15+$0x120F8];
	[tilespmem:s22+$0xF908] =	vst v4;
	v2 =	vadd.f32 v2, v6  }
0x241: {  	v4 =	vld [tilespmem:s15+$0x12108];
	[tilespmem:s22+$0xF918] =	vst v3;
	v1 =	vadd.f32 v1, v7  }
0x242: {  	v3 =	vld [tilespmem:s15+$0x12118];
	[tilespmem:s22+$0xF928] =	vst v2;
	v0 =	vadd.f32 v0, v10  }
0x243: {  	v2 =	vld [tilespmem:s15+$0x12128];
	[tilespmem:s22+$0xF938] =	vst v1  }
0x244: {  	v1 =	vld [tilespmem:s15+$0x12138];
	[tilespmem:s22+$0xF948] =	vst v0;
	s22 =	smov.u32 s15  }
0x245: {  	v0 =	vld [tilespmem:s22+$0x12148]  }
0x246: {  	v6 =	vld [tilespmem:s22+$0xF8D8]  }
0x247: {  	v7 =	vld [tilespmem:s22+$0xF8E8]  }
.Ltmp13:
0x248: {  	v10 =	vld [tilespmem:s22+$0xF8F8];
	(pc) =	sbr.rel @p3 .LBB2_23-.Ltmp13, $4  }
0x249: {  	v9 =	vld [tilespmem:s22+$0xF908]  }
0x24a: {  	v8 =	vld [tilespmem:s22+$0xF918]  }
0x24b: {  	v12 =	vadd.f32 v12, v6;
	v6 =	vld [tilespmem:s22+$0xF928]  }
0x24c: {  	s23 =	sadd.s32 $0x200, s23;
	v11 =	vadd.f32 v11, v7;
	v7 =	vld [tilespmem:s22+$0xF938]  }
0x24d: {  	[tilespmem:s22+$0xF8D8] =	vst v12;
	v5 =	vadd.f32 v5, v10;
	v10 =	vld [tilespmem:s22+$0xF948]  }
0x24e: {  	[tilespmem:s22+$0xF8E8] =	vst v11;
	v4 =	vadd.f32 v4, v9  }
0x24f: {  	[tilespmem:s22+$0xF8F8] =	vst v5;
	v3 =	vadd.f32 v3, v8  }
0x250: {  	[tilespmem:s22+$0xF908] =	vst v4;
	v2 =	vadd.f32 v2, v6  }
0x251: {  	[tilespmem:s22+$0xF918] =	vst v3;
	v1 =	vadd.f32 v1, v7  }
0x252: {  	[tilespmem:s22+$0xF928] =	vst v2;
	v0 =	vadd.f32 v0, v10  }
0x253: {  	[tilespmem:s22+$0xF938] =	vst v1  }
0x254: {  	[tilespmem:s22+$0xF948] =	vst v0  }
0x255: {  	_ =	swait.ge [sflag:s19], $0x2800  }
0x256: {  	[sflag:s19] =	ssyncset.done $0x0  }
0x257: {  	s22 =	simm.s32 $0x0;
	[sflag:s19] =	ssyncadd.s32 $0xFFFFD800  }
0x258: {  	v7 =	vld [tilespmem:s22+$0x148D8]  }
0x259: {  	v11 =	vld [tilespmem:s22+$0x148E8]  }
0x25a: {  	v5 =	vld [tilespmem:s22+$0x148F8]  }
0x25b: {  	v4 =	vld [tilespmem:s22+$0x14908]  }
0x25c: {  	v3 =	vld [tilespmem:s22+$0x14918]  }
0x25d: {  	v2 =	vld [tilespmem:s22+$0x14928]  }
0x25e: {  	v1 =	vld [tilespmem:s22+$0x14938]  }
0x25f: {  	v0 =	vld [tilespmem:s22+$0x14948]  }
0x260: {  	v12 =	vld [tilespmem:s22+$0xF8D8]  }
0x261: {  	v13 =	vld [tilespmem:s22+$0xF8E8]  }
0x262: {  	v10 =	vld [tilespmem:s22+$0xF8F8]  }
0x263: {  	v9 =	vld [tilespmem:s22+$0xF908]  }
0x264: {  	v8 =	vld [tilespmem:s22+$0xF918]  }
0x265: {  	v6 =	vld [tilespmem:s22+$0xF928];
	v12 =	vadd.f32 v7, v12  }
0x266: {  	s23 =	simm.s32 $0x200;
	v11 =	vadd.f32 v11, v13;
	v7 =	vld [tilespmem:s22+$0xF938]  }
.LBB2_25:
0x267: {  	s15 =	sshra.s32 s23, $0x2;
	p3 =	sne.s32 s23, $0x9E00;
	[tilespmem:s22+$0xF8D8] =	vst v12;
	v5 =	vadd.f32 v5, v10;
	v10 =	vld [tilespmem:s22+$0xF948]  }
0x268: {  	v12 =	vld [tilespmem:s15+$0x148D8];
	[tilespmem:s22+$0xF8E8] =	vst v11;
	v4 =	vadd.f32 v4, v9  }
0x269: {  	v11 =	vld [tilespmem:s15+$0x148E8];
	[tilespmem:s22+$0xF8F8] =	vst v5;
	v3 =	vadd.f32 v3, v8  }
0x26a: {  	v5 =	vld [tilespmem:s15+$0x148F8];
	[tilespmem:s22+$0xF908] =	vst v4;
	v2 =	vadd.f32 v2, v6  }
0x26b: {  	v4 =	vld [tilespmem:s15+$0x14908];
	[tilespmem:s22+$0xF918] =	vst v3;
	v1 =	vadd.f32 v1, v7  }
0x26c: {  	v3 =	vld [tilespmem:s15+$0x14918];
	[tilespmem:s22+$0xF928] =	vst v2;
	v0 =	vadd.f32 v0, v10  }
0x26d: {  	v2 =	vld [tilespmem:s15+$0x14928];
	[tilespmem:s22+$0xF938] =	vst v1  }
0x26e: {  	v1 =	vld [tilespmem:s15+$0x14938];
	[tilespmem:s22+$0xF948] =	vst v0;
	s22 =	smov.u32 s15  }
0x26f: {  	v0 =	vld [tilespmem:s22+$0x14948]  }
0x270: {  	v6 =	vld [tilespmem:s22+$0xF8D8]  }
0x271: {  	v7 =	vld [tilespmem:s22+$0xF8E8]  }
.Ltmp14:
0x272: {  	v10 =	vld [tilespmem:s22+$0xF8F8];
	(pc) =	sbr.rel @p3 .LBB2_25-.Ltmp14, $4  }
0x273: {  	v9 =	vld [tilespmem:s22+$0xF908]  }
0x274: {  	v8 =	vld [tilespmem:s22+$0xF918]  }
0x275: {  	v12 =	vadd.f32 v12, v6;
	v6 =	vld [tilespmem:s22+$0xF928]  }
0x276: {  	s23 =	sadd.s32 $0x200, s23;
	v11 =	vadd.f32 v11, v7;
	v7 =	vld [tilespmem:s22+$0xF938]  }
0x277: {  	[tilespmem:s22+$0xF8D8] =	vst v12;
	v5 =	vadd.f32 v5, v10;
	v10 =	vld [tilespmem:s22+$0xF948]  }
0x278: {  	[tilespmem:s22+$0xF8E8] =	vst v11;
	v4 =	vadd.f32 v4, v9  }
0x279: {  	[tilespmem:s22+$0xF8F8] =	vst v5;
	v3 =	vadd.f32 v3, v8  }
0x27a: {  	[tilespmem:s22+$0xF908] =	vst v4;
	v2 =	vadd.f32 v2, v6  }
0x27b: {  	[tilespmem:s22+$0xF918] =	vst v3;
	v1 =	vadd.f32 v1, v7  }
0x27c: {  	[tilespmem:s22+$0xF928] =	vst v2;
	v0 =	vadd.f32 v0, v10  }
0x27d: {  	[tilespmem:s22+$0xF938] =	vst v1  }
0x27e: {  	[tilespmem:s22+$0xF948] =	vst v0  }
0x27f: {  	_ =	swait.ge [sflag:s20], $0x2800  }
0x280: {  	[sflag:s20] =	ssyncset.done $0x0  }
0x281: {  	s22 =	simm.s32 $0x0;
	[sflag:s20] =	ssyncadd.s32 $0xFFFFD800  }
0x282: {  	v7 =	vld [tilespmem:s22+$0x170D8]  }
0x283: {  	v11 =	vld [tilespmem:s22+$0x170E8]  }
0x284: {  	v5 =	vld [tilespmem:s22+$0x170F8]  }
0x285: {  	v4 =	vld [tilespmem:s22+$0x17108]  }
0x286: {  	v3 =	vld [tilespmem:s22+$0x17118]  }
0x287: {  	v2 =	vld [tilespmem:s22+$0x17128]  }
0x288: {  	v1 =	vld [tilespmem:s22+$0x17138]  }
0x289: {  	v0 =	vld [tilespmem:s22+$0x17148]  }
0x28a: {  	v12 =	vld [tilespmem:s22+$0xF8D8]  }
0x28b: {  	v13 =	vld [tilespmem:s22+$0xF8E8]  }
0x28c: {  	v10 =	vld [tilespmem:s22+$0xF8F8]  }
0x28d: {  	v9 =	vld [tilespmem:s22+$0xF908]  }
0x28e: {  	v8 =	vld [tilespmem:s22+$0xF918]  }
0x28f: {  	v6 =	vld [tilespmem:s22+$0xF928];
	v12 =	vadd.f32 v7, v12  }
0x290: {  	s23 =	simm.s32 $0x200;
	v11 =	vadd.f32 v11, v13;
	v7 =	vld [tilespmem:s22+$0xF938]  }
.LBB2_27:
0x291: {  	s15 =	sshra.s32 s23, $0x2;
	p3 =	sne.s32 s23, $0x9E00;
	[tilespmem:s22+$0xF8D8] =	vst v12;
	v5 =	vadd.f32 v5, v10;
	v10 =	vld [tilespmem:s22+$0xF948]  }
0x292: {  	v12 =	vld [tilespmem:s15+$0x170D8];
	[tilespmem:s22+$0xF8E8] =	vst v11;
	v4 =	vadd.f32 v4, v9  }
0x293: {  	v11 =	vld [tilespmem:s15+$0x170E8];
	[tilespmem:s22+$0xF8F8] =	vst v5;
	v3 =	vadd.f32 v3, v8  }
0x294: {  	v5 =	vld [tilespmem:s15+$0x170F8];
	[tilespmem:s22+$0xF908] =	vst v4;
	v2 =	vadd.f32 v2, v6  }
0x295: {  	v4 =	vld [tilespmem:s15+$0x17108];
	[tilespmem:s22+$0xF918] =	vst v3;
	v1 =	vadd.f32 v1, v7  }
0x296: {  	v3 =	vld [tilespmem:s15+$0x17118];
	[tilespmem:s22+$0xF928] =	vst v2;
	v0 =	vadd.f32 v0, v10  }
0x297: {  	v2 =	vld [tilespmem:s15+$0x17128];
	[tilespmem:s22+$0xF938] =	vst v1  }
0x298: {  	v1 =	vld [tilespmem:s15+$0x17138];
	[tilespmem:s22+$0xF948] =	vst v0;
	s22 =	smov.u32 s15  }
0x299: {  	v0 =	vld [tilespmem:s22+$0x17148]  }
0x29a: {  	v6 =	vld [tilespmem:s22+$0xF8D8]  }
0x29b: {  	v7 =	vld [tilespmem:s22+$0xF8E8]  }
.Ltmp15:
0x29c: {  	v10 =	vld [tilespmem:s22+$0xF8F8];
	(pc) =	sbr.rel @p3 .LBB2_27-.Ltmp15, $4  }
0x29d: {  	v9 =	vld [tilespmem:s22+$0xF908]  }
0x29e: {  	v8 =	vld [tilespmem:s22+$0xF918]  }
0x29f: {  	v12 =	vadd.f32 v12, v6;
	v6 =	vld [tilespmem:s22+$0xF928]  }
0x2a0: {  	s23 =	sadd.s32 $0x200, s23;
	v11 =	vadd.f32 v11, v7;
	v7 =	vld [tilespmem:s22+$0xF938]  }
0x2a1: {  	[tilespmem:s22+$0xF8D8] =	vst v12;
	v5 =	vadd.f32 v5, v10;
	v10 =	vld [tilespmem:s22+$0xF948]  }
0x2a2: {  	[tilespmem:s22+$0xF8E8] =	vst v11;
	v4 =	vadd.f32 v4, v9  }
0x2a3: {  	[tilespmem:s22+$0xF8F8] =	vst v5;
	v3 =	vadd.f32 v3, v8  }
0x2a4: {  	[tilespmem:s22+$0xF908] =	vst v4;
	v2 =	vadd.f32 v2, v6  }
0x2a5: {  	[tilespmem:s22+$0xF918] =	vst v3;
	v1 =	vadd.f32 v1, v7  }
0x2a6: {  	s26 =	sld [smem:$0x7F9];
	[tilespmem:s22+$0xF928] =	vst v2;
	v0 =	vadd.f32 v0, v10  }
0x2a7: {  	[tilespmem:s22+$0xF938] =	vst v1  }
0x2a8: {  	s15 =	simm.s32 $0x0;
	[tilespmem:s22+$0xF948] =	vst v0  }
0x2a9: {  	[hbm4b:s26+s15] =	stream.linear.scatter [tilespmem:s11], [sflag:$0x9], $0x2800, $0x38;
	[tilespmem:$0x198D8] =	vst v63  }
0x2aa: {  	_ =	swait.ge [sflag:s29], $0x2800  }
0x2ab: {  	[sflag:s29] =	ssyncset.done $0x0  }
0x2ac: {  	s22 =	simm.s32 $0xF0D8;
	[sflag:s29] =	ssyncadd.s32 $0xFFFFD800  }
0x2ad: {  	[tilespmem:s11], [sflag:$0x5] =	stream.indirect.gather [spmem:s3], $0x80, s22, s10, $0xb8;
	[tilespmem:$0x198D8] =	vst v63  }
0x2ae: {  	s23 =	simm.s32 $0xF158  }
0x2af: {  	[tilespmem:s24], [sflag:$0x6] =	stream.indirect.gather [spmem:s3], $0x80, s23, s10, $0xb8;
	[tilespmem:$0x198D8] =	vst v63  }
0x2b0: {  	s25 =	simm.s32 $0xF1D8  }
0x2b1: {  	[tilespmem:s13], [sflag:$0x7] =	stream.indirect.gather [spmem:s3], $0x80, s25, s10, $0xb8;
	[tilespmem:$0x198D8] =	vst v63  }
0x2b2: {  	s26 =	simm.s32 $0xF258  }
0x2b3: {  	[tilespmem:s14], [sflag:$0x8] =	stream.indirect.gather [spmem:s3], $0x80, s26, s10, $0xb8;
	[tilespmem:$0x198D8] =	vst v63  }
0x2b4: {  	_ =	swait.ge [sflag:s16], $0x2800  }
0x2b5: {  	[sflag:s16] =	ssyncset.done $0x0  }
0x2b6: {  	[sflag:s16] =	ssyncadd.s32 $0xFFFFD800  }
0x2b7: {  	_ =	swait.ge [sflag:s17], $0x2800  }
0x2b8: {  	[sflag:s17] =	ssyncset.done $0x0  }
0x2b9: {  	s22 =	simm.s32 $0x0;
	[sflag:s17] =	ssyncadd.s32 $0xFFFFD800  }
0x2ba: {  	v7 =	vld [tilespmem:s22+$0x120D8]  }
0x2bb: {  	v11 =	vld [tilespmem:s22+$0x120E8]  }
0x2bc: {  	v5 =	vld [tilespmem:s22+$0x120F8]  }
0x2bd: {  	v4 =	vld [tilespmem:s22+$0x12108]  }
0x2be: {  	v3 =	vld [tilespmem:s22+$0x12118]  }
0x2bf: {  	v2 =	vld [tilespmem:s22+$0x12128]  }
0x2c0: {  	v1 =	vld [tilespmem:s22+$0x12138]  }
0x2c1: {  	v0 =	vld [tilespmem:s22+$0x12148]  }
0x2c2: {  	v12 =	vld [tilespmem:s22+$0xF8D8]  }
0x2c3: {  	v13 =	vld [tilespmem:s22+$0xF8E8]  }
0x2c4: {  	v10 =	vld [tilespmem:s22+$0xF8F8]  }
0x2c5: {  	v9 =	vld [tilespmem:s22+$0xF908]  }
0x2c6: {  	v8 =	vld [tilespmem:s22+$0xF918]  }
0x2c7: {  	v6 =	vld [tilespmem:s22+$0xF928];
	v12 =	vadd.f32 v7, v12  }
0x2c8: {  	s23 =	simm.s32 $0x200;
	v11 =	vadd.f32 v11, v13;
	v7 =	vld [tilespmem:s22+$0xF938]  }
.LBB2_29:
0x2c9: {  	s15 =	sshra.s32 s23, $0x2;
	p3 =	sne.s32 s23, $0x9E00;
	[tilespmem:s22+$0xF8D8] =	vst v12;
	v5 =	vadd.f32 v5, v10;
	v10 =	vld [tilespmem:s22+$0xF948]  }
0x2ca: {  	v12 =	vld [tilespmem:s15+$0x120D8];
	[tilespmem:s22+$0xF8E8] =	vst v11;
	v4 =	vadd.f32 v4, v9  }
0x2cb: {  	v11 =	vld [tilespmem:s15+$0x120E8];
	[tilespmem:s22+$0xF8F8] =	vst v5;
	v3 =	vadd.f32 v3, v8  }
0x2cc: {  	v5 =	vld [tilespmem:s15+$0x120F8];
	[tilespmem:s22+$0xF908] =	vst v4;
	v2 =	vadd.f32 v2, v6  }
0x2cd: {  	v4 =	vld [tilespmem:s15+$0x12108];
	[tilespmem:s22+$0xF918] =	vst v3;
	v1 =	vadd.f32 v1, v7  }
0x2ce: {  	v3 =	vld [tilespmem:s15+$0x12118];
	[tilespmem:s22+$0xF928] =	vst v2;
	v0 =	vadd.f32 v0, v10  }
0x2cf: {  	v2 =	vld [tilespmem:s15+$0x12128];
	[tilespmem:s22+$0xF938] =	vst v1  }
0x2d0: {  	v1 =	vld [tilespmem:s15+$0x12138];
	[tilespmem:s22+$0xF948] =	vst v0;
	s22 =	smov.u32 s15  }
0x2d1: {  	v0 =	vld [tilespmem:s22+$0x12148]  }
0x2d2: {  	v6 =	vld [tilespmem:s22+$0xF8D8]  }
0x2d3: {  	v7 =	vld [tilespmem:s22+$0xF8E8]  }
.Ltmp16:
0x2d4: {  	v10 =	vld [tilespmem:s22+$0xF8F8];
	(pc) =	sbr.rel @p3 .LBB2_29-.Ltmp16, $4  }
0x2d5: {  	v9 =	vld [tilespmem:s22+$0xF908]  }
0x2d6: {  	v8 =	vld [tilespmem:s22+$0xF918]  }
0x2d7: {  	v12 =	vadd.f32 v12, v6;
	v6 =	vld [tilespmem:s22+$0xF928]  }
0x2d8: {  	s23 =	sadd.s32 $0x200, s23;
	v11 =	vadd.f32 v11, v7;
	v7 =	vld [tilespmem:s22+$0xF938]  }
0x2d9: {  	[tilespmem:s22+$0xF8D8] =	vst v12;
	v5 =	vadd.f32 v5, v10;
	v10 =	vld [tilespmem:s22+$0xF948]  }
0x2da: {  	[tilespmem:s22+$0xF8E8] =	vst v11;
	v4 =	vadd.f32 v4, v9  }
0x2db: {  	[tilespmem:s22+$0xF8F8] =	vst v5;
	v3 =	vadd.f32 v3, v8  }
0x2dc: {  	[tilespmem:s22+$0xF908] =	vst v4;
	v2 =	vadd.f32 v2, v6  }
0x2dd: {  	[tilespmem:s22+$0xF918] =	vst v3;
	v1 =	vadd.f32 v1, v7  }
0x2de: {  	[tilespmem:s22+$0xF928] =	vst v2;
	v0 =	vadd.f32 v0, v10  }
0x2df: {  	[tilespmem:s22+$0xF938] =	vst v1  }
0x2e0: {  	[tilespmem:s22+$0xF948] =	vst v0  }
0x2e1: {  	_ =	swait.ge [sflag:s19], $0x2800  }
0x2e2: {  	[sflag:s19] =	ssyncset.done $0x0  }
0x2e3: {  	s22 =	simm.s32 $0x0;
	[sflag:s19] =	ssyncadd.s32 $0xFFFFD800  }
0x2e4: {  	v7 =	vld [tilespmem:s22+$0x148D8]  }
0x2e5: {  	v11 =	vld [tilespmem:s22+$0x148E8]  }
0x2e6: {  	v5 =	vld [tilespmem:s22+$0x148F8]  }
0x2e7: {  	v4 =	vld [tilespmem:s22+$0x14908]  }
0x2e8: {  	v3 =	vld [tilespmem:s22+$0x14918]  }
0x2e9: {  	v2 =	vld [tilespmem:s22+$0x14928]  }
0x2ea: {  	v1 =	vld [tilespmem:s22+$0x14938]  }
0x2eb: {  	v0 =	vld [tilespmem:s22+$0x14948]  }
0x2ec: {  	v12 =	vld [tilespmem:s22+$0xF8D8]  }
0x2ed: {  	v13 =	vld [tilespmem:s22+$0xF8E8]  }
0x2ee: {  	v10 =	vld [tilespmem:s22+$0xF8F8]  }
0x2ef: {  	v9 =	vld [tilespmem:s22+$0xF908]  }
0x2f0: {  	v8 =	vld [tilespmem:s22+$0xF918]  }
0x2f1: {  	v6 =	vld [tilespmem:s22+$0xF928];
	v12 =	vadd.f32 v7, v12  }
0x2f2: {  	s23 =	simm.s32 $0x200;
	v11 =	vadd.f32 v11, v13;
	v7 =	vld [tilespmem:s22+$0xF938]  }
.LBB2_31:
0x2f3: {  	s15 =	sshra.s32 s23, $0x2;
	p3 =	sne.s32 s23, $0x9E00;
	[tilespmem:s22+$0xF8D8] =	vst v12;
	v5 =	vadd.f32 v5, v10;
	v10 =	vld [tilespmem:s22+$0xF948]  }
0x2f4: {  	v12 =	vld [tilespmem:s15+$0x148D8];
	[tilespmem:s22+$0xF8E8] =	vst v11;
	v4 =	vadd.f32 v4, v9  }
0x2f5: {  	v11 =	vld [tilespmem:s15+$0x148E8];
	[tilespmem:s22+$0xF8F8] =	vst v5;
	v3 =	vadd.f32 v3, v8  }
0x2f6: {  	v5 =	vld [tilespmem:s15+$0x148F8];
	[tilespmem:s22+$0xF908] =	vst v4;
	v2 =	vadd.f32 v2, v6  }
0x2f7: {  	v4 =	vld [tilespmem:s15+$0x14908];
	[tilespmem:s22+$0xF918] =	vst v3;
	v1 =	vadd.f32 v1, v7  }
0x2f8: {  	v3 =	vld [tilespmem:s15+$0x14918];
	[tilespmem:s22+$0xF928] =	vst v2;
	v0 =	vadd.f32 v0, v10  }
0x2f9: {  	v2 =	vld [tilespmem:s15+$0x14928];
	[tilespmem:s22+$0xF938] =	vst v1  }
0x2fa: {  	v1 =	vld [tilespmem:s15+$0x14938];
	[tilespmem:s22+$0xF948] =	vst v0;
	s22 =	smov.u32 s15  }
0x2fb: {  	v0 =	vld [tilespmem:s22+$0x14948]  }
0x2fc: {  	v6 =	vld [tilespmem:s22+$0xF8D8]  }
0x2fd: {  	v7 =	vld [tilespmem:s22+$0xF8E8]  }
.Ltmp17:
0x2fe: {  	v10 =	vld [tilespmem:s22+$0xF8F8];
	(pc) =	sbr.rel @p3 .LBB2_31-.Ltmp17, $4  }
0x2ff: {  	v9 =	vld [tilespmem:s22+$0xF908]  }
0x300: {  	v8 =	vld [tilespmem:s22+$0xF918]  }
0x301: {  	v12 =	vadd.f32 v12, v6;
	v6 =	vld [tilespmem:s22+$0xF928]  }
0x302: {  	s23 =	sadd.s32 $0x200, s23;
	v11 =	vadd.f32 v11, v7;
	v7 =	vld [tilespmem:s22+$0xF938]  }
0x303: {  	[tilespmem:s22+$0xF8D8] =	vst v12;
	v5 =	vadd.f32 v5, v10;
	v10 =	vld [tilespmem:s22+$0xF948]  }
0x304: {  	[tilespmem:s22+$0xF8E8] =	vst v11;
	v4 =	vadd.f32 v4, v9  }
0x305: {  	[tilespmem:s22+$0xF8F8] =	vst v5;
	v3 =	vadd.f32 v3, v8  }
0x306: {  	[tilespmem:s22+$0xF908] =	vst v4;
	v2 =	vadd.f32 v2, v6  }
0x307: {  	[tilespmem:s22+$0xF918] =	vst v3;
	v1 =	vadd.f32 v1, v7  }
0x308: {  	[tilespmem:s22+$0xF928] =	vst v2;
	v0 =	vadd.f32 v0, v10  }
0x309: {  	[tilespmem:s22+$0xF938] =	vst v1  }
0x30a: {  	[tilespmem:s22+$0xF948] =	vst v0  }
0x30b: {  	_ =	swait.ge [sflag:s20], $0x2800  }
0x30c: {  	[sflag:s20] =	ssyncset.done $0x0  }
0x30d: {  	s22 =	simm.s32 $0x0;
	[sflag:s20] =	ssyncadd.s32 $0xFFFFD800  }
0x30e: {  	v7 =	vld [tilespmem:s22+$0x170D8]  }
0x30f: {  	v11 =	vld [tilespmem:s22+$0x170E8]  }
0x310: {  	v5 =	vld [tilespmem:s22+$0x170F8]  }
0x311: {  	v4 =	vld [tilespmem:s22+$0x17108]  }
0x312: {  	v3 =	vld [tilespmem:s22+$0x17118]  }
0x313: {  	v2 =	vld [tilespmem:s22+$0x17128]  }
0x314: {  	v1 =	vld [tilespmem:s22+$0x17138]  }
0x315: {  	v0 =	vld [tilespmem:s22+$0x17148]  }
0x316: {  	v12 =	vld [tilespmem:s22+$0xF8D8]  }
0x317: {  	v13 =	vld [tilespmem:s22+$0xF8E8]  }
0x318: {  	v10 =	vld [tilespmem:s22+$0xF8F8]  }
0x319: {  	v9 =	vld [tilespmem:s22+$0xF908]  }
0x31a: {  	v8 =	vld [tilespmem:s22+$0xF918]  }
0x31b: {  	v6 =	vld [tilespmem:s22+$0xF928];
	v12 =	vadd.f32 v7, v12  }
0x31c: {  	s23 =	simm.s32 $0x200;
	v11 =	vadd.f32 v11, v13;
	v7 =	vld [tilespmem:s22+$0xF938]  }
.LBB2_33:
0x31d: {  	s15 =	sshra.s32 s23, $0x2;
	p3 =	sne.s32 s23, $0x9E00;
	[tilespmem:s22+$0xF8D8] =	vst v12;
	v5 =	vadd.f32 v5, v10;
	v10 =	vld [tilespmem:s22+$0xF948]  }
0x31e: {  	v12 =	vld [tilespmem:s15+$0x170D8];
	[tilespmem:s22+$0xF8E8] =	vst v11;
	v4 =	vadd.f32 v4, v9  }
0x31f: {  	v11 =	vld [tilespmem:s15+$0x170E8];
	[tilespmem:s22+$0xF8F8] =	vst v5;
	v3 =	vadd.f32 v3, v8  }
0x320: {  	v5 =	vld [tilespmem:s15+$0x170F8];
	[tilespmem:s22+$0xF908] =	vst v4;
	v2 =	vadd.f32 v2, v6  }
0x321: {  	v4 =	vld [tilespmem:s15+$0x17108];
	[tilespmem:s22+$0xF918] =	vst v3;
	v1 =	vadd.f32 v1, v7  }
0x322: {  	v3 =	vld [tilespmem:s15+$0x17118];
	[tilespmem:s22+$0xF928] =	vst v2;
	v0 =	vadd.f32 v0, v10  }
0x323: {  	v2 =	vld [tilespmem:s15+$0x17128];
	[tilespmem:s22+$0xF938] =	vst v1  }
0x324: {  	v1 =	vld [tilespmem:s15+$0x17138];
	[tilespmem:s22+$0xF948] =	vst v0;
	s22 =	smov.u32 s15  }
0x325: {  	v0 =	vld [tilespmem:s22+$0x17148]  }
0x326: {  	v6 =	vld [tilespmem:s22+$0xF8D8]  }
0x327: {  	v7 =	vld [tilespmem:s22+$0xF8E8]  }
.Ltmp18:
0x328: {  	v10 =	vld [tilespmem:s22+$0xF8F8];
	(pc) =	sbr.rel @p3 .LBB2_33-.Ltmp18, $4  }
0x329: {  	v9 =	vld [tilespmem:s22+$0xF908]  }
0x32a: {  	v8 =	vld [tilespmem:s22+$0xF918]  }
0x32b: {  	v12 =	vadd.f32 v12, v6;
	v6 =	vld [tilespmem:s22+$0xF928]  }
0x32c: {  	s23 =	sadd.s32 $0x200, s23;
	v11 =	vadd.f32 v11, v7;
	v7 =	vld [tilespmem:s22+$0xF938]  }
0x32d: {  	[tilespmem:s22+$0xF8D8] =	vst v12;
	v5 =	vadd.f32 v5, v10;
	v10 =	vld [tilespmem:s22+$0xF948]  }
0x32e: {  	[tilespmem:s22+$0xF8E8] =	vst v11;
	v4 =	vadd.f32 v4, v9  }
0x32f: {  	[tilespmem:s22+$0xF8F8] =	vst v5;
	v3 =	vadd.f32 v3, v8  }
0x330: {  	[tilespmem:s22+$0xF908] =	vst v4;
	v2 =	vadd.f32 v2, v6  }
0x331: {  	[tilespmem:s22+$0xF918] =	vst v3;
	v1 =	vadd.f32 v1, v7  }
0x332: {  	s26 =	sld [smem:$0x7FA];
	[tilespmem:s22+$0xF928] =	vst v2;
	v0 =	vadd.f32 v0, v10  }
0x333: {  	[tilespmem:s22+$0xF938] =	vst v1  }
0x334: {  	s15 =	simm.s32 $0x0;
	[tilespmem:s22+$0xF948] =	vst v0  }
0x335: {  	[hbm4b:s26+s15] =	stream.linear.scatter [tilespmem:s11], [sflag:$0x9], $0x2800, $0x38;
	[tilespmem:$0x198D8] =	vst v63  }
0x336: {  	_ =	swait.ge [sflag:s29], $0x2800  }
0x337: {  	[sflag:s29] =	ssyncset.done $0x0  }
0x338: {  	s22 =	simm.s32 $0xF2D8;
	[sflag:s29] =	ssyncadd.s32 $0xFFFFD800  }
0x339: {  	[tilespmem:s11], [sflag:$0x5] =	stream.indirect.gather [spmem:s3], $0x80, s22, s10, $0xb8;
	[tilespmem:$0x198D8] =	vst v63  }
0x33a: {  	s23 =	simm.s32 $0xF358  }
0x33b: {  	[tilespmem:s24], [sflag:$0x6] =	stream.indirect.gather [spmem:s3], $0x80, s23, s10, $0xb8;
	[tilespmem:$0x198D8] =	vst v63  }
0x33c: {  	s25 =	simm.s32 $0xF3D8  }
0x33d: {  	[tilespmem:s13], [sflag:$0x7] =	stream.indirect.gather [spmem:s3], $0x80, s25, s10, $0xb8;
	[tilespmem:$0x198D8] =	vst v63  }
0x33e: {  	s26 =	simm.s32 $0xF458  }
0x33f: {  	[tilespmem:s14], [sflag:$0x8] =	stream.indirect.gather [spmem:s3], $0x80, s26, s10, $0xb8;
	[tilespmem:$0x198D8] =	vst v63  }
0x340: {  	_ =	swait.ge [sflag:s16], $0x2800  }
0x341: {  	[sflag:s16] =	ssyncset.done $0x0  }
0x342: {  	[sflag:s16] =	ssyncadd.s32 $0xFFFFD800  }
0x343: {  	_ =	swait.ge [sflag:s17], $0x2800  }
0x344: {  	[sflag:s17] =	ssyncset.done $0x0  }
0x345: {  	s22 =	simm.s32 $0x0;
	[sflag:s17] =	ssyncadd.s32 $0xFFFFD800  }
0x346: {  	v7 =	vld [tilespmem:s22+$0x120D8]  }
0x347: {  	v11 =	vld [tilespmem:s22+$0x120E8]  }
0x348: {  	v5 =	vld [tilespmem:s22+$0x120F8]  }
0x349: {  	v4 =	vld [tilespmem:s22+$0x12108]  }
0x34a: {  	v3 =	vld [tilespmem:s22+$0x12118]  }
0x34b: {  	v2 =	vld [tilespmem:s22+$0x12128]  }
0x34c: {  	v1 =	vld [tilespmem:s22+$0x12138]  }
0x34d: {  	v0 =	vld [tilespmem:s22+$0x12148]  }
0x34e: {  	v12 =	vld [tilespmem:s22+$0xF8D8]  }
0x34f: {  	v13 =	vld [tilespmem:s22+$0xF8E8]  }
0x350: {  	v10 =	vld [tilespmem:s22+$0xF8F8]  }
0x351: {  	v9 =	vld [tilespmem:s22+$0xF908]  }
0x352: {  	v8 =	vld [tilespmem:s22+$0xF918]  }
0x353: {  	v6 =	vld [tilespmem:s22+$0xF928];
	v12 =	vadd.f32 v7, v12  }
0x354: {  	s23 =	simm.s32 $0x200;
	v11 =	vadd.f32 v11, v13;
	v7 =	vld [tilespmem:s22+$0xF938]  }
.LBB2_35:
0x355: {  	s15 =	sshra.s32 s23, $0x2;
	p3 =	sne.s32 s23, $0x9E00;
	[tilespmem:s22+$0xF8D8] =	vst v12;
	v5 =	vadd.f32 v5, v10;
	v10 =	vld [tilespmem:s22+$0xF948]  }
0x356: {  	v12 =	vld [tilespmem:s15+$0x120D8];
	[tilespmem:s22+$0xF8E8] =	vst v11;
	v4 =	vadd.f32 v4, v9  }
0x357: {  	v11 =	vld [tilespmem:s15+$0x120E8];
	[tilespmem:s22+$0xF8F8] =	vst v5;
	v3 =	vadd.f32 v3, v8  }
0x358: {  	v5 =	vld [tilespmem:s15+$0x120F8];
	[tilespmem:s22+$0xF908] =	vst v4;
	v2 =	vadd.f32 v2, v6  }
0x359: {  	v4 =	vld [tilespmem:s15+$0x12108];
	[tilespmem:s22+$0xF918] =	vst v3;
	v1 =	vadd.f32 v1, v7  }
0x35a: {  	v3 =	vld [tilespmem:s15+$0x12118];
	[tilespmem:s22+$0xF928] =	vst v2;
	v0 =	vadd.f32 v0, v10  }
0x35b: {  	v2 =	vld [tilespmem:s15+$0x12128];
	[tilespmem:s22+$0xF938] =	vst v1  }
0x35c: {  	v1 =	vld [tilespmem:s15+$0x12138];
	[tilespmem:s22+$0xF948] =	vst v0;
	s22 =	smov.u32 s15  }
0x35d: {  	v0 =	vld [tilespmem:s22+$0x12148]  }
0x35e: {  	v6 =	vld [tilespmem:s22+$0xF8D8]  }
0x35f: {  	v7 =	vld [tilespmem:s22+$0xF8E8]  }
.Ltmp19:
0x360: {  	v10 =	vld [tilespmem:s22+$0xF8F8];
	(pc) =	sbr.rel @p3 .LBB2_35-.Ltmp19, $4  }
0x361: {  	v9 =	vld [tilespmem:s22+$0xF908]  }
0x362: {  	v8 =	vld [tilespmem:s22+$0xF918]  }
0x363: {  	v12 =	vadd.f32 v12, v6;
	v6 =	vld [tilespmem:s22+$0xF928]  }
0x364: {  	s23 =	sadd.s32 $0x200, s23;
	v11 =	vadd.f32 v11, v7;
	v7 =	vld [tilespmem:s22+$0xF938]  }
0x365: {  	[tilespmem:s22+$0xF8D8] =	vst v12;
	v5 =	vadd.f32 v5, v10;
	v10 =	vld [tilespmem:s22+$0xF948]  }
0x366: {  	[tilespmem:s22+$0xF8E8] =	vst v11;
	v4 =	vadd.f32 v4, v9  }
0x367: {  	[tilespmem:s22+$0xF8F8] =	vst v5;
	v3 =	vadd.f32 v3, v8  }
0x368: {  	[tilespmem:s22+$0xF908] =	vst v4;
	v2 =	vadd.f32 v2, v6  }
0x369: {  	[tilespmem:s22+$0xF918] =	vst v3;
	v1 =	vadd.f32 v1, v7  }
0x36a: {  	[tilespmem:s22+$0xF928] =	vst v2;
	v0 =	vadd.f32 v0, v10  }
0x36b: {  	[tilespmem:s22+$0xF938] =	vst v1  }
0x36c: {  	[tilespmem:s22+$0xF948] =	vst v0  }
0x36d: {  	_ =	swait.ge [sflag:s19], $0x2800  }
0x36e: {  	[sflag:s19] =	ssyncset.done $0x0  }
0x36f: {  	s22 =	simm.s32 $0x0;
	[sflag:s19] =	ssyncadd.s32 $0xFFFFD800  }
0x370: {  	v7 =	vld [tilespmem:s22+$0x148D8]  }
0x371: {  	v11 =	vld [tilespmem:s22+$0x148E8]  }
0x372: {  	v5 =	vld [tilespmem:s22+$0x148F8]  }
0x373: {  	v4 =	vld [tilespmem:s22+$0x14908]  }
0x374: {  	v3 =	vld [tilespmem:s22+$0x14918]  }
0x375: {  	v2 =	vld [tilespmem:s22+$0x14928]  }
0x376: {  	v1 =	vld [tilespmem:s22+$0x14938]  }
0x377: {  	v0 =	vld [tilespmem:s22+$0x14948]  }
0x378: {  	v12 =	vld [tilespmem:s22+$0xF8D8]  }
0x379: {  	v13 =	vld [tilespmem:s22+$0xF8E8]  }
0x37a: {  	v10 =	vld [tilespmem:s22+$0xF8F8]  }
0x37b: {  	v9 =	vld [tilespmem:s22+$0xF908]  }
0x37c: {  	v8 =	vld [tilespmem:s22+$0xF918]  }
0x37d: {  	v6 =	vld [tilespmem:s22+$0xF928];
	v12 =	vadd.f32 v7, v12  }
0x37e: {  	s23 =	simm.s32 $0x200;
	v11 =	vadd.f32 v11, v13;
	v7 =	vld [tilespmem:s22+$0xF938]  }
.LBB2_37:
0x37f: {  	s15 =	sshra.s32 s23, $0x2;
	p3 =	sne.s32 s23, $0x9E00;
	[tilespmem:s22+$0xF8D8] =	vst v12;
	v5 =	vadd.f32 v5, v10;
	v10 =	vld [tilespmem:s22+$0xF948]  }
0x380: {  	v12 =	vld [tilespmem:s15+$0x148D8];
	[tilespmem:s22+$0xF8E8] =	vst v11;
	v4 =	vadd.f32 v4, v9  }
0x381: {  	v11 =	vld [tilespmem:s15+$0x148E8];
	[tilespmem:s22+$0xF8F8] =	vst v5;
	v3 =	vadd.f32 v3, v8  }
0x382: {  	v5 =	vld [tilespmem:s15+$0x148F8];
	[tilespmem:s22+$0xF908] =	vst v4;
	v2 =	vadd.f32 v2, v6  }
0x383: {  	v4 =	vld [tilespmem:s15+$0x14908];
	[tilespmem:s22+$0xF918] =	vst v3;
	v1 =	vadd.f32 v1, v7  }
0x384: {  	v3 =	vld [tilespmem:s15+$0x14918];
	[tilespmem:s22+$0xF928] =	vst v2;
	v0 =	vadd.f32 v0, v10  }
0x385: {  	v2 =	vld [tilespmem:s15+$0x14928];
	[tilespmem:s22+$0xF938] =	vst v1  }
0x386: {  	v1 =	vld [tilespmem:s15+$0x14938];
	[tilespmem:s22+$0xF948] =	vst v0;
	s22 =	smov.u32 s15  }
0x387: {  	v0 =	vld [tilespmem:s22+$0x14948]  }
0x388: {  	v6 =	vld [tilespmem:s22+$0xF8D8]  }
0x389: {  	v7 =	vld [tilespmem:s22+$0xF8E8]  }
.Ltmp20:
0x38a: {  	v10 =	vld [tilespmem:s22+$0xF8F8];
	(pc) =	sbr.rel @p3 .LBB2_37-.Ltmp20, $4  }
0x38b: {  	v9 =	vld [tilespmem:s22+$0xF908]  }
0x38c: {  	v8 =	vld [tilespmem:s22+$0xF918]  }
0x38d: {  	v12 =	vadd.f32 v12, v6;
	v6 =	vld [tilespmem:s22+$0xF928]  }
0x38e: {  	s23 =	sadd.s32 $0x200, s23;
	v11 =	vadd.f32 v11, v7;
	v7 =	vld [tilespmem:s22+$0xF938]  }
0x38f: {  	[tilespmem:s22+$0xF8D8] =	vst v12;
	v5 =	vadd.f32 v5, v10;
	v10 =	vld [tilespmem:s22+$0xF948]  }
0x390: {  	[tilespmem:s22+$0xF8E8] =	vst v11;
	v4 =	vadd.f32 v4, v9  }
0x391: {  	[tilespmem:s22+$0xF8F8] =	vst v5;
	v3 =	vadd.f32 v3, v8  }
0x392: {  	[tilespmem:s22+$0xF908] =	vst v4;
	v2 =	vadd.f32 v2, v6  }
0x393: {  	[tilespmem:s22+$0xF918] =	vst v3;
	v1 =	vadd.f32 v1, v7  }
0x394: {  	[tilespmem:s22+$0xF928] =	vst v2;
	v0 =	vadd.f32 v0, v10  }
0x395: {  	[tilespmem:s22+$0xF938] =	vst v1  }
0x396: {  	[tilespmem:s22+$0xF948] =	vst v0  }
0x397: {  	_ =	swait.ge [sflag:s20], $0x2800  }
0x398: {  	[sflag:s20] =	ssyncset.done $0x0  }
0x399: {  	s22 =	simm.s32 $0x0;
	[sflag:s20] =	ssyncadd.s32 $0xFFFFD800  }
0x39a: {  	v7 =	vld [tilespmem:s22+$0x170D8]  }
0x39b: {  	v11 =	vld [tilespmem:s22+$0x170E8]  }
0x39c: {  	v5 =	vld [tilespmem:s22+$0x170F8]  }
0x39d: {  	v4 =	vld [tilespmem:s22+$0x17108]  }
0x39e: {  	v3 =	vld [tilespmem:s22+$0x17118]  }
0x39f: {  	v2 =	vld [tilespmem:s22+$0x17128]  }
0x3a0: {  	v1 =	vld [tilespmem:s22+$0x17138]  }
0x3a1: {  	v0 =	vld [tilespmem:s22+$0x17148]  }
0x3a2: {  	v12 =	vld [tilespmem:s22+$0xF8D8]  }
0x3a3: {  	v13 =	vld [tilespmem:s22+$0xF8E8]  }
0x3a4: {  	v10 =	vld [tilespmem:s22+$0xF8F8]  }
0x3a5: {  	v9 =	vld [tilespmem:s22+$0xF908]  }
0x3a6: {  	v8 =	vld [tilespmem:s22+$0xF918]  }
0x3a7: {  	v6 =	vld [tilespmem:s22+$0xF928];
	v12 =	vadd.f32 v7, v12  }
0x3a8: {  	s23 =	simm.s32 $0x200;
	v11 =	vadd.f32 v11, v13;
	v7 =	vld [tilespmem:s22+$0xF938]  }
.LBB2_39:
0x3a9: {  	s15 =	sshra.s32 s23, $0x2;
	p3 =	sne.s32 s23, $0x9E00;
	[tilespmem:s22+$0xF8D8] =	vst v12;
	v5 =	vadd.f32 v5, v10;
	v10 =	vld [tilespmem:s22+$0xF948]  }
0x3aa: {  	v12 =	vld [tilespmem:s15+$0x170D8];
	[tilespmem:s22+$0xF8E8] =	vst v11;
	v4 =	vadd.f32 v4, v9  }
0x3ab: {  	v11 =	vld [tilespmem:s15+$0x170E8];
	[tilespmem:s22+$0xF8F8] =	vst v5;
	v3 =	vadd.f32 v3, v8  }
0x3ac: {  	v5 =	vld [tilespmem:s15+$0x170F8];
	[tilespmem:s22+$0xF908] =	vst v4;
	v2 =	vadd.f32 v2, v6  }
0x3ad: {  	v4 =	vld [tilespmem:s15+$0x17108];
	[tilespmem:s22+$0xF918] =	vst v3;
	v1 =	vadd.f32 v1, v7  }
0x3ae: {  	v3 =	vld [tilespmem:s15+$0x17118];
	[tilespmem:s22+$0xF928] =	vst v2;
	v0 =	vadd.f32 v0, v10  }
0x3af: {  	v2 =	vld [tilespmem:s15+$0x17128];
	[tilespmem:s22+$0xF938] =	vst v1  }
0x3b0: {  	v1 =	vld [tilespmem:s15+$0x17138];
	[tilespmem:s22+$0xF948] =	vst v0;
	s22 =	smov.u32 s15  }
0x3b1: {  	v0 =	vld [tilespmem:s22+$0x17148]  }
0x3b2: {  	v6 =	vld [tilespmem:s22+$0xF8D8]  }
0x3b3: {  	v7 =	vld [tilespmem:s22+$0xF8E8]  }
.Ltmp21:
0x3b4: {  	v10 =	vld [tilespmem:s22+$0xF8F8];
	(pc) =	sbr.rel @p3 .LBB2_39-.Ltmp21, $4  }
0x3b5: {  	v9 =	vld [tilespmem:s22+$0xF908]  }
0x3b6: {  	v8 =	vld [tilespmem:s22+$0xF918]  }
0x3b7: {  	v12 =	vadd.f32 v12, v6;
	v6 =	vld [tilespmem:s22+$0xF928]  }
0x3b8: {  	s23 =	sadd.s32 $0x200, s23;
	v11 =	vadd.f32 v11, v7;
	v7 =	vld [tilespmem:s22+$0xF938]  }
0x3b9: {  	[tilespmem:s22+$0xF8D8] =	vst v12;
	v5 =	vadd.f32 v5, v10;
	v10 =	vld [tilespmem:s22+$0xF948]  }
0x3ba: {  	[tilespmem:s22+$0xF8E8] =	vst v11;
	v4 =	vadd.f32 v4, v9  }
0x3bb: {  	[tilespmem:s22+$0xF8F8] =	vst v5;
	v3 =	vadd.f32 v3, v8  }
0x3bc: {  	[tilespmem:s22+$0xF908] =	vst v4;
	v2 =	vadd.f32 v2, v6  }
0x3bd: {  	[tilespmem:s22+$0xF918] =	vst v3;
	v1 =	vadd.f32 v1, v7  }
0x3be: {  	s26 =	sld [smem:$0x7FB];
	[tilespmem:s22+$0xF928] =	vst v2;
	v0 =	vadd.f32 v0, v10  }
0x3bf: {  	[tilespmem:s22+$0xF938] =	vst v1  }
0x3c0: {  	s15 =	simm.s32 $0x0;
	[tilespmem:s22+$0xF948] =	vst v0  }
0x3c1: {  	[hbm4b:s26+s15] =	stream.linear.scatter [tilespmem:s11], [sflag:$0x9], $0x2800, $0x38;
	[tilespmem:$0x198D8] =	vst v63  }
0x3c2: {  	_ =	swait.ge [sflag:s29], $0x2800  }
0x3c3: {  	[sflag:s29] =	ssyncset.done $0x0  }
0x3c4: {  	s22 =	simm.s32 $0xF4D8;
	[sflag:s29] =	ssyncadd.s32 $0xFFFFD800  }
0x3c5: {  	[tilespmem:s11], [sflag:$0x5] =	stream.indirect.gather [spmem:s3], $0x80, s22, s10, $0xb8;
	[tilespmem:$0x198D8] =	vst v63  }
0x3c6: {  	s23 =	simm.s32 $0xF558  }
0x3c7: {  	[tilespmem:s24], [sflag:$0x6] =	stream.indirect.gather [spmem:s3], $0x80, s23, s10, $0xb8;
	[tilespmem:$0x198D8] =	vst v63  }
0x3c8: {  	s25 =	simm.s32 $0xF5D8  }
0x3c9: {  	[tilespmem:s13], [sflag:$0x7] =	stream.indirect.gather [spmem:s3], $0x80, s25, s10, $0xb8;
	[tilespmem:$0x198D8] =	vst v63  }
0x3ca: {  	s26 =	simm.s32 $0xF658  }
0x3cb: {  	[tilespmem:s14], [sflag:$0x8] =	stream.indirect.gather [spmem:s3], $0x80, s26, s10, $0xb8;
	[tilespmem:$0x198D8] =	vst v63  }
0x3cc: {  	_ =	swait.ge [sflag:s16], $0x2800  }
0x3cd: {  	[sflag:s16] =	ssyncset.done $0x0  }
0x3ce: {  	[sflag:s16] =	ssyncadd.s32 $0xFFFFD800  }
0x3cf: {  	_ =	swait.ge [sflag:s17], $0x2800  }
0x3d0: {  	[sflag:s17] =	ssyncset.done $0x0  }
0x3d1: {  	s22 =	simm.s32 $0x0;
	[sflag:s17] =	ssyncadd.s32 $0xFFFFD800  }
0x3d2: {  	v7 =	vld [tilespmem:s22+$0x120D8]  }
0x3d3: {  	v11 =	vld [tilespmem:s22+$0x120E8]  }
0x3d4: {  	v5 =	vld [tilespmem:s22+$0x120F8]  }
0x3d5: {  	v4 =	vld [tilespmem:s22+$0x12108]  }
0x3d6: {  	v3 =	vld [tilespmem:s22+$0x12118]  }
0x3d7: {  	v2 =	vld [tilespmem:s22+$0x12128]  }
0x3d8: {  	v1 =	vld [tilespmem:s22+$0x12138]  }
0x3d9: {  	v0 =	vld [tilespmem:s22+$0x12148]  }
0x3da: {  	v12 =	vld [tilespmem:s22+$0xF8D8]  }
0x3db: {  	v13 =	vld [tilespmem:s22+$0xF8E8]  }
0x3dc: {  	v10 =	vld [tilespmem:s22+$0xF8F8]  }
0x3dd: {  	v9 =	vld [tilespmem:s22+$0xF908]  }
0x3de: {  	v8 =	vld [tilespmem:s22+$0xF918]  }
0x3df: {  	v6 =	vld [tilespmem:s22+$0xF928];
	v12 =	vadd.f32 v7, v12  }
0x3e0: {  	s23 =	simm.s32 $0x200;
	v11 =	vadd.f32 v11, v13;
	v7 =	vld [tilespmem:s22+$0xF938]  }
.LBB2_41:
0x3e1: {  	s15 =	sshra.s32 s23, $0x2;
	p3 =	sne.s32 s23, $0x9E00;
	[tilespmem:s22+$0xF8D8] =	vst v12;
	v5 =	vadd.f32 v5, v10;
	v10 =	vld [tilespmem:s22+$0xF948]  }
0x3e2: {  	v12 =	vld [tilespmem:s15+$0x120D8];
	[tilespmem:s22+$0xF8E8] =	vst v11;
	v4 =	vadd.f32 v4, v9  }
0x3e3: {  	v11 =	vld [tilespmem:s15+$0x120E8];
	[tilespmem:s22+$0xF8F8] =	vst v5;
	v3 =	vadd.f32 v3, v8  }
0x3e4: {  	v5 =	vld [tilespmem:s15+$0x120F8];
	[tilespmem:s22+$0xF908] =	vst v4;
	v2 =	vadd.f32 v2, v6  }
0x3e5: {  	v4 =	vld [tilespmem:s15+$0x12108];
	[tilespmem:s22+$0xF918] =	vst v3;
	v1 =	vadd.f32 v1, v7  }
0x3e6: {  	v3 =	vld [tilespmem:s15+$0x12118];
	[tilespmem:s22+$0xF928] =	vst v2;
	v0 =	vadd.f32 v0, v10  }
0x3e7: {  	v2 =	vld [tilespmem:s15+$0x12128];
	[tilespmem:s22+$0xF938] =	vst v1  }
0x3e8: {  	v1 =	vld [tilespmem:s15+$0x12138];
	[tilespmem:s22+$0xF948] =	vst v0;
	s22 =	smov.u32 s15  }
0x3e9: {  	v0 =	vld [tilespmem:s22+$0x12148]  }
0x3ea: {  	v6 =	vld [tilespmem:s22+$0xF8D8]  }
0x3eb: {  	v7 =	vld [tilespmem:s22+$0xF8E8]  }
.Ltmp22:
0x3ec: {  	v10 =	vld [tilespmem:s22+$0xF8F8];
	(pc) =	sbr.rel @p3 .LBB2_41-.Ltmp22, $4  }
0x3ed: {  	v9 =	vld [tilespmem:s22+$0xF908]  }
0x3ee: {  	v8 =	vld [tilespmem:s22+$0xF918]  }
0x3ef: {  	v12 =	vadd.f32 v12, v6;
	v6 =	vld [tilespmem:s22+$0xF928]  }
0x3f0: {  	s23 =	sadd.s32 $0x200, s23;
	v11 =	vadd.f32 v11, v7;
	v7 =	vld [tilespmem:s22+$0xF938]  }
0x3f1: {  	[tilespmem:s22+$0xF8D8] =	vst v12;
	v5 =	vadd.f32 v5, v10;
	v10 =	vld [tilespmem:s22+$0xF948]  }
0x3f2: {  	[tilespmem:s22+$0xF8E8] =	vst v11;
	v4 =	vadd.f32 v4, v9  }
0x3f3: {  	[tilespmem:s22+$0xF8F8] =	vst v5;
	v3 =	vadd.f32 v3, v8  }
0x3f4: {  	[tilespmem:s22+$0xF908] =	vst v4;
	v2 =	vadd.f32 v2, v6  }
0x3f5: {  	[tilespmem:s22+$0xF918] =	vst v3;
	v1 =	vadd.f32 v1, v7  }
0x3f6: {  	[tilespmem:s22+$0xF928] =	vst v2;
	v0 =	vadd.f32 v0, v10  }
0x3f7: {  	[tilespmem:s22+$0xF938] =	vst v1  }
0x3f8: {  	[tilespmem:s22+$0xF948] =	vst v0  }
0x3f9: {  	_ =	swait.ge [sflag:s19], $0x2800  }
0x3fa: {  	[sflag:s19] =	ssyncset.done $0x0  }
0x3fb: {  	s22 =	simm.s32 $0x0;
	[sflag:s19] =	ssyncadd.s32 $0xFFFFD800  }
0x3fc: {  	v7 =	vld [tilespmem:s22+$0x148D8]  }
0x3fd: {  	v11 =	vld [tilespmem:s22+$0x148E8]  }
0x3fe: {  	v5 =	vld [tilespmem:s22+$0x148F8]  }
0x3ff: {  	v4 =	vld [tilespmem:s22+$0x14908]  }
0x400: {  	v3 =	vld [tilespmem:s22+$0x14918]  }
0x401: {  	v2 =	vld [tilespmem:s22+$0x14928]  }
0x402: {  	v1 =	vld [tilespmem:s22+$0x14938]  }
0x403: {  	v0 =	vld [tilespmem:s22+$0x14948]  }
0x404: {  	v12 =	vld [tilespmem:s22+$0xF8D8]  }
0x405: {  	v13 =	vld [tilespmem:s22+$0xF8E8]  }
0x406: {  	v10 =	vld [tilespmem:s22+$0xF8F8]  }
0x407: {  	v9 =	vld [tilespmem:s22+$0xF908]  }
0x408: {  	v8 =	vld [tilespmem:s22+$0xF918]  }
0x409: {  	v6 =	vld [tilespmem:s22+$0xF928];
	v12 =	vadd.f32 v7, v12  }
0x40a: {  	s23 =	simm.s32 $0x200;
	v11 =	vadd.f32 v11, v13;
	v7 =	vld [tilespmem:s22+$0xF938]  }
.LBB2_43:
0x40b: {  	s15 =	sshra.s32 s23, $0x2;
	p3 =	sne.s32 s23, $0x9E00;
	[tilespmem:s22+$0xF8D8] =	vst v12;
	v5 =	vadd.f32 v5, v10;
	v10 =	vld [tilespmem:s22+$0xF948]  }
0x40c: {  	v12 =	vld [tilespmem:s15+$0x148D8];
	[tilespmem:s22+$0xF8E8] =	vst v11;
	v4 =	vadd.f32 v4, v9  }
0x40d: {  	v11 =	vld [tilespmem:s15+$0x148E8];
	[tilespmem:s22+$0xF8F8] =	vst v5;
	v3 =	vadd.f32 v3, v8  }
0x40e: {  	v5 =	vld [tilespmem:s15+$0x148F8];
	[tilespmem:s22+$0xF908] =	vst v4;
	v2 =	vadd.f32 v2, v6  }
0x40f: {  	v4 =	vld [tilespmem:s15+$0x14908];
	[tilespmem:s22+$0xF918] =	vst v3;
	v1 =	vadd.f32 v1, v7  }
0x410: {  	v3 =	vld [tilespmem:s15+$0x14918];
	[tilespmem:s22+$0xF928] =	vst v2;
	v0 =	vadd.f32 v0, v10  }
0x411: {  	v2 =	vld [tilespmem:s15+$0x14928];
	[tilespmem:s22+$0xF938] =	vst v1  }
0x412: {  	v1 =	vld [tilespmem:s15+$0x14938];
	[tilespmem:s22+$0xF948] =	vst v0;
	s22 =	smov.u32 s15  }
0x413: {  	v0 =	vld [tilespmem:s22+$0x14948]  }
0x414: {  	v6 =	vld [tilespmem:s22+$0xF8D8]  }
0x415: {  	v7 =	vld [tilespmem:s22+$0xF8E8]  }
.Ltmp23:
0x416: {  	v10 =	vld [tilespmem:s22+$0xF8F8];
	(pc) =	sbr.rel @p3 .LBB2_43-.Ltmp23, $4  }
0x417: {  	v9 =	vld [tilespmem:s22+$0xF908]  }
0x418: {  	v8 =	vld [tilespmem:s22+$0xF918]  }
0x419: {  	v12 =	vadd.f32 v12, v6;
	v6 =	vld [tilespmem:s22+$0xF928]  }
0x41a: {  	s23 =	sadd.s32 $0x200, s23;
	v11 =	vadd.f32 v11, v7;
	v7 =	vld [tilespmem:s22+$0xF938]  }
0x41b: {  	[tilespmem:s22+$0xF8D8] =	vst v12;
	v5 =	vadd.f32 v5, v10;
	v10 =	vld [tilespmem:s22+$0xF948]  }
0x41c: {  	[tilespmem:s22+$0xF8E8] =	vst v11;
	v4 =	vadd.f32 v4, v9  }
0x41d: {  	[tilespmem:s22+$0xF8F8] =	vst v5;
	v3 =	vadd.f32 v3, v8  }
0x41e: {  	[tilespmem:s22+$0xF908] =	vst v4;
	v2 =	vadd.f32 v2, v6  }
0x41f: {  	[tilespmem:s22+$0xF918] =	vst v3;
	v1 =	vadd.f32 v1, v7  }
0x420: {  	[tilespmem:s22+$0xF928] =	vst v2;
	v0 =	vadd.f32 v0, v10  }
0x421: {  	[tilespmem:s22+$0xF938] =	vst v1  }
0x422: {  	[tilespmem:s22+$0xF948] =	vst v0  }
0x423: {  	_ =	swait.ge [sflag:s20], $0x2800  }
0x424: {  	[sflag:s20] =	ssyncset.done $0x0  }
0x425: {  	s22 =	simm.s32 $0x0;
	[sflag:s20] =	ssyncadd.s32 $0xFFFFD800  }
0x426: {  	v7 =	vld [tilespmem:s22+$0x170D8]  }
0x427: {  	v11 =	vld [tilespmem:s22+$0x170E8]  }
0x428: {  	v5 =	vld [tilespmem:s22+$0x170F8]  }
0x429: {  	v4 =	vld [tilespmem:s22+$0x17108]  }
0x42a: {  	v3 =	vld [tilespmem:s22+$0x17118]  }
0x42b: {  	v2 =	vld [tilespmem:s22+$0x17128]  }
0x42c: {  	v1 =	vld [tilespmem:s22+$0x17138]  }
0x42d: {  	v0 =	vld [tilespmem:s22+$0x17148]  }
0x42e: {  	v12 =	vld [tilespmem:s22+$0xF8D8]  }
0x42f: {  	v13 =	vld [tilespmem:s22+$0xF8E8]  }
0x430: {  	v10 =	vld [tilespmem:s22+$0xF8F8]  }
0x431: {  	v9 =	vld [tilespmem:s22+$0xF908]  }
0x432: {  	v8 =	vld [tilespmem:s22+$0xF918]  }
0x433: {  	v6 =	vld [tilespmem:s22+$0xF928];
	v12 =	vadd.f32 v7, v12  }
0x434: {  	s23 =	simm.s32 $0x200;
	v11 =	vadd.f32 v11, v13;
	v7 =	vld [tilespmem:s22+$0xF938]  }
.LBB2_45:
0x435: {  	s15 =	sshra.s32 s23, $0x2;
	p3 =	sne.s32 s23, $0x9E00;
	[tilespmem:s22+$0xF8D8] =	vst v12;
	v5 =	vadd.f32 v5, v10;
	v10 =	vld [tilespmem:s22+$0xF948]  }
0x436: {  	v4 =	vadd.f32 v4, v9;
	v12 =	vld [tilespmem:s15+$0x170D8];
	[tilespmem:s22+$0xF8E8] =	vst v11  }
0x437: {  	v3 =	vadd.f32 v3, v8;
	v11 =	vld [tilespmem:s15+$0x170E8];
	[tilespmem:s22+$0xF8F8] =	vst v5  }
0x438: {  	v2 =	vadd.f32 v2, v6;
	v5 =	vld [tilespmem:s15+$0x170F8];
	[tilespmem:s22+$0xF908] =	vst v4  }
0x439: {  	v1 =	vadd.f32 v1, v7;
	v4 =	vld [tilespmem:s15+$0x17108];
	[tilespmem:s22+$0xF918] =	vst v3  }
0x43a: {  	v3 =	vld [tilespmem:s15+$0x17118];
	[tilespmem:s22+$0xF928] =	vst v2;
	v0 =	vadd.f32 v0, v10  }
0x43b: {  	v2 =	vld [tilespmem:s15+$0x17128];
	[tilespmem:s22+$0xF938] =	vst v1  }
0x43c: {  	v1 =	vld [tilespmem:s15+$0x17138];
	[tilespmem:s22+$0xF948] =	vst v0;
	s22 =	smov.u32 s15  }
0x43d: {  	v0 =	vld [tilespmem:s22+$0x17148]  }
0x43e: {  	v6 =	vld [tilespmem:s22+$0xF8D8]  }
0x43f: {  	v7 =	vld [tilespmem:s22+$0xF8E8]  }
.Ltmp24:
0x440: {  	v10 =	vld [tilespmem:s22+$0xF8F8];
	(pc) =	sbr.rel @p3 .LBB2_45-.Ltmp24, $4  }
0x441: {  	v9 =	vld [tilespmem:s22+$0xF908]  }
0x442: {  	v8 =	vld [tilespmem:s22+$0xF918]  }
0x443: {  	v12 =	vadd.f32 v12, v6;
	v6 =	vld [tilespmem:s22+$0xF928]  }
0x444: {  	s23 =	sadd.s32 $0x200, s23;
	v11 =	vadd.f32 v11, v7;
	v7 =	vld [tilespmem:s22+$0xF938]  }
.Ltmp25:
0x445: {  	_ = 	snop;
	(pc) =	sbr.rel .LBB2_46-.Ltmp25, $1  }
0x446: {  	_ =	sdelay $0x3  }
.LBB2_48:
0x447: {  	_ =	sfence.sel $0x180000  }
0x448: {  	[bflag:$0x0] =	sbarrier.arrive $0xFFFF  }
0x449: {  	_ =	strace $0x90000047  }
0x44a: {  	s0 =	stileid.u32;
	[bflag:$0x2] =	sbarrier.arrive $0xFFFF  }
0x44b: {  	p0 =	sne.s32 s0, $0x0;
	s0 =	rddreg [dreg:$0x5]  }
0x44c: {  	s0 =	sadd.s32 @!p0 $0x100000, s0  }
0x44d: {  	[sflag:s0] =	ssyncadd.tile.s32 @!p0 $0x1;
	_ =	shalt  }
.Lfunc_end2:
_tile_overlayer_lowered:
.L_overlay_start_2:
0x44e: {  	(tag) =	ssettag $0x2  }
0x44f: {  	s0 =	rddreg [dreg:$0x0];
	s2 =	stileid.u32  }
0x450: {  	s1 =	rddreg [dreg:$0x1];
	p0 =	sne.s32 s2, $0x0  }
0x451: {  	s3 =	rddreg [dreg:$0x2];
	[bflag:$0x3] =	sbarrier.arrive $0xFFFF;
	s2 =	simm.s32 @!p0 $0x1C09  }
0x452: {  	[timem:s3], [sflag:s2] =	dma.local @!p0 [hbm:s0], s1  }
0x453: {  	s0 =	simm.s32 @!p0 $0x9  }
0x454: {  	_ =	swait.ge @!p0 [sflag:s0], s1  }
0x455: {  	s1 =	ssub.s32 @!p0 $0x0, s1;
	[sflag:s0] =	ssyncset.done @!p0 $0x0  }
0x456: {  	[sflag:s0] =	ssyncadd.s32 @!p0 s1  }
0x457: {  	[bflag:$0x3] =	sbarrier.arrive $0xFFFF  }
0x458: {  	_ =	shalt  }

</sc_bundles>
